<compile_context>
chip_gen: v7x
topology: tpu7x:2x2x1
jax: 0.10.2.dev20260603
libtpu: 0.0.44.dev20260713+nightly
codegen_flags: <defaults>
</compile_context>

<pallas_src>
import functools

import jax
import jax.numpy as jnp
from jax import lax
from jax.experimental import pallas as pl
from jax.experimental.pallas import tpu as pltpu
from jax.experimental.pallas import tpu_sc as plsc

NC = 2
NS = 16
NW = NC * NS
CHUNK = 128


def _mesh():
    return plsc.VectorSubcoreMesh(core_axis_name="c", subcore_axis_name="s",
                                  num_cores=NC, num_subcores=NS)


def _make_deg(npad, epad):
    ept = epad // NW
    nchunks = ept // CHUNK
    spt = npad // NS

    @functools.partial(
        pl.kernel,
        out_type=jax.ShapeDtypeStruct((NC * npad,), jnp.float32),
        mesh=_mesh(),
        compiler_params=pltpu.CompilerParams(needs_layout_passes=False),
        scratch_types=[
            pltpu.VMEM_SHARED((NS * npad,), jnp.float32),
            pltpu.VMEM((npad,), jnp.float32),
            pltpu.VMEM((npad,), jnp.float32),
            pltpu.VMEM((spt,), jnp.float32),
            pltpu.VMEM((CHUNK,), jnp.int32),
            pltpu.VMEM((CHUNK,), jnp.int32),
            pltpu.SemaphoreType.DMA,
            pltpu.SemaphoreType.DMA,
        ],
    )
    def deg_kernel(dst_hbm, zeros_hbm, out_hbm, shared, hist, hbuf, rbuf,
                   dd0, dd1, is0, is1):
        D = [dd0, dd1]
        IS = [is0, is1]
        c = lax.axis_index("c")
        s = lax.axis_index("s")
        wid = c * NS + s
        pltpu.sync_copy(zeros_hbm, hist)
        ebase = wid * ept
        last = nchunks - 1
        ones = jnp.ones((16,), jnp.float32)

        def fetch(ci, q):
            pltpu.async_copy(dst_hbm.at[pl.ds(ebase + ci * CHUNK, CHUNK)],
                             D[q], IS[q])

        def wait_idx(q):
            pltpu.make_async_copy(dst_hbm.at[pl.ds(0, CHUNK)], D[q],
                                  IS[q]).wait()

        def dround(i, q):
            wait_idx(q)
            for j in range(CHUNK // 16):
                idx = D[q][pl.ds(j * 16, 16)]
                plsc.addupdate_scatter(hist, [idx], ones)
            fetch(jnp.minimum(i + 2, last), q)

        fetch(jnp.int32(0), 0)
        fetch(jnp.int32(1), 1)

        def body(g, carry):
            base = g * 2
            dround(base, 0)
            dround(base + 1, 1)
            return carry

        lax.fori_loop(0, nchunks // 2, body, 0)
        wait_idx(0)
        wait_idx(1)
        pltpu.sync_copy(hist, shared.at[pl.ds(s * npad, npad)])
        plsc.subcore_barrier()
        for t in range(NS):
            pltpu.sync_copy(shared.at[pl.ds(t * npad + s * spt, spt)],
                            hbuf.at[pl.ds(t * spt, spt)])

        def rbody(k, carry):
            v = hbuf[pl.ds(k * 16, 16)]
            for t in range(1, NS):
                v = v + hbuf[pl.ds(t * spt + k * 16, 16)]
            rbuf[pl.ds(k * 16, 16)] = v
            return carry

        lax.fori_loop(0, spt // 16, rbody, 0)
        pltpu.sync_copy(rbuf, out_hbm.at[pl.ds(c * npad + s * spt, spt)])

    return deg_kernel


def _make_agg(npad, epad, c0_frac=0.5):
    ncht = epad // CHUNK
    nch0 = int(round(ncht * c0_frac / (NS * 4))) * 4
    nch1 = ncht // NS - nch0
    assert nch0 % 4 == 0 and nch1 % 4 == 0 and nch0 >= 8 and nch1 >= 0
    rpt = npad // NS

    @functools.partial(
        pl.kernel,
        out_type=jax.ShapeDtypeStruct((NC * npad, 128), jnp.float32),
        mesh=_mesh(),
        scratch_types=(
            [pltpu.VMEM_SHARED((npad, 128), jnp.float32)]
            + [pltpu.VMEM((CHUNK,), jnp.int32) for _ in range(8)]
            + [pltpu.VMEM((CHUNK, 128), jnp.float32) for _ in range(2)]
            + [pltpu.SemaphoreType.DMA for _ in range(8)]
        ),
    )
    def agg_kernel(g_hbm, src_hbm, dst_hbm, zeros_hbm, out_hbm,
                   acc, s0, s1, s2, s3, d0, d1, d2, d3, r0, r1,
                   i0, i1, i2, i3, g0, g1, ss0, ss1):
        S = [s0, s1, s2, s3]
        D = [d0, d1, d2, d3]
        R = [r0, r1]
        IS = [i0, i1, i2, i3]
        GS = [g0, g1]
        SS = [ss0, ss1]
        c = lax.axis_index("c")
        s = lax.axis_index("s")
        pltpu.sync_copy(zeros_hbm, acc.at[pl.ds(s * rpt, rpt)])
        plsc.subcore_barrier()
        nch_c = jnp.where(c == 0, nch0, nch1)
        cbase = c * NS * nch0 + s * nch_c
        ebase = cbase * CHUNK
        last = nch_c - 1

        def fetch(ci, q):
            b = ebase + ci * CHUNK
            pltpu.async_copy(src_hbm.at[pl.ds(b, CHUNK)], S[q], IS[q])
            pltpu.async_copy(dst_hbm.at[pl.ds(b, CHUNK)], D[q], IS[q])

        def wait_idx(q):
            pltpu.make_async_copy(src_hbm.at[pl.ds(0, CHUNK)], S[q],
                                  IS[q]).wait()
            pltpu.make_async_copy(dst_hbm.at[pl.ds(0, CHUNK)], D[q],
                                  IS[q]).wait()

        def wait_scat(b):
            pltpu.make_async_copy(g_hbm.at[pl.ds(0, CHUNK)], R[b],
                                  SS[b]).wait()

        def round_(i, j, first=False):
            b = j % 2
            if not first:
                wait_scat(b)
            fetch(jnp.minimum(i + 2, last), (j + 2) % 4)
            wait_idx(j)
            pltpu.async_copy(g_hbm.at[S[j]], R[b], GS[b]).wait()
            pltpu.async_copy(R[b], acc.at[D[j]], SS[b], add=True)

        @pl.when(nch_c > 0)
        def _main():
            for q in range(2):
                fetch(jnp.int32(q), q)
            for j in range(4):
                round_(jnp.int32(j), j, first=j < 2)

            def gbody(g, carry):
                base = g * 4
                for j in range(4):
                    round_(base + j, j)
                return carry

            lax.fori_loop(1, nch_c // 4, gbody, 0)
            for b in range(2):
                wait_scat(b)
            for q in range(2):
                wait_idx(q)

        plsc.subcore_barrier()
        pltpu.sync_copy(acc.at[pl.ds(s * rpt, rpt)],
                        out_hbm.at[pl.ds(c * npad + s * rpt, rpt)])

    return agg_kernel


def _tc1(x_p, W1, deg_col, bn):
    npad = x_p.shape[0]
    nb = npad // bn

    def body(x_ref, w_ref, d_ref, g_ref):
        dinv = lax.rsqrt(d_ref[...])
        g_ref[...] = jnp.dot(x_ref[...], w_ref[...],
                             preferred_element_type=jnp.float32) * dinv

    return pl.pallas_call(
        body,
        grid=(nb,),
        in_specs=[
            pl.BlockSpec((bn, 128), lambda i: (i, 0)),
            pl.BlockSpec((128, 128), lambda i: (0, 0)),
            pl.BlockSpec((bn, 1), lambda i: (i, 0)),
        ],
        out_specs=pl.BlockSpec((bn, 128), lambda i: (i, 0)),
        out_shape=jax.ShapeDtypeStruct((npad, 128), jnp.float32),
    )(x_p, W1, deg_col)


def _tc2(parts, g1, deg_col, b1, W2, bn):
    npad = g1.shape[0]
    nb = npad // bn

    def body(p0, p1, g_ref, d_ref, b_ref, w_ref, out_ref):
        dinv = lax.rsqrt(d_ref[...])
        h = jnp.maximum((p0[...] + p1[...] + g_ref[...]) * dinv + b_ref[...],
                        0.0)
        out_ref[...] = jnp.dot(h, w_ref[...],
                               preferred_element_type=jnp.float32) * dinv

    return pl.pallas_call(
        body,
        grid=(nb,),
        in_specs=[
            pl.BlockSpec((bn, 128), lambda i: (i, 0)),
            pl.BlockSpec((bn, 128), lambda i, _nb=nb: (i + _nb, 0)),
            pl.BlockSpec((bn, 128), lambda i: (i, 0)),
            pl.BlockSpec((bn, 1), lambda i: (i, 0)),
            pl.BlockSpec((1, 128), lambda i: (0, 0)),
            pl.BlockSpec((128, 128), lambda i: (0, 0)),
        ],
        out_specs=pl.BlockSpec((bn, 128), lambda i: (i, 0)),
        out_shape=jax.ShapeDtypeStruct((npad, 128), jnp.float32),
    )(parts, parts, g1, deg_col, b1, W2)


def _tc3(parts, g2, deg_col, b2, Wl, bl, bn):
    npad = g2.shape[0]
    nb = npad // bn
    cdim = Wl.shape[1]

    def body(p0, p1, g_ref, d_ref, b_ref, w_ref, bl_ref, out_ref):
        dinv = lax.rsqrt(d_ref[...])
        h = jnp.maximum((p0[...] + p1[...] + g_ref[...]) * dinv + b_ref[...],
                        0.0)
        out_ref[...] = jnp.dot(h, w_ref[...],
                               preferred_element_type=jnp.float32) + bl_ref[...]

    return pl.pallas_call(
        body,
        grid=(nb,),
        in_specs=[
            pl.BlockSpec((bn, 128), lambda i: (i, 0)),
            pl.BlockSpec((bn, 128), lambda i, _nb=nb: (i + _nb, 0)),
            pl.BlockSpec((bn, 128), lambda i: (i, 0)),
            pl.BlockSpec((bn, 1), lambda i: (i, 0)),
            pl.BlockSpec((1, 128), lambda i: (0, 0)),
            pl.BlockSpec((128, cdim), lambda i: (0, 0)),
            pl.BlockSpec((1, cdim), lambda i: (0, 0)),
        ],
        out_specs=pl.BlockSpec((bn, cdim), lambda i: (i, 0)),
        out_shape=jax.ShapeDtypeStruct((npad, cdim), jnp.float32),
    )(parts, parts, g2, deg_col, b2, Wl, bl)


def kernel(x, edge_index, W1, b1, W2, b2, Wl, bl):
    n = x.shape[0]
    e = edge_index.shape[1]
    npad = ((n + 1 + 511) // 512) * 512
    epad = -(-e // (NW * CHUNK * 4)) * (NW * CHUNK * 4)
    rpt = npad // NS
    bn = 1024 if npad % 1024 == 0 else 512

    src = edge_index[0].astype(jnp.int32)
    dst = edge_index[1].astype(jnp.int32)
    src_p = jnp.concatenate([src, jnp.zeros((epad - e,), jnp.int32)])
    dst_p = jnp.concatenate([dst, jnp.full((epad - e,), n, jnp.int32)])
    x_p = jnp.pad(x, ((0, npad - n), (0, 0)))

    zeros128 = jnp.zeros((rpt, 128), jnp.float32)
    zeros1d = jnp.zeros((npad,), jnp.float32)

    deg_call = _make_deg(npad, epad)
    agg_call = _make_agg(npad, epad, c0_frac=0.95)

    dparts = deg_call(dst_p, zeros1d)
    deg_col = (dparts[:npad] + dparts[npad:] + 1.0).reshape(npad, 1)

    g1 = _tc1(x_p, W1, deg_col, bn)
    p1 = agg_call(g1, src_p, dst_p, zeros128)
    g2 = _tc2(p1, g1, deg_col, b1.reshape(1, -1), W2, bn)
    p2 = agg_call(g2, src_p, dst_p, zeros128)
    out = _tc3(p2, g2, deg_col, b2.reshape(1, -1), Wl, bl.reshape(1, -1), bn)
    return out[:n]

# --- scband reference (transcript-rebuilt; emitter-appended) ---
"""Pipeline reference for scband-gcn-32358283608689 (READ-ONLY COPY).

The authoritative reference and input builder live on the scoring server;
editing this copy changes nothing except your own understanding.
"""

import jax, jax.numpy as jnp
import numpy as np

N = 10000
E = 320000
D = 128
H = 128
C = 16


def setup_inputs(seed: int = 0) -> dict:
    key = jax.random.key(seed)
    ks = jax.random.split(key, 8)
    x = jax.random.normal(ks[0], (N, D), dtype=jnp.float32)
    edge_index = jax.random.randint(ks[1], (2, E), 0, N, dtype=jnp.int64)
    W1 = jax.random.normal(ks[2], (D, H), dtype=jnp.float32) * (1.0 / np.sqrt(D))
    b1 = jnp.zeros((H,), dtype=jnp.float32)
    W2 = jax.random.normal(ks[3], (H, H), dtype=jnp.float32) * (1.0 / np.sqrt(H))
    b2 = jnp.zeros((H,), dtype=jnp.float32)
    Wl = jax.random.normal(ks[4], (H, C), dtype=jnp.float32) * (1.0 / np.sqrt(H))
    bl = jnp.zeros((C,), dtype=jnp.float32)
    return {"x": x, "edge_index": edge_index, "W1": W1, "b1": b1, "W2": W2, "b2": b2, "Wl": Wl, "bl": bl}


def _gcn_conv(x, src, dst, W, b):
    # PyG GCNConv: add self-loops, symmetric normalization D^-1/2 (A+I) D^-1/2, lin first, bias after aggregation
    n = x.shape[0]
    loop = jnp.arange(n, dtype=src.dtype)
    s = jnp.concatenate([src, loop])
    d = jnp.concatenate([dst, loop])
    deg = jax.ops.segment_sum(jnp.ones_like(d, dtype=jnp.float32), d, num_segments=n)
    dinv = jnp.where(deg > 0, deg ** -0.5, 0.0)
    norm = dinv[s] * dinv[d]
    h = x @ W
    msg = h[s] * norm[:, None]
    out = jax.ops.segment_sum(msg, d, num_segments=n)
    return out + b


def reference(x, edge_index, W1, b1, W2, b2, Wl, bl):
    src = edge_index[0]
    dst = edge_index[1]
    h = jax.nn.relu(_gcn_conv(x, src, dst, W1, b1))
    h = jax.nn.relu(_gcn_conv(h, src, dst, W2, b2))
    return h @ Wl + bl

if __name__ == "__main__":
    import jax
    _d = setup_inputs()
    print(jax.jit(kernel)(*tuple(_d.values())))

</pallas_src>

<mosaic_0001>
#map = affine_map<(d0, d1) -> (0)>
module attributes {stable_mosaic.version = 14 : i64} {
  func.func @deg_kernel(%arg0: i32, %arg1: i32, %arg2: memref<327680xi32, #tpu.memory_space<hbm>>, %arg3: memref<10240xf32, #tpu.memory_space<hbm>>, %arg4: memref<20480xf32, #tpu.memory_space<hbm>>, %arg5: memref<163840xf32, #tpu.memory_space<vmem_shared>>, %arg6: memref<10240xf32, #tpu.memory_space<vmem>>, %arg7: memref<10240xf32, #tpu.memory_space<vmem>>, %arg8: memref<640xf32, #tpu.memory_space<vmem>>, %arg9: memref<128xi32, #tpu.memory_space<vmem>>, %arg10: memref<128xi32, #tpu.memory_space<vmem>>, %arg11: memref<!tpu.dma_semaphore, #tpu.memory_space<semaphore_mem>>, %arg12: memref<!tpu.dma_semaphore, #tpu.memory_space<semaphore_mem>>) attributes {dimension_semantics = [#tpu.dimension_semantics<core_parallel>, #tpu.dimension_semantics<subcore_parallel>], iteration_bounds = array<i64: 2, 16>, scalar_prefetch = 0 : i64, scratch_operands = 8 : i64, tpu.core_type = #tpu.core_type<sc_vector_subcore>, window_params = [{transform_indices = #map}, {transform_indices = #map}, {transform_indices = #map}]} {
    %mul3A = arith.constant 16 : i32
    %mul3A_0 = arith.muli %arg0, %mul3A : i32
    %add3A = arith.addi %mul3A_0, %arg1 : i32
    "tpu.region"() ({
      %run_scoped3A = tpu.sem_alloc : memref<!tpu.dma_semaphore, #tpu.memory_space<semaphore_mem>>
      tpu.enqueue_dma source(%arg3 : memref<10240xf32, #tpu.memory_space<hbm>>) target(%arg6 : memref<10240xf32, #tpu.memory_space<vmem>>) target_semaphore(%run_scoped3A : memref<!tpu.dma_semaphore, #tpu.memory_space<semaphore_mem>>)
      tpu.wait_dma2 semaphore(%run_scoped3A : memref<!tpu.dma_semaphore, #tpu.memory_space<semaphore_mem>>) src(%arg3 : memref<10240xf32, #tpu.memory_space<hbm>>) dst(%arg6 : memref<10240xf32, #tpu.memory_space<vmem>>)
      tpu.yield
    }) : () -> ()
    %mul3A_1 = arith.constant 10240 : i32
    %mul3A_2 = arith.muli %add3A, %mul3A_1 : i32
    %broadcast_in_dim3A = arith.constant 1.000000e+00 : f32
    %broadcast_in_dim3A_3 = vector.broadcast %broadcast_in_dim3A : f32 to vector<16xf32>
    %mul3A_4 = arith.constant 0 : i32
    %mul3A_5 = arith.constant 128 : i32
    %mul3A_6 = arith.muli %mul3A_4, %mul3A_5 : i32
    %add3A_7 = arith.addi %mul3A_2, %mul3A_6 : i32
    %dma_start3A = tpu.memref_slice %arg2[%add3A_7] : memref<327680xi32, #tpu.memory_space<hbm>> -> memref<128xi32, #tpu.memory_space<hbm>>
    %dma_start3A_8 = tpu.memref_slice %arg2[%add3A_7] : memref<327680xi32, #tpu.memory_space<hbm>> -> memref<128xi32, #tpu.memory_space<hbm>>
    tpu.enqueue_dma source(%dma_start3A_8 : memref<128xi32, #tpu.memory_space<hbm>>) target(%arg9 : memref<128xi32, #tpu.memory_space<vmem>>) target_semaphore(%arg11 : memref<!tpu.dma_semaphore, #tpu.memory_space<semaphore_mem>>)
    %mul3A_9 = arith.constant 1 : i32
    %mul3A_10 = arith.constant 128 : i32
    %mul3A_11 = arith.muli %mul3A_9, %mul3A_10 : i32
    %add3A_12 = arith.addi %mul3A_2, %mul3A_11 : i32
    %dma_start3A_13 = tpu.memref_slice %arg2[%add3A_12] : memref<327680xi32, #tpu.memory_space<hbm>> -> memref<128xi32, #tpu.memory_space<hbm>>
    %dma_start3A_14 = tpu.memref_slice %arg2[%add3A_12] : memref<327680xi32, #tpu.memory_space<hbm>> -> memref<128xi32, #tpu.memory_space<hbm>>
    tpu.enqueue_dma source(%dma_start3A_14 : memref<128xi32, #tpu.memory_space<hbm>>) target(%arg10 : memref<128xi32, #tpu.memory_space<vmem>>) target_semaphore(%arg12 : memref<!tpu.dma_semaphore, #tpu.memory_space<semaphore_mem>>)
    %scan3A = arith.constant 0 : i32
    %scan3A_15 = arith.constant 0 : i32
    %scan3A_16 = arith.constant 40 : i32
    %scan3A_17 = arith.addi %scan3A_15, %scan3A_16 : i32
    %scan3A_18 = arith.constant 1 : i32
    scf.for %scan3A_104 = %scan3A_15 to %scan3A_17 step %scan3A_18  : i32 {
      %mul3A_105 = arith.constant 2 : i32
      %mul3A_106 = arith.muli %scan3A_104, %mul3A_105 : i32
      %dma_wait3A_107 = arith.constant 0 : i32
      %dma_wait3A_108 = tpu.memref_slice %arg2[%dma_wait3A_107] : memref<327680xi32, #tpu.memory_space<hbm>> -> memref<128xi32, #tpu.memory_space<hbm>>
      %dma_wait3A_109 = arith.constant 0 : i32
      %dma_wait3A_110 = tpu.memref_slice %arg2[%dma_wait3A_109] : memref<327680xi32, #tpu.memory_space<hbm>> -> memref<128xi32, #tpu.memory_space<hbm>>
      tpu.wait_dma2 semaphore(%arg11 : memref<!tpu.dma_semaphore, #tpu.memory_space<semaphore_mem>>) src(%dma_wait3A_110 : memref<128xi32, #tpu.memory_space<hbm>>) dst(%arg9 : memref<128xi32, #tpu.memory_space<vmem>>)
      %get3A = arith.constant 0 : index
      %get3A_111 = tpu.vector_load %arg9[%get3A] {strides = array<i32>} : memref<128xi32, #tpu.memory_space<vmem>>, vector<16xi32>,
      tpu.vector_store_idx %arg6[%get3A_111], %broadcast_in_dim3A_3 {add = true} : memref<10240xf32, #tpu.memory_space<vmem>>[vector<16xi32>], vector<16xf32>,
      %get3A_112 = arith.constant 16 : index
      %get3A_113 = tpu.vector_load %arg9[%get3A_112] {strides = array<i32>} : memref<128xi32, #tpu.memory_space<vmem>>, vector<16xi32>,
      tpu.vector_store_idx %arg6[%get3A_113], %broadcast_in_dim3A_3 {add = true} : memref<10240xf32, #tpu.memory_space<vmem>>[vector<16xi32>], vector<16xf32>,
      %get3A_114 = arith.constant 32 : index
      %get3A_115 = tpu.vector_load %arg9[%get3A_114] {strides = array<i32>} : memref<128xi32, #tpu.memory_space<vmem>>, vector<16xi32>,
      tpu.vector_store_idx %arg6[%get3A_115], %broadcast_in_dim3A_3 {add = true} : memref<10240xf32, #tpu.memory_space<vmem>>[vector<16xi32>], vector<16xf32>,
      %get3A_116 = arith.constant 48 : index
      %get3A_117 = tpu.vector_load %arg9[%get3A_116] {strides = array<i32>} : memref<128xi32, #tpu.memory_space<vmem>>, vector<16xi32>,
      tpu.vector_store_idx %arg6[%get3A_117], %broadcast_in_dim3A_3 {add = true} : memref<10240xf32, #tpu.memory_space<vmem>>[vector<16xi32>], vector<16xf32>,
      %get3A_118 = arith.constant 64 : index
      %get3A_119 = tpu.vector_load %arg9[%get3A_118] {strides = array<i32>} : memref<128xi32, #tpu.memory_space<vmem>>, vector<16xi32>,
      tpu.vector_store_idx %arg6[%get3A_119], %broadcast_in_dim3A_3 {add = true} : memref<10240xf32, #tpu.memory_space<vmem>>[vector<16xi32>], vector<16xf32>,
      %get3A_120 = arith.constant 80 : index
      %get3A_121 = tpu.vector_load %arg9[%get3A_120] {strides = array<i32>} : memref<128xi32, #tpu.memory_space<vmem>>, vector<16xi32>,
      tpu.vector_store_idx %arg6[%get3A_121], %broadcast_in_dim3A_3 {add = true} : memref<10240xf32, #tpu.memory_space<vmem>>[vector<16xi32>], vector<16xf32>,
      %get3A_122 = arith.constant 96 : index
      %get3A_123 = tpu.vector_load %arg9[%get3A_122] {strides = array<i32>} : memref<128xi32, #tpu.memory_space<vmem>>, vector<16xi32>,
      tpu.vector_store_idx %arg6[%get3A_123], %broadcast_in_dim3A_3 {add = true} : memref<10240xf32, #tpu.memory_space<vmem>>[vector<16xi32>], vector<16xf32>,
      %get3A_124 = arith.constant 112 : index
      %get3A_125 = tpu.vector_load %arg9[%get3A_124] {strides = array<i32>} : memref<128xi32, #tpu.memory_space<vmem>>, vector<16xi32>,
      tpu.vector_store_idx %arg6[%get3A_125], %broadcast_in_dim3A_3 {add = true} : memref<10240xf32, #tpu.memory_space<vmem>>[vector<16xi32>], vector<16xf32>,
      %add3A_126 = arith.constant 2 : i32
      %add3A_127 = arith.addi %mul3A_106, %add3A_126 : i32
      %min3A = arith.constant 79 : i32
      %min3A_128 = arith.minsi %add3A_127, %min3A : i32
      %mul3A_129 = arith.constant 128 : i32
      %mul3A_130 = arith.muli %min3A_128, %mul3A_129 : i32
      %add3A_131 = arith.addi %mul3A_2, %mul3A_130 : i32
      %dma_start3A_132 = tpu.memref_slice %arg2[%add3A_131] : memref<327680xi32, #tpu.memory_space<hbm>> -> memref<128xi32, #tpu.memory_space<hbm>>
      %dma_start3A_133 = tpu.memref_slice %arg2[%add3A_131] : memref<327680xi32, #tpu.memory_space<hbm>> -> memref<128xi32, #tpu.memory_space<hbm>>
      tpu.enqueue_dma source(%dma_start3A_133 : memref<128xi32, #tpu.memory_space<hbm>>) target(%arg9 : memref<128xi32, #tpu.memory_space<vmem>>) target_semaphore(%arg11 : memref<!tpu.dma_semaphore, #tpu.memory_space<semaphore_mem>>)
      %add3A_134 = arith.constant 1 : i32
      %add3A_135 = arith.addi %mul3A_106, %add3A_134 : i32
      %dma_wait3A_136 = arith.constant 0 : i32
      %dma_wait3A_137 = tpu.memref_slice %arg2[%dma_wait3A_136] : memref<327680xi32, #tpu.memory_space<hbm>> -> memref<128xi32, #tpu.memory_space<hbm>>
      %dma_wait3A_138 = arith.constant 0 : i32
      %dma_wait3A_139 = tpu.memref_slice %arg2[%dma_wait3A_138] : memref<327680xi32, #tpu.memory_space<hbm>> -> memref<128xi32, #tpu.memory_space<hbm>>
      tpu.wait_dma2 semaphore(%arg12 : memref<!tpu.dma_semaphore, #tpu.memory_space<semaphore_mem>>) src(%dma_wait3A_139 : memref<128xi32, #tpu.memory_space<hbm>>) dst(%arg10 : memref<128xi32, #tpu.memory_space<vmem>>)
      %get3A_140 = arith.constant 0 : index
      %get3A_141 = tpu.vector_load %arg10[%get3A_140] {strides = array<i32>} : memref<128xi32, #tpu.memory_space<vmem>>, vector<16xi32>,
      tpu.vector_store_idx %arg6[%get3A_141], %broadcast_in_dim3A_3 {add = true} : memref<10240xf32, #tpu.memory_space<vmem>>[vector<16xi32>], vector<16xf32>,
      %get3A_142 = arith.constant 16 : index
      %get3A_143 = tpu.vector_load %arg10[%get3A_142] {strides = array<i32>} : memref<128xi32, #tpu.memory_space<vmem>>, vector<16xi32>,
      tpu.vector_store_idx %arg6[%get3A_143], %broadcast_in_dim3A_3 {add = true} : memref<10240xf32, #tpu.memory_space<vmem>>[vector<16xi32>], vector<16xf32>,
      %get3A_144 = arith.constant 32 : index
      %get3A_145 = tpu.vector_load %arg10[%get3A_144] {strides = array<i32>} : memref<128xi32, #tpu.memory_space<vmem>>, vector<16xi32>,
      tpu.vector_store_idx %arg6[%get3A_145], %broadcast_in_dim3A_3 {add = true} : memref<10240xf32, #tpu.memory_space<vmem>>[vector<16xi32>], vector<16xf32>,
      %get3A_146 = arith.constant 48 : index
      %get3A_147 = tpu.vector_load %arg10[%get3A_146] {strides = array<i32>} : memref<128xi32, #tpu.memory_space<vmem>>, vector<16xi32>,
      tpu.vector_store_idx %arg6[%get3A_147], %broadcast_in_dim3A_3 {add = true} : memref<10240xf32, #tpu.memory_space<vmem>>[vector<16xi32>], vector<16xf32>,
      %get3A_148 = arith.constant 64 : index
      %get3A_149 = tpu.vector_load %arg10[%get3A_148] {strides = array<i32>} : memref<128xi32, #tpu.memory_space<vmem>>, vector<16xi32>,
      tpu.vector_store_idx %arg6[%get3A_149], %broadcast_in_dim3A_3 {add = true} : memref<10240xf32, #tpu.memory_space<vmem>>[vector<16xi32>], vector<16xf32>,
      %get3A_150 = arith.constant 80 : index
      %get3A_151 = tpu.vector_load %arg10[%get3A_150] {strides = array<i32>} : memref<128xi32, #tpu.memory_space<vmem>>, vector<16xi32>,
      tpu.vector_store_idx %arg6[%get3A_151], %broadcast_in_dim3A_3 {add = true} : memref<10240xf32, #tpu.memory_space<vmem>>[vector<16xi32>], vector<16xf32>,
      %get3A_152 = arith.constant 96 : index
      %get3A_153 = tpu.vector_load %arg10[%get3A_152] {strides = array<i32>} : memref<128xi32, #tpu.memory_space<vmem>>, vector<16xi32>,
      tpu.vector_store_idx %arg6[%get3A_153], %broadcast_in_dim3A_3 {add = true} : memref<10240xf32, #tpu.memory_space<vmem>>[vector<16xi32>], vector<16xf32>,
      %get3A_154 = arith.constant 112 : index
      %get3A_155 = tpu.vector_load %arg10[%get3A_154] {strides = array<i32>} : memref<128xi32, #tpu.memory_space<vmem>>, vector<16xi32>,
      tpu.vector_store_idx %arg6[%get3A_155], %broadcast_in_dim3A_3 {add = true} : memref<10240xf32, #tpu.memory_space<vmem>>[vector<16xi32>], vector<16xf32>,
      %add3A_156 = arith.constant 2 : i32
      %add3A_157 = arith.addi %add3A_135, %add3A_156 : i32
      %min3A_158 = arith.constant 79 : i32
      %min3A_159 = arith.minsi %add3A_157, %min3A_158 : i32
      %mul3A_160 = arith.constant 128 : i32
      %mul3A_161 = arith.muli %min3A_159, %mul3A_160 : i32
      %add3A_162 = arith.addi %mul3A_2, %mul3A_161 : i32
      %dma_start3A_163 = tpu.memref_slice %arg2[%add3A_162] : memref<327680xi32, #tpu.memory_space<hbm>> -> memref<128xi32, #tpu.memory_space<hbm>>
      %dma_start3A_164 = tpu.memref_slice %arg2[%add3A_162] : memref<327680xi32, #tpu.memory_space<hbm>> -> memref<128xi32, #tpu.memory_space<hbm>>
      tpu.enqueue_dma source(%dma_start3A_164 : memref<128xi32, #tpu.memory_space<hbm>>) target(%arg10 : memref<128xi32, #tpu.memory_space<vmem>>) target_semaphore(%arg12 : memref<!tpu.dma_semaphore, #tpu.memory_space<semaphore_mem>>)
    }
    %scan3A_19 = arith.constant 40 : i32
    %dma_wait3A = arith.constant 0 : i32
    %dma_wait3A_20 = tpu.memref_slice %arg2[%dma_wait3A] : memref<327680xi32, #tpu.memory_space<hbm>> -> memref<128xi32, #tpu.memory_space<hbm>>
    %dma_wait3A_21 = arith.constant 0 : i32
    %dma_wait3A_22 = tpu.memref_slice %arg2[%dma_wait3A_21] : memref<327680xi32, #tpu.memory_space<hbm>> -> memref<128xi32, #tpu.memory_space<hbm>>
    tpu.wait_dma2 semaphore(%arg11 : memref<!tpu.dma_semaphore, #tpu.memory_space<semaphore_mem>>) src(%dma_wait3A_22 : memref<128xi32, #tpu.memory_space<hbm>>) dst(%arg9 : memref<128xi32, #tpu.memory_space<vmem>>)
    %dma_wait3A_23 = arith.constant 0 : i32
    %dma_wait3A_24 = tpu.memref_slice %arg2[%dma_wait3A_23] : memref<327680xi32, #tpu.memory_space<hbm>> -> memref<128xi32, #tpu.memory_space<hbm>>
    %dma_wait3A_25 = arith.constant 0 : i32
    %dma_wait3A_26 = tpu.memref_slice %arg2[%dma_wait3A_25] : memref<327680xi32, #tpu.memory_space<hbm>> -> memref<128xi32, #tpu.memory_space<hbm>>
    tpu.wait_dma2 semaphore(%arg12 : memref<!tpu.dma_semaphore, #tpu.memory_space<semaphore_mem>>) src(%dma_wait3A_26 : memref<128xi32, #tpu.memory_space<hbm>>) dst(%arg10 : memref<128xi32, #tpu.memory_space<vmem>>)
    %mul3A_27 = arith.constant 10240 : i32
    %mul3A_28 = arith.muli %arg1, %mul3A_27 : i32
    "tpu.region"() ({
      %run_scoped3A = tpu.sem_alloc : memref<!tpu.dma_semaphore, #tpu.memory_space<semaphore_mem>>
      %dma_start3A_104 = tpu.memref_slice %arg5[%mul3A_28] : memref<163840xf32, #tpu.memory_space<vmem_shared>> -> memref<10240xf32, #tpu.memory_space<vmem_shared>>
      %dma_start3A_105 = tpu.memref_slice %arg5[%mul3A_28] : memref<163840xf32, #tpu.memory_space<vmem_shared>> -> memref<10240xf32, #tpu.memory_space<vmem_shared>>
      tpu.enqueue_dma source(%arg6 : memref<10240xf32, #tpu.memory_space<vmem>>) target(%dma_start3A_105 : memref<10240xf32, #tpu.memory_space<vmem_shared>>) target_semaphore(%run_scoped3A : memref<!tpu.dma_semaphore, #tpu.memory_space<semaphore_mem>>)
      %dma_wait3A_106 = tpu.memref_slice %arg5[%mul3A_28] : memref<163840xf32, #tpu.memory_space<vmem_shared>> -> memref<10240xf32, #tpu.memory_space<vmem_shared>>
      %dma_wait3A_107 = tpu.memref_slice %arg5[%mul3A_28] : memref<163840xf32, #tpu.memory_space<vmem_shared>> -> memref<10240xf32, #tpu.memory_space<vmem_shared>>
      tpu.wait_dma2 semaphore(%run_scoped3A : memref<!tpu.dma_semaphore, #tpu.memory_space<semaphore_mem>>) src(%arg6 : memref<10240xf32, #tpu.memory_space<vmem>>) dst(%dma_wait3A_107 : memref<10240xf32, #tpu.memory_space<vmem_shared>>)
      tpu.yield
    }) : () -> ()
    %barrier3A = arith.constant 0 : index
    tpu.barrier barrier_id(%barrier3A)
    %mul3A_29 = arith.constant 640 : i32
    %mul3A_30 = arith.muli %arg1, %mul3A_29 : i32
    %add3A_31 = arith.constant 0 : i32
    %add3A_32 = arith.addi %add3A_31, %mul3A_30 : i32
    "tpu.region"() ({
      %run_scoped3A = tpu.sem_alloc : memref<!tpu.dma_semaphore, #tpu.memory_space<semaphore_mem>>
      %dma_start3A_104 = arith.constant 0 : i32
      %dma_start3A_105 = tpu.memref_slice %arg7[%dma_start3A_104] : memref<10240xf32, #tpu.memory_space<vmem>> -> memref<640xf32, #tpu.memory_space<vmem>>
      %dma_start3A_106 = tpu.memref_slice %arg5[%add3A_32] : memref<163840xf32, #tpu.memory_space<vmem_shared>> -> memref<640xf32, #tpu.memory_space<vmem_shared>>
      %dma_start3A_107 = arith.constant 0 : i32
      %dma_start3A_108 = tpu.memref_slice %arg7[%dma_start3A_107] : memref<10240xf32, #tpu.memory_space<vmem>> -> memref<640xf32, #tpu.memory_space<vmem>>
      %dma_start3A_109 = tpu.memref_slice %arg5[%add3A_32] : memref<163840xf32, #tpu.memory_space<vmem_shared>> -> memref<640xf32, #tpu.memory_space<vmem_shared>>
      tpu.enqueue_dma source(%dma_start3A_109 : memref<640xf32, #tpu.memory_space<vmem_shared>>) target(%dma_start3A_108 : memref<640xf32, #tpu.memory_space<vmem>>) target_semaphore(%run_scoped3A : memref<!tpu.dma_semaphore, #tpu.memory_space<semaphore_mem>>)
      %dma_wait3A_110 = arith.constant 0 : i32
      %dma_wait3A_111 = tpu.memref_slice %arg7[%dma_wait3A_110] : memref<10240xf32, #tpu.memory_space<vmem>> -> memref<640xf32, #tpu.memory_space<vmem>>
      %dma_wait3A_112 = tpu.memref_slice %arg5[%add3A_32] : memref<163840xf32, #tpu.memory_space<vmem_shared>> -> memref<640xf32, #tpu.memory_space<vmem_shared>>
      %dma_wait3A_113 = arith.constant 0 : i32
      %dma_wait3A_114 = tpu.memref_slice %arg7[%dma_wait3A_113] : memref<10240xf32, #tpu.memory_space<vmem>> -> memref<640xf32, #tpu.memory_space<vmem>>
      %dma_wait3A_115 = tpu.memref_slice %arg5[%add3A_32] : memref<163840xf32, #tpu.memory_space<vmem_shared>> -> memref<640xf32, #tpu.memory_space<vmem_shared>>
      tpu.wait_dma2 semaphore(%run_scoped3A : memref<!tpu.dma_semaphore, #tpu.memory_space<semaphore_mem>>) src(%dma_wait3A_115 : memref<640xf32, #tpu.memory_space<vmem_shared>>) dst(%dma_wait3A_114 : memref<640xf32, #tpu.memory_space<vmem>>)
      tpu.yield
    }) : () -> ()
    %mul3A_33 = arith.constant 640 : i32
    %mul3A_34 = arith.muli %arg1, %mul3A_33 : i32
    %add3A_35 = arith.constant 10240 : i32
    %add3A_36 = arith.addi %add3A_35, %mul3A_34 : i32
    "tpu.region"() ({
      %run_scoped3A = tpu.sem_alloc : memref<!tpu.dma_semaphore, #tpu.memory_space<semaphore_mem>>
      %dma_start3A_104 = arith.constant 640 : i32
      %dma_start3A_105 = tpu.memref_slice %arg7[%dma_start3A_104] : memref<10240xf32, #tpu.memory_space<vmem>> -> memref<640xf32, #tpu.memory_space<vmem>>
      %dma_start3A_106 = tpu.memref_slice %arg5[%add3A_36] : memref<163840xf32, #tpu.memory_space<vmem_shared>> -> memref<640xf32, #tpu.memory_space<vmem_shared>>
      %dma_start3A_107 = arith.constant 640 : i32
      %dma_start3A_108 = tpu.memref_slice %arg7[%dma_start3A_107] : memref<10240xf32, #tpu.memory_space<vmem>> -> memref<640xf32, #tpu.memory_space<vmem>>
      %dma_start3A_109 = tpu.memref_slice %arg5[%add3A_36] : memref<163840xf32, #tpu.memory_space<vmem_shared>> -> memref<640xf32, #tpu.memory_space<vmem_shared>>
      tpu.enqueue_dma source(%dma_start3A_109 : memref<640xf32, #tpu.memory_space<vmem_shared>>) target(%dma_start3A_108 : memref<640xf32, #tpu.memory_space<vmem>>) target_semaphore(%run_scoped3A : memref<!tpu.dma_semaphore, #tpu.memory_space<semaphore_mem>>)
      %dma_wait3A_110 = arith.constant 640 : i32
      %dma_wait3A_111 = tpu.memref_slice %arg7[%dma_wait3A_110] : memref<10240xf32, #tpu.memory_space<vmem>> -> memref<640xf32, #tpu.memory_space<vmem>>
      %dma_wait3A_112 = tpu.memref_slice %arg5[%add3A_36] : memref<163840xf32, #tpu.memory_space<vmem_shared>> -> memref<640xf32, #tpu.memory_space<vmem_shared>>
      %dma_wait3A_113 = arith.constant 640 : i32
      %dma_wait3A_114 = tpu.memref_slice %arg7[%dma_wait3A_113] : memref<10240xf32, #tpu.memory_space<vmem>> -> memref<640xf32, #tpu.memory_space<vmem>>
      %dma_wait3A_115 = tpu.memref_slice %arg5[%add3A_36] : memref<163840xf32, #tpu.memory_space<vmem_shared>> -> memref<640xf32, #tpu.memory_space<vmem_shared>>
      tpu.wait_dma2 semaphore(%run_scoped3A : memref<!tpu.dma_semaphore, #tpu.memory_space<semaphore_mem>>) src(%dma_wait3A_115 : memref<640xf32, #tpu.memory_space<vmem_shared>>) dst(%dma_wait3A_114 : memref<640xf32, #tpu.memory_space<vmem>>)
      tpu.yield
    }) : () -> ()
    %mul3A_37 = arith.constant 640 : i32
    %mul3A_38 = arith.muli %arg1, %mul3A_37 : i32
    %add3A_39 = arith.constant 20480 : i32
    %add3A_40 = arith.addi %add3A_39, %mul3A_38 : i32
    "tpu.region"() ({
      %run_scoped3A = tpu.sem_alloc : memref<!tpu.dma_semaphore, #tpu.memory_space<semaphore_mem>>
      %dma_start3A_104 = arith.constant 1280 : i32
      %dma_start3A_105 = tpu.memref_slice %arg7[%dma_start3A_104] : memref<10240xf32, #tpu.memory_space<vmem>> -> memref<640xf32, #tpu.memory_space<vmem>>
      %dma_start3A_106 = tpu.memref_slice %arg5[%add3A_40] : memref<163840xf32, #tpu.memory_space<vmem_shared>> -> memref<640xf32, #tpu.memory_space<vmem_shared>>
      %dma_start3A_107 = arith.constant 1280 : i32
      %dma_start3A_108 = tpu.memref_slice %arg7[%dma_start3A_107] : memref<10240xf32, #tpu.memory_space<vmem>> -> memref<640xf32, #tpu.memory_space<vmem>>
      %dma_start3A_109 = tpu.memref_slice %arg5[%add3A_40] : memref<163840xf32, #tpu.memory_space<vmem_shared>> -> memref<640xf32, #tpu.memory_space<vmem_shared>>
      tpu.enqueue_dma source(%dma_start3A_109 : memref<640xf32, #tpu.memory_space<vmem_shared>>) target(%dma_start3A_108 : memref<640xf32, #tpu.memory_space<vmem>>) target_semaphore(%run_scoped3A : memref<!tpu.dma_semaphore, #tpu.memory_space<semaphore_mem>>)
      %dma_wait3A_110 = arith.constant 1280 : i32
      %dma_wait3A_111 = tpu.memref_slice %arg7[%dma_wait3A_110] : memref<10240xf32, #tpu.memory_space<vmem>> -> memref<640xf32, #tpu.memory_space<vmem>>
      %dma_wait3A_112 = tpu.memref_slice %arg5[%add3A_40] : memref<163840xf32, #tpu.memory_space<vmem_shared>> -> memref<640xf32, #tpu.memory_space<vmem_shared>>
      %dma_wait3A_113 = arith.constant 1280 : i32
      %dma_wait3A_114 = tpu.memref_slice %arg7[%dma_wait3A_113] : memref<10240xf32, #tpu.memory_space<vmem>> -> memref<640xf32, #tpu.memory_space<vmem>>
      %dma_wait3A_115 = tpu.memref_slice %arg5[%add3A_40] : memref<163840xf32, #tpu.memory_space<vmem_shared>> -> memref<640xf32, #tpu.memory_space<vmem_shared>>
      tpu.wait_dma2 semaphore(%run_scoped3A : memref<!tpu.dma_semaphore, #tpu.memory_space<semaphore_mem>>) src(%dma_wait3A_115 : memref<640xf32, #tpu.memory_space<vmem_shared>>) dst(%dma_wait3A_114 : memref<640xf32, #tpu.memory_space<vmem>>)
      tpu.yield
    }) : () -> ()
    %mul3A_41 = arith.constant 640 : i32
    %mul3A_42 = arith.muli %arg1, %mul3A_41 : i32
    %add3A_43 = arith.constant 30720 : i32
    %add3A_44 = arith.addi %add3A_43, %mul3A_42 : i32
    "tpu.region"() ({
      %run_scoped3A = tpu.sem_alloc : memref<!tpu.dma_semaphore, #tpu.memory_space<semaphore_mem>>
      %dma_start3A_104 = arith.constant 1920 : i32
      %dma_start3A_105 = tpu.memref_slice %arg7[%dma_start3A_104] : memref<10240xf32, #tpu.memory_space<vmem>> -> memref<640xf32, #tpu.memory_space<vmem>>
      %dma_start3A_106 = tpu.memref_slice %arg5[%add3A_44] : memref<163840xf32, #tpu.memory_space<vmem_shared>> -> memref<640xf32, #tpu.memory_space<vmem_shared>>
      %dma_start3A_107 = arith.constant 1920 : i32
      %dma_start3A_108 = tpu.memref_slice %arg7[%dma_start3A_107] : memref<10240xf32, #tpu.memory_space<vmem>> -> memref<640xf32, #tpu.memory_space<vmem>>
      %dma_start3A_109 = tpu.memref_slice %arg5[%add3A_44] : memref<163840xf32, #tpu.memory_space<vmem_shared>> -> memref<640xf32, #tpu.memory_space<vmem_shared>>
      tpu.enqueue_dma source(%dma_start3A_109 : memref<640xf32, #tpu.memory_space<vmem_shared>>) target(%dma_start3A_108 : memref<640xf32, #tpu.memory_space<vmem>>) target_semaphore(%run_scoped3A : memref<!tpu.dma_semaphore, #tpu.memory_space<semaphore_mem>>)
      %dma_wait3A_110 = arith.constant 1920 : i32
      %dma_wait3A_111 = tpu.memref_slice %arg7[%dma_wait3A_110] : memref<10240xf32, #tpu.memory_space<vmem>> -> memref<640xf32, #tpu.memory_space<vmem>>
      %dma_wait3A_112 = tpu.memref_slice %arg5[%add3A_44] : memref<163840xf32, #tpu.memory_space<vmem_shared>> -> memref<640xf32, #tpu.memory_space<vmem_shared>>
      %dma_wait3A_113 = arith.constant 1920 : i32
      %dma_wait3A_114 = tpu.memref_slice %arg7[%dma_wait3A_113] : memref<10240xf32, #tpu.memory_space<vmem>> -> memref<640xf32, #tpu.memory_space<vmem>>
      %dma_wait3A_115 = tpu.memref_slice %arg5[%add3A_44] : memref<163840xf32, #tpu.memory_space<vmem_shared>> -> memref<640xf32, #tpu.memory_space<vmem_shared>>
      tpu.wait_dma2 semaphore(%run_scoped3A : memref<!tpu.dma_semaphore, #tpu.memory_space<semaphore_mem>>) src(%dma_wait3A_115 : memref<640xf32, #tpu.memory_space<vmem_shared>>) dst(%dma_wait3A_114 : memref<640xf32, #tpu.memory_space<vmem>>)
      tpu.yield
    }) : () -> ()
    %mul3A_45 = arith.constant 640 : i32
    %mul3A_46 = arith.muli %arg1, %mul3A_45 : i32
    %add3A_47 = arith.constant 40960 : i32
    %add3A_48 = arith.addi %add3A_47, %mul3A_46 : i32
    "tpu.region"() ({
      %run_scoped3A = tpu.sem_alloc : memref<!tpu.dma_semaphore, #tpu.memory_space<semaphore_mem>>
      %dma_start3A_104 = arith.constant 2560 : i32
      %dma_start3A_105 = tpu.memref_slice %arg7[%dma_start3A_104] : memref<10240xf32, #tpu.memory_space<vmem>> -> memref<640xf32, #tpu.memory_space<vmem>>
      %dma_start3A_106 = tpu.memref_slice %arg5[%add3A_48] : memref<163840xf32, #tpu.memory_space<vmem_shared>> -> memref<640xf32, #tpu.memory_space<vmem_shared>>
      %dma_start3A_107 = arith.constant 2560 : i32
      %dma_start3A_108 = tpu.memref_slice %arg7[%dma_start3A_107] : memref<10240xf32, #tpu.memory_space<vmem>> -> memref<640xf32, #tpu.memory_space<vmem>>
      %dma_start3A_109 = tpu.memref_slice %arg5[%add3A_48] : memref<163840xf32, #tpu.memory_space<vmem_shared>> -> memref<640xf32, #tpu.memory_space<vmem_shared>>
      tpu.enqueue_dma source(%dma_start3A_109 : memref<640xf32, #tpu.memory_space<vmem_shared>>) target(%dma_start3A_108 : memref<640xf32, #tpu.memory_space<vmem>>) target_semaphore(%run_scoped3A : memref<!tpu.dma_semaphore, #tpu.memory_space<semaphore_mem>>)
      %dma_wait3A_110 = arith.constant 2560 : i32
      %dma_wait3A_111 = tpu.memref_slice %arg7[%dma_wait3A_110] : memref<10240xf32, #tpu.memory_space<vmem>> -> memref<640xf32, #tpu.memory_space<vmem>>
      %dma_wait3A_112 = tpu.memref_slice %arg5[%add3A_48] : memref<163840xf32, #tpu.memory_space<vmem_shared>> -> memref<640xf32, #tpu.memory_space<vmem_shared>>
      %dma_wait3A_113 = arith.constant 2560 : i32
      %dma_wait3A_114 = tpu.memref_slice %arg7[%dma_wait3A_113] : memref<10240xf32, #tpu.memory_space<vmem>> -> memref<640xf32, #tpu.memory_space<vmem>>
      %dma_wait3A_115 = tpu.memref_slice %arg5[%add3A_48] : memref<163840xf32, #tpu.memory_space<vmem_shared>> -> memref<640xf32, #tpu.memory_space<vmem_shared>>
      tpu.wait_dma2 semaphore(%run_scoped3A : memref<!tpu.dma_semaphore, #tpu.memory_space<semaphore_mem>>) src(%dma_wait3A_115 : memref<640xf32, #tpu.memory_space<vmem_shared>>) dst(%dma_wait3A_114 : memref<640xf32, #tpu.memory_space<vmem>>)
      tpu.yield
    }) : () -> ()
    %mul3A_49 = arith.constant 640 : i32
    %mul3A_50 = arith.muli %arg1, %mul3A_49 : i32
    %add3A_51 = arith.constant 51200 : i32
    %add3A_52 = arith.addi %add3A_51, %mul3A_50 : i32
    "tpu.region"() ({
      %run_scoped3A = tpu.sem_alloc : memref<!tpu.dma_semaphore, #tpu.memory_space<semaphore_mem>>
      %dma_start3A_104 = arith.constant 3200 : i32
      %dma_start3A_105 = tpu.memref_slice %arg7[%dma_start3A_104] : memref<10240xf32, #tpu.memory_space<vmem>> -> memref<640xf32, #tpu.memory_space<vmem>>
      %dma_start3A_106 = tpu.memref_slice %arg5[%add3A_52] : memref<163840xf32, #tpu.memory_space<vmem_shared>> -> memref<640xf32, #tpu.memory_space<vmem_shared>>
      %dma_start3A_107 = arith.constant 3200 : i32
      %dma_start3A_108 = tpu.memref_slice %arg7[%dma_start3A_107] : memref<10240xf32, #tpu.memory_space<vmem>> -> memref<640xf32, #tpu.memory_space<vmem>>
      %dma_start3A_109 = tpu.memref_slice %arg5[%add3A_52] : memref<163840xf32, #tpu.memory_space<vmem_shared>> -> memref<640xf32, #tpu.memory_space<vmem_shared>>
      tpu.enqueue_dma source(%dma_start3A_109 : memref<640xf32, #tpu.memory_space<vmem_shared>>) target(%dma_start3A_108 : memref<640xf32, #tpu.memory_space<vmem>>) target_semaphore(%run_scoped3A : memref<!tpu.dma_semaphore, #tpu.memory_space<semaphore_mem>>)
      %dma_wait3A_110 = arith.constant 3200 : i32
      %dma_wait3A_111 = tpu.memref_slice %arg7[%dma_wait3A_110] : memref<10240xf32, #tpu.memory_space<vmem>> -> memref<640xf32, #tpu.memory_space<vmem>>
      %dma_wait3A_112 = tpu.memref_slice %arg5[%add3A_52] : memref<163840xf32, #tpu.memory_space<vmem_shared>> -> memref<640xf32, #tpu.memory_space<vmem_shared>>
      %dma_wait3A_113 = arith.constant 3200 : i32
      %dma_wait3A_114 = tpu.memref_slice %arg7[%dma_wait3A_113] : memref<10240xf32, #tpu.memory_space<vmem>> -> memref<640xf32, #tpu.memory_space<vmem>>
      %dma_wait3A_115 = tpu.memref_slice %arg5[%add3A_52] : memref<163840xf32, #tpu.memory_space<vmem_shared>> -> memref<640xf32, #tpu.memory_space<vmem_shared>>
      tpu.wait_dma2 semaphore(%run_scoped3A : memref<!tpu.dma_semaphore, #tpu.memory_space<semaphore_mem>>) src(%dma_wait3A_115 : memref<640xf32, #tpu.memory_space<vmem_shared>>) dst(%dma_wait3A_114 : memref<640xf32, #tpu.memory_space<vmem>>)
      tpu.yield
    }) : () -> ()
    %mul3A_53 = arith.constant 640 : i32
    %mul3A_54 = arith.muli %arg1, %mul3A_53 : i32
    %add3A_55 = arith.constant 61440 : i32
    %add3A_56 = arith.addi %add3A_55, %mul3A_54 : i32
    "tpu.region"() ({
      %run_scoped3A = tpu.sem_alloc : memref<!tpu.dma_semaphore, #tpu.memory_space<semaphore_mem>>
      %dma_start3A_104 = arith.constant 3840 : i32
      %dma_start3A_105 = tpu.memref_slice %arg7[%dma_start3A_104] : memref<10240xf32, #tpu.memory_space<vmem>> -> memref<640xf32, #tpu.memory_space<vmem>>
      %dma_start3A_106 = tpu.memref_slice %arg5[%add3A_56] : memref<163840xf32, #tpu.memory_space<vmem_shared>> -> memref<640xf32, #tpu.memory_space<vmem_shared>>
      %dma_start3A_107 = arith.constant 3840 : i32
      %dma_start3A_108 = tpu.memref_slice %arg7[%dma_start3A_107] : memref<10240xf32, #tpu.memory_space<vmem>> -> memref<640xf32, #tpu.memory_space<vmem>>
      %dma_start3A_109 = tpu.memref_slice %arg5[%add3A_56] : memref<163840xf32, #tpu.memory_space<vmem_shared>> -> memref<640xf32, #tpu.memory_space<vmem_shared>>
      tpu.enqueue_dma source(%dma_start3A_109 : memref<640xf32, #tpu.memory_space<vmem_shared>>) target(%dma_start3A_108 : memref<640xf32, #tpu.memory_space<vmem>>) target_semaphore(%run_scoped3A : memref<!tpu.dma_semaphore, #tpu.memory_space<semaphore_mem>>)
      %dma_wait3A_110 = arith.constant 3840 : i32
      %dma_wait3A_111 = tpu.memref_slice %arg7[%dma_wait3A_110] : memref<10240xf32, #tpu.memory_space<vmem>> -> memref<640xf32, #tpu.memory_space<vmem>>
      %dma_wait3A_112 = tpu.memref_slice %arg5[%add3A_56] : memref<163840xf32, #tpu.memory_space<vmem_shared>> -> memref<640xf32, #tpu.memory_space<vmem_shared>>
      %dma_wait3A_113 = arith.constant 3840 : i32
      %dma_wait3A_114 = tpu.memref_slice %arg7[%dma_wait3A_113] : memref<10240xf32, #tpu.memory_space<vmem>> -> memref<640xf32, #tpu.memory_space<vmem>>
      %dma_wait3A_115 = tpu.memref_slice %arg5[%add3A_56] : memref<163840xf32, #tpu.memory_space<vmem_shared>> -> memref<640xf32, #tpu.memory_space<vmem_shared>>
      tpu.wait_dma2 semaphore(%run_scoped3A : memref<!tpu.dma_semaphore, #tpu.memory_space<semaphore_mem>>) src(%dma_wait3A_115 : memref<640xf32, #tpu.memory_space<vmem_shared>>) dst(%dma_wait3A_114 : memref<640xf32, #tpu.memory_space<vmem>>)
      tpu.yield
    }) : () -> ()
    %mul3A_57 = arith.constant 640 : i32
    %mul3A_58 = arith.muli %arg1, %mul3A_57 : i32
    %add3A_59 = arith.constant 71680 : i32
    %add3A_60 = arith.addi %add3A_59, %mul3A_58 : i32
    "tpu.region"() ({
      %run_scoped3A = tpu.sem_alloc : memref<!tpu.dma_semaphore, #tpu.memory_space<semaphore_mem>>
      %dma_start3A_104 = arith.constant 4480 : i32
      %dma_start3A_105 = tpu.memref_slice %arg7[%dma_start3A_104] : memref<10240xf32, #tpu.memory_space<vmem>> -> memref<640xf32, #tpu.memory_space<vmem>>
      %dma_start3A_106 = tpu.memref_slice %arg5[%add3A_60] : memref<163840xf32, #tpu.memory_space<vmem_shared>> -> memref<640xf32, #tpu.memory_space<vmem_shared>>
      %dma_start3A_107 = arith.constant 4480 : i32
      %dma_start3A_108 = tpu.memref_slice %arg7[%dma_start3A_107] : memref<10240xf32, #tpu.memory_space<vmem>> -> memref<640xf32, #tpu.memory_space<vmem>>
      %dma_start3A_109 = tpu.memref_slice %arg5[%add3A_60] : memref<163840xf32, #tpu.memory_space<vmem_shared>> -> memref<640xf32, #tpu.memory_space<vmem_shared>>
      tpu.enqueue_dma source(%dma_start3A_109 : memref<640xf32, #tpu.memory_space<vmem_shared>>) target(%dma_start3A_108 : memref<640xf32, #tpu.memory_space<vmem>>) target_semaphore(%run_scoped3A : memref<!tpu.dma_semaphore, #tpu.memory_space<semaphore_mem>>)
      %dma_wait3A_110 = arith.constant 4480 : i32
      %dma_wait3A_111 = tpu.memref_slice %arg7[%dma_wait3A_110] : memref<10240xf32, #tpu.memory_space<vmem>> -> memref<640xf32, #tpu.memory_space<vmem>>
      %dma_wait3A_112 = tpu.memref_slice %arg5[%add3A_60] : memref<163840xf32, #tpu.memory_space<vmem_shared>> -> memref<640xf32, #tpu.memory_space<vmem_shared>>
      %dma_wait3A_113 = arith.constant 4480 : i32
      %dma_wait3A_114 = tpu.memref_slice %arg7[%dma_wait3A_113] : memref<10240xf32, #tpu.memory_space<vmem>> -> memref<640xf32, #tpu.memory_space<vmem>>
      %dma_wait3A_115 = tpu.memref_slice %arg5[%add3A_60] : memref<163840xf32, #tpu.memory_space<vmem_shared>> -> memref<640xf32, #tpu.memory_space<vmem_shared>>
      tpu.wait_dma2 semaphore(%run_scoped3A : memref<!tpu.dma_semaphore, #tpu.memory_space<semaphore_mem>>) src(%dma_wait3A_115 : memref<640xf32, #tpu.memory_space<vmem_shared>>) dst(%dma_wait3A_114 : memref<640xf32, #tpu.memory_space<vmem>>)
      tpu.yield
    }) : () -> ()
    %mul3A_61 = arith.constant 640 : i32
    %mul3A_62 = arith.muli %arg1, %mul3A_61 : i32
    %add3A_63 = arith.constant 81920 : i32
    %add3A_64 = arith.addi %add3A_63, %mul3A_62 : i32
    "tpu.region"() ({
      %run_scoped3A = tpu.sem_alloc : memref<!tpu.dma_semaphore, #tpu.memory_space<semaphore_mem>>
      %dma_start3A_104 = arith.constant 5120 : i32
      %dma_start3A_105 = tpu.memref_slice %arg7[%dma_start3A_104] : memref<10240xf32, #tpu.memory_space<vmem>> -> memref<640xf32, #tpu.memory_space<vmem>>
      %dma_start3A_106 = tpu.memref_slice %arg5[%add3A_64] : memref<163840xf32, #tpu.memory_space<vmem_shared>> -> memref<640xf32, #tpu.memory_space<vmem_shared>>
      %dma_start3A_107 = arith.constant 5120 : i32
      %dma_start3A_108 = tpu.memref_slice %arg7[%dma_start3A_107] : memref<10240xf32, #tpu.memory_space<vmem>> -> memref<640xf32, #tpu.memory_space<vmem>>
      %dma_start3A_109 = tpu.memref_slice %arg5[%add3A_64] : memref<163840xf32, #tpu.memory_space<vmem_shared>> -> memref<640xf32, #tpu.memory_space<vmem_shared>>
      tpu.enqueue_dma source(%dma_start3A_109 : memref<640xf32, #tpu.memory_space<vmem_shared>>) target(%dma_start3A_108 : memref<640xf32, #tpu.memory_space<vmem>>) target_semaphore(%run_scoped3A : memref<!tpu.dma_semaphore, #tpu.memory_space<semaphore_mem>>)
      %dma_wait3A_110 = arith.constant 5120 : i32
      %dma_wait3A_111 = tpu.memref_slice %arg7[%dma_wait3A_110] : memref<10240xf32, #tpu.memory_space<vmem>> -> memref<640xf32, #tpu.memory_space<vmem>>
      %dma_wait3A_112 = tpu.memref_slice %arg5[%add3A_64] : memref<163840xf32, #tpu.memory_space<vmem_shared>> -> memref<640xf32, #tpu.memory_space<vmem_shared>>
      %dma_wait3A_113 = arith.constant 5120 : i32
      %dma_wait3A_114 = tpu.memref_slice %arg7[%dma_wait3A_113] : memref<10240xf32, #tpu.memory_space<vmem>> -> memref<640xf32, #tpu.memory_space<vmem>>
      %dma_wait3A_115 = tpu.memref_slice %arg5[%add3A_64] : memref<163840xf32, #tpu.memory_space<vmem_shared>> -> memref<640xf32, #tpu.memory_space<vmem_shared>>
      tpu.wait_dma2 semaphore(%run_scoped3A : memref<!tpu.dma_semaphore, #tpu.memory_space<semaphore_mem>>) src(%dma_wait3A_115 : memref<640xf32, #tpu.memory_space<vmem_shared>>) dst(%dma_wait3A_114 : memref<640xf32, #tpu.memory_space<vmem>>)
      tpu.yield
    }) : () -> ()
    %mul3A_65 = arith.constant 640 : i32
    %mul3A_66 = arith.muli %arg1, %mul3A_65 : i32
    %add3A_67 = arith.constant 92160 : i32
    %add3A_68 = arith.addi %add3A_67, %mul3A_66 : i32
    "tpu.region"() ({
      %run_scoped3A = tpu.sem_alloc : memref<!tpu.dma_semaphore, #tpu.memory_space<semaphore_mem>>
      %dma_start3A_104 = arith.constant 5760 : i32
      %dma_start3A_105 = tpu.memref_slice %arg7[%dma_start3A_104] : memref<10240xf32, #tpu.memory_space<vmem>> -> memref<640xf32, #tpu.memory_space<vmem>>
      %dma_start3A_106 = tpu.memref_slice %arg5[%add3A_68] : memref<163840xf32, #tpu.memory_space<vmem_shared>> -> memref<640xf32, #tpu.memory_space<vmem_shared>>
      %dma_start3A_107 = arith.constant 5760 : i32
      %dma_start3A_108 = tpu.memref_slice %arg7[%dma_start3A_107] : memref<10240xf32, #tpu.memory_space<vmem>> -> memref<640xf32, #tpu.memory_space<vmem>>
      %dma_start3A_109 = tpu.memref_slice %arg5[%add3A_68] : memref<163840xf32, #tpu.memory_space<vmem_shared>> -> memref<640xf32, #tpu.memory_space<vmem_shared>>
      tpu.enqueue_dma source(%dma_start3A_109 : memref<640xf32, #tpu.memory_space<vmem_shared>>) target(%dma_start3A_108 : memref<640xf32, #tpu.memory_space<vmem>>) target_semaphore(%run_scoped3A : memref<!tpu.dma_semaphore, #tpu.memory_space<semaphore_mem>>)
      %dma_wait3A_110 = arith.constant 5760 : i32
      %dma_wait3A_111 = tpu.memref_slice %arg7[%dma_wait3A_110] : memref<10240xf32, #tpu.memory_space<vmem>> -> memref<640xf32, #tpu.memory_space<vmem>>
      %dma_wait3A_112 = tpu.memref_slice %arg5[%add3A_68] : memref<163840xf32, #tpu.memory_space<vmem_shared>> -> memref<640xf32, #tpu.memory_space<vmem_shared>>
      %dma_wait3A_113 = arith.constant 5760 : i32
      %dma_wait3A_114 = tpu.memref_slice %arg7[%dma_wait3A_113] : memref<10240xf32, #tpu.memory_space<vmem>> -> memref<640xf32, #tpu.memory_space<vmem>>
      %dma_wait3A_115 = tpu.memref_slice %arg5[%add3A_68] : memref<163840xf32, #tpu.memory_space<vmem_shared>> -> memref<640xf32, #tpu.memory_space<vmem_shared>>
      tpu.wait_dma2 semaphore(%run_scoped3A : memref<!tpu.dma_semaphore, #tpu.memory_space<semaphore_mem>>) src(%dma_wait3A_115 : memref<640xf32, #tpu.memory_space<vmem_shared>>) dst(%dma_wait3A_114 : memref<640xf32, #tpu.memory_space<vmem>>)
      tpu.yield
    }) : () -> ()
    %mul3A_69 = arith.constant 640 : i32
    %mul3A_70 = arith.muli %arg1, %mul3A_69 : i32
    %add3A_71 = arith.constant 102400 : i32
    %add3A_72 = arith.addi %add3A_71, %mul3A_70 : i32
    "tpu.region"() ({
      %run_scoped3A = tpu.sem_alloc : memref<!tpu.dma_semaphore, #tpu.memory_space<semaphore_mem>>
      %dma_start3A_104 = arith.constant 6400 : i32
      %dma_start3A_105 = tpu.memref_slice %arg7[%dma_start3A_104] : memref<10240xf32, #tpu.memory_space<vmem>> -> memref<640xf32, #tpu.memory_space<vmem>>
      %dma_start3A_106 = tpu.memref_slice %arg5[%add3A_72] : memref<163840xf32, #tpu.memory_space<vmem_shared>> -> memref<640xf32, #tpu.memory_space<vmem_shared>>
      %dma_start3A_107 = arith.constant 6400 : i32
      %dma_start3A_108 = tpu.memref_slice %arg7[%dma_start3A_107] : memref<10240xf32, #tpu.memory_space<vmem>> -> memref<640xf32, #tpu.memory_space<vmem>>
      %dma_start3A_109 = tpu.memref_slice %arg5[%add3A_72] : memref<163840xf32, #tpu.memory_space<vmem_shared>> -> memref<640xf32, #tpu.memory_space<vmem_shared>>
      tpu.enqueue_dma source(%dma_start3A_109 : memref<640xf32, #tpu.memory_space<vmem_shared>>) target(%dma_start3A_108 : memref<640xf32, #tpu.memory_space<vmem>>) target_semaphore(%run_scoped3A : memref<!tpu.dma_semaphore, #tpu.memory_space<semaphore_mem>>)
      %dma_wait3A_110 = arith.constant 6400 : i32
      %dma_wait3A_111 = tpu.memref_slice %arg7[%dma_wait3A_110] : memref<10240xf32, #tpu.memory_space<vmem>> -> memref<640xf32, #tpu.memory_space<vmem>>
      %dma_wait3A_112 = tpu.memref_slice %arg5[%add3A_72] : memref<163840xf32, #tpu.memory_space<vmem_shared>> -> memref<640xf32, #tpu.memory_space<vmem_shared>>
      %dma_wait3A_113 = arith.constant 6400 : i32
      %dma_wait3A_114 = tpu.memref_slice %arg7[%dma_wait3A_113] : memref<10240xf32, #tpu.memory_space<vmem>> -> memref<640xf32, #tpu.memory_space<vmem>>
      %dma_wait3A_115 = tpu.memref_slice %arg5[%add3A_72] : memref<163840xf32, #tpu.memory_space<vmem_shared>> -> memref<640xf32, #tpu.memory_space<vmem_shared>>
      tpu.wait_dma2 semaphore(%run_scoped3A : memref<!tpu.dma_semaphore, #tpu.memory_space<semaphore_mem>>) src(%dma_wait3A_115 : memref<640xf32, #tpu.memory_space<vmem_shared>>) dst(%dma_wait3A_114 : memref<640xf32, #tpu.memory_space<vmem>>)
      tpu.yield
    }) : () -> ()
    %mul3A_73 = arith.constant 640 : i32
    %mul3A_74 = arith.muli %arg1, %mul3A_73 : i32
    %add3A_75 = arith.constant 112640 : i32
    %add3A_76 = arith.addi %add3A_75, %mul3A_74 : i32
    "tpu.region"() ({
      %run_scoped3A = tpu.sem_alloc : memref<!tpu.dma_semaphore, #tpu.memory_space<semaphore_mem>>
      %dma_start3A_104 = arith.constant 7040 : i32
      %dma_start3A_105 = tpu.memref_slice %arg7[%dma_start3A_104] : memref<10240xf32, #tpu.memory_space<vmem>> -> memref<640xf32, #tpu.memory_space<vmem>>
      %dma_start3A_106 = tpu.memref_slice %arg5[%add3A_76] : memref<163840xf32, #tpu.memory_space<vmem_shared>> -> memref<640xf32, #tpu.memory_space<vmem_shared>>
      %dma_start3A_107 = arith.constant 7040 : i32
      %dma_start3A_108 = tpu.memref_slice %arg7[%dma_start3A_107] : memref<10240xf32, #tpu.memory_space<vmem>> -> memref<640xf32, #tpu.memory_space<vmem>>
      %dma_start3A_109 = tpu.memref_slice %arg5[%add3A_76] : memref<163840xf32, #tpu.memory_space<vmem_shared>> -> memref<640xf32, #tpu.memory_space<vmem_shared>>
      tpu.enqueue_dma source(%dma_start3A_109 : memref<640xf32, #tpu.memory_space<vmem_shared>>) target(%dma_start3A_108 : memref<640xf32, #tpu.memory_space<vmem>>) target_semaphore(%run_scoped3A : memref<!tpu.dma_semaphore, #tpu.memory_space<semaphore_mem>>)
      %dma_wait3A_110 = arith.constant 7040 : i32
      %dma_wait3A_111 = tpu.memref_slice %arg7[%dma_wait3A_110] : memref<10240xf32, #tpu.memory_space<vmem>> -> memref<640xf32, #tpu.memory_space<vmem>>
      %dma_wait3A_112 = tpu.memref_slice %arg5[%add3A_76] : memref<163840xf32, #tpu.memory_space<vmem_shared>> -> memref<640xf32, #tpu.memory_space<vmem_shared>>
      %dma_wait3A_113 = arith.constant 7040 : i32
      %dma_wait3A_114 = tpu.memref_slice %arg7[%dma_wait3A_113] : memref<10240xf32, #tpu.memory_space<vmem>> -> memref<640xf32, #tpu.memory_space<vmem>>
      %dma_wait3A_115 = tpu.memref_slice %arg5[%add3A_76] : memref<163840xf32, #tpu.memory_space<vmem_shared>> -> memref<640xf32, #tpu.memory_space<vmem_shared>>
      tpu.wait_dma2 semaphore(%run_scoped3A : memref<!tpu.dma_semaphore, #tpu.memory_space<semaphore_mem>>) src(%dma_wait3A_115 : memref<640xf32, #tpu.memory_space<vmem_shared>>) dst(%dma_wait3A_114 : memref<640xf32, #tpu.memory_space<vmem>>)
      tpu.yield
    }) : () -> ()
    %mul3A_77 = arith.constant 640 : i32
    %mul3A_78 = arith.muli %arg1, %mul3A_77 : i32
    %add3A_79 = arith.constant 122880 : i32
    %add3A_80 = arith.addi %add3A_79, %mul3A_78 : i32
    "tpu.region"() ({
      %run_scoped3A = tpu.sem_alloc : memref<!tpu.dma_semaphore, #tpu.memory_space<semaphore_mem>>
      %dma_start3A_104 = arith.constant 7680 : i32
      %dma_start3A_105 = tpu.memref_slice %arg7[%dma_start3A_104] : memref<10240xf32, #tpu.memory_space<vmem>> -> memref<640xf32, #tpu.memory_space<vmem>>
      %dma_start3A_106 = tpu.memref_slice %arg5[%add3A_80] : memref<163840xf32, #tpu.memory_space<vmem_shared>> -> memref<640xf32, #tpu.memory_space<vmem_shared>>
      %dma_start3A_107 = arith.constant 7680 : i32
      %dma_start3A_108 = tpu.memref_slice %arg7[%dma_start3A_107] : memref<10240xf32, #tpu.memory_space<vmem>> -> memref<640xf32, #tpu.memory_space<vmem>>
      %dma_start3A_109 = tpu.memref_slice %arg5[%add3A_80] : memref<163840xf32, #tpu.memory_space<vmem_shared>> -> memref<640xf32, #tpu.memory_space<vmem_shared>>
      tpu.enqueue_dma source(%dma_start3A_109 : memref<640xf32, #tpu.memory_space<vmem_shared>>) target(%dma_start3A_108 : memref<640xf32, #tpu.memory_space<vmem>>) target_semaphore(%run_scoped3A : memref<!tpu.dma_semaphore, #tpu.memory_space<semaphore_mem>>)
      %dma_wait3A_110 = arith.constant 7680 : i32
      %dma_wait3A_111 = tpu.memref_slice %arg7[%dma_wait3A_110] : memref<10240xf32, #tpu.memory_space<vmem>> -> memref<640xf32, #tpu.memory_space<vmem>>
      %dma_wait3A_112 = tpu.memref_slice %arg5[%add3A_80] : memref<163840xf32, #tpu.memory_space<vmem_shared>> -> memref<640xf32, #tpu.memory_space<vmem_shared>>
      %dma_wait3A_113 = arith.constant 7680 : i32
      %dma_wait3A_114 = tpu.memref_slice %arg7[%dma_wait3A_113] : memref<10240xf32, #tpu.memory_space<vmem>> -> memref<640xf32, #tpu.memory_space<vmem>>
      %dma_wait3A_115 = tpu.memref_slice %arg5[%add3A_80] : memref<163840xf32, #tpu.memory_space<vmem_shared>> -> memref<640xf32, #tpu.memory_space<vmem_shared>>
      tpu.wait_dma2 semaphore(%run_scoped3A : memref<!tpu.dma_semaphore, #tpu.memory_space<semaphore_mem>>) src(%dma_wait3A_115 : memref<640xf32, #tpu.memory_space<vmem_shared>>) dst(%dma_wait3A_114 : memref<640xf32, #tpu.memory_space<vmem>>)
      tpu.yield
    }) : () -> ()
    %mul3A_81 = arith.constant 640 : i32
    %mul3A_82 = arith.muli %arg1, %mul3A_81 : i32
    %add3A_83 = arith.constant 133120 : i32
    %add3A_84 = arith.addi %add3A_83, %mul3A_82 : i32
    "tpu.region"() ({
      %run_scoped3A = tpu.sem_alloc : memref<!tpu.dma_semaphore, #tpu.memory_space<semaphore_mem>>
      %dma_start3A_104 = arith.constant 8320 : i32
      %dma_start3A_105 = tpu.memref_slice %arg7[%dma_start3A_104] : memref<10240xf32, #tpu.memory_space<vmem>> -> memref<640xf32, #tpu.memory_space<vmem>>
      %dma_start3A_106 = tpu.memref_slice %arg5[%add3A_84] : memref<163840xf32, #tpu.memory_space<vmem_shared>> -> memref<640xf32, #tpu.memory_space<vmem_shared>>
      %dma_start3A_107 = arith.constant 8320 : i32
      %dma_start3A_108 = tpu.memref_slice %arg7[%dma_start3A_107] : memref<10240xf32, #tpu.memory_space<vmem>> -> memref<640xf32, #tpu.memory_space<vmem>>
      %dma_start3A_109 = tpu.memref_slice %arg5[%add3A_84] : memref<163840xf32, #tpu.memory_space<vmem_shared>> -> memref<640xf32, #tpu.memory_space<vmem_shared>>
      tpu.enqueue_dma source(%dma_start3A_109 : memref<640xf32, #tpu.memory_space<vmem_shared>>) target(%dma_start3A_108 : memref<640xf32, #tpu.memory_space<vmem>>) target_semaphore(%run_scoped3A : memref<!tpu.dma_semaphore, #tpu.memory_space<semaphore_mem>>)
      %dma_wait3A_110 = arith.constant 8320 : i32
      %dma_wait3A_111 = tpu.memref_slice %arg7[%dma_wait3A_110] : memref<10240xf32, #tpu.memory_space<vmem>> -> memref<640xf32, #tpu.memory_space<vmem>>
      %dma_wait3A_112 = tpu.memref_slice %arg5[%add3A_84] : memref<163840xf32, #tpu.memory_space<vmem_shared>> -> memref<640xf32, #tpu.memory_space<vmem_shared>>
      %dma_wait3A_113 = arith.constant 8320 : i32
      %dma_wait3A_114 = tpu.memref_slice %arg7[%dma_wait3A_113] : memref<10240xf32, #tpu.memory_space<vmem>> -> memref<640xf32, #tpu.memory_space<vmem>>
      %dma_wait3A_115 = tpu.memref_slice %arg5[%add3A_84] : memref<163840xf32, #tpu.memory_space<vmem_shared>> -> memref<640xf32, #tpu.memory_space<vmem_shared>>
      tpu.wait_dma2 semaphore(%run_scoped3A : memref<!tpu.dma_semaphore, #tpu.memory_space<semaphore_mem>>) src(%dma_wait3A_115 : memref<640xf32, #tpu.memory_space<vmem_shared>>) dst(%dma_wait3A_114 : memref<640xf32, #tpu.memory_space<vmem>>)
      tpu.yield
    }) : () -> ()
    %mul3A_85 = arith.constant 640 : i32
    %mul3A_86 = arith.muli %arg1, %mul3A_85 : i32
    %add3A_87 = arith.constant 143360 : i32
    %add3A_88 = arith.addi %add3A_87, %mul3A_86 : i32
    "tpu.region"() ({
      %run_scoped3A = tpu.sem_alloc : memref<!tpu.dma_semaphore, #tpu.memory_space<semaphore_mem>>
      %dma_start3A_104 = arith.constant 8960 : i32
      %dma_start3A_105 = tpu.memref_slice %arg7[%dma_start3A_104] : memref<10240xf32, #tpu.memory_space<vmem>> -> memref<640xf32, #tpu.memory_space<vmem>>
      %dma_start3A_106 = tpu.memref_slice %arg5[%add3A_88] : memref<163840xf32, #tpu.memory_space<vmem_shared>> -> memref<640xf32, #tpu.memory_space<vmem_shared>>
      %dma_start3A_107 = arith.constant 8960 : i32
      %dma_start3A_108 = tpu.memref_slice %arg7[%dma_start3A_107] : memref<10240xf32, #tpu.memory_space<vmem>> -> memref<640xf32, #tpu.memory_space<vmem>>
      %dma_start3A_109 = tpu.memref_slice %arg5[%add3A_88] : memref<163840xf32, #tpu.memory_space<vmem_shared>> -> memref<640xf32, #tpu.memory_space<vmem_shared>>
      tpu.enqueue_dma source(%dma_start3A_109 : memref<640xf32, #tpu.memory_space<vmem_shared>>) target(%dma_start3A_108 : memref<640xf32, #tpu.memory_space<vmem>>) target_semaphore(%run_scoped3A : memref<!tpu.dma_semaphore, #tpu.memory_space<semaphore_mem>>)
      %dma_wait3A_110 = arith.constant 8960 : i32
      %dma_wait3A_111 = tpu.memref_slice %arg7[%dma_wait3A_110] : memref<10240xf32, #tpu.memory_space<vmem>> -> memref<640xf32, #tpu.memory_space<vmem>>
      %dma_wait3A_112 = tpu.memref_slice %arg5[%add3A_88] : memref<163840xf32, #tpu.memory_space<vmem_shared>> -> memref<640xf32, #tpu.memory_space<vmem_shared>>
      %dma_wait3A_113 = arith.constant 8960 : i32
      %dma_wait3A_114 = tpu.memref_slice %arg7[%dma_wait3A_113] : memref<10240xf32, #tpu.memory_space<vmem>> -> memref<640xf32, #tpu.memory_space<vmem>>
      %dma_wait3A_115 = tpu.memref_slice %arg5[%add3A_88] : memref<163840xf32, #tpu.memory_space<vmem_shared>> -> memref<640xf32, #tpu.memory_space<vmem_shared>>
      tpu.wait_dma2 semaphore(%run_scoped3A : memref<!tpu.dma_semaphore, #tpu.memory_space<semaphore_mem>>) src(%dma_wait3A_115 : memref<640xf32, #tpu.memory_space<vmem_shared>>) dst(%dma_wait3A_114 : memref<640xf32, #tpu.memory_space<vmem>>)
      tpu.yield
    }) : () -> ()
    %mul3A_89 = arith.constant 640 : i32
    %mul3A_90 = arith.muli %arg1, %mul3A_89 : i32
    %add3A_91 = arith.constant 153600 : i32
    %add3A_92 = arith.addi %add3A_91, %mul3A_90 : i32
    "tpu.region"() ({
      %run_scoped3A = tpu.sem_alloc : memref<!tpu.dma_semaphore, #tpu.memory_space<semaphore_mem>>
      %dma_start3A_104 = arith.constant 9600 : i32
      %dma_start3A_105 = tpu.memref_slice %arg7[%dma_start3A_104] : memref<10240xf32, #tpu.memory_space<vmem>> -> memref<640xf32, #tpu.memory_space<vmem>>
      %dma_start3A_106 = tpu.memref_slice %arg5[%add3A_92] : memref<163840xf32, #tpu.memory_space<vmem_shared>> -> memref<640xf32, #tpu.memory_space<vmem_shared>>
      %dma_start3A_107 = arith.constant 9600 : i32
      %dma_start3A_108 = tpu.memref_slice %arg7[%dma_start3A_107] : memref<10240xf32, #tpu.memory_space<vmem>> -> memref<640xf32, #tpu.memory_space<vmem>>
      %dma_start3A_109 = tpu.memref_slice %arg5[%add3A_92] : memref<163840xf32, #tpu.memory_space<vmem_shared>> -> memref<640xf32, #tpu.memory_space<vmem_shared>>
      tpu.enqueue_dma source(%dma_start3A_109 : memref<640xf32, #tpu.memory_space<vmem_shared>>) target(%dma_start3A_108 : memref<640xf32, #tpu.memory_space<vmem>>) target_semaphore(%run_scoped3A : memref<!tpu.dma_semaphore, #tpu.memory_space<semaphore_mem>>)
      %dma_wait3A_110 = arith.constant 9600 : i32
      %dma_wait3A_111 = tpu.memref_slice %arg7[%dma_wait3A_110] : memref<10240xf32, #tpu.memory_space<vmem>> -> memref<640xf32, #tpu.memory_space<vmem>>
      %dma_wait3A_112 = tpu.memref_slice %arg5[%add3A_92] : memref<163840xf32, #tpu.memory_space<vmem_shared>> -> memref<640xf32, #tpu.memory_space<vmem_shared>>
      %dma_wait3A_113 = arith.constant 9600 : i32
      %dma_wait3A_114 = tpu.memref_slice %arg7[%dma_wait3A_113] : memref<10240xf32, #tpu.memory_space<vmem>> -> memref<640xf32, #tpu.memory_space<vmem>>
      %dma_wait3A_115 = tpu.memref_slice %arg5[%add3A_92] : memref<163840xf32, #tpu.memory_space<vmem_shared>> -> memref<640xf32, #tpu.memory_space<vmem_shared>>
      tpu.wait_dma2 semaphore(%run_scoped3A : memref<!tpu.dma_semaphore, #tpu.memory_space<semaphore_mem>>) src(%dma_wait3A_115 : memref<640xf32, #tpu.memory_space<vmem_shared>>) dst(%dma_wait3A_114 : memref<640xf32, #tpu.memory_space<vmem>>)
      tpu.yield
    }) : () -> ()
    %scan3A_93 = arith.constant 0 : i32
    %scan3A_94 = arith.constant 0 : i32
    %scan3A_95 = arith.constant 40 : i32
    %scan3A_96 = arith.addi %scan3A_94, %scan3A_95 : i32
    %scan3A_97 = arith.constant 1 : i32
    scf.for %scan3A_104 = %scan3A_94 to %scan3A_96 step %scan3A_97  : i32 {
      %mul3A_105 = arith.constant 16 : i32
      %mul3A_106 = arith.muli %scan3A_104, %mul3A_105 : i32
      %get3A = arith.index_cast %mul3A_106 : i32 to index
      %get3A_107 = tpu.vector_load %arg7[%get3A] {strides = array<i32>} : memref<10240xf32, #tpu.memory_space<vmem>>, vector<16xf32>,
      %mul3A_108 = arith.constant 16 : i32
      %mul3A_109 = arith.muli %scan3A_104, %mul3A_108 : i32
      %add3A_110 = arith.constant 640 : i32
      %add3A_111 = arith.addi %add3A_110, %mul3A_109 : i32
      %get3A_112 = arith.index_cast %add3A_111 : i32 to index
      %get3A_113 = tpu.vector_load %arg7[%get3A_112] {strides = array<i32>} : memref<10240xf32, #tpu.memory_space<vmem>>, vector<16xf32>,
      %add3A_114 = arith.addf %get3A_107, %get3A_113 : vector<16xf32>
      %mul3A_115 = arith.constant 16 : i32
      %mul3A_116 = arith.muli %scan3A_104, %mul3A_115 : i32
      %add3A_117 = arith.constant 1280 : i32
      %add3A_118 = arith.addi %add3A_117, %mul3A_116 : i32
      %get3A_119 = arith.index_cast %add3A_118 : i32 to index
      %get3A_120 = tpu.vector_load %arg7[%get3A_119] {strides = array<i32>} : memref<10240xf32, #tpu.memory_space<vmem>>, vector<16xf32>,
      %add3A_121 = arith.addf %add3A_114, %get3A_120 : vector<16xf32>
      %mul3A_122 = arith.constant 16 : i32
      %mul3A_123 = arith.muli %scan3A_104, %mul3A_122 : i32
      %add3A_124 = arith.constant 1920 : i32
      %add3A_125 = arith.addi %add3A_124, %mul3A_123 : i32
      %get3A_126 = arith.index_cast %add3A_125 : i32 to index
      %get3A_127 = tpu.vector_load %arg7[%get3A_126] {strides = array<i32>} : memref<10240xf32, #tpu.memory_space<vmem>>, vector<16xf32>,
      %add3A_128 = arith.addf %add3A_121, %get3A_127 : vector<16xf32>
      %mul3A_129 = arith.constant 16 : i32
      %mul3A_130 = arith.muli %scan3A_104, %mul3A_129 : i32
      %add3A_131 = arith.constant 2560 : i32
      %add3A_132 = arith.addi %add3A_131, %mul3A_130 : i32
      %get3A_133 = arith.index_cast %add3A_132 : i32 to index
      %get3A_134 = tpu.vector_load %arg7[%get3A_133] {strides = array<i32>} : memref<10240xf32, #tpu.memory_space<vmem>>, vector<16xf32>,
      %add3A_135 = arith.addf %add3A_128, %get3A_134 : vector<16xf32>
      %mul3A_136 = arith.constant 16 : i32
      %mul3A_137 = arith.muli %scan3A_104, %mul3A_136 : i32
      %add3A_138 = arith.constant 3200 : i32
      %add3A_139 = arith.addi %add3A_138, %mul3A_137 : i32
      %get3A_140 = arith.index_cast %add3A_139 : i32 to index
      %get3A_141 = tpu.vector_load %arg7[%get3A_140] {strides = array<i32>} : memref<10240xf32, #tpu.memory_space<vmem>>, vector<16xf32>,
      %add3A_142 = arith.addf %add3A_135, %get3A_141 : vector<16xf32>
      %mul3A_143 = arith.constant 16 : i32
      %mul3A_144 = arith.muli %scan3A_104, %mul3A_143 : i32
      %add3A_145 = arith.constant 3840 : i32
      %add3A_146 = arith.addi %add3A_145, %mul3A_144 : i32
      %get3A_147 = arith.index_cast %add3A_146 : i32 to index
      %get3A_148 = tpu.vector_load %arg7[%get3A_147] {strides = array<i32>} : memref<10240xf32, #tpu.memory_space<vmem>>, vector<16xf32>,
      %add3A_149 = arith.addf %add3A_142, %get3A_148 : vector<16xf32>
      %mul3A_150 = arith.constant 16 : i32
      %mul3A_151 = arith.muli %scan3A_104, %mul3A_150 : i32
      %add3A_152 = arith.constant 4480 : i32
      %add3A_153 = arith.addi %add3A_152, %mul3A_151 : i32
      %get3A_154 = arith.index_cast %add3A_153 : i32 to index
      %get3A_155 = tpu.vector_load %arg7[%get3A_154] {strides = array<i32>} : memref<10240xf32, #tpu.memory_space<vmem>>, vector<16xf32>,
      %add3A_156 = arith.addf %add3A_149, %get3A_155 : vector<16xf32>
      %mul3A_157 = arith.constant 16 : i32
      %mul3A_158 = arith.muli %scan3A_104, %mul3A_157 : i32
      %add3A_159 = arith.constant 5120 : i32
      %add3A_160 = arith.addi %add3A_159, %mul3A_158 : i32
      %get3A_161 = arith.index_cast %add3A_160 : i32 to index
      %get3A_162 = tpu.vector_load %arg7[%get3A_161] {strides = array<i32>} : memref<10240xf32, #tpu.memory_space<vmem>>, vector<16xf32>,
      %add3A_163 = arith.addf %add3A_156, %get3A_162 : vector<16xf32>
      %mul3A_164 = arith.constant 16 : i32
      %mul3A_165 = arith.muli %scan3A_104, %mul3A_164 : i32
      %add3A_166 = arith.constant 5760 : i32
      %add3A_167 = arith.addi %add3A_166, %mul3A_165 : i32
      %get3A_168 = arith.index_cast %add3A_167 : i32 to index
      %get3A_169 = tpu.vector_load %arg7[%get3A_168] {strides = array<i32>} : memref<10240xf32, #tpu.memory_space<vmem>>, vector<16xf32>,
      %add3A_170 = arith.addf %add3A_163, %get3A_169 : vector<16xf32>
      %mul3A_171 = arith.constant 16 : i32
      %mul3A_172 = arith.muli %scan3A_104, %mul3A_171 : i32
      %add3A_173 = arith.constant 6400 : i32
      %add3A_174 = arith.addi %add3A_173, %mul3A_172 : i32
      %get3A_175 = arith.index_cast %add3A_174 : i32 to index
      %get3A_176 = tpu.vector_load %arg7[%get3A_175] {strides = array<i32>} : memref<10240xf32, #tpu.memory_space<vmem>>, vector<16xf32>,
      %add3A_177 = arith.addf %add3A_170, %get3A_176 : vector<16xf32>
      %mul3A_178 = arith.constant 16 : i32
      %mul3A_179 = arith.muli %scan3A_104, %mul3A_178 : i32
      %add3A_180 = arith.constant 7040 : i32
      %add3A_181 = arith.addi %add3A_180, %mul3A_179 : i32
      %get3A_182 = arith.index_cast %add3A_181 : i32 to index
      %get3A_183 = tpu.vector_load %arg7[%get3A_182] {strides = array<i32>} : memref<10240xf32, #tpu.memory_space<vmem>>, vector<16xf32>,
      %add3A_184 = arith.addf %add3A_177, %get3A_183 : vector<16xf32>
      %mul3A_185 = arith.constant 16 : i32
      %mul3A_186 = arith.muli %scan3A_104, %mul3A_185 : i32
      %add3A_187 = arith.constant 7680 : i32
      %add3A_188 = arith.addi %add3A_187, %mul3A_186 : i32
      %get3A_189 = arith.index_cast %add3A_188 : i32 to index
      %get3A_190 = tpu.vector_load %arg7[%get3A_189] {strides = array<i32>} : memref<10240xf32, #tpu.memory_space<vmem>>, vector<16xf32>,
      %add3A_191 = arith.addf %add3A_184, %get3A_190 : vector<16xf32>
      %mul3A_192 = arith.constant 16 : i32
      %mul3A_193 = arith.muli %scan3A_104, %mul3A_192 : i32
      %add3A_194 = arith.constant 8320 : i32
      %add3A_195 = arith.addi %add3A_194, %mul3A_193 : i32
      %get3A_196 = arith.index_cast %add3A_195 : i32 to index
      %get3A_197 = tpu.vector_load %arg7[%get3A_196] {strides = array<i32>} : memref<10240xf32, #tpu.memory_space<vmem>>, vector<16xf32>,
      %add3A_198 = arith.addf %add3A_191, %get3A_197 : vector<16xf32>
      %mul3A_199 = arith.constant 16 : i32
      %mul3A_200 = arith.muli %scan3A_104, %mul3A_199 : i32
      %add3A_201 = arith.constant 8960 : i32
      %add3A_202 = arith.addi %add3A_201, %mul3A_200 : i32
      %get3A_203 = arith.index_cast %add3A_202 : i32 to index
      %get3A_204 = tpu.vector_load %arg7[%get3A_203] {strides = array<i32>} : memref<10240xf32, #tpu.memory_space<vmem>>, vector<16xf32>,
      %add3A_205 = arith.addf %add3A_198, %get3A_204 : vector<16xf32>
      %mul3A_206 = arith.constant 16 : i32
      %mul3A_207 = arith.muli %scan3A_104, %mul3A_206 : i32
      %add3A_208 = arith.constant 9600 : i32
      %add3A_209 = arith.addi %add3A_208, %mul3A_207 : i32
      %get3A_210 = arith.index_cast %add3A_209 : i32 to index
      %get3A_211 = tpu.vector_load %arg7[%get3A_210] {strides = array<i32>} : memref<10240xf32, #tpu.memory_space<vmem>>, vector<16xf32>,
      %add3A_212 = arith.addf %add3A_205, %get3A_211 : vector<16xf32>
      %mul3A_213 = arith.constant 16 : i32
      %mul3A_214 = arith.muli %scan3A_104, %mul3A_213 : i32
      %swap3A = arith.index_cast %mul3A_214 : i32 to index
      %swap3A_215 = tpu.vector_load %arg8[%swap3A] {strides = array<i32>} : memref<640xf32, #tpu.memory_space<vmem>>, vector<16xf32>,
      tpu.vector_store %arg8[%swap3A], %add3A_212 {strides = array<i32>} : memref<640xf32, #tpu.memory_space<vmem>>, vector<16xf32>,
    }
    %scan3A_98 = arith.constant 40 : i32
    %mul3A_99 = arith.constant 10240 : i32
    %mul3A_100 = arith.muli %arg0, %mul3A_99 : i32
    %mul3A_101 = arith.constant 640 : i32
    %mul3A_102 = arith.muli %arg1, %mul3A_101 : i32
    %add3A_103 = arith.addi %mul3A_100, %mul3A_102 : i32
    "tpu.region"() ({
      %run_scoped3A = tpu.sem_alloc : memref<!tpu.dma_semaphore, #tpu.memory_space<semaphore_mem>>
      %dma_start3A_104 = tpu.memref_slice %arg4[%add3A_103] : memref<20480xf32, #tpu.memory_space<hbm>> -> memref<640xf32, #tpu.memory_space<hbm>>
      %dma_start3A_105 = tpu.memref_slice %arg4[%add3A_103] : memref<20480xf32, #tpu.memory_space<hbm>> -> memref<640xf32, #tpu.memory_space<hbm>>
      tpu.enqueue_dma source(%arg8 : memref<640xf32, #tpu.memory_space<vmem>>) target(%dma_start3A_105 : memref<640xf32, #tpu.memory_space<hbm>>) target_semaphore(%run_scoped3A : memref<!tpu.dma_semaphore, #tpu.memory_space<semaphore_mem>>)
      %dma_wait3A_106 = tpu.memref_slice %arg4[%add3A_103] : memref<20480xf32, #tpu.memory_space<hbm>> -> memref<640xf32, #tpu.memory_space<hbm>>
      %dma_wait3A_107 = tpu.memref_slice %arg4[%add3A_103] : memref<20480xf32, #tpu.memory_space<hbm>> -> memref<640xf32, #tpu.memory_space<hbm>>
      tpu.wait_dma2 semaphore(%run_scoped3A : memref<!tpu.dma_semaphore, #tpu.memory_space<semaphore_mem>>) src(%arg8 : memref<640xf32, #tpu.memory_space<vmem>>) dst(%dma_wait3A_107 : memref<640xf32, #tpu.memory_space<hbm>>)
      tpu.yield
    }) : () -> ()
    return
  }
}

#map = affine_map<(d0, d1) -> (0, 0)>
#map1 = affine_map<(d0, d1) -> (0)>
module attributes {stable_mosaic.version = 14 : i64} {
  func.func @agg_kernel(%arg0: i32, %arg1: i32, %arg2: memref<10240x128xf32, #tpu.memory_space<hbm>>, %arg3: memref<327680xi32, #tpu.memory_space<hbm>>, %arg4: memref<327680xi32, #tpu.memory_space<hbm>>, %arg5: memref<640x128xf32, #tpu.memory_space<hbm>>, %arg6: memref<20480x128xf32, #tpu.memory_space<hbm>>, %arg7: memref<10240x128xf32, #tpu.memory_space<vmem_shared>>, %arg8: memref<128xi32, #tpu.memory_space<vmem>>, %arg9: memref<128xi32, #tpu.memory_space<vmem>>, %arg10: memref<128xi32, #tpu.memory_space<vmem>>, %arg11: memref<128xi32, #tpu.memory_space<vmem>>, %arg12: memref<128xi32, #tpu.memory_space<vmem>>, %arg13: memref<128xi32, #tpu.memory_space<vmem>>, %arg14: memref<128xi32, #tpu.memory_space<vmem>>, %arg15: memref<128xi32, #tpu.memory_space<vmem>>, %arg16: memref<128x128xf32, #tpu.memory_space<vmem>>, %arg17: memref<128x128xf32, #tpu.memory_space<vmem>>, %arg18: memref<!tpu.dma_semaphore, #tpu.memory_space<semaphore_mem>>, %arg19: memref<!tpu.dma_semaphore, #tpu.memory_space<semaphore_mem>>, %arg20: memref<!tpu.dma_semaphore, #tpu.memory_space<semaphore_mem>>, %arg21: memref<!tpu.dma_semaphore, #tpu.memory_space<semaphore_mem>>, %arg22: memref<!tpu.dma_semaphore, #tpu.memory_space<semaphore_mem>>, %arg23: memref<!tpu.dma_semaphore, #tpu.memory_space<semaphore_mem>>, %arg24: memref<!tpu.dma_semaphore, #tpu.memory_space<semaphore_mem>>, %arg25: memref<!tpu.dma_semaphore, #tpu.memory_space<semaphore_mem>>) attributes {dimension_semantics = [#tpu.dimension_semantics<core_parallel>, #tpu.dimension_semantics<subcore_parallel>], iteration_bounds = array<i64: 2, 16>, scalar_prefetch = 0 : i64, scratch_operands = 19 : i64, tpu.core_type = #tpu.core_type<sc_vector_subcore>, window_params = [{transform_indices = #map}, {transform_indices = #map1}, {transform_indices = #map1}, {transform_indices = #map}, {transform_indices = #map}]} {
    %mul3A = arith.constant 640 : i32
    %mul3A_0 = arith.muli %arg1, %mul3A : i32
    "tpu.region"() ({
      %run_scoped3A = tpu.sem_alloc : memref<!tpu.dma_semaphore, #tpu.memory_space<semaphore_mem>>
      %dma_start3A = arith.constant 0 : i32
      %dma_start3A_21 = tpu.memref_slice %arg7[%mul3A_0, %dma_start3A] : memref<10240x128xf32, #tpu.memory_space<vmem_shared>> -> memref<640x128xf32, #tpu.memory_space<vmem_shared>>
      tpu.enqueue_dma source(%arg5 : memref<640x128xf32, #tpu.memory_space<hbm>>) target(%dma_start3A_21 : memref<640x128xf32, #tpu.memory_space<vmem_shared>>) target_semaphore(%run_scoped3A : memref<!tpu.dma_semaphore, #tpu.memory_space<semaphore_mem>>)
      %dma_wait3A = arith.constant 0 : i32
      %dma_wait3A_22 = tpu.memref_slice %arg7[%mul3A_0, %dma_wait3A] : memref<10240x128xf32, #tpu.memory_space<vmem_shared>> -> memref<640x128xf32, #tpu.memory_space<vmem_shared>>
      tpu.wait_dma2 semaphore(%run_scoped3A : memref<!tpu.dma_semaphore, #tpu.memory_space<semaphore_mem>>) src(%arg5 : memref<640x128xf32, #tpu.memory_space<hbm>>) dst(%dma_wait3A_22 : memref<640x128xf32, #tpu.memory_space<vmem_shared>>)
      tpu.yield
    }) : () -> ()
    %barrier3A = arith.constant 0 : index
    tpu.barrier barrier_id(%barrier3A)
    %eq3A = arith.constant 0 : i32
    %eq3A_1 = arith.cmpi eq, %arg0, %eq3A : i32
    %jit3A = arith.constant 152 : i32
    %jit3A_2 = arith.constant 8 : i32
    %select_n3A = arith.select %eq3A_1, %jit3A, %jit3A_2 : i32
    %mul3A_3 = arith.constant 16 : i32
    %mul3A_4 = arith.muli %arg0, %mul3A_3 : i32
    %mul3A_5 = arith.constant 152 : i32
    %mul3A_6 = arith.muli %mul3A_4, %mul3A_5 : i32
    %mul3A_7 = arith.muli %arg1, %select_n3A : i32
    %add3A = arith.addi %mul3A_6, %mul3A_7 : i32
    %mul3A_8 = arith.constant 128 : i32
    %mul3A_9 = arith.muli %add3A, %mul3A_8 : i32
    %sub3A = arith.constant 1 : i32
    %sub3A_10 = arith.subi %select_n3A, %sub3A : i32
    %gt3A = arith.constant 0 : i32
    %gt3A_11 = arith.cmpi sgt, %select_n3A, %gt3A : i32
    %convert_element_type3A = arith.extui %gt3A_11 : i1 to i32
    %cond3A = arith.constant 0 : i32
    %cond3A_12 = arith.cmpi ne, %convert_element_type3A, %cond3A : i32
    scf.if %cond3A_12 {
      %mul3A_21 = arith.constant 0 : i32
      %mul3A_22 = arith.constant 128 : i32
      %mul3A_23 = arith.muli %mul3A_21, %mul3A_22 : i32
      %add3A_24 = arith.addi %mul3A_9, %mul3A_23 : i32
      %dma_start3A = tpu.memref_slice %arg3[%add3A_24] : memref<327680xi32, #tpu.memory_space<hbm>> -> memref<128xi32, #tpu.memory_space<hbm>>
      %dma_start3A_25 = tpu.memref_slice %arg3[%add3A_24] : memref<327680xi32, #tpu.memory_space<hbm>> -> memref<128xi32, #tpu.memory_space<hbm>>
      tpu.enqueue_dma source(%dma_start3A_25 : memref<128xi32, #tpu.memory_space<hbm>>) target(%arg8 : memref<128xi32, #tpu.memory_space<vmem>>) target_semaphore(%arg18 : memref<!tpu.dma_semaphore, #tpu.memory_space<semaphore_mem>>)
      %dma_start3A_26 = tpu.memref_slice %arg4[%add3A_24] : memref<327680xi32, #tpu.memory_space<hbm>> -> memref<128xi32, #tpu.memory_space<hbm>>
      %dma_start3A_27 = tpu.memref_slice %arg4[%add3A_24] : memref<327680xi32, #tpu.memory_space<hbm>> -> memref<128xi32, #tpu.memory_space<hbm>>
      tpu.enqueue_dma source(%dma_start3A_27 : memref<128xi32, #tpu.memory_space<hbm>>) target(%arg12 : memref<128xi32, #tpu.memory_space<vmem>>) target_semaphore(%arg18 : memref<!tpu.dma_semaphore, #tpu.memory_space<semaphore_mem>>)
      %mul3A_28 = arith.constant 1 : i32
      %mul3A_29 = arith.constant 128 : i32
      %mul3A_30 = arith.muli %mul3A_28, %mul3A_29 : i32
      %add3A_31 = arith.addi %mul3A_9, %mul3A_30 : i32
      %dma_start3A_32 = tpu.memref_slice %arg3[%add3A_31] : memref<327680xi32, #tpu.memory_space<hbm>> -> memref<128xi32, #tpu.memory_space<hbm>>
      %dma_start3A_33 = tpu.memref_slice %arg3[%add3A_31] : memref<327680xi32, #tpu.memory_space<hbm>> -> memref<128xi32, #tpu.memory_space<hbm>>
      tpu.enqueue_dma source(%dma_start3A_33 : memref<128xi32, #tpu.memory_space<hbm>>) target(%arg9 : memref<128xi32, #tpu.memory_space<vmem>>) target_semaphore(%arg19 : memref<!tpu.dma_semaphore, #tpu.memory_space<semaphore_mem>>)
      %dma_start3A_34 = tpu.memref_slice %arg4[%add3A_31] : memref<327680xi32, #tpu.memory_space<hbm>> -> memref<128xi32, #tpu.memory_space<hbm>>
      %dma_start3A_35 = tpu.memref_slice %arg4[%add3A_31] : memref<327680xi32, #tpu.memory_space<hbm>> -> memref<128xi32, #tpu.memory_space<hbm>>
      tpu.enqueue_dma source(%dma_start3A_35 : memref<128xi32, #tpu.memory_space<hbm>>) target(%arg13 : memref<128xi32, #tpu.memory_space<vmem>>) target_semaphore(%arg19 : memref<!tpu.dma_semaphore, #tpu.memory_space<semaphore_mem>>)
      %add3A_36 = arith.constant 0 : i32
      %add3A_37 = arith.constant 2 : i32
      %add3A_38 = arith.addi %add3A_36, %add3A_37 : i32
      %min3A = arith.minsi %add3A_38, %sub3A_10 : i32
      %mul3A_39 = arith.constant 128 : i32
      %mul3A_40 = arith.muli %min3A, %mul3A_39 : i32
      %add3A_41 = arith.addi %mul3A_9, %mul3A_40 : i32
      %dma_start3A_42 = tpu.memref_slice %arg3[%add3A_41] : memref<327680xi32, #tpu.memory_space<hbm>> -> memref<128xi32, #tpu.memory_space<hbm>>
      %dma_start3A_43 = tpu.memref_slice %arg3[%add3A_41] : memref<327680xi32, #tpu.memory_space<hbm>> -> memref<128xi32, #tpu.memory_space<hbm>>
      tpu.enqueue_dma source(%dma_start3A_43 : memref<128xi32, #tpu.memory_space<hbm>>) target(%arg10 : memref<128xi32, #tpu.memory_space<vmem>>) target_semaphore(%arg20 : memref<!tpu.dma_semaphore, #tpu.memory_space<semaphore_mem>>)
      %dma_start3A_44 = tpu.memref_slice %arg4[%add3A_41] : memref<327680xi32, #tpu.memory_space<hbm>> -> memref<128xi32, #tpu.memory_space<hbm>>
      %dma_start3A_45 = tpu.memref_slice %arg4[%add3A_41] : memref<327680xi32, #tpu.memory_space<hbm>> -> memref<128xi32, #tpu.memory_space<hbm>>
      tpu.enqueue_dma source(%dma_start3A_45 : memref<128xi32, #tpu.memory_space<hbm>>) target(%arg14 : memref<128xi32, #tpu.memory_space<vmem>>) target_semaphore(%arg20 : memref<!tpu.dma_semaphore, #tpu.memory_space<semaphore_mem>>)
      %dma_wait3A = arith.constant 0 : i32
      %dma_wait3A_46 = tpu.memref_slice %arg3[%dma_wait3A] : memref<327680xi32, #tpu.memory_space<hbm>> -> memref<128xi32, #tpu.memory_space<hbm>>
      %dma_wait3A_47 = arith.constant 0 : i32
      %dma_wait3A_48 = tpu.memref_slice %arg3[%dma_wait3A_47] : memref<327680xi32, #tpu.memory_space<hbm>> -> memref<128xi32, #tpu.memory_space<hbm>>
      tpu.wait_dma2 semaphore(%arg18 : memref<!tpu.dma_semaphore, #tpu.memory_space<semaphore_mem>>) src(%dma_wait3A_48 : memref<128xi32, #tpu.memory_space<hbm>>) dst(%arg8 : memref<128xi32, #tpu.memory_space<vmem>>)
      %dma_wait3A_49 = arith.constant 0 : i32
      %dma_wait3A_50 = tpu.memref_slice %arg4[%dma_wait3A_49] : memref<327680xi32, #tpu.memory_space<hbm>> -> memref<128xi32, #tpu.memory_space<hbm>>
      %dma_wait3A_51 = arith.constant 0 : i32
      %dma_wait3A_52 = tpu.memref_slice %arg4[%dma_wait3A_51] : memref<327680xi32, #tpu.memory_space<hbm>> -> memref<128xi32, #tpu.memory_space<hbm>>
      tpu.wait_dma2 semaphore(%arg18 : memref<!tpu.dma_semaphore, #tpu.memory_space<semaphore_mem>>) src(%dma_wait3A_52 : memref<128xi32, #tpu.memory_space<hbm>>) dst(%arg12 : memref<128xi32, #tpu.memory_space<vmem>>)
      %dma_start3A_53 = arith.constant 0 : i32
      %dma_start3A_54 = arith.constant 0 : i32
      %dma_start3A_55 = tpu.memref_slice %arg2[%dma_start3A_53, %dma_start3A_54] : memref<10240x128xf32, #tpu.memory_space<hbm>> -> memref<10240x128xf32, #tpu.memory_space<hbm>>
      tpu.enqueue_indirect_dma source(%dma_start3A_55 : memref<10240x128xf32, #tpu.memory_space<hbm>>) target(%arg16 : memref<128x128xf32, #tpu.memory_space<vmem>>) offsets(%arg8 : memref<128xi32, #tpu.memory_space<vmem>>) semaphore(%arg22 : memref<!tpu.dma_semaphore, #tpu.memory_space<semaphore_mem>>)
      %dma_wait3A_56 = arith.constant 0 : i32
      %dma_wait3A_57 = arith.constant 0 : i32
      %dma_wait3A_58 = tpu.memref_slice %arg2[%dma_wait3A_56, %dma_wait3A_57] : memref<10240x128xf32, #tpu.memory_space<hbm>> -> memref<10240x128xf32, #tpu.memory_space<hbm>>
      tpu.wait_indirect_dma semaphore(%arg22 : memref<!tpu.dma_semaphore, #tpu.memory_space<semaphore_mem>>) src(%dma_wait3A_58 : memref<10240x128xf32, #tpu.memory_space<hbm>>) dst(%arg16 : memref<128x128xf32, #tpu.memory_space<vmem>>)
      %dma_start3A_59 = arith.constant 0 : i32
      %dma_start3A_60 = arith.constant 0 : i32
      %dma_start3A_61 = tpu.memref_slice %arg7[%dma_start3A_59, %dma_start3A_60] : memref<10240x128xf32, #tpu.memory_space<vmem_shared>> -> memref<10240x128xf32, #tpu.memory_space<vmem_shared>>
      tpu.enqueue_indirect_dma source(%arg16 : memref<128x128xf32, #tpu.memory_space<vmem>>) target(%dma_start3A_61 : memref<10240x128xf32, #tpu.memory_space<vmem_shared>>) offsets(%arg12 : memref<128xi32, #tpu.memory_space<vmem>>) semaphore(%arg24 : memref<!tpu.dma_semaphore, #tpu.memory_space<semaphore_mem>>) {add = true}
      %add3A_62 = arith.constant 1 : i32
      %add3A_63 = arith.constant 2 : i32
      %add3A_64 = arith.addi %add3A_62, %add3A_63 : i32
      %min3A_65 = arith.minsi %add3A_64, %sub3A_10 : i32
      %mul3A_66 = arith.constant 128 : i32
      %mul3A_67 = arith.muli %min3A_65, %mul3A_66 : i32
      %add3A_68 = arith.addi %mul3A_9, %mul3A_67 : i32
      %dma_start3A_69 = tpu.memref_slice %arg3[%add3A_68] : memref<327680xi32, #tpu.memory_space<hbm>> -> memref<128xi32, #tpu.memory_space<hbm>>
      %dma_start3A_70 = tpu.memref_slice %arg3[%add3A_68] : memref<327680xi32, #tpu.memory_space<hbm>> -> memref<128xi32, #tpu.memory_space<hbm>>
      tpu.enqueue_dma source(%dma_start3A_70 : memref<128xi32, #tpu.memory_space<hbm>>) target(%arg11 : memref<128xi32, #tpu.memory_space<vmem>>) target_semaphore(%arg21 : memref<!tpu.dma_semaphore, #tpu.memory_space<semaphore_mem>>)
      %dma_start3A_71 = tpu.memref_slice %arg4[%add3A_68] : memref<327680xi32, #tpu.memory_space<hbm>> -> memref<128xi32, #tpu.memory_space<hbm>>
      %dma_start3A_72 = tpu.memref_slice %arg4[%add3A_68] : memref<327680xi32, #tpu.memory_space<hbm>> -> memref<128xi32, #tpu.memory_space<hbm>>
      tpu.enqueue_dma source(%dma_start3A_72 : memref<128xi32, #tpu.memory_space<hbm>>) target(%arg15 : memref<128xi32, #tpu.memory_space<vmem>>) target_semaphore(%arg21 : memref<!tpu.dma_semaphore, #tpu.memory_space<semaphore_mem>>)
      %dma_wait3A_73 = arith.constant 0 : i32
      %dma_wait3A_74 = tpu.memref_slice %arg3[%dma_wait3A_73] : memref<327680xi32, #tpu.memory_space<hbm>> -> memref<128xi32, #tpu.memory_space<hbm>>
      %dma_wait3A_75 = arith.constant 0 : i32
      %dma_wait3A_76 = tpu.memref_slice %arg3[%dma_wait3A_75] : memref<327680xi32, #tpu.memory_space<hbm>> -> memref<128xi32, #tpu.memory_space<hbm>>
      tpu.wait_dma2 semaphore(%arg19 : memref<!tpu.dma_semaphore, #tpu.memory_space<semaphore_mem>>) src(%dma_wait3A_76 : memref<128xi32, #tpu.memory_space<hbm>>) dst(%arg9 : memref<128xi32, #tpu.memory_space<vmem>>)
      %dma_wait3A_77 = arith.constant 0 : i32
      %dma_wait3A_78 = tpu.memref_slice %arg4[%dma_wait3A_77] : memref<327680xi32, #tpu.memory_space<hbm>> -> memref<128xi32, #tpu.memory_space<hbm>>
      %dma_wait3A_79 = arith.constant 0 : i32
      %dma_wait3A_80 = tpu.memref_slice %arg4[%dma_wait3A_79] : memref<327680xi32, #tpu.memory_space<hbm>> -> memref<128xi32, #tpu.memory_space<hbm>>
      tpu.wait_dma2 semaphore(%arg19 : memref<!tpu.dma_semaphore, #tpu.memory_space<semaphore_mem>>) src(%dma_wait3A_80 : memref<128xi32, #tpu.memory_space<hbm>>) dst(%arg13 : memref<128xi32, #tpu.memory_space<vmem>>)
      %dma_start3A_81 = arith.constant 0 : i32
      %dma_start3A_82 = arith.constant 0 : i32
      %dma_start3A_83 = tpu.memref_slice %arg2[%dma_start3A_81, %dma_start3A_82] : memref<10240x128xf32, #tpu.memory_space<hbm>> -> memref<10240x128xf32, #tpu.memory_space<hbm>>
      tpu.enqueue_indirect_dma source(%dma_start3A_83 : memref<10240x128xf32, #tpu.memory_space<hbm>>) target(%arg17 : memref<128x128xf32, #tpu.memory_space<vmem>>) offsets(%arg9 : memref<128xi32, #tpu.memory_space<vmem>>) semaphore(%arg23 : memref<!tpu.dma_semaphore, #tpu.memory_space<semaphore_mem>>)
      %dma_wait3A_84 = arith.constant 0 : i32
      %dma_wait3A_85 = arith.constant 0 : i32
      %dma_wait3A_86 = tpu.memref_slice %arg2[%dma_wait3A_84, %dma_wait3A_85] : memref<10240x128xf32, #tpu.memory_space<hbm>> -> memref<10240x128xf32, #tpu.memory_space<hbm>>
      tpu.wait_indirect_dma semaphore(%arg23 : memref<!tpu.dma_semaphore, #tpu.memory_space<semaphore_mem>>) src(%dma_wait3A_86 : memref<10240x128xf32, #tpu.memory_space<hbm>>) dst(%arg17 : memref<128x128xf32, #tpu.memory_space<vmem>>)
      %dma_start3A_87 = arith.constant 0 : i32
      %dma_start3A_88 = arith.constant 0 : i32
      %dma_start3A_89 = tpu.memref_slice %arg7[%dma_start3A_87, %dma_start3A_88] : memref<10240x128xf32, #tpu.memory_space<vmem_shared>> -> memref<10240x128xf32, #tpu.memory_space<vmem_shared>>
      tpu.enqueue_indirect_dma source(%arg17 : memref<128x128xf32, #tpu.memory_space<vmem>>) target(%dma_start3A_89 : memref<10240x128xf32, #tpu.memory_space<vmem_shared>>) offsets(%arg13 : memref<128xi32, #tpu.memory_space<vmem>>) semaphore(%arg25 : memref<!tpu.dma_semaphore, #tpu.memory_space<semaphore_mem>>) {add = true}
      %dma_wait3A_90 = arith.constant 0 : i32
      %dma_wait3A_91 = arith.constant 0 : i32
      %dma_wait3A_92 = tpu.memref_slice %arg2[%dma_wait3A_90, %dma_wait3A_91] : memref<10240x128xf32, #tpu.memory_space<hbm>> -> memref<128x128xf32, #tpu.memory_space<hbm>>
      %dma_wait3A_93 = arith.constant 0 : i32
      %dma_wait3A_94 = arith.constant 0 : i32
      %dma_wait3A_95 = tpu.memref_slice %arg2[%dma_wait3A_93, %dma_wait3A_94] : memref<10240x128xf32, #tpu.memory_space<hbm>> -> memref<128x128xf32, #tpu.memory_space<hbm>>
      tpu.wait_dma2 semaphore(%arg24 : memref<!tpu.dma_semaphore, #tpu.memory_space<semaphore_mem>>) src(%dma_wait3A_95 : memref<128x128xf32, #tpu.memory_space<hbm>>) dst(%arg16 : memref<128x128xf32, #tpu.memory_space<vmem>>)
      %add3A_96 = arith.constant 2 : i32
      %add3A_97 = arith.constant 2 : i32
      %add3A_98 = arith.addi %add3A_96, %add3A_97 : i32
      %min3A_99 = arith.minsi %add3A_98, %sub3A_10 : i32
      %mul3A_100 = arith.constant 128 : i32
      %mul3A_101 = arith.muli %min3A_99, %mul3A_100 : i32
      %add3A_102 = arith.addi %mul3A_9, %mul3A_101 : i32
      %dma_start3A_103 = tpu.memref_slice %arg3[%add3A_102] : memref<327680xi32, #tpu.memory_space<hbm>> -> memref<128xi32, #tpu.memory_space<hbm>>
      %dma_start3A_104 = tpu.memref_slice %arg3[%add3A_102] : memref<327680xi32, #tpu.memory_space<hbm>> -> memref<128xi32, #tpu.memory_space<hbm>>
      tpu.enqueue_dma source(%dma_start3A_104 : memref<128xi32, #tpu.memory_space<hbm>>) target(%arg8 : memref<128xi32, #tpu.memory_space<vmem>>) target_semaphore(%arg18 : memref<!tpu.dma_semaphore, #tpu.memory_space<semaphore_mem>>)
      %dma_start3A_105 = tpu.memref_slice %arg4[%add3A_102] : memref<327680xi32, #tpu.memory_space<hbm>> -> memref<128xi32, #tpu.memory_space<hbm>>
      %dma_start3A_106 = tpu.memref_slice %arg4[%add3A_102] : memref<327680xi32, #tpu.memory_space<hbm>> -> memref<128xi32, #tpu.memory_space<hbm>>
      tpu.enqueue_dma source(%dma_start3A_106 : memref<128xi32, #tpu.memory_space<hbm>>) target(%arg12 : memref<128xi32, #tpu.memory_space<vmem>>) target_semaphore(%arg18 : memref<!tpu.dma_semaphore, #tpu.memory_space<semaphore_mem>>)
      %dma_wait3A_107 = arith.constant 0 : i32
      %dma_wait3A_108 = tpu.memref_slice %arg3[%dma_wait3A_107] : memref<327680xi32, #tpu.memory_space<hbm>> -> memref<128xi32, #tpu.memory_space<hbm>>
      %dma_wait3A_109 = arith.constant 0 : i32
      %dma_wait3A_110 = tpu.memref_slice %arg3[%dma_wait3A_109] : memref<327680xi32, #tpu.memory_space<hbm>> -> memref<128xi32, #tpu.memory_space<hbm>>
      tpu.wait_dma2 semaphore(%arg20 : memref<!tpu.dma_semaphore, #tpu.memory_space<semaphore_mem>>) src(%dma_wait3A_110 : memref<128xi32, #tpu.memory_space<hbm>>) dst(%arg10 : memref<128xi32, #tpu.memory_space<vmem>>)
      %dma_wait3A_111 = arith.constant 0 : i32
      %dma_wait3A_112 = tpu.memref_slice %arg4[%dma_wait3A_111] : memref<327680xi32, #tpu.memory_space<hbm>> -> memref<128xi32, #tpu.memory_space<hbm>>
      %dma_wait3A_113 = arith.constant 0 : i32
      %dma_wait3A_114 = tpu.memref_slice %arg4[%dma_wait3A_113] : memref<327680xi32, #tpu.memory_space<hbm>> -> memref<128xi32, #tpu.memory_space<hbm>>
      tpu.wait_dma2 semaphore(%arg20 : memref<!tpu.dma_semaphore, #tpu.memory_space<semaphore_mem>>) src(%dma_wait3A_114 : memref<128xi32, #tpu.memory_space<hbm>>) dst(%arg14 : memref<128xi32, #tpu.memory_space<vmem>>)
      %dma_start3A_115 = arith.constant 0 : i32
      %dma_start3A_116 = arith.constant 0 : i32
      %dma_start3A_117 = tpu.memref_slice %arg2[%dma_start3A_115, %dma_start3A_116] : memref<10240x128xf32, #tpu.memory_space<hbm>> -> memref<10240x128xf32, #tpu.memory_space<hbm>>
      tpu.enqueue_indirect_dma source(%dma_start3A_117 : memref<10240x128xf32, #tpu.memory_space<hbm>>) target(%arg16 : memref<128x128xf32, #tpu.memory_space<vmem>>) offsets(%arg10 : memref<128xi32, #tpu.memory_space<vmem>>) semaphore(%arg22 : memref<!tpu.dma_semaphore, #tpu.memory_space<semaphore_mem>>)
      %dma_wait3A_118 = arith.constant 0 : i32
      %dma_wait3A_119 = arith.constant 0 : i32
      %dma_wait3A_120 = tpu.memref_slice %arg2[%dma_wait3A_118, %dma_wait3A_119] : memref<10240x128xf32, #tpu.memory_space<hbm>> -> memref<10240x128xf32, #tpu.memory_space<hbm>>
      tpu.wait_indirect_dma semaphore(%arg22 : memref<!tpu.dma_semaphore, #tpu.memory_space<semaphore_mem>>) src(%dma_wait3A_120 : memref<10240x128xf32, #tpu.memory_space<hbm>>) dst(%arg16 : memref<128x128xf32, #tpu.memory_space<vmem>>)
      %dma_start3A_121 = arith.constant 0 : i32
      %dma_start3A_122 = arith.constant 0 : i32
      %dma_start3A_123 = tpu.memref_slice %arg7[%dma_start3A_121, %dma_start3A_122] : memref<10240x128xf32, #tpu.memory_space<vmem_shared>> -> memref<10240x128xf32, #tpu.memory_space<vmem_shared>>
      tpu.enqueue_indirect_dma source(%arg16 : memref<128x128xf32, #tpu.memory_space<vmem>>) target(%dma_start3A_123 : memref<10240x128xf32, #tpu.memory_space<vmem_shared>>) offsets(%arg14 : memref<128xi32, #tpu.memory_space<vmem>>) semaphore(%arg24 : memref<!tpu.dma_semaphore, #tpu.memory_space<semaphore_mem>>) {add = true}
      %dma_wait3A_124 = arith.constant 0 : i32
      %dma_wait3A_125 = arith.constant 0 : i32
      %dma_wait3A_126 = tpu.memref_slice %arg2[%dma_wait3A_124, %dma_wait3A_125] : memref<10240x128xf32, #tpu.memory_space<hbm>> -> memref<128x128xf32, #tpu.memory_space<hbm>>
      %dma_wait3A_127 = arith.constant 0 : i32
      %dma_wait3A_128 = arith.constant 0 : i32
      %dma_wait3A_129 = tpu.memref_slice %arg2[%dma_wait3A_127, %dma_wait3A_128] : memref<10240x128xf32, #tpu.memory_space<hbm>> -> memref<128x128xf32, #tpu.memory_space<hbm>>
      tpu.wait_dma2 semaphore(%arg25 : memref<!tpu.dma_semaphore, #tpu.memory_space<semaphore_mem>>) src(%dma_wait3A_129 : memref<128x128xf32, #tpu.memory_space<hbm>>) dst(%arg17 : memref<128x128xf32, #tpu.memory_space<vmem>>)
      %add3A_130 = arith.constant 3 : i32
      %add3A_131 = arith.constant 2 : i32
      %add3A_132 = arith.addi %add3A_130, %add3A_131 : i32
      %min3A_133 = arith.minsi %add3A_132, %sub3A_10 : i32
      %mul3A_134 = arith.constant 128 : i32
      %mul3A_135 = arith.muli %min3A_133, %mul3A_134 : i32
      %add3A_136 = arith.addi %mul3A_9, %mul3A_135 : i32
      %dma_start3A_137 = tpu.memref_slice %arg3[%add3A_136] : memref<327680xi32, #tpu.memory_space<hbm>> -> memref<128xi32, #tpu.memory_space<hbm>>
      %dma_start3A_138 = tpu.memref_slice %arg3[%add3A_136] : memref<327680xi32, #tpu.memory_space<hbm>> -> memref<128xi32, #tpu.memory_space<hbm>>
      tpu.enqueue_dma source(%dma_start3A_138 : memref<128xi32, #tpu.memory_space<hbm>>) target(%arg9 : memref<128xi32, #tpu.memory_space<vmem>>) target_semaphore(%arg19 : memref<!tpu.dma_semaphore, #tpu.memory_space<semaphore_mem>>)
      %dma_start3A_139 = tpu.memref_slice %arg4[%add3A_136] : memref<327680xi32, #tpu.memory_space<hbm>> -> memref<128xi32, #tpu.memory_space<hbm>>
      %dma_start3A_140 = tpu.memref_slice %arg4[%add3A_136] : memref<327680xi32, #tpu.memory_space<hbm>> -> memref<128xi32, #tpu.memory_space<hbm>>
      tpu.enqueue_dma source(%dma_start3A_140 : memref<128xi32, #tpu.memory_space<hbm>>) target(%arg13 : memref<128xi32, #tpu.memory_space<vmem>>) target_semaphore(%arg19 : memref<!tpu.dma_semaphore, #tpu.memory_space<semaphore_mem>>)
      %dma_wait3A_141 = arith.constant 0 : i32
      %dma_wait3A_142 = tpu.memref_slice %arg3[%dma_wait3A_141] : memref<327680xi32, #tpu.memory_space<hbm>> -> memref<128xi32, #tpu.memory_space<hbm>>
      %dma_wait3A_143 = arith.constant 0 : i32
      %dma_wait3A_144 = tpu.memref_slice %arg3[%dma_wait3A_143] : memref<327680xi32, #tpu.memory_space<hbm>> -> memref<128xi32, #tpu.memory_space<hbm>>
      tpu.wait_dma2 semaphore(%arg21 : memref<!tpu.dma_semaphore, #tpu.memory_space<semaphore_mem>>) src(%dma_wait3A_144 : memref<128xi32, #tpu.memory_space<hbm>>) dst(%arg11 : memref<128xi32, #tpu.memory_space<vmem>>)
      %dma_wait3A_145 = arith.constant 0 : i32
      %dma_wait3A_146 = tpu.memref_slice %arg4[%dma_wait3A_145] : memref<327680xi32, #tpu.memory_space<hbm>> -> memref<128xi32, #tpu.memory_space<hbm>>
      %dma_wait3A_147 = arith.constant 0 : i32
      %dma_wait3A_148 = tpu.memref_slice %arg4[%dma_wait3A_147] : memref<327680xi32, #tpu.memory_space<hbm>> -> memref<128xi32, #tpu.memory_space<hbm>>
      tpu.wait_dma2 semaphore(%arg21 : memref<!tpu.dma_semaphore, #tpu.memory_space<semaphore_mem>>) src(%dma_wait3A_148 : memref<128xi32, #tpu.memory_space<hbm>>) dst(%arg15 : memref<128xi32, #tpu.memory_space<vmem>>)
      %dma_start3A_149 = arith.constant 0 : i32
      %dma_start3A_150 = arith.constant 0 : i32
      %dma_start3A_151 = tpu.memref_slice %arg2[%dma_start3A_149, %dma_start3A_150] : memref<10240x128xf32, #tpu.memory_space<hbm>> -> memref<10240x128xf32, #tpu.memory_space<hbm>>
      tpu.enqueue_indirect_dma source(%dma_start3A_151 : memref<10240x128xf32, #tpu.memory_space<hbm>>) target(%arg17 : memref<128x128xf32, #tpu.memory_space<vmem>>) offsets(%arg11 : memref<128xi32, #tpu.memory_space<vmem>>) semaphore(%arg23 : memref<!tpu.dma_semaphore, #tpu.memory_space<semaphore_mem>>)
      %dma_wait3A_152 = arith.constant 0 : i32
      %dma_wait3A_153 = arith.constant 0 : i32
      %dma_wait3A_154 = tpu.memref_slice %arg2[%dma_wait3A_152, %dma_wait3A_153] : memref<10240x128xf32, #tpu.memory_space<hbm>> -> memref<10240x128xf32, #tpu.memory_space<hbm>>
      tpu.wait_indirect_dma semaphore(%arg23 : memref<!tpu.dma_semaphore, #tpu.memory_space<semaphore_mem>>) src(%dma_wait3A_154 : memref<10240x128xf32, #tpu.memory_space<hbm>>) dst(%arg17 : memref<128x128xf32, #tpu.memory_space<vmem>>)
      %dma_start3A_155 = arith.constant 0 : i32
      %dma_start3A_156 = arith.constant 0 : i32
      %dma_start3A_157 = tpu.memref_slice %arg7[%dma_start3A_155, %dma_start3A_156] : memref<10240x128xf32, #tpu.memory_space<vmem_shared>> -> memref<10240x128xf32, #tpu.memory_space<vmem_shared>>
      tpu.enqueue_indirect_dma source(%arg17 : memref<128x128xf32, #tpu.memory_space<vmem>>) target(%dma_start3A_157 : memref<10240x128xf32, #tpu.memory_space<vmem_shared>>) offsets(%arg15 : memref<128xi32, #tpu.memory_space<vmem>>) semaphore(%arg25 : memref<!tpu.dma_semaphore, #tpu.memory_space<semaphore_mem>>) {add = true}
      %jit3A_158 = arith.constant 4 : i32
      %div3A = arith.divsi %select_n3A, %jit3A_158 : i32
      %sign3A = arith.constant 0 : i32
      %sign3A_159 = arith.cmpi sgt, %select_n3A, %sign3A : i32
      %sign3A_160 = arith.extui %sign3A_159 : i1 to i32
      %sign3A_161 = arith.constant 0 : i32
      %sign3A_162 = arith.cmpi slt, %select_n3A, %sign3A_161 : i32
      %sign3A_163 = arith.extui %sign3A_162 : i1 to i32
      %sign3A_164 = arith.subi %sign3A_160, %sign3A_163 : i32
      %sign3A_165 = arith.constant 0 : i32
      %sign3A_166 = arith.cmpi sgt, %jit3A_158, %sign3A_165 : i32
      %sign3A_167 = arith.extui %sign3A_166 : i1 to i32
      %sign3A_168 = arith.constant 0 : i32
      %sign3A_169 = arith.cmpi slt, %jit3A_158, %sign3A_168 : i32
      %sign3A_170 = arith.extui %sign3A_169 : i1 to i32
      %sign3A_171 = arith.subi %sign3A_167, %sign3A_170 : i32
      %ne3A = arith.cmpi ne, %sign3A_164, %sign3A_171 : i32
      %rem3A = arith.remsi %select_n3A, %jit3A_158 : i32
      %ne3A_172 = arith.constant 0 : i32
      %ne3A_173 = arith.cmpi ne, %rem3A, %ne3A_172 : i32
      %and3A = arith.andi %ne3A, %ne3A_173 : i1
      %sub3A_174 = arith.constant 1 : i32
      %sub3A_175 = arith.subi %div3A, %sub3A_174 : i32
      %select_n3A_176 = arith.select %and3A, %sub3A_175, %div3A : i32
      %while3A = arith.constant 0 : i32
      %while3A_177 = arith.constant 1 : i32
      %while3A_178 = arith.subi %select_n3A_176, %while3A_177 : i32
      %while3A_179 = arith.addi %while3A_177, %while3A_178 : i32
      %while3A_180 = arith.constant 1 : i32
      %while3A_181 = arith.divsi %while3A_178, %while3A_180 : i32
      %while3A_182 = arith.muli %while3A_181, %while3A_180 : i32
      %while3A_183 = arith.addi %while3A_177, %while3A_182 : i32
      %while3A_184 = arith.constant 1 : i32
      scf.for %while3A_214 = %while3A_177 to %while3A_183 step %while3A_184  : i32 {
        %mul3A_215 = arith.constant 4 : i32
        %mul3A_216 = arith.muli %while3A_214, %mul3A_215 : i32
        %add3A_217 = arith.constant 0 : i32
        %add3A_218 = arith.addi %mul3A_216, %add3A_217 : i32
        %dma_wait3A_219 = arith.constant 0 : i32
        %dma_wait3A_220 = arith.constant 0 : i32
        %dma_wait3A_221 = tpu.memref_slice %arg2[%dma_wait3A_219, %dma_wait3A_220] : memref<10240x128xf32, #tpu.memory_space<hbm>> -> memref<128x128xf32, #tpu.memory_space<hbm>>
        %dma_wait3A_222 = arith.constant 0 : i32
        %dma_wait3A_223 = arith.constant 0 : i32
        %dma_wait3A_224 = tpu.memref_slice %arg2[%dma_wait3A_222, %dma_wait3A_223] : memref<10240x128xf32, #tpu.memory_space<hbm>> -> memref<128x128xf32, #tpu.memory_space<hbm>>
        tpu.wait_dma2 semaphore(%arg24 : memref<!tpu.dma_semaphore, #tpu.memory_space<semaphore_mem>>) src(%dma_wait3A_224 : memref<128x128xf32, #tpu.memory_space<hbm>>) dst(%arg16 : memref<128x128xf32, #tpu.memory_space<vmem>>)
        %add3A_225 = arith.constant 2 : i32
        %add3A_226 = arith.addi %add3A_218, %add3A_225 : i32
        %min3A_227 = arith.minsi %add3A_226, %sub3A_10 : i32
        %mul3A_228 = arith.constant 128 : i32
        %mul3A_229 = arith.muli %min3A_227, %mul3A_228 : i32
        %add3A_230 = arith.addi %mul3A_9, %mul3A_229 : i32
        %dma_start3A_231 = tpu.memref_slice %arg3[%add3A_230] : memref<327680xi32, #tpu.memory_space<hbm>> -> memref<128xi32, #tpu.memory_space<hbm>>
        %dma_start3A_232 = tpu.memref_slice %arg3[%add3A_230] : memref<327680xi32, #tpu.memory_space<hbm>> -> memref<128xi32, #tpu.memory_space<hbm>>
        tpu.enqueue_dma source(%dma_start3A_232 : memref<128xi32, #tpu.memory_space<hbm>>) target(%arg10 : memref<128xi32, #tpu.memory_space<vmem>>) target_semaphore(%arg20 : memref<!tpu.dma_semaphore, #tpu.memory_space<semaphore_mem>>)
        %dma_start3A_233 = tpu.memref_slice %arg4[%add3A_230] : memref<327680xi32, #tpu.memory_space<hbm>> -> memref<128xi32, #tpu.memory_space<hbm>>
        %dma_start3A_234 = tpu.memref_slice %arg4[%add3A_230] : memref<327680xi32, #tpu.memory_space<hbm>> -> memref<128xi32, #tpu.memory_space<hbm>>
        tpu.enqueue_dma source(%dma_start3A_234 : memref<128xi32, #tpu.memory_space<hbm>>) target(%arg14 : memref<128xi32, #tpu.memory_space<vmem>>) target_semaphore(%arg20 : memref<!tpu.dma_semaphore, #tpu.memory_space<semaphore_mem>>)
        %dma_wait3A_235 = arith.constant 0 : i32
        %dma_wait3A_236 = tpu.memref_slice %arg3[%dma_wait3A_235] : memref<327680xi32, #tpu.memory_space<hbm>> -> memref<128xi32, #tpu.memory_space<hbm>>
        %dma_wait3A_237 = arith.constant 0 : i32
        %dma_wait3A_238 = tpu.memref_slice %arg3[%dma_wait3A_237] : memref<327680xi32, #tpu.memory_space<hbm>> -> memref<128xi32, #tpu.memory_space<hbm>>
        tpu.wait_dma2 semaphore(%arg18 : memref<!tpu.dma_semaphore, #tpu.memory_space<semaphore_mem>>) src(%dma_wait3A_238 : memref<128xi32, #tpu.memory_space<hbm>>) dst(%arg8 : memref<128xi32, #tpu.memory_space<vmem>>)
        %dma_wait3A_239 = arith.constant 0 : i32
        %dma_wait3A_240 = tpu.memref_slice %arg4[%dma_wait3A_239] : memref<327680xi32, #tpu.memory_space<hbm>> -> memref<128xi32, #tpu.memory_space<hbm>>
        %dma_wait3A_241 = arith.constant 0 : i32
        %dma_wait3A_242 = tpu.memref_slice %arg4[%dma_wait3A_241] : memref<327680xi32, #tpu.memory_space<hbm>> -> memref<128xi32, #tpu.memory_space<hbm>>
        tpu.wait_dma2 semaphore(%arg18 : memref<!tpu.dma_semaphore, #tpu.memory_space<semaphore_mem>>) src(%dma_wait3A_242 : memref<128xi32, #tpu.memory_space<hbm>>) dst(%arg12 : memref<128xi32, #tpu.memory_space<vmem>>)
        %dma_start3A_243 = arith.constant 0 : i32
        %dma_start3A_244 = arith.constant 0 : i32
        %dma_start3A_245 = tpu.memref_slice %arg2[%dma_start3A_243, %dma_start3A_244] : memref<10240x128xf32, #tpu.memory_space<hbm>> -> memref<10240x128xf32, #tpu.memory_space<hbm>>
        tpu.enqueue_indirect_dma source(%dma_start3A_245 : memref<10240x128xf32, #tpu.memory_space<hbm>>) target(%arg16 : memref<128x128xf32, #tpu.memory_space<vmem>>) offsets(%arg8 : memref<128xi32, #tpu.memory_space<vmem>>) semaphore(%arg22 : memref<!tpu.dma_semaphore, #tpu.memory_space<semaphore_mem>>)
        %dma_wait3A_246 = arith.constant 0 : i32
        %dma_wait3A_247 = arith.constant 0 : i32
        %dma_wait3A_248 = tpu.memref_slice %arg2[%dma_wait3A_246, %dma_wait3A_247] : memref<10240x128xf32, #tpu.memory_space<hbm>> -> memref<10240x128xf32, #tpu.memory_space<hbm>>
        tpu.wait_indirect_dma semaphore(%arg22 : memref<!tpu.dma_semaphore, #tpu.memory_space<semaphore_mem>>) src(%dma_wait3A_248 : memref<10240x128xf32, #tpu.memory_space<hbm>>) dst(%arg16 : memref<128x128xf32, #tpu.memory_space<vmem>>)
        %dma_start3A_249 = arith.constant 0 : i32
        %dma_start3A_250 = arith.constant 0 : i32
        %dma_start3A_251 = tpu.memref_slice %arg7[%dma_start3A_249, %dma_start3A_250] : memref<10240x128xf32, #tpu.memory_space<vmem_shared>> -> memref<10240x128xf32, #tpu.memory_space<vmem_shared>>
        tpu.enqueue_indirect_dma source(%arg16 : memref<128x128xf32, #tpu.memory_space<vmem>>) target(%dma_start3A_251 : memref<10240x128xf32, #tpu.memory_space<vmem_shared>>) offsets(%arg12 : memref<128xi32, #tpu.memory_space<vmem>>) semaphore(%arg24 : memref<!tpu.dma_semaphore, #tpu.memory_space<semaphore_mem>>) {add = true}
        %add3A_252 = arith.constant 1 : i32
        %add3A_253 = arith.addi %mul3A_216, %add3A_252 : i32
        %dma_wait3A_254 = arith.constant 0 : i32
        %dma_wait3A_255 = arith.constant 0 : i32
        %dma_wait3A_256 = tpu.memref_slice %arg2[%dma_wait3A_254, %dma_wait3A_255] : memref<10240x128xf32, #tpu.memory_space<hbm>> -> memref<128x128xf32, #tpu.memory_space<hbm>>
        %dma_wait3A_257 = arith.constant 0 : i32
        %dma_wait3A_258 = arith.constant 0 : i32
        %dma_wait3A_259 = tpu.memref_slice %arg2[%dma_wait3A_257, %dma_wait3A_258] : memref<10240x128xf32, #tpu.memory_space<hbm>> -> memref<128x128xf32, #tpu.memory_space<hbm>>
        tpu.wait_dma2 semaphore(%arg25 : memref<!tpu.dma_semaphore, #tpu.memory_space<semaphore_mem>>) src(%dma_wait3A_259 : memref<128x128xf32, #tpu.memory_space<hbm>>) dst(%arg17 : memref<128x128xf32, #tpu.memory_space<vmem>>)
        %add3A_260 = arith.constant 2 : i32
        %add3A_261 = arith.addi %add3A_253, %add3A_260 : i32
        %min3A_262 = arith.minsi %add3A_261, %sub3A_10 : i32
        %mul3A_263 = arith.constant 128 : i32
        %mul3A_264 = arith.muli %min3A_262, %mul3A_263 : i32
        %add3A_265 = arith.addi %mul3A_9, %mul3A_264 : i32
        %dma_start3A_266 = tpu.memref_slice %arg3[%add3A_265] : memref<327680xi32, #tpu.memory_space<hbm>> -> memref<128xi32, #tpu.memory_space<hbm>>
        %dma_start3A_267 = tpu.memref_slice %arg3[%add3A_265] : memref<327680xi32, #tpu.memory_space<hbm>> -> memref<128xi32, #tpu.memory_space<hbm>>
        tpu.enqueue_dma source(%dma_start3A_267 : memref<128xi32, #tpu.memory_space<hbm>>) target(%arg11 : memref<128xi32, #tpu.memory_space<vmem>>) target_semaphore(%arg21 : memref<!tpu.dma_semaphore, #tpu.memory_space<semaphore_mem>>)
        %dma_start3A_268 = tpu.memref_slice %arg4[%add3A_265] : memref<327680xi32, #tpu.memory_space<hbm>> -> memref<128xi32, #tpu.memory_space<hbm>>
        %dma_start3A_269 = tpu.memref_slice %arg4[%add3A_265] : memref<327680xi32, #tpu.memory_space<hbm>> -> memref<128xi32, #tpu.memory_space<hbm>>
        tpu.enqueue_dma source(%dma_start3A_269 : memref<128xi32, #tpu.memory_space<hbm>>) target(%arg15 : memref<128xi32, #tpu.memory_space<vmem>>) target_semaphore(%arg21 : memref<!tpu.dma_semaphore, #tpu.memory_space<semaphore_mem>>)
        %dma_wait3A_270 = arith.constant 0 : i32
        %dma_wait3A_271 = tpu.memref_slice %arg3[%dma_wait3A_270] : memref<327680xi32, #tpu.memory_space<hbm>> -> memref<128xi32, #tpu.memory_space<hbm>>
        %dma_wait3A_272 = arith.constant 0 : i32
        %dma_wait3A_273 = tpu.memref_slice %arg3[%dma_wait3A_272] : memref<327680xi32, #tpu.memory_space<hbm>> -> memref<128xi32, #tpu.memory_space<hbm>>
        tpu.wait_dma2 semaphore(%arg19 : memref<!tpu.dma_semaphore, #tpu.memory_space<semaphore_mem>>) src(%dma_wait3A_273 : memref<128xi32, #tpu.memory_space<hbm>>) dst(%arg9 : memref<128xi32, #tpu.memory_space<vmem>>)
        %dma_wait3A_274 = arith.constant 0 : i32
        %dma_wait3A_275 = tpu.memref_slice %arg4[%dma_wait3A_274] : memref<327680xi32, #tpu.memory_space<hbm>> -> memref<128xi32, #tpu.memory_space<hbm>>
        %dma_wait3A_276 = arith.constant 0 : i32
        %dma_wait3A_277 = tpu.memref_slice %arg4[%dma_wait3A_276] : memref<327680xi32, #tpu.memory_space<hbm>> -> memref<128xi32, #tpu.memory_space<hbm>>
        tpu.wait_dma2 semaphore(%arg19 : memref<!tpu.dma_semaphore, #tpu.memory_space<semaphore_mem>>) src(%dma_wait3A_277 : memref<128xi32, #tpu.memory_space<hbm>>) dst(%arg13 : memref<128xi32, #tpu.memory_space<vmem>>)
        %dma_start3A_278 = arith.constant 0 : i32
        %dma_start3A_279 = arith.constant 0 : i32
        %dma_start3A_280 = tpu.memref_slice %arg2[%dma_start3A_278, %dma_start3A_279] : memref<10240x128xf32, #tpu.memory_space<hbm>> -> memref<10240x128xf32, #tpu.memory_space<hbm>>
        tpu.enqueue_indirect_dma source(%dma_start3A_280 : memref<10240x128xf32, #tpu.memory_space<hbm>>) target(%arg17 : memref<128x128xf32, #tpu.memory_space<vmem>>) offsets(%arg9 : memref<128xi32, #tpu.memory_space<vmem>>) semaphore(%arg23 : memref<!tpu.dma_semaphore, #tpu.memory_space<semaphore_mem>>)
        %dma_wait3A_281 = arith.constant 0 : i32
        %dma_wait3A_282 = arith.constant 0 : i32
        %dma_wait3A_283 = tpu.memref_slice %arg2[%dma_wait3A_281, %dma_wait3A_282] : memref<10240x128xf32, #tpu.memory_space<hbm>> -> memref<10240x128xf32, #tpu.memory_space<hbm>>
        tpu.wait_indirect_dma semaphore(%arg23 : memref<!tpu.dma_semaphore, #tpu.memory_space<semaphore_mem>>) src(%dma_wait3A_283 : memref<10240x128xf32, #tpu.memory_space<hbm>>) dst(%arg17 : memref<128x128xf32, #tpu.memory_space<vmem>>)
        %dma_start3A_284 = arith.constant 0 : i32
        %dma_start3A_285 = arith.constant 0 : i32
        %dma_start3A_286 = tpu.memref_slice %arg7[%dma_start3A_284, %dma_start3A_285] : memref<10240x128xf32, #tpu.memory_space<vmem_shared>> -> memref<10240x128xf32, #tpu.memory_space<vmem_shared>>
        tpu.enqueue_indirect_dma source(%arg17 : memref<128x128xf32, #tpu.memory_space<vmem>>) target(%dma_start3A_286 : memref<10240x128xf32, #tpu.memory_space<vmem_shared>>) offsets(%arg13 : memref<128xi32, #tpu.memory_space<vmem>>) semaphore(%arg25 : memref<!tpu.dma_semaphore, #tpu.memory_space<semaphore_mem>>) {add = true}
        %add3A_287 = arith.constant 2 : i32
        %add3A_288 = arith.addi %mul3A_216, %add3A_287 : i32
        %dma_wait3A_289 = arith.constant 0 : i32
        %dma_wait3A_290 = arith.constant 0 : i32
        %dma_wait3A_291 = tpu.memref_slice %arg2[%dma_wait3A_289, %dma_wait3A_290] : memref<10240x128xf32, #tpu.memory_space<hbm>> -> memref<128x128xf32, #tpu.memory_space<hbm>>
        %dma_wait3A_292 = arith.constant 0 : i32
        %dma_wait3A_293 = arith.constant 0 : i32
        %dma_wait3A_294 = tpu.memref_slice %arg2[%dma_wait3A_292, %dma_wait3A_293] : memref<10240x128xf32, #tpu.memory_space<hbm>> -> memref<128x128xf32, #tpu.memory_space<hbm>>
        tpu.wait_dma2 semaphore(%arg24 : memref<!tpu.dma_semaphore, #tpu.memory_space<semaphore_mem>>) src(%dma_wait3A_294 : memref<128x128xf32, #tpu.memory_space<hbm>>) dst(%arg16 : memref<128x128xf32, #tpu.memory_space<vmem>>)
        %add3A_295 = arith.constant 2 : i32
        %add3A_296 = arith.addi %add3A_288, %add3A_295 : i32
        %min3A_297 = arith.minsi %add3A_296, %sub3A_10 : i32
        %mul3A_298 = arith.constant 128 : i32
        %mul3A_299 = arith.muli %min3A_297, %mul3A_298 : i32
        %add3A_300 = arith.addi %mul3A_9, %mul3A_299 : i32
        %dma_start3A_301 = tpu.memref_slice %arg3[%add3A_300] : memref<327680xi32, #tpu.memory_space<hbm>> -> memref<128xi32, #tpu.memory_space<hbm>>
        %dma_start3A_302 = tpu.memref_slice %arg3[%add3A_300] : memref<327680xi32, #tpu.memory_space<hbm>> -> memref<128xi32, #tpu.memory_space<hbm>>
        tpu.enqueue_dma source(%dma_start3A_302 : memref<128xi32, #tpu.memory_space<hbm>>) target(%arg8 : memref<128xi32, #tpu.memory_space<vmem>>) target_semaphore(%arg18 : memref<!tpu.dma_semaphore, #tpu.memory_space<semaphore_mem>>)
        %dma_start3A_303 = tpu.memref_slice %arg4[%add3A_300] : memref<327680xi32, #tpu.memory_space<hbm>> -> memref<128xi32, #tpu.memory_space<hbm>>
        %dma_start3A_304 = tpu.memref_slice %arg4[%add3A_300] : memref<327680xi32, #tpu.memory_space<hbm>> -> memref<128xi32, #tpu.memory_space<hbm>>
        tpu.enqueue_dma source(%dma_start3A_304 : memref<128xi32, #tpu.memory_space<hbm>>) target(%arg12 : memref<128xi32, #tpu.memory_space<vmem>>) target_semaphore(%arg18 : memref<!tpu.dma_semaphore, #tpu.memory_space<semaphore_mem>>)
        %dma_wait3A_305 = arith.constant 0 : i32
        %dma_wait3A_306 = tpu.memref_slice %arg3[%dma_wait3A_305] : memref<327680xi32, #tpu.memory_space<hbm>> -> memref<128xi32, #tpu.memory_space<hbm>>
        %dma_wait3A_307 = arith.constant 0 : i32
        %dma_wait3A_308 = tpu.memref_slice %arg3[%dma_wait3A_307] : memref<327680xi32, #tpu.memory_space<hbm>> -> memref<128xi32, #tpu.memory_space<hbm>>
        tpu.wait_dma2 semaphore(%arg20 : memref<!tpu.dma_semaphore, #tpu.memory_space<semaphore_mem>>) src(%dma_wait3A_308 : memref<128xi32, #tpu.memory_space<hbm>>) dst(%arg10 : memref<128xi32, #tpu.memory_space<vmem>>)
        %dma_wait3A_309 = arith.constant 0 : i32
        %dma_wait3A_310 = tpu.memref_slice %arg4[%dma_wait3A_309] : memref<327680xi32, #tpu.memory_space<hbm>> -> memref<128xi32, #tpu.memory_space<hbm>>
        %dma_wait3A_311 = arith.constant 0 : i32
        %dma_wait3A_312 = tpu.memref_slice %arg4[%dma_wait3A_311] : memref<327680xi32, #tpu.memory_space<hbm>> -> memref<128xi32, #tpu.memory_space<hbm>>
        tpu.wait_dma2 semaphore(%arg20 : memref<!tpu.dma_semaphore, #tpu.memory_space<semaphore_mem>>) src(%dma_wait3A_312 : memref<128xi32, #tpu.memory_space<hbm>>) dst(%arg14 : memref<128xi32, #tpu.memory_space<vmem>>)
        %dma_start3A_313 = arith.constant 0 : i32
        %dma_start3A_314 = arith.constant 0 : i32
        %dma_start3A_315 = tpu.memref_slice %arg2[%dma_start3A_313, %dma_start3A_314] : memref<10240x128xf32, #tpu.memory_space<hbm>> -> memref<10240x128xf32, #tpu.memory_space<hbm>>
        tpu.enqueue_indirect_dma source(%dma_start3A_315 : memref<10240x128xf32, #tpu.memory_space<hbm>>) target(%arg16 : memref<128x128xf32, #tpu.memory_space<vmem>>) offsets(%arg10 : memref<128xi32, #tpu.memory_space<vmem>>) semaphore(%arg22 : memref<!tpu.dma_semaphore, #tpu.memory_space<semaphore_mem>>)
        %dma_wait3A_316 = arith.constant 0 : i32
        %dma_wait3A_317 = arith.constant 0 : i32
        %dma_wait3A_318 = tpu.memref_slice %arg2[%dma_wait3A_316, %dma_wait3A_317] : memref<10240x128xf32, #tpu.memory_space<hbm>> -> memref<10240x128xf32, #tpu.memory_space<hbm>>
        tpu.wait_indirect_dma semaphore(%arg22 : memref<!tpu.dma_semaphore, #tpu.memory_space<semaphore_mem>>) src(%dma_wait3A_318 : memref<10240x128xf32, #tpu.memory_space<hbm>>) dst(%arg16 : memref<128x128xf32, #tpu.memory_space<vmem>>)
        %dma_start3A_319 = arith.constant 0 : i32
        %dma_start3A_320 = arith.constant 0 : i32
        %dma_start3A_321 = tpu.memref_slice %arg7[%dma_start3A_319, %dma_start3A_320] : memref<10240x128xf32, #tpu.memory_space<vmem_shared>> -> memref<10240x128xf32, #tpu.memory_space<vmem_shared>>
        tpu.enqueue_indirect_dma source(%arg16 : memref<128x128xf32, #tpu.memory_space<vmem>>) target(%dma_start3A_321 : memref<10240x128xf32, #tpu.memory_space<vmem_shared>>) offsets(%arg14 : memref<128xi32, #tpu.memory_space<vmem>>) semaphore(%arg24 : memref<!tpu.dma_semaphore, #tpu.memory_space<semaphore_mem>>) {add = true}
        %add3A_322 = arith.constant 3 : i32
        %add3A_323 = arith.addi %mul3A_216, %add3A_322 : i32
        %dma_wait3A_324 = arith.constant 0 : i32
        %dma_wait3A_325 = arith.constant 0 : i32
        %dma_wait3A_326 = tpu.memref_slice %arg2[%dma_wait3A_324, %dma_wait3A_325] : memref<10240x128xf32, #tpu.memory_space<hbm>> -> memref<128x128xf32, #tpu.memory_space<hbm>>
        %dma_wait3A_327 = arith.constant 0 : i32
        %dma_wait3A_328 = arith.constant 0 : i32
        %dma_wait3A_329 = tpu.memref_slice %arg2[%dma_wait3A_327, %dma_wait3A_328] : memref<10240x128xf32, #tpu.memory_space<hbm>> -> memref<128x128xf32, #tpu.memory_space<hbm>>
        tpu.wait_dma2 semaphore(%arg25 : memref<!tpu.dma_semaphore, #tpu.memory_space<semaphore_mem>>) src(%dma_wait3A_329 : memref<128x128xf32, #tpu.memory_space<hbm>>) dst(%arg17 : memref<128x128xf32, #tpu.memory_space<vmem>>)
        %add3A_330 = arith.constant 2 : i32
        %add3A_331 = arith.addi %add3A_323, %add3A_330 : i32
        %min3A_332 = arith.minsi %add3A_331, %sub3A_10 : i32
        %mul3A_333 = arith.constant 128 : i32
        %mul3A_334 = arith.muli %min3A_332, %mul3A_333 : i32
        %add3A_335 = arith.addi %mul3A_9, %mul3A_334 : i32
        %dma_start3A_336 = tpu.memref_slice %arg3[%add3A_335] : memref<327680xi32, #tpu.memory_space<hbm>> -> memref<128xi32, #tpu.memory_space<hbm>>
        %dma_start3A_337 = tpu.memref_slice %arg3[%add3A_335] : memref<327680xi32, #tpu.memory_space<hbm>> -> memref<128xi32, #tpu.memory_space<hbm>>
        tpu.enqueue_dma source(%dma_start3A_337 : memref<128xi32, #tpu.memory_space<hbm>>) target(%arg9 : memref<128xi32, #tpu.memory_space<vmem>>) target_semaphore(%arg19 : memref<!tpu.dma_semaphore, #tpu.memory_space<semaphore_mem>>)
        %dma_start3A_338 = tpu.memref_slice %arg4[%add3A_335] : memref<327680xi32, #tpu.memory_space<hbm>> -> memref<128xi32, #tpu.memory_space<hbm>>
        %dma_start3A_339 = tpu.memref_slice %arg4[%add3A_335] : memref<327680xi32, #tpu.memory_space<hbm>> -> memref<128xi32, #tpu.memory_space<hbm>>
        tpu.enqueue_dma source(%dma_start3A_339 : memref<128xi32, #tpu.memory_space<hbm>>) target(%arg13 : memref<128xi32, #tpu.memory_space<vmem>>) target_semaphore(%arg19 : memref<!tpu.dma_semaphore, #tpu.memory_space<semaphore_mem>>)
        %dma_wait3A_340 = arith.constant 0 : i32
        %dma_wait3A_341 = tpu.memref_slice %arg3[%dma_wait3A_340] : memref<327680xi32, #tpu.memory_space<hbm>> -> memref<128xi32, #tpu.memory_space<hbm>>
        %dma_wait3A_342 = arith.constant 0 : i32
        %dma_wait3A_343 = tpu.memref_slice %arg3[%dma_wait3A_342] : memref<327680xi32, #tpu.memory_space<hbm>> -> memref<128xi32, #tpu.memory_space<hbm>>
        tpu.wait_dma2 semaphore(%arg21 : memref<!tpu.dma_semaphore, #tpu.memory_space<semaphore_mem>>) src(%dma_wait3A_343 : memref<128xi32, #tpu.memory_space<hbm>>) dst(%arg11 : memref<128xi32, #tpu.memory_space<vmem>>)
        %dma_wait3A_344 = arith.constant 0 : i32
        %dma_wait3A_345 = tpu.memref_slice %arg4[%dma_wait3A_344] : memref<327680xi32, #tpu.memory_space<hbm>> -> memref<128xi32, #tpu.memory_space<hbm>>
        %dma_wait3A_346 = arith.constant 0 : i32
        %dma_wait3A_347 = tpu.memref_slice %arg4[%dma_wait3A_346] : memref<327680xi32, #tpu.memory_space<hbm>> -> memref<128xi32, #tpu.memory_space<hbm>>
        tpu.wait_dma2 semaphore(%arg21 : memref<!tpu.dma_semaphore, #tpu.memory_space<semaphore_mem>>) src(%dma_wait3A_347 : memref<128xi32, #tpu.memory_space<hbm>>) dst(%arg15 : memref<128xi32, #tpu.memory_space<vmem>>)
        %dma_start3A_348 = arith.constant 0 : i32
        %dma_start3A_349 = arith.constant 0 : i32
        %dma_start3A_350 = tpu.memref_slice %arg2[%dma_start3A_348, %dma_start3A_349] : memref<10240x128xf32, #tpu.memory_space<hbm>> -> memref<10240x128xf32, #tpu.memory_space<hbm>>
        tpu.enqueue_indirect_dma source(%dma_start3A_350 : memref<10240x128xf32, #tpu.memory_space<hbm>>) target(%arg17 : memref<128x128xf32, #tpu.memory_space<vmem>>) offsets(%arg11 : memref<128xi32, #tpu.memory_space<vmem>>) semaphore(%arg23 : memref<!tpu.dma_semaphore, #tpu.memory_space<semaphore_mem>>)
        %dma_wait3A_351 = arith.constant 0 : i32
        %dma_wait3A_352 = arith.constant 0 : i32
        %dma_wait3A_353 = tpu.memref_slice %arg2[%dma_wait3A_351, %dma_wait3A_352] : memref<10240x128xf32, #tpu.memory_space<hbm>> -> memref<10240x128xf32, #tpu.memory_space<hbm>>
        tpu.wait_indirect_dma semaphore(%arg23 : memref<!tpu.dma_semaphore, #tpu.memory_space<semaphore_mem>>) src(%dma_wait3A_353 : memref<10240x128xf32, #tpu.memory_space<hbm>>) dst(%arg17 : memref<128x128xf32, #tpu.memory_space<vmem>>)
        %dma_start3A_354 = arith.constant 0 : i32
        %dma_start3A_355 = arith.constant 0 : i32
        %dma_start3A_356 = tpu.memref_slice %arg7[%dma_start3A_354, %dma_start3A_355] : memref<10240x128xf32, #tpu.memory_space<vmem_shared>> -> memref<10240x128xf32, #tpu.memory_space<vmem_shared>>
        tpu.enqueue_indirect_dma source(%arg17 : memref<128x128xf32, #tpu.memory_space<vmem>>) target(%dma_start3A_356 : memref<10240x128xf32, #tpu.memory_space<vmem_shared>>) offsets(%arg15 : memref<128xi32, #tpu.memory_space<vmem>>) semaphore(%arg25 : memref<!tpu.dma_semaphore, #tpu.memory_space<semaphore_mem>>) {add = true}
      }
      %while3A_185 = arith.constant 1 : i32
      scf.for %while3A_214 = %while3A_183 to %while3A_179 step %while3A_185  : i32 {
        %mul3A_215 = arith.constant 4 : i32
        %mul3A_216 = arith.muli %while3A_214, %mul3A_215 : i32
        %add3A_217 = arith.constant 0 : i32
        %add3A_218 = arith.addi %mul3A_216, %add3A_217 : i32
        %dma_wait3A_219 = arith.constant 0 : i32
        %dma_wait3A_220 = arith.constant 0 : i32
        %dma_wait3A_221 = tpu.memref_slice %arg2[%dma_wait3A_219, %dma_wait3A_220] : memref<10240x128xf32, #tpu.memory_space<hbm>> -> memref<128x128xf32, #tpu.memory_space<hbm>>
        %dma_wait3A_222 = arith.constant 0 : i32
        %dma_wait3A_223 = arith.constant 0 : i32
        %dma_wait3A_224 = tpu.memref_slice %arg2[%dma_wait3A_222, %dma_wait3A_223] : memref<10240x128xf32, #tpu.memory_space<hbm>> -> memref<128x128xf32, #tpu.memory_space<hbm>>
        tpu.wait_dma2 semaphore(%arg24 : memref<!tpu.dma_semaphore, #tpu.memory_space<semaphore_mem>>) src(%dma_wait3A_224 : memref<128x128xf32, #tpu.memory_space<hbm>>) dst(%arg16 : memref<128x128xf32, #tpu.memory_space<vmem>>)
        %add3A_225 = arith.constant 2 : i32
        %add3A_226 = arith.addi %add3A_218, %add3A_225 : i32
        %min3A_227 = arith.minsi %add3A_226, %sub3A_10 : i32
        %mul3A_228 = arith.constant 128 : i32
        %mul3A_229 = arith.muli %min3A_227, %mul3A_228 : i32
        %add3A_230 = arith.addi %mul3A_9, %mul3A_229 : i32
        %dma_start3A_231 = tpu.memref_slice %arg3[%add3A_230] : memref<327680xi32, #tpu.memory_space<hbm>> -> memref<128xi32, #tpu.memory_space<hbm>>
        %dma_start3A_232 = tpu.memref_slice %arg3[%add3A_230] : memref<327680xi32, #tpu.memory_space<hbm>> -> memref<128xi32, #tpu.memory_space<hbm>>
        tpu.enqueue_dma source(%dma_start3A_232 : memref<128xi32, #tpu.memory_space<hbm>>) target(%arg10 : memref<128xi32, #tpu.memory_space<vmem>>) target_semaphore(%arg20 : memref<!tpu.dma_semaphore, #tpu.memory_space<semaphore_mem>>)
        %dma_start3A_233 = tpu.memref_slice %arg4[%add3A_230] : memref<327680xi32, #tpu.memory_space<hbm>> -> memref<128xi32, #tpu.memory_space<hbm>>
        %dma_start3A_234 = tpu.memref_slice %arg4[%add3A_230] : memref<327680xi32, #tpu.memory_space<hbm>> -> memref<128xi32, #tpu.memory_space<hbm>>
        tpu.enqueue_dma source(%dma_start3A_234 : memref<128xi32, #tpu.memory_space<hbm>>) target(%arg14 : memref<128xi32, #tpu.memory_space<vmem>>) target_semaphore(%arg20 : memref<!tpu.dma_semaphore, #tpu.memory_space<semaphore_mem>>)
        %dma_wait3A_235 = arith.constant 0 : i32
        %dma_wait3A_236 = tpu.memref_slice %arg3[%dma_wait3A_235] : memref<327680xi32, #tpu.memory_space<hbm>> -> memref<128xi32, #tpu.memory_space<hbm>>
        %dma_wait3A_237 = arith.constant 0 : i32
        %dma_wait3A_238 = tpu.memref_slice %arg3[%dma_wait3A_237] : memref<327680xi32, #tpu.memory_space<hbm>> -> memref<128xi32, #tpu.memory_space<hbm>>
        tpu.wait_dma2 semaphore(%arg18 : memref<!tpu.dma_semaphore, #tpu.memory_space<semaphore_mem>>) src(%dma_wait3A_238 : memref<128xi32, #tpu.memory_space<hbm>>) dst(%arg8 : memref<128xi32, #tpu.memory_space<vmem>>)
        %dma_wait3A_239 = arith.constant 0 : i32
        %dma_wait3A_240 = tpu.memref_slice %arg4[%dma_wait3A_239] : memref<327680xi32, #tpu.memory_space<hbm>> -> memref<128xi32, #tpu.memory_space<hbm>>
        %dma_wait3A_241 = arith.constant 0 : i32
        %dma_wait3A_242 = tpu.memref_slice %arg4[%dma_wait3A_241] : memref<327680xi32, #tpu.memory_space<hbm>> -> memref<128xi32, #tpu.memory_space<hbm>>
        tpu.wait_dma2 semaphore(%arg18 : memref<!tpu.dma_semaphore, #tpu.memory_space<semaphore_mem>>) src(%dma_wait3A_242 : memref<128xi32, #tpu.memory_space<hbm>>) dst(%arg12 : memref<128xi32, #tpu.memory_space<vmem>>)
        %dma_start3A_243 = arith.constant 0 : i32
        %dma_start3A_244 = arith.constant 0 : i32
        %dma_start3A_245 = tpu.memref_slice %arg2[%dma_start3A_243, %dma_start3A_244] : memref<10240x128xf32, #tpu.memory_space<hbm>> -> memref<10240x128xf32, #tpu.memory_space<hbm>>
        tpu.enqueue_indirect_dma source(%dma_start3A_245 : memref<10240x128xf32, #tpu.memory_space<hbm>>) target(%arg16 : memref<128x128xf32, #tpu.memory_space<vmem>>) offsets(%arg8 : memref<128xi32, #tpu.memory_space<vmem>>) semaphore(%arg22 : memref<!tpu.dma_semaphore, #tpu.memory_space<semaphore_mem>>)
        %dma_wait3A_246 = arith.constant 0 : i32
        %dma_wait3A_247 = arith.constant 0 : i32
        %dma_wait3A_248 = tpu.memref_slice %arg2[%dma_wait3A_246, %dma_wait3A_247] : memref<10240x128xf32, #tpu.memory_space<hbm>> -> memref<10240x128xf32, #tpu.memory_space<hbm>>
        tpu.wait_indirect_dma semaphore(%arg22 : memref<!tpu.dma_semaphore, #tpu.memory_space<semaphore_mem>>) src(%dma_wait3A_248 : memref<10240x128xf32, #tpu.memory_space<hbm>>) dst(%arg16 : memref<128x128xf32, #tpu.memory_space<vmem>>)
        %dma_start3A_249 = arith.constant 0 : i32
        %dma_start3A_250 = arith.constant 0 : i32
        %dma_start3A_251 = tpu.memref_slice %arg7[%dma_start3A_249, %dma_start3A_250] : memref<10240x128xf32, #tpu.memory_space<vmem_shared>> -> memref<10240x128xf32, #tpu.memory_space<vmem_shared>>
        tpu.enqueue_indirect_dma source(%arg16 : memref<128x128xf32, #tpu.memory_space<vmem>>) target(%dma_start3A_251 : memref<10240x128xf32, #tpu.memory_space<vmem_shared>>) offsets(%arg12 : memref<128xi32, #tpu.memory_space<vmem>>) semaphore(%arg24 : memref<!tpu.dma_semaphore, #tpu.memory_space<semaphore_mem>>) {add = true}
        %add3A_252 = arith.constant 1 : i32
        %add3A_253 = arith.addi %mul3A_216, %add3A_252 : i32
        %dma_wait3A_254 = arith.constant 0 : i32
        %dma_wait3A_255 = arith.constant 0 : i32
        %dma_wait3A_256 = tpu.memref_slice %arg2[%dma_wait3A_254, %dma_wait3A_255] : memref<10240x128xf32, #tpu.memory_space<hbm>> -> memref<128x128xf32, #tpu.memory_space<hbm>>
        %dma_wait3A_257 = arith.constant 0 : i32
        %dma_wait3A_258 = arith.constant 0 : i32
        %dma_wait3A_259 = tpu.memref_slice %arg2[%dma_wait3A_257, %dma_wait3A_258] : memref<10240x128xf32, #tpu.memory_space<hbm>> -> memref<128x128xf32, #tpu.memory_space<hbm>>
        tpu.wait_dma2 semaphore(%arg25 : memref<!tpu.dma_semaphore, #tpu.memory_space<semaphore_mem>>) src(%dma_wait3A_259 : memref<128x128xf32, #tpu.memory_space<hbm>>) dst(%arg17 : memref<128x128xf32, #tpu.memory_space<vmem>>)
        %add3A_260 = arith.constant 2 : i32
        %add3A_261 = arith.addi %add3A_253, %add3A_260 : i32
        %min3A_262 = arith.minsi %add3A_261, %sub3A_10 : i32
        %mul3A_263 = arith.constant 128 : i32
        %mul3A_264 = arith.muli %min3A_262, %mul3A_263 : i32
        %add3A_265 = arith.addi %mul3A_9, %mul3A_264 : i32
        %dma_start3A_266 = tpu.memref_slice %arg3[%add3A_265] : memref<327680xi32, #tpu.memory_space<hbm>> -> memref<128xi32, #tpu.memory_space<hbm>>
        %dma_start3A_267 = tpu.memref_slice %arg3[%add3A_265] : memref<327680xi32, #tpu.memory_space<hbm>> -> memref<128xi32, #tpu.memory_space<hbm>>
        tpu.enqueue_dma source(%dma_start3A_267 : memref<128xi32, #tpu.memory_space<hbm>>) target(%arg11 : memref<128xi32, #tpu.memory_space<vmem>>) target_semaphore(%arg21 : memref<!tpu.dma_semaphore, #tpu.memory_space<semaphore_mem>>)
        %dma_start3A_268 = tpu.memref_slice %arg4[%add3A_265] : memref<327680xi32, #tpu.memory_space<hbm>> -> memref<128xi32, #tpu.memory_space<hbm>>
        %dma_start3A_269 = tpu.memref_slice %arg4[%add3A_265] : memref<327680xi32, #tpu.memory_space<hbm>> -> memref<128xi32, #tpu.memory_space<hbm>>
        tpu.enqueue_dma source(%dma_start3A_269 : memref<128xi32, #tpu.memory_space<hbm>>) target(%arg15 : memref<128xi32, #tpu.memory_space<vmem>>) target_semaphore(%arg21 : memref<!tpu.dma_semaphore, #tpu.memory_space<semaphore_mem>>)
        %dma_wait3A_270 = arith.constant 0 : i32
        %dma_wait3A_271 = tpu.memref_slice %arg3[%dma_wait3A_270] : memref<327680xi32, #tpu.memory_space<hbm>> -> memref<128xi32, #tpu.memory_space<hbm>>
        %dma_wait3A_272 = arith.constant 0 : i32
        %dma_wait3A_273 = tpu.memref_slice %arg3[%dma_wait3A_272] : memref<327680xi32, #tpu.memory_space<hbm>> -> memref<128xi32, #tpu.memory_space<hbm>>
        tpu.wait_dma2 semaphore(%arg19 : memref<!tpu.dma_semaphore, #tpu.memory_space<semaphore_mem>>) src(%dma_wait3A_273 : memref<128xi32, #tpu.memory_space<hbm>>) dst(%arg9 : memref<128xi32, #tpu.memory_space<vmem>>)
        %dma_wait3A_274 = arith.constant 0 : i32
        %dma_wait3A_275 = tpu.memref_slice %arg4[%dma_wait3A_274] : memref<327680xi32, #tpu.memory_space<hbm>> -> memref<128xi32, #tpu.memory_space<hbm>>
        %dma_wait3A_276 = arith.constant 0 : i32
        %dma_wait3A_277 = tpu.memref_slice %arg4[%dma_wait3A_276] : memref<327680xi32, #tpu.memory_space<hbm>> -> memref<128xi32, #tpu.memory_space<hbm>>
        tpu.wait_dma2 semaphore(%arg19 : memref<!tpu.dma_semaphore, #tpu.memory_space<semaphore_mem>>) src(%dma_wait3A_277 : memref<128xi32, #tpu.memory_space<hbm>>) dst(%arg13 : memref<128xi32, #tpu.memory_space<vmem>>)
        %dma_start3A_278 = arith.constant 0 : i32
        %dma_start3A_279 = arith.constant 0 : i32
        %dma_start3A_280 = tpu.memref_slice %arg2[%dma_start3A_278, %dma_start3A_279] : memref<10240x128xf32, #tpu.memory_space<hbm>> -> memref<10240x128xf32, #tpu.memory_space<hbm>>
        tpu.enqueue_indirect_dma source(%dma_start3A_280 : memref<10240x128xf32, #tpu.memory_space<hbm>>) target(%arg17 : memref<128x128xf32, #tpu.memory_space<vmem>>) offsets(%arg9 : memref<128xi32, #tpu.memory_space<vmem>>) semaphore(%arg23 : memref<!tpu.dma_semaphore, #tpu.memory_space<semaphore_mem>>)
        %dma_wait3A_281 = arith.constant 0 : i32
        %dma_wait3A_282 = arith.constant 0 : i32
        %dma_wait3A_283 = tpu.memref_slice %arg2[%dma_wait3A_281, %dma_wait3A_282] : memref<10240x128xf32, #tpu.memory_space<hbm>> -> memref<10240x128xf32, #tpu.memory_space<hbm>>
        tpu.wait_indirect_dma semaphore(%arg23 : memref<!tpu.dma_semaphore, #tpu.memory_space<semaphore_mem>>) src(%dma_wait3A_283 : memref<10240x128xf32, #tpu.memory_space<hbm>>) dst(%arg17 : memref<128x128xf32, #tpu.memory_space<vmem>>)
        %dma_start3A_284 = arith.constant 0 : i32
        %dma_start3A_285 = arith.constant 0 : i32
        %dma_start3A_286 = tpu.memref_slice %arg7[%dma_start3A_284, %dma_start3A_285] : memref<10240x128xf32, #tpu.memory_space<vmem_shared>> -> memref<10240x128xf32, #tpu.memory_space<vmem_shared>>
        tpu.enqueue_indirect_dma source(%arg17 : memref<128x128xf32, #tpu.memory_space<vmem>>) target(%dma_start3A_286 : memref<10240x128xf32, #tpu.memory_space<vmem_shared>>) offsets(%arg13 : memref<128xi32, #tpu.memory_space<vmem>>) semaphore(%arg25 : memref<!tpu.dma_semaphore, #tpu.memory_space<semaphore_mem>>) {add = true}
        %add3A_287 = arith.constant 2 : i32
        %add3A_288 = arith.addi %mul3A_216, %add3A_287 : i32
        %dma_wait3A_289 = arith.constant 0 : i32
        %dma_wait3A_290 = arith.constant 0 : i32
        %dma_wait3A_291 = tpu.memref_slice %arg2[%dma_wait3A_289, %dma_wait3A_290] : memref<10240x128xf32, #tpu.memory_space<hbm>> -> memref<128x128xf32, #tpu.memory_space<hbm>>
        %dma_wait3A_292 = arith.constant 0 : i32
        %dma_wait3A_293 = arith.constant 0 : i32
        %dma_wait3A_294 = tpu.memref_slice %arg2[%dma_wait3A_292, %dma_wait3A_293] : memref<10240x128xf32, #tpu.memory_space<hbm>> -> memref<128x128xf32, #tpu.memory_space<hbm>>
        tpu.wait_dma2 semaphore(%arg24 : memref<!tpu.dma_semaphore, #tpu.memory_space<semaphore_mem>>) src(%dma_wait3A_294 : memref<128x128xf32, #tpu.memory_space<hbm>>) dst(%arg16 : memref<128x128xf32, #tpu.memory_space<vmem>>)
        %add3A_295 = arith.constant 2 : i32
        %add3A_296 = arith.addi %add3A_288, %add3A_295 : i32
        %min3A_297 = arith.minsi %add3A_296, %sub3A_10 : i32
        %mul3A_298 = arith.constant 128 : i32
        %mul3A_299 = arith.muli %min3A_297, %mul3A_298 : i32
        %add3A_300 = arith.addi %mul3A_9, %mul3A_299 : i32
        %dma_start3A_301 = tpu.memref_slice %arg3[%add3A_300] : memref<327680xi32, #tpu.memory_space<hbm>> -> memref<128xi32, #tpu.memory_space<hbm>>
        %dma_start3A_302 = tpu.memref_slice %arg3[%add3A_300] : memref<327680xi32, #tpu.memory_space<hbm>> -> memref<128xi32, #tpu.memory_space<hbm>>
        tpu.enqueue_dma source(%dma_start3A_302 : memref<128xi32, #tpu.memory_space<hbm>>) target(%arg8 : memref<128xi32, #tpu.memory_space<vmem>>) target_semaphore(%arg18 : memref<!tpu.dma_semaphore, #tpu.memory_space<semaphore_mem>>)
        %dma_start3A_303 = tpu.memref_slice %arg4[%add3A_300] : memref<327680xi32, #tpu.memory_space<hbm>> -> memref<128xi32, #tpu.memory_space<hbm>>
        %dma_start3A_304 = tpu.memref_slice %arg4[%add3A_300] : memref<327680xi32, #tpu.memory_space<hbm>> -> memref<128xi32, #tpu.memory_space<hbm>>
        tpu.enqueue_dma source(%dma_start3A_304 : memref<128xi32, #tpu.memory_space<hbm>>) target(%arg12 : memref<128xi32, #tpu.memory_space<vmem>>) target_semaphore(%arg18 : memref<!tpu.dma_semaphore, #tpu.memory_space<semaphore_mem>>)
        %dma_wait3A_305 = arith.constant 0 : i32
        %dma_wait3A_306 = tpu.memref_slice %arg3[%dma_wait3A_305] : memref<327680xi32, #tpu.memory_space<hbm>> -> memref<128xi32, #tpu.memory_space<hbm>>
        %dma_wait3A_307 = arith.constant 0 : i32
        %dma_wait3A_308 = tpu.memref_slice %arg3[%dma_wait3A_307] : memref<327680xi32, #tpu.memory_space<hbm>> -> memref<128xi32, #tpu.memory_space<hbm>>
        tpu.wait_dma2 semaphore(%arg20 : memref<!tpu.dma_semaphore, #tpu.memory_space<semaphore_mem>>) src(%dma_wait3A_308 : memref<128xi32, #tpu.memory_space<hbm>>) dst(%arg10 : memref<128xi32, #tpu.memory_space<vmem>>)
        %dma_wait3A_309 = arith.constant 0 : i32
        %dma_wait3A_310 = tpu.memref_slice %arg4[%dma_wait3A_309] : memref<327680xi32, #tpu.memory_space<hbm>> -> memref<128xi32, #tpu.memory_space<hbm>>
        %dma_wait3A_311 = arith.constant 0 : i32
        %dma_wait3A_312 = tpu.memref_slice %arg4[%dma_wait3A_311] : memref<327680xi32, #tpu.memory_space<hbm>> -> memref<128xi32, #tpu.memory_space<hbm>>
        tpu.wait_dma2 semaphore(%arg20 : memref<!tpu.dma_semaphore, #tpu.memory_space<semaphore_mem>>) src(%dma_wait3A_312 : memref<128xi32, #tpu.memory_space<hbm>>) dst(%arg14 : memref<128xi32, #tpu.memory_space<vmem>>)
        %dma_start3A_313 = arith.constant 0 : i32
        %dma_start3A_314 = arith.constant 0 : i32
        %dma_start3A_315 = tpu.memref_slice %arg2[%dma_start3A_313, %dma_start3A_314] : memref<10240x128xf32, #tpu.memory_space<hbm>> -> memref<10240x128xf32, #tpu.memory_space<hbm>>
        tpu.enqueue_indirect_dma source(%dma_start3A_315 : memref<10240x128xf32, #tpu.memory_space<hbm>>) target(%arg16 : memref<128x128xf32, #tpu.memory_space<vmem>>) offsets(%arg10 : memref<128xi32, #tpu.memory_space<vmem>>) semaphore(%arg22 : memref<!tpu.dma_semaphore, #tpu.memory_space<semaphore_mem>>)
        %dma_wait3A_316 = arith.constant 0 : i32
        %dma_wait3A_317 = arith.constant 0 : i32
        %dma_wait3A_318 = tpu.memref_slice %arg2[%dma_wait3A_316, %dma_wait3A_317] : memref<10240x128xf32, #tpu.memory_space<hbm>> -> memref<10240x128xf32, #tpu.memory_space<hbm>>
        tpu.wait_indirect_dma semaphore(%arg22 : memref<!tpu.dma_semaphore, #tpu.memory_space<semaphore_mem>>) src(%dma_wait3A_318 : memref<10240x128xf32, #tpu.memory_space<hbm>>) dst(%arg16 : memref<128x128xf32, #tpu.memory_space<vmem>>)
        %dma_start3A_319 = arith.constant 0 : i32
        %dma_start3A_320 = arith.constant 0 : i32
        %dma_start3A_321 = tpu.memref_slice %arg7[%dma_start3A_319, %dma_start3A_320] : memref<10240x128xf32, #tpu.memory_space<vmem_shared>> -> memref<10240x128xf32, #tpu.memory_space<vmem_shared>>
        tpu.enqueue_indirect_dma source(%arg16 : memref<128x128xf32, #tpu.memory_space<vmem>>) target(%dma_start3A_321 : memref<10240x128xf32, #tpu.memory_space<vmem_shared>>) offsets(%arg14 : memref<128xi32, #tpu.memory_space<vmem>>) semaphore(%arg24 : memref<!tpu.dma_semaphore, #tpu.memory_space<semaphore_mem>>) {add = true}
        %add3A_322 = arith.constant 3 : i32
        %add3A_323 = arith.addi %mul3A_216, %add3A_322 : i32
        %dma_wait3A_324 = arith.constant 0 : i32
        %dma_wait3A_325 = arith.constant 0 : i32
        %dma_wait3A_326 = tpu.memref_slice %arg2[%dma_wait3A_324, %dma_wait3A_325] : memref<10240x128xf32, #tpu.memory_space<hbm>> -> memref<128x128xf32, #tpu.memory_space<hbm>>
        %dma_wait3A_327 = arith.constant 0 : i32
        %dma_wait3A_328 = arith.constant 0 : i32
        %dma_wait3A_329 = tpu.memref_slice %arg2[%dma_wait3A_327, %dma_wait3A_328] : memref<10240x128xf32, #tpu.memory_space<hbm>> -> memref<128x128xf32, #tpu.memory_space<hbm>>
        tpu.wait_dma2 semaphore(%arg25 : memref<!tpu.dma_semaphore, #tpu.memory_space<semaphore_mem>>) src(%dma_wait3A_329 : memref<128x128xf32, #tpu.memory_space<hbm>>) dst(%arg17 : memref<128x128xf32, #tpu.memory_space<vmem>>)
        %add3A_330 = arith.constant 2 : i32
        %add3A_331 = arith.addi %add3A_323, %add3A_330 : i32
        %min3A_332 = arith.minsi %add3A_331, %sub3A_10 : i32
        %mul3A_333 = arith.constant 128 : i32
        %mul3A_334 = arith.muli %min3A_332, %mul3A_333 : i32
        %add3A_335 = arith.addi %mul3A_9, %mul3A_334 : i32
        %dma_start3A_336 = tpu.memref_slice %arg3[%add3A_335] : memref<327680xi32, #tpu.memory_space<hbm>> -> memref<128xi32, #tpu.memory_space<hbm>>
        %dma_start3A_337 = tpu.memref_slice %arg3[%add3A_335] : memref<327680xi32, #tpu.memory_space<hbm>> -> memref<128xi32, #tpu.memory_space<hbm>>
        tpu.enqueue_dma source(%dma_start3A_337 : memref<128xi32, #tpu.memory_space<hbm>>) target(%arg9 : memref<128xi32, #tpu.memory_space<vmem>>) target_semaphore(%arg19 : memref<!tpu.dma_semaphore, #tpu.memory_space<semaphore_mem>>)
        %dma_start3A_338 = tpu.memref_slice %arg4[%add3A_335] : memref<327680xi32, #tpu.memory_space<hbm>> -> memref<128xi32, #tpu.memory_space<hbm>>
        %dma_start3A_339 = tpu.memref_slice %arg4[%add3A_335] : memref<327680xi32, #tpu.memory_space<hbm>> -> memref<128xi32, #tpu.memory_space<hbm>>
        tpu.enqueue_dma source(%dma_start3A_339 : memref<128xi32, #tpu.memory_space<hbm>>) target(%arg13 : memref<128xi32, #tpu.memory_space<vmem>>) target_semaphore(%arg19 : memref<!tpu.dma_semaphore, #tpu.memory_space<semaphore_mem>>)
        %dma_wait3A_340 = arith.constant 0 : i32
        %dma_wait3A_341 = tpu.memref_slice %arg3[%dma_wait3A_340] : memref<327680xi32, #tpu.memory_space<hbm>> -> memref<128xi32, #tpu.memory_space<hbm>>
        %dma_wait3A_342 = arith.constant 0 : i32
        %dma_wait3A_343 = tpu.memref_slice %arg3[%dma_wait3A_342] : memref<327680xi32, #tpu.memory_space<hbm>> -> memref<128xi32, #tpu.memory_space<hbm>>
        tpu.wait_dma2 semaphore(%arg21 : memref<!tpu.dma_semaphore, #tpu.memory_space<semaphore_mem>>) src(%dma_wait3A_343 : memref<128xi32, #tpu.memory_space<hbm>>) dst(%arg11 : memref<128xi32, #tpu.memory_space<vmem>>)
        %dma_wait3A_344 = arith.constant 0 : i32
        %dma_wait3A_345 = tpu.memref_slice %arg4[%dma_wait3A_344] : memref<327680xi32, #tpu.memory_space<hbm>> -> memref<128xi32, #tpu.memory_space<hbm>>
        %dma_wait3A_346 = arith.constant 0 : i32
        %dma_wait3A_347 = tpu.memref_slice %arg4[%dma_wait3A_346] : memref<327680xi32, #tpu.memory_space<hbm>> -> memref<128xi32, #tpu.memory_space<hbm>>
        tpu.wait_dma2 semaphore(%arg21 : memref<!tpu.dma_semaphore, #tpu.memory_space<semaphore_mem>>) src(%dma_wait3A_347 : memref<128xi32, #tpu.memory_space<hbm>>) dst(%arg15 : memref<128xi32, #tpu.memory_space<vmem>>)
        %dma_start3A_348 = arith.constant 0 : i32
        %dma_start3A_349 = arith.constant 0 : i32
        %dma_start3A_350 = tpu.memref_slice %arg2[%dma_start3A_348, %dma_start3A_349] : memref<10240x128xf32, #tpu.memory_space<hbm>> -> memref<10240x128xf32, #tpu.memory_space<hbm>>
        tpu.enqueue_indirect_dma source(%dma_start3A_350 : memref<10240x128xf32, #tpu.memory_space<hbm>>) target(%arg17 : memref<128x128xf32, #tpu.memory_space<vmem>>) offsets(%arg11 : memref<128xi32, #tpu.memory_space<vmem>>) semaphore(%arg23 : memref<!tpu.dma_semaphore, #tpu.memory_space<semaphore_mem>>)
        %dma_wait3A_351 = arith.constant 0 : i32
        %dma_wait3A_352 = arith.constant 0 : i32
        %dma_wait3A_353 = tpu.memref_slice %arg2[%dma_wait3A_351, %dma_wait3A_352] : memref<10240x128xf32, #tpu.memory_space<hbm>> -> memref<10240x128xf32, #tpu.memory_space<hbm>>
        tpu.wait_indirect_dma semaphore(%arg23 : memref<!tpu.dma_semaphore, #tpu.memory_space<semaphore_mem>>) src(%dma_wait3A_353 : memref<10240x128xf32, #tpu.memory_space<hbm>>) dst(%arg17 : memref<128x128xf32, #tpu.memory_space<vmem>>)
        %dma_start3A_354 = arith.constant 0 : i32
        %dma_start3A_355 = arith.constant 0 : i32
        %dma_start3A_356 = tpu.memref_slice %arg7[%dma_start3A_354, %dma_start3A_355] : memref<10240x128xf32, #tpu.memory_space<vmem_shared>> -> memref<10240x128xf32, #tpu.memory_space<vmem_shared>>
        tpu.enqueue_indirect_dma source(%arg17 : memref<128x128xf32, #tpu.memory_space<vmem>>) target(%dma_start3A_356 : memref<10240x128xf32, #tpu.memory_space<vmem_shared>>) offsets(%arg15 : memref<128xi32, #tpu.memory_space<vmem>>) semaphore(%arg25 : memref<!tpu.dma_semaphore, #tpu.memory_space<semaphore_mem>>) {add = true}
      }
      %dma_wait3A_186 = arith.constant 0 : i32
      %dma_wait3A_187 = arith.constant 0 : i32
      %dma_wait3A_188 = tpu.memref_slice %arg2[%dma_wait3A_186, %dma_wait3A_187] : memref<10240x128xf32, #tpu.memory_space<hbm>> -> memref<128x128xf32, #tpu.memory_space<hbm>>
      %dma_wait3A_189 = arith.constant 0 : i32
      %dma_wait3A_190 = arith.constant 0 : i32
      %dma_wait3A_191 = tpu.memref_slice %arg2[%dma_wait3A_189, %dma_wait3A_190] : memref<10240x128xf32, #tpu.memory_space<hbm>> -> memref<128x128xf32, #tpu.memory_space<hbm>>
      tpu.wait_dma2 semaphore(%arg24 : memref<!tpu.dma_semaphore, #tpu.memory_space<semaphore_mem>>) src(%dma_wait3A_191 : memref<128x128xf32, #tpu.memory_space<hbm>>) dst(%arg16 : memref<128x128xf32, #tpu.memory_space<vmem>>)
      %dma_wait3A_192 = arith.constant 0 : i32
      %dma_wait3A_193 = arith.constant 0 : i32
      %dma_wait3A_194 = tpu.memref_slice %arg2[%dma_wait3A_192, %dma_wait3A_193] : memref<10240x128xf32, #tpu.memory_space<hbm>> -> memref<128x128xf32, #tpu.memory_space<hbm>>
      %dma_wait3A_195 = arith.constant 0 : i32
      %dma_wait3A_196 = arith.constant 0 : i32
      %dma_wait3A_197 = tpu.memref_slice %arg2[%dma_wait3A_195, %dma_wait3A_196] : memref<10240x128xf32, #tpu.memory_space<hbm>> -> memref<128x128xf32, #tpu.memory_space<hbm>>
      tpu.wait_dma2 semaphore(%arg25 : memref<!tpu.dma_semaphore, #tpu.memory_space<semaphore_mem>>) src(%dma_wait3A_197 : memref<128x128xf32, #tpu.memory_space<hbm>>) dst(%arg17 : memref<128x128xf32, #tpu.memory_space<vmem>>)
      %dma_wait3A_198 = arith.constant 0 : i32
      %dma_wait3A_199 = tpu.memref_slice %arg3[%dma_wait3A_198] : memref<327680xi32, #tpu.memory_space<hbm>> -> memref<128xi32, #tpu.memory_space<hbm>>
      %dma_wait3A_200 = arith.constant 0 : i32
      %dma_wait3A_201 = tpu.memref_slice %arg3[%dma_wait3A_200] : memref<327680xi32, #tpu.memory_space<hbm>> -> memref<128xi32, #tpu.memory_space<hbm>>
      tpu.wait_dma2 semaphore(%arg18 : memref<!tpu.dma_semaphore, #tpu.memory_space<semaphore_mem>>) src(%dma_wait3A_201 : memref<128xi32, #tpu.memory_space<hbm>>) dst(%arg8 : memref<128xi32, #tpu.memory_space<vmem>>)
      %dma_wait3A_202 = arith.constant 0 : i32
      %dma_wait3A_203 = tpu.memref_slice %arg4[%dma_wait3A_202] : memref<327680xi32, #tpu.memory_space<hbm>> -> memref<128xi32, #tpu.memory_space<hbm>>
      %dma_wait3A_204 = arith.constant 0 : i32
      %dma_wait3A_205 = tpu.memref_slice %arg4[%dma_wait3A_204] : memref<327680xi32, #tpu.memory_space<hbm>> -> memref<128xi32, #tpu.memory_space<hbm>>
      tpu.wait_dma2 semaphore(%arg18 : memref<!tpu.dma_semaphore, #tpu.memory_space<semaphore_mem>>) src(%dma_wait3A_205 : memref<128xi32, #tpu.memory_space<hbm>>) dst(%arg12 : memref<128xi32, #tpu.memory_space<vmem>>)
      %dma_wait3A_206 = arith.constant 0 : i32
      %dma_wait3A_207 = tpu.memref_slice %arg3[%dma_wait3A_206] : memref<327680xi32, #tpu.memory_space<hbm>> -> memref<128xi32, #tpu.memory_space<hbm>>
      %dma_wait3A_208 = arith.constant 0 : i32
      %dma_wait3A_209 = tpu.memref_slice %arg3[%dma_wait3A_208] : memref<327680xi32, #tpu.memory_space<hbm>> -> memref<128xi32, #tpu.memory_space<hbm>>
      tpu.wait_dma2 semaphore(%arg19 : memref<!tpu.dma_semaphore, #tpu.memory_space<semaphore_mem>>) src(%dma_wait3A_209 : memref<128xi32, #tpu.memory_space<hbm>>) dst(%arg9 : memref<128xi32, #tpu.memory_space<vmem>>)
      %dma_wait3A_210 = arith.constant 0 : i32
      %dma_wait3A_211 = tpu.memref_slice %arg4[%dma_wait3A_210] : memref<327680xi32, #tpu.memory_space<hbm>> -> memref<128xi32, #tpu.memory_space<hbm>>
      %dma_wait3A_212 = arith.constant 0 : i32
      %dma_wait3A_213 = tpu.memref_slice %arg4[%dma_wait3A_212] : memref<327680xi32, #tpu.memory_space<hbm>> -> memref<128xi32, #tpu.memory_space<hbm>>
      tpu.wait_dma2 semaphore(%arg19 : memref<!tpu.dma_semaphore, #tpu.memory_space<semaphore_mem>>) src(%dma_wait3A_213 : memref<128xi32, #tpu.memory_space<hbm>>) dst(%arg13 : memref<128xi32, #tpu.memory_space<vmem>>)
    } else {
    }
    %barrier3A_13 = arith.constant 0 : index
    tpu.barrier barrier_id(%barrier3A_13)
    %mul3A_14 = arith.constant 640 : i32
    %mul3A_15 = arith.muli %arg1, %mul3A_14 : i32
    %mul3A_16 = arith.constant 10240 : i32
    %mul3A_17 = arith.muli %arg0, %mul3A_16 : i32
    %mul3A_18 = arith.constant 640 : i32
    %mul3A_19 = arith.muli %arg1, %mul3A_18 : i32
    %add3A_20 = arith.addi %mul3A_17, %mul3A_19 : i32
    "tpu.region"() ({
      %run_scoped3A = tpu.sem_alloc : memref<!tpu.dma_semaphore, #tpu.memory_space<semaphore_mem>>
      %dma_start3A = arith.constant 0 : i32
      %dma_start3A_21 = tpu.memref_slice %arg6[%add3A_20, %dma_start3A] : memref<20480x128xf32, #tpu.memory_space<hbm>> -> memref<640x128xf32, #tpu.memory_space<hbm>>
      %dma_start3A_22 = arith.constant 0 : i32
      %dma_start3A_23 = tpu.memref_slice %arg7[%mul3A_15, %dma_start3A_22] : memref<10240x128xf32, #tpu.memory_space<vmem_shared>> -> memref<640x128xf32, #tpu.memory_space<vmem_shared>>
      tpu.enqueue_dma source(%dma_start3A_23 : memref<640x128xf32, #tpu.memory_space<vmem_shared>>) target(%dma_start3A_21 : memref<640x128xf32, #tpu.memory_space<hbm>>) target_semaphore(%run_scoped3A : memref<!tpu.dma_semaphore, #tpu.memory_space<semaphore_mem>>)
      %dma_wait3A = arith.constant 0 : i32
      %dma_wait3A_24 = tpu.memref_slice %arg6[%add3A_20, %dma_wait3A] : memref<20480x128xf32, #tpu.memory_space<hbm>> -> memref<640x128xf32, #tpu.memory_space<hbm>>
      %dma_wait3A_25 = arith.constant 0 : i32
      %dma_wait3A_26 = tpu.memref_slice %arg7[%mul3A_15, %dma_wait3A_25] : memref<10240x128xf32, #tpu.memory_space<vmem_shared>> -> memref<640x128xf32, #tpu.memory_space<vmem_shared>>
      tpu.wait_dma2 semaphore(%run_scoped3A : memref<!tpu.dma_semaphore, #tpu.memory_space<semaphore_mem>>) src(%dma_wait3A_26 : memref<640x128xf32, #tpu.memory_space<vmem_shared>>) dst(%dma_wait3A_24 : memref<640x128xf32, #tpu.memory_space<hbm>>)
      tpu.yield
    }) : () -> ()
    return
  }
}

#map = affine_map<(d0, d1) -> (0, 0)>
#map1 = affine_map<(d0, d1) -> (0)>
module attributes {stable_mosaic.version = 14 : i64} {
  func.func @agg_kernel(%arg0: i32, %arg1: i32, %arg2: memref<10240x128xf32, #tpu.memory_space<hbm>>, %arg3: memref<327680xi32, #tpu.memory_space<hbm>>, %arg4: memref<327680xi32, #tpu.memory_space<hbm>>, %arg5: memref<640x128xf32, #tpu.memory_space<hbm>>, %arg6: memref<20480x128xf32, #tpu.memory_space<hbm>>, %arg7: memref<10240x128xf32, #tpu.memory_space<vmem_shared>>, %arg8: memref<128xi32, #tpu.memory_space<vmem>>, %arg9: memref<128xi32, #tpu.memory_space<vmem>>, %arg10: memref<128xi32, #tpu.memory_space<vmem>>, %arg11: memref<128xi32, #tpu.memory_space<vmem>>, %arg12: memref<128xi32, #tpu.memory_space<vmem>>, %arg13: memref<128xi32, #tpu.memory_space<vmem>>, %arg14: memref<128xi32, #tpu.memory_space<vmem>>, %arg15: memref<128xi32, #tpu.memory_space<vmem>>, %arg16: memref<128x128xf32, #tpu.memory_space<vmem>>, %arg17: memref<128x128xf32, #tpu.memory_space<vmem>>, %arg18: memref<!tpu.dma_semaphore, #tpu.memory_space<semaphore_mem>>, %arg19: memref<!tpu.dma_semaphore, #tpu.memory_space<semaphore_mem>>, %arg20: memref<!tpu.dma_semaphore, #tpu.memory_space<semaphore_mem>>, %arg21: memref<!tpu.dma_semaphore, #tpu.memory_space<semaphore_mem>>, %arg22: memref<!tpu.dma_semaphore, #tpu.memory_space<semaphore_mem>>, %arg23: memref<!tpu.dma_semaphore, #tpu.memory_space<semaphore_mem>>, %arg24: memref<!tpu.dma_semaphore, #tpu.memory_space<semaphore_mem>>, %arg25: memref<!tpu.dma_semaphore, #tpu.memory_space<semaphore_mem>>) attributes {dimension_semantics = [#tpu.dimension_semantics<core_parallel>, #tpu.dimension_semantics<subcore_parallel>], iteration_bounds = array<i64: 2, 16>, scalar_prefetch = 0 : i64, scratch_operands = 19 : i64, tpu.core_type = #tpu.core_type<sc_vector_subcore>, window_params = [{transform_indices = #map}, {transform_indices = #map1}, {transform_indices = #map1}, {transform_indices = #map}, {transform_indices = #map}]} {
    %mul3A = arith.constant 640 : i32
    %mul3A_0 = arith.muli %arg1, %mul3A : i32
    "tpu.region"() ({
      %run_scoped3A = tpu.sem_alloc : memref<!tpu.dma_semaphore, #tpu.memory_space<semaphore_mem>>
      %dma_start3A = arith.constant 0 : i32
      %dma_start3A_21 = tpu.memref_slice %arg7[%mul3A_0, %dma_start3A] : memref<10240x128xf32, #tpu.memory_space<vmem_shared>> -> memref<640x128xf32, #tpu.memory_space<vmem_shared>>
      tpu.enqueue_dma source(%arg5 : memref<640x128xf32, #tpu.memory_space<hbm>>) target(%dma_start3A_21 : memref<640x128xf32, #tpu.memory_space<vmem_shared>>) target_semaphore(%run_scoped3A : memref<!tpu.dma_semaphore, #tpu.memory_space<semaphore_mem>>)
      %dma_wait3A = arith.constant 0 : i32
      %dma_wait3A_22 = tpu.memref_slice %arg7[%mul3A_0, %dma_wait3A] : memref<10240x128xf32, #tpu.memory_space<vmem_shared>> -> memref<640x128xf32, #tpu.memory_space<vmem_shared>>
      tpu.wait_dma2 semaphore(%run_scoped3A : memref<!tpu.dma_semaphore, #tpu.memory_space<semaphore_mem>>) src(%arg5 : memref<640x128xf32, #tpu.memory_space<hbm>>) dst(%dma_wait3A_22 : memref<640x128xf32, #tpu.memory_space<vmem_shared>>)
      tpu.yield
    }) : () -> ()
    %barrier3A = arith.constant 0 : index
    tpu.barrier barrier_id(%barrier3A)
    %eq3A = arith.constant 0 : i32
    %eq3A_1 = arith.cmpi eq, %arg0, %eq3A : i32
    %jit3A = arith.constant 152 : i32
    %jit3A_2 = arith.constant 8 : i32
    %select_n3A = arith.select %eq3A_1, %jit3A, %jit3A_2 : i32
    %mul3A_3 = arith.constant 16 : i32
    %mul3A_4 = arith.muli %arg0, %mul3A_3 : i32
    %mul3A_5 = arith.constant 152 : i32
    %mul3A_6 = arith.muli %mul3A_4, %mul3A_5 : i32
    %mul3A_7 = arith.muli %arg1, %select_n3A : i32
    %add3A = arith.addi %mul3A_6, %mul3A_7 : i32
    %mul3A_8 = arith.constant 128 : i32
    %mul3A_9 = arith.muli %add3A, %mul3A_8 : i32
    %sub3A = arith.constant 1 : i32
    %sub3A_10 = arith.subi %select_n3A, %sub3A : i32
    %gt3A = arith.constant 0 : i32
    %gt3A_11 = arith.cmpi sgt, %select_n3A, %gt3A : i32
    %convert_element_type3A = arith.extui %gt3A_11 : i1 to i32
    %cond3A = arith.constant 0 : i32
    %cond3A_12 = arith.cmpi ne, %convert_element_type3A, %cond3A : i32
    scf.if %cond3A_12 {
      %mul3A_21 = arith.constant 0 : i32
      %mul3A_22 = arith.constant 128 : i32
      %mul3A_23 = arith.muli %mul3A_21, %mul3A_22 : i32
      %add3A_24 = arith.addi %mul3A_9, %mul3A_23 : i32
      %dma_start3A = tpu.memref_slice %arg3[%add3A_24] : memref<327680xi32, #tpu.memory_space<hbm>> -> memref<128xi32, #tpu.memory_space<hbm>>
      %dma_start3A_25 = tpu.memref_slice %arg3[%add3A_24] : memref<327680xi32, #tpu.memory_space<hbm>> -> memref<128xi32, #tpu.memory_space<hbm>>
      tpu.enqueue_dma source(%dma_start3A_25 : memref<128xi32, #tpu.memory_space<hbm>>) target(%arg8 : memref<128xi32, #tpu.memory_space<vmem>>) target_semaphore(%arg18 : memref<!tpu.dma_semaphore, #tpu.memory_space<semaphore_mem>>)
      %dma_start3A_26 = tpu.memref_slice %arg4[%add3A_24] : memref<327680xi32, #tpu.memory_space<hbm>> -> memref<128xi32, #tpu.memory_space<hbm>>
      %dma_start3A_27 = tpu.memref_slice %arg4[%add3A_24] : memref<327680xi32, #tpu.memory_space<hbm>> -> memref<128xi32, #tpu.memory_space<hbm>>
      tpu.enqueue_dma source(%dma_start3A_27 : memref<128xi32, #tpu.memory_space<hbm>>) target(%arg12 : memref<128xi32, #tpu.memory_space<vmem>>) target_semaphore(%arg18 : memref<!tpu.dma_semaphore, #tpu.memory_space<semaphore_mem>>)
      %mul3A_28 = arith.constant 1 : i32
      %mul3A_29 = arith.constant 128 : i32
      %mul3A_30 = arith.muli %mul3A_28, %mul3A_29 : i32
      %add3A_31 = arith.addi %mul3A_9, %mul3A_30 : i32
      %dma_start3A_32 = tpu.memref_slice %arg3[%add3A_31] : memref<327680xi32, #tpu.memory_space<hbm>> -> memref<128xi32, #tpu.memory_space<hbm>>
      %dma_start3A_33 = tpu.memref_slice %arg3[%add3A_31] : memref<327680xi32, #tpu.memory_space<hbm>> -> memref<128xi32, #tpu.memory_space<hbm>>
      tpu.enqueue_dma source(%dma_start3A_33 : memref<128xi32, #tpu.memory_space<hbm>>) target(%arg9 : memref<128xi32, #tpu.memory_space<vmem>>) target_semaphore(%arg19 : memref<!tpu.dma_semaphore, #tpu.memory_space<semaphore_mem>>)
      %dma_start3A_34 = tpu.memref_slice %arg4[%add3A_31] : memref<327680xi32, #tpu.memory_space<hbm>> -> memref<128xi32, #tpu.memory_space<hbm>>
      %dma_start3A_35 = tpu.memref_slice %arg4[%add3A_31] : memref<327680xi32, #tpu.memory_space<hbm>> -> memref<128xi32, #tpu.memory_space<hbm>>
      tpu.enqueue_dma source(%dma_start3A_35 : memref<128xi32, #tpu.memory_space<hbm>>) target(%arg13 : memref<128xi32, #tpu.memory_space<vmem>>) target_semaphore(%arg19 : memref<!tpu.dma_semaphore, #tpu.memory_space<semaphore_mem>>)
      %add3A_36 = arith.constant 0 : i32
      %add3A_37 = arith.constant 2 : i32
      %add3A_38 = arith.addi %add3A_36, %add3A_37 : i32
      %min3A = arith.minsi %add3A_38, %sub3A_10 : i32
      %mul3A_39 = arith.constant 128 : i32
      %mul3A_40 = arith.muli %min3A, %mul3A_39 : i32
      %add3A_41 = arith.addi %mul3A_9, %mul3A_40 : i32
      %dma_start3A_42 = tpu.memref_slice %arg3[%add3A_41] : memref<327680xi32, #tpu.memory_space<hbm>> -> memref<128xi32, #tpu.memory_space<hbm>>
      %dma_start3A_43 = tpu.memref_slice %arg3[%add3A_41] : memref<327680xi32, #tpu.memory_space<hbm>> -> memref<128xi32, #tpu.memory_space<hbm>>
      tpu.enqueue_dma source(%dma_start3A_43 : memref<128xi32, #tpu.memory_space<hbm>>) target(%arg10 : memref<128xi32, #tpu.memory_space<vmem>>) target_semaphore(%arg20 : memref<!tpu.dma_semaphore, #tpu.memory_space<semaphore_mem>>)
      %dma_start3A_44 = tpu.memref_slice %arg4[%add3A_41] : memref<327680xi32, #tpu.memory_space<hbm>> -> memref<128xi32, #tpu.memory_space<hbm>>
      %dma_start3A_45 = tpu.memref_slice %arg4[%add3A_41] : memref<327680xi32, #tpu.memory_space<hbm>> -> memref<128xi32, #tpu.memory_space<hbm>>
      tpu.enqueue_dma source(%dma_start3A_45 : memref<128xi32, #tpu.memory_space<hbm>>) target(%arg14 : memref<128xi32, #tpu.memory_space<vmem>>) target_semaphore(%arg20 : memref<!tpu.dma_semaphore, #tpu.memory_space<semaphore_mem>>)
      %dma_wait3A = arith.constant 0 : i32
      %dma_wait3A_46 = tpu.memref_slice %arg3[%dma_wait3A] : memref<327680xi32, #tpu.memory_space<hbm>> -> memref<128xi32, #tpu.memory_space<hbm>>
      %dma_wait3A_47 = arith.constant 0 : i32
      %dma_wait3A_48 = tpu.memref_slice %arg3[%dma_wait3A_47] : memref<327680xi32, #tpu.memory_space<hbm>> -> memref<128xi32, #tpu.memory_space<hbm>>
      tpu.wait_dma2 semaphore(%arg18 : memref<!tpu.dma_semaphore, #tpu.memory_space<semaphore_mem>>) src(%dma_wait3A_48 : memref<128xi32, #tpu.memory_space<hbm>>) dst(%arg8 : memref<128xi32, #tpu.memory_space<vmem>>)
      %dma_wait3A_49 = arith.constant 0 : i32
      %dma_wait3A_50 = tpu.memref_slice %arg4[%dma_wait3A_49] : memref<327680xi32, #tpu.memory_space<hbm>> -> memref<128xi32, #tpu.memory_space<hbm>>
      %dma_wait3A_51 = arith.constant 0 : i32
      %dma_wait3A_52 = tpu.memref_slice %arg4[%dma_wait3A_51] : memref<327680xi32, #tpu.memory_space<hbm>> -> memref<128xi32, #tpu.memory_space<hbm>>
      tpu.wait_dma2 semaphore(%arg18 : memref<!tpu.dma_semaphore, #tpu.memory_space<semaphore_mem>>) src(%dma_wait3A_52 : memref<128xi32, #tpu.memory_space<hbm>>) dst(%arg12 : memref<128xi32, #tpu.memory_space<vmem>>)
      %dma_start3A_53 = arith.constant 0 : i32
      %dma_start3A_54 = arith.constant 0 : i32
      %dma_start3A_55 = tpu.memref_slice %arg2[%dma_start3A_53, %dma_start3A_54] : memref<10240x128xf32, #tpu.memory_space<hbm>> -> memref<10240x128xf32, #tpu.memory_space<hbm>>
      tpu.enqueue_indirect_dma source(%dma_start3A_55 : memref<10240x128xf32, #tpu.memory_space<hbm>>) target(%arg16 : memref<128x128xf32, #tpu.memory_space<vmem>>) offsets(%arg8 : memref<128xi32, #tpu.memory_space<vmem>>) semaphore(%arg22 : memref<!tpu.dma_semaphore, #tpu.memory_space<semaphore_mem>>)
      %dma_wait3A_56 = arith.constant 0 : i32
      %dma_wait3A_57 = arith.constant 0 : i32
      %dma_wait3A_58 = tpu.memref_slice %arg2[%dma_wait3A_56, %dma_wait3A_57] : memref<10240x128xf32, #tpu.memory_space<hbm>> -> memref<10240x128xf32, #tpu.memory_space<hbm>>
      tpu.wait_indirect_dma semaphore(%arg22 : memref<!tpu.dma_semaphore, #tpu.memory_space<semaphore_mem>>) src(%dma_wait3A_58 : memref<10240x128xf32, #tpu.memory_space<hbm>>) dst(%arg16 : memref<128x128xf32, #tpu.memory_space<vmem>>)
      %dma_start3A_59 = arith.constant 0 : i32
      %dma_start3A_60 = arith.constant 0 : i32
      %dma_start3A_61 = tpu.memref_slice %arg7[%dma_start3A_59, %dma_start3A_60] : memref<10240x128xf32, #tpu.memory_space<vmem_shared>> -> memref<10240x128xf32, #tpu.memory_space<vmem_shared>>
      tpu.enqueue_indirect_dma source(%arg16 : memref<128x128xf32, #tpu.memory_space<vmem>>) target(%dma_start3A_61 : memref<10240x128xf32, #tpu.memory_space<vmem_shared>>) offsets(%arg12 : memref<128xi32, #tpu.memory_space<vmem>>) semaphore(%arg24 : memref<!tpu.dma_semaphore, #tpu.memory_space<semaphore_mem>>) {add = true}
      %add3A_62 = arith.constant 1 : i32
      %add3A_63 = arith.constant 2 : i32
      %add3A_64 = arith.addi %add3A_62, %add3A_63 : i32
      %min3A_65 = arith.minsi %add3A_64, %sub3A_10 : i32
      %mul3A_66 = arith.constant 128 : i32
      %mul3A_67 = arith.muli %min3A_65, %mul3A_66 : i32
      %add3A_68 = arith.addi %mul3A_9, %mul3A_67 : i32
      %dma_start3A_69 = tpu.memref_slice %arg3[%add3A_68] : memref<327680xi32, #tpu.memory_space<hbm>> -> memref<128xi32, #tpu.memory_space<hbm>>
      %dma_start3A_70 = tpu.memref_slice %arg3[%add3A_68] : memref<327680xi32, #tpu.memory_space<hbm>> -> memref<128xi32, #tpu.memory_space<hbm>>
      tpu.enqueue_dma source(%dma_start3A_70 : memref<128xi32, #tpu.memory_space<hbm>>) target(%arg11 : memref<128xi32, #tpu.memory_space<vmem>>) target_semaphore(%arg21 : memref<!tpu.dma_semaphore, #tpu.memory_space<semaphore_mem>>)
      %dma_start3A_71 = tpu.memref_slice %arg4[%add3A_68] : memref<327680xi32, #tpu.memory_space<hbm>> -> memref<128xi32, #tpu.memory_space<hbm>>
      %dma_start3A_72 = tpu.memref_slice %arg4[%add3A_68] : memref<327680xi32, #tpu.memory_space<hbm>> -> memref<128xi32, #tpu.memory_space<hbm>>
      tpu.enqueue_dma source(%dma_start3A_72 : memref<128xi32, #tpu.memory_space<hbm>>) target(%arg15 : memref<128xi32, #tpu.memory_space<vmem>>) target_semaphore(%arg21 : memref<!tpu.dma_semaphore, #tpu.memory_space<semaphore_mem>>)
      %dma_wait3A_73 = arith.constant 0 : i32
      %dma_wait3A_74 = tpu.memref_slice %arg3[%dma_wait3A_73] : memref<327680xi32, #tpu.memory_space<hbm>> -> memref<128xi32, #tpu.memory_space<hbm>>
      %dma_wait3A_75 = arith.constant 0 : i32
      %dma_wait3A_76 = tpu.memref_slice %arg3[%dma_wait3A_75] : memref<327680xi32, #tpu.memory_space<hbm>> -> memref<128xi32, #tpu.memory_space<hbm>>
      tpu.wait_dma2 semaphore(%arg19 : memref<!tpu.dma_semaphore, #tpu.memory_space<semaphore_mem>>) src(%dma_wait3A_76 : memref<128xi32, #tpu.memory_space<hbm>>) dst(%arg9 : memref<128xi32, #tpu.memory_space<vmem>>)
      %dma_wait3A_77 = arith.constant 0 : i32
      %dma_wait3A_78 = tpu.memref_slice %arg4[%dma_wait3A_77] : memref<327680xi32, #tpu.memory_space<hbm>> -> memref<128xi32, #tpu.memory_space<hbm>>
      %dma_wait3A_79 = arith.constant 0 : i32
      %dma_wait3A_80 = tpu.memref_slice %arg4[%dma_wait3A_79] : memref<327680xi32, #tpu.memory_space<hbm>> -> memref<128xi32, #tpu.memory_space<hbm>>
      tpu.wait_dma2 semaphore(%arg19 : memref<!tpu.dma_semaphore, #tpu.memory_space<semaphore_mem>>) src(%dma_wait3A_80 : memref<128xi32, #tpu.memory_space<hbm>>) dst(%arg13 : memref<128xi32, #tpu.memory_space<vmem>>)
      %dma_start3A_81 = arith.constant 0 : i32
      %dma_start3A_82 = arith.constant 0 : i32
      %dma_start3A_83 = tpu.memref_slice %arg2[%dma_start3A_81, %dma_start3A_82] : memref<10240x128xf32, #tpu.memory_space<hbm>> -> memref<10240x128xf32, #tpu.memory_space<hbm>>
      tpu.enqueue_indirect_dma source(%dma_start3A_83 : memref<10240x128xf32, #tpu.memory_space<hbm>>) target(%arg17 : memref<128x128xf32, #tpu.memory_space<vmem>>) offsets(%arg9 : memref<128xi32, #tpu.memory_space<vmem>>) semaphore(%arg23 : memref<!tpu.dma_semaphore, #tpu.memory_space<semaphore_mem>>)
      %dma_wait3A_84 = arith.constant 0 : i32
      %dma_wait3A_85 = arith.constant 0 : i32
      %dma_wait3A_86 = tpu.memref_slice %arg2[%dma_wait3A_84, %dma_wait3A_85] : memref<10240x128xf32, #tpu.memory_space<hbm>> -> memref<10240x128xf32, #tpu.memory_space<hbm>>
      tpu.wait_indirect_dma semaphore(%arg23 : memref<!tpu.dma_semaphore, #tpu.memory_space<semaphore_mem>>) src(%dma_wait3A_86 : memref<10240x128xf32, #tpu.memory_space<hbm>>) dst(%arg17 : memref<128x128xf32, #tpu.memory_space<vmem>>)
      %dma_start3A_87 = arith.constant 0 : i32
      %dma_start3A_88 = arith.constant 0 : i32
      %dma_start3A_89 = tpu.memref_slice %arg7[%dma_start3A_87, %dma_start3A_88] : memref<10240x128xf32, #tpu.memory_space<vmem_shared>> -> memref<10240x128xf32, #tpu.memory_space<vmem_shared>>
      tpu.enqueue_indirect_dma source(%arg17 : memref<128x128xf32, #tpu.memory_space<vmem>>) target(%dma_start3A_89 : memref<10240x128xf32, #tpu.memory_space<vmem_shared>>) offsets(%arg13 : memref<128xi32, #tpu.memory_space<vmem>>) semaphore(%arg25 : memref<!tpu.dma_semaphore, #tpu.memory_space<semaphore_mem>>) {add = true}
      %dma_wait3A_90 = arith.constant 0 : i32
      %dma_wait3A_91 = arith.constant 0 : i32
      %dma_wait3A_92 = tpu.memref_slice %arg2[%dma_wait3A_90, %dma_wait3A_91] : memref<10240x128xf32, #tpu.memory_space<hbm>> -> memref<128x128xf32, #tpu.memory_space<hbm>>
      %dma_wait3A_93 = arith.constant 0 : i32
      %dma_wait3A_94 = arith.constant 0 : i32
      %dma_wait3A_95 = tpu.memref_slice %arg2[%dma_wait3A_93, %dma_wait3A_94] : memref<10240x128xf32, #tpu.memory_space<hbm>> -> memref<128x128xf32, #tpu.memory_space<hbm>>
      tpu.wait_dma2 semaphore(%arg24 : memref<!tpu.dma_semaphore, #tpu.memory_space<semaphore_mem>>) src(%dma_wait3A_95 : memref<128x128xf32, #tpu.memory_space<hbm>>) dst(%arg16 : memref<128x128xf32, #tpu.memory_space<vmem>>)
      %add3A_96 = arith.constant 2 : i32
      %add3A_97 = arith.constant 2 : i32
      %add3A_98 = arith.addi %add3A_96, %add3A_97 : i32
      %min3A_99 = arith.minsi %add3A_98, %sub3A_10 : i32
      %mul3A_100 = arith.constant 128 : i32
      %mul3A_101 = arith.muli %min3A_99, %mul3A_100 : i32
      %add3A_102 = arith.addi %mul3A_9, %mul3A_101 : i32
      %dma_start3A_103 = tpu.memref_slice %arg3[%add3A_102] : memref<327680xi32, #tpu.memory_space<hbm>> -> memref<128xi32, #tpu.memory_space<hbm>>
      %dma_start3A_104 = tpu.memref_slice %arg3[%add3A_102] : memref<327680xi32, #tpu.memory_space<hbm>> -> memref<128xi32, #tpu.memory_space<hbm>>
      tpu.enqueue_dma source(%dma_start3A_104 : memref<128xi32, #tpu.memory_space<hbm>>) target(%arg8 : memref<128xi32, #tpu.memory_space<vmem>>) target_semaphore(%arg18 : memref<!tpu.dma_semaphore, #tpu.memory_space<semaphore_mem>>)
      %dma_start3A_105 = tpu.memref_slice %arg4[%add3A_102] : memref<327680xi32, #tpu.memory_space<hbm>> -> memref<128xi32, #tpu.memory_space<hbm>>
      %dma_start3A_106 = tpu.memref_slice %arg4[%add3A_102] : memref<327680xi32, #tpu.memory_space<hbm>> -> memref<128xi32, #tpu.memory_space<hbm>>
      tpu.enqueue_dma source(%dma_start3A_106 : memref<128xi32, #tpu.memory_space<hbm>>) target(%arg12 : memref<128xi32, #tpu.memory_space<vmem>>) target_semaphore(%arg18 : memref<!tpu.dma_semaphore, #tpu.memory_space<semaphore_mem>>)
      %dma_wait3A_107 = arith.constant 0 : i32
      %dma_wait3A_108 = tpu.memref_slice %arg3[%dma_wait3A_107] : memref<327680xi32, #tpu.memory_space<hbm>> -> memref<128xi32, #tpu.memory_space<hbm>>
      %dma_wait3A_109 = arith.constant 0 : i32
      %dma_wait3A_110 = tpu.memref_slice %arg3[%dma_wait3A_109] : memref<327680xi32, #tpu.memory_space<hbm>> -> memref<128xi32, #tpu.memory_space<hbm>>
      tpu.wait_dma2 semaphore(%arg20 : memref<!tpu.dma_semaphore, #tpu.memory_space<semaphore_mem>>) src(%dma_wait3A_110 : memref<128xi32, #tpu.memory_space<hbm>>) dst(%arg10 : memref<128xi32, #tpu.memory_space<vmem>>)
      %dma_wait3A_111 = arith.constant 0 : i32
      %dma_wait3A_112 = tpu.memref_slice %arg4[%dma_wait3A_111] : memref<327680xi32, #tpu.memory_space<hbm>> -> memref<128xi32, #tpu.memory_space<hbm>>
      %dma_wait3A_113 = arith.constant 0 : i32
      %dma_wait3A_114 = tpu.memref_slice %arg4[%dma_wait3A_113] : memref<327680xi32, #tpu.memory_space<hbm>> -> memref<128xi32, #tpu.memory_space<hbm>>
      tpu.wait_dma2 semaphore(%arg20 : memref<!tpu.dma_semaphore, #tpu.memory_space<semaphore_mem>>) src(%dma_wait3A_114 : memref<128xi32, #tpu.memory_space<hbm>>) dst(%arg14 : memref<128xi32, #tpu.memory_space<vmem>>)
      %dma_start3A_115 = arith.constant 0 : i32
      %dma_start3A_116 = arith.constant 0 : i32
      %dma_start3A_117 = tpu.memref_slice %arg2[%dma_start3A_115, %dma_start3A_116] : memref<10240x128xf32, #tpu.memory_space<hbm>> -> memref<10240x128xf32, #tpu.memory_space<hbm>>
      tpu.enqueue_indirect_dma source(%dma_start3A_117 : memref<10240x128xf32, #tpu.memory_space<hbm>>) target(%arg16 : memref<128x128xf32, #tpu.memory_space<vmem>>) offsets(%arg10 : memref<128xi32, #tpu.memory_space<vmem>>) semaphore(%arg22 : memref<!tpu.dma_semaphore, #tpu.memory_space<semaphore_mem>>)
      %dma_wait3A_118 = arith.constant 0 : i32
      %dma_wait3A_119 = arith.constant 0 : i32
      %dma_wait3A_120 = tpu.memref_slice %arg2[%dma_wait3A_118, %dma_wait3A_119] : memref<10240x128xf32, #tpu.memory_space<hbm>> -> memref<10240x128xf32, #tpu.memory_space<hbm>>
      tpu.wait_indirect_dma semaphore(%arg22 : memref<!tpu.dma_semaphore, #tpu.memory_space<semaphore_mem>>) src(%dma_wait3A_120 : memref<10240x128xf32, #tpu.memory_space<hbm>>) dst(%arg16 : memref<128x128xf32, #tpu.memory_space<vmem>>)
      %dma_start3A_121 = arith.constant 0 : i32
      %dma_start3A_122 = arith.constant 0 : i32
      %dma_start3A_123 = tpu.memref_slice %arg7[%dma_start3A_121, %dma_start3A_122] : memref<10240x128xf32, #tpu.memory_space<vmem_shared>> -> memref<10240x128xf32, #tpu.memory_space<vmem_shared>>
      tpu.enqueue_indirect_dma source(%arg16 : memref<128x128xf32, #tpu.memory_space<vmem>>) target(%dma_start3A_123 : memref<10240x128xf32, #tpu.memory_space<vmem_shared>>) offsets(%arg14 : memref<128xi32, #tpu.memory_space<vmem>>) semaphore(%arg24 : memref<!tpu.dma_semaphore, #tpu.memory_space<semaphore_mem>>) {add = true}
      %dma_wait3A_124 = arith.constant 0 : i32
      %dma_wait3A_125 = arith.constant 0 : i32
      %dma_wait3A_126 = tpu.memref_slice %arg2[%dma_wait3A_124, %dma_wait3A_125] : memref<10240x128xf32, #tpu.memory_space<hbm>> -> memref<128x128xf32, #tpu.memory_space<hbm>>
      %dma_wait3A_127 = arith.constant 0 : i32
      %dma_wait3A_128 = arith.constant 0 : i32
      %dma_wait3A_129 = tpu.memref_slice %arg2[%dma_wait3A_127, %dma_wait3A_128] : memref<10240x128xf32, #tpu.memory_space<hbm>> -> memref<128x128xf32, #tpu.memory_space<hbm>>
      tpu.wait_dma2 semaphore(%arg25 : memref<!tpu.dma_semaphore, #tpu.memory_space<semaphore_mem>>) src(%dma_wait3A_129 : memref<128x128xf32, #tpu.memory_space<hbm>>) dst(%arg17 : memref<128x128xf32, #tpu.memory_space<vmem>>)
      %add3A_130 = arith.constant 3 : i32
      %add3A_131 = arith.constant 2 : i32
      %add3A_132 = arith.addi %add3A_130, %add3A_131 : i32
      %min3A_133 = arith.minsi %add3A_132, %sub3A_10 : i32
      %mul3A_134 = arith.constant 128 : i32
      %mul3A_135 = arith.muli %min3A_133, %mul3A_134 : i32
      %add3A_136 = arith.addi %mul3A_9, %mul3A_135 : i32
      %dma_start3A_137 = tpu.memref_slice %arg3[%add3A_136] : memref<327680xi32, #tpu.memory_space<hbm>> -> memref<128xi32, #tpu.memory_space<hbm>>
      %dma_start3A_138 = tpu.memref_slice %arg3[%add3A_136] : memref<327680xi32, #tpu.memory_space<hbm>> -> memref<128xi32, #tpu.memory_space<hbm>>
      tpu.enqueue_dma source(%dma_start3A_138 : memref<128xi32, #tpu.memory_space<hbm>>) target(%arg9 : memref<128xi32, #tpu.memory_space<vmem>>) target_semaphore(%arg19 : memref<!tpu.dma_semaphore, #tpu.memory_space<semaphore_mem>>)
      %dma_start3A_139 = tpu.memref_slice %arg4[%add3A_136] : memref<327680xi32, #tpu.memory_space<hbm>> -> memref<128xi32, #tpu.memory_space<hbm>>
      %dma_start3A_140 = tpu.memref_slice %arg4[%add3A_136] : memref<327680xi32, #tpu.memory_space<hbm>> -> memref<128xi32, #tpu.memory_space<hbm>>
      tpu.enqueue_dma source(%dma_start3A_140 : memref<128xi32, #tpu.memory_space<hbm>>) target(%arg13 : memref<128xi32, #tpu.memory_space<vmem>>) target_semaphore(%arg19 : memref<!tpu.dma_semaphore, #tpu.memory_space<semaphore_mem>>)
      %dma_wait3A_141 = arith.constant 0 : i32
      %dma_wait3A_142 = tpu.memref_slice %arg3[%dma_wait3A_141] : memref<327680xi32, #tpu.memory_space<hbm>> -> memref<128xi32, #tpu.memory_space<hbm>>
      %dma_wait3A_143 = arith.constant 0 : i32
      %dma_wait3A_144 = tpu.memref_slice %arg3[%dma_wait3A_143] : memref<327680xi32, #tpu.memory_space<hbm>> -> memref<128xi32, #tpu.memory_space<hbm>>
      tpu.wait_dma2 semaphore(%arg21 : memref<!tpu.dma_semaphore, #tpu.memory_space<semaphore_mem>>) src(%dma_wait3A_144 : memref<128xi32, #tpu.memory_space<hbm>>) dst(%arg11 : memref<128xi32, #tpu.memory_space<vmem>>)
      %dma_wait3A_145 = arith.constant 0 : i32
      %dma_wait3A_146 = tpu.memref_slice %arg4[%dma_wait3A_145] : memref<327680xi32, #tpu.memory_space<hbm>> -> memref<128xi32, #tpu.memory_space<hbm>>
      %dma_wait3A_147 = arith.constant 0 : i32
      %dma_wait3A_148 = tpu.memref_slice %arg4[%dma_wait3A_147] : memref<327680xi32, #tpu.memory_space<hbm>> -> memref<128xi32, #tpu.memory_space<hbm>>
      tpu.wait_dma2 semaphore(%arg21 : memref<!tpu.dma_semaphore, #tpu.memory_space<semaphore_mem>>) src(%dma_wait3A_148 : memref<128xi32, #tpu.memory_space<hbm>>) dst(%arg15 : memref<128xi32, #tpu.memory_space<vmem>>)
      %dma_start3A_149 = arith.constant 0 : i32
      %dma_start3A_150 = arith.constant 0 : i32
      %dma_start3A_151 = tpu.memref_slice %arg2[%dma_start3A_149, %dma_start3A_150] : memref<10240x128xf32, #tpu.memory_space<hbm>> -> memref<10240x128xf32, #tpu.memory_space<hbm>>
      tpu.enqueue_indirect_dma source(%dma_start3A_151 : memref<10240x128xf32, #tpu.memory_space<hbm>>) target(%arg17 : memref<128x128xf32, #tpu.memory_space<vmem>>) offsets(%arg11 : memref<128xi32, #tpu.memory_space<vmem>>) semaphore(%arg23 : memref<!tpu.dma_semaphore, #tpu.memory_space<semaphore_mem>>)
      %dma_wait3A_152 = arith.constant 0 : i32
      %dma_wait3A_153 = arith.constant 0 : i32
      %dma_wait3A_154 = tpu.memref_slice %arg2[%dma_wait3A_152, %dma_wait3A_153] : memref<10240x128xf32, #tpu.memory_space<hbm>> -> memref<10240x128xf32, #tpu.memory_space<hbm>>
      tpu.wait_indirect_dma semaphore(%arg23 : memref<!tpu.dma_semaphore, #tpu.memory_space<semaphore_mem>>) src(%dma_wait3A_154 : memref<10240x128xf32, #tpu.memory_space<hbm>>) dst(%arg17 : memref<128x128xf32, #tpu.memory_space<vmem>>)
      %dma_start3A_155 = arith.constant 0 : i32
      %dma_start3A_156 = arith.constant 0 : i32
      %dma_start3A_157 = tpu.memref_slice %arg7[%dma_start3A_155, %dma_start3A_156] : memref<10240x128xf32, #tpu.memory_space<vmem_shared>> -> memref<10240x128xf32, #tpu.memory_space<vmem_shared>>
      tpu.enqueue_indirect_dma source(%arg17 : memref<128x128xf32, #tpu.memory_space<vmem>>) target(%dma_start3A_157 : memref<10240x128xf32, #tpu.memory_space<vmem_shared>>) offsets(%arg15 : memref<128xi32, #tpu.memory_space<vmem>>) semaphore(%arg25 : memref<!tpu.dma_semaphore, #tpu.memory_space<semaphore_mem>>) {add = true}
      %jit3A_158 = arith.constant 4 : i32
      %div3A = arith.divsi %select_n3A, %jit3A_158 : i32
      %sign3A = arith.constant 0 : i32
      %sign3A_159 = arith.cmpi sgt, %select_n3A, %sign3A : i32
      %sign3A_160 = arith.extui %sign3A_159 : i1 to i32
      %sign3A_161 = arith.constant 0 : i32
      %sign3A_162 = arith.cmpi slt, %select_n3A, %sign3A_161 : i32
      %sign3A_163 = arith.extui %sign3A_162 : i1 to i32
      %sign3A_164 = arith.subi %sign3A_160, %sign3A_163 : i32
      %sign3A_165 = arith.constant 0 : i32
      %sign3A_166 = arith.cmpi sgt, %jit3A_158, %sign3A_165 : i32
      %sign3A_167 = arith.extui %sign3A_166 : i1 to i32
      %sign3A_168 = arith.constant 0 : i32
      %sign3A_169 = arith.cmpi slt, %jit3A_158, %sign3A_168 : i32
      %sign3A_170 = arith.extui %sign3A_169 : i1 to i32
      %sign3A_171 = arith.subi %sign3A_167, %sign3A_170 : i32
      %ne3A = arith.cmpi ne, %sign3A_164, %sign3A_171 : i32
      %rem3A = arith.remsi %select_n3A, %jit3A_158 : i32
      %ne3A_172 = arith.constant 0 : i32
      %ne3A_173 = arith.cmpi ne, %rem3A, %ne3A_172 : i32
      %and3A = arith.andi %ne3A, %ne3A_173 : i1
      %sub3A_174 = arith.constant 1 : i32
      %sub3A_175 = arith.subi %div3A, %sub3A_174 : i32
      %select_n3A_176 = arith.select %and3A, %sub3A_175, %div3A : i32
      %while3A = arith.constant 0 : i32
      %while3A_177 = arith.constant 1 : i32
      %while3A_178 = arith.subi %select_n3A_176, %while3A_177 : i32
      %while3A_179 = arith.addi %while3A_177, %while3A_178 : i32
      %while3A_180 = arith.constant 1 : i32
      %while3A_181 = arith.divsi %while3A_178, %while3A_180 : i32
      %while3A_182 = arith.muli %while3A_181, %while3A_180 : i32
      %while3A_183 = arith.addi %while3A_177, %while3A_182 : i32
      %while3A_184 = arith.constant 1 : i32
      scf.for %while3A_214 = %while3A_177 to %while3A_183 step %while3A_184  : i32 {
        %mul3A_215 = arith.constant 4 : i32
        %mul3A_216 = arith.muli %while3A_214, %mul3A_215 : i32
        %add3A_217 = arith.constant 0 : i32
        %add3A_218 = arith.addi %mul3A_216, %add3A_217 : i32
        %dma_wait3A_219 = arith.constant 0 : i32
        %dma_wait3A_220 = arith.constant 0 : i32
        %dma_wait3A_221 = tpu.memref_slice %arg2[%dma_wait3A_219, %dma_wait3A_220] : memref<10240x128xf32, #tpu.memory_space<hbm>> -> memref<128x128xf32, #tpu.memory_space<hbm>>
        %dma_wait3A_222 = arith.constant 0 : i32
        %dma_wait3A_223 = arith.constant 0 : i32
        %dma_wait3A_224 = tpu.memref_slice %arg2[%dma_wait3A_222, %dma_wait3A_223] : memref<10240x128xf32, #tpu.memory_space<hbm>> -> memref<128x128xf32, #tpu.memory_space<hbm>>
        tpu.wait_dma2 semaphore(%arg24 : memref<!tpu.dma_semaphore, #tpu.memory_space<semaphore_mem>>) src(%dma_wait3A_224 : memref<128x128xf32, #tpu.memory_space<hbm>>) dst(%arg16 : memref<128x128xf32, #tpu.memory_space<vmem>>)
        %add3A_225 = arith.constant 2 : i32
        %add3A_226 = arith.addi %add3A_218, %add3A_225 : i32
        %min3A_227 = arith.minsi %add3A_226, %sub3A_10 : i32
        %mul3A_228 = arith.constant 128 : i32
        %mul3A_229 = arith.muli %min3A_227, %mul3A_228 : i32
        %add3A_230 = arith.addi %mul3A_9, %mul3A_229 : i32
        %dma_start3A_231 = tpu.memref_slice %arg3[%add3A_230] : memref<327680xi32, #tpu.memory_space<hbm>> -> memref<128xi32, #tpu.memory_space<hbm>>
        %dma_start3A_232 = tpu.memref_slice %arg3[%add3A_230] : memref<327680xi32, #tpu.memory_space<hbm>> -> memref<128xi32, #tpu.memory_space<hbm>>
        tpu.enqueue_dma source(%dma_start3A_232 : memref<128xi32, #tpu.memory_space<hbm>>) target(%arg10 : memref<128xi32, #tpu.memory_space<vmem>>) target_semaphore(%arg20 : memref<!tpu.dma_semaphore, #tpu.memory_space<semaphore_mem>>)
        %dma_start3A_233 = tpu.memref_slice %arg4[%add3A_230] : memref<327680xi32, #tpu.memory_space<hbm>> -> memref<128xi32, #tpu.memory_space<hbm>>
        %dma_start3A_234 = tpu.memref_slice %arg4[%add3A_230] : memref<327680xi32, #tpu.memory_space<hbm>> -> memref<128xi32, #tpu.memory_space<hbm>>
        tpu.enqueue_dma source(%dma_start3A_234 : memref<128xi32, #tpu.memory_space<hbm>>) target(%arg14 : memref<128xi32, #tpu.memory_space<vmem>>) target_semaphore(%arg20 : memref<!tpu.dma_semaphore, #tpu.memory_space<semaphore_mem>>)
        %dma_wait3A_235 = arith.constant 0 : i32
        %dma_wait3A_236 = tpu.memref_slice %arg3[%dma_wait3A_235] : memref<327680xi32, #tpu.memory_space<hbm>> -> memref<128xi32, #tpu.memory_space<hbm>>
        %dma_wait3A_237 = arith.constant 0 : i32
        %dma_wait3A_238 = tpu.memref_slice %arg3[%dma_wait3A_237] : memref<327680xi32, #tpu.memory_space<hbm>> -> memref<128xi32, #tpu.memory_space<hbm>>
        tpu.wait_dma2 semaphore(%arg18 : memref<!tpu.dma_semaphore, #tpu.memory_space<semaphore_mem>>) src(%dma_wait3A_238 : memref<128xi32, #tpu.memory_space<hbm>>) dst(%arg8 : memref<128xi32, #tpu.memory_space<vmem>>)
        %dma_wait3A_239 = arith.constant 0 : i32
        %dma_wait3A_240 = tpu.memref_slice %arg4[%dma_wait3A_239] : memref<327680xi32, #tpu.memory_space<hbm>> -> memref<128xi32, #tpu.memory_space<hbm>>
        %dma_wait3A_241 = arith.constant 0 : i32
        %dma_wait3A_242 = tpu.memref_slice %arg4[%dma_wait3A_241] : memref<327680xi32, #tpu.memory_space<hbm>> -> memref<128xi32, #tpu.memory_space<hbm>>
        tpu.wait_dma2 semaphore(%arg18 : memref<!tpu.dma_semaphore, #tpu.memory_space<semaphore_mem>>) src(%dma_wait3A_242 : memref<128xi32, #tpu.memory_space<hbm>>) dst(%arg12 : memref<128xi32, #tpu.memory_space<vmem>>)
        %dma_start3A_243 = arith.constant 0 : i32
        %dma_start3A_244 = arith.constant 0 : i32
        %dma_start3A_245 = tpu.memref_slice %arg2[%dma_start3A_243, %dma_start3A_244] : memref<10240x128xf32, #tpu.memory_space<hbm>> -> memref<10240x128xf32, #tpu.memory_space<hbm>>
        tpu.enqueue_indirect_dma source(%dma_start3A_245 : memref<10240x128xf32, #tpu.memory_space<hbm>>) target(%arg16 : memref<128x128xf32, #tpu.memory_space<vmem>>) offsets(%arg8 : memref<128xi32, #tpu.memory_space<vmem>>) semaphore(%arg22 : memref<!tpu.dma_semaphore, #tpu.memory_space<semaphore_mem>>)
        %dma_wait3A_246 = arith.constant 0 : i32
        %dma_wait3A_247 = arith.constant 0 : i32
        %dma_wait3A_248 = tpu.memref_slice %arg2[%dma_wait3A_246, %dma_wait3A_247] : memref<10240x128xf32, #tpu.memory_space<hbm>> -> memref<10240x128xf32, #tpu.memory_space<hbm>>
        tpu.wait_indirect_dma semaphore(%arg22 : memref<!tpu.dma_semaphore, #tpu.memory_space<semaphore_mem>>) src(%dma_wait3A_248 : memref<10240x128xf32, #tpu.memory_space<hbm>>) dst(%arg16 : memref<128x128xf32, #tpu.memory_space<vmem>>)
        %dma_start3A_249 = arith.constant 0 : i32
        %dma_start3A_250 = arith.constant 0 : i32
        %dma_start3A_251 = tpu.memref_slice %arg7[%dma_start3A_249, %dma_start3A_250] : memref<10240x128xf32, #tpu.memory_space<vmem_shared>> -> memref<10240x128xf32, #tpu.memory_space<vmem_shared>>
        tpu.enqueue_indirect_dma source(%arg16 : memref<128x128xf32, #tpu.memory_space<vmem>>) target(%dma_start3A_251 : memref<10240x128xf32, #tpu.memory_space<vmem_shared>>) offsets(%arg12 : memref<128xi32, #tpu.memory_space<vmem>>) semaphore(%arg24 : memref<!tpu.dma_semaphore, #tpu.memory_space<semaphore_mem>>) {add = true}
        %add3A_252 = arith.constant 1 : i32
        %add3A_253 = arith.addi %mul3A_216, %add3A_252 : i32
        %dma_wait3A_254 = arith.constant 0 : i32
        %dma_wait3A_255 = arith.constant 0 : i32
        %dma_wait3A_256 = tpu.memref_slice %arg2[%dma_wait3A_254, %dma_wait3A_255] : memref<10240x128xf32, #tpu.memory_space<hbm>> -> memref<128x128xf32, #tpu.memory_space<hbm>>
        %dma_wait3A_257 = arith.constant 0 : i32
        %dma_wait3A_258 = arith.constant 0 : i32
        %dma_wait3A_259 = tpu.memref_slice %arg2[%dma_wait3A_257, %dma_wait3A_258] : memref<10240x128xf32, #tpu.memory_space<hbm>> -> memref<128x128xf32, #tpu.memory_space<hbm>>
        tpu.wait_dma2 semaphore(%arg25 : memref<!tpu.dma_semaphore, #tpu.memory_space<semaphore_mem>>) src(%dma_wait3A_259 : memref<128x128xf32, #tpu.memory_space<hbm>>) dst(%arg17 : memref<128x128xf32, #tpu.memory_space<vmem>>)
        %add3A_260 = arith.constant 2 : i32
        %add3A_261 = arith.addi %add3A_253, %add3A_260 : i32
        %min3A_262 = arith.minsi %add3A_261, %sub3A_10 : i32
        %mul3A_263 = arith.constant 128 : i32
        %mul3A_264 = arith.muli %min3A_262, %mul3A_263 : i32
        %add3A_265 = arith.addi %mul3A_9, %mul3A_264 : i32
        %dma_start3A_266 = tpu.memref_slice %arg3[%add3A_265] : memref<327680xi32, #tpu.memory_space<hbm>> -> memref<128xi32, #tpu.memory_space<hbm>>
        %dma_start3A_267 = tpu.memref_slice %arg3[%add3A_265] : memref<327680xi32, #tpu.memory_space<hbm>> -> memref<128xi32, #tpu.memory_space<hbm>>
        tpu.enqueue_dma source(%dma_start3A_267 : memref<128xi32, #tpu.memory_space<hbm>>) target(%arg11 : memref<128xi32, #tpu.memory_space<vmem>>) target_semaphore(%arg21 : memref<!tpu.dma_semaphore, #tpu.memory_space<semaphore_mem>>)
        %dma_start3A_268 = tpu.memref_slice %arg4[%add3A_265] : memref<327680xi32, #tpu.memory_space<hbm>> -> memref<128xi32, #tpu.memory_space<hbm>>
        %dma_start3A_269 = tpu.memref_slice %arg4[%add3A_265] : memref<327680xi32, #tpu.memory_space<hbm>> -> memref<128xi32, #tpu.memory_space<hbm>>
        tpu.enqueue_dma source(%dma_start3A_269 : memref<128xi32, #tpu.memory_space<hbm>>) target(%arg15 : memref<128xi32, #tpu.memory_space<vmem>>) target_semaphore(%arg21 : memref<!tpu.dma_semaphore, #tpu.memory_space<semaphore_mem>>)
        %dma_wait3A_270 = arith.constant 0 : i32
        %dma_wait3A_271 = tpu.memref_slice %arg3[%dma_wait3A_270] : memref<327680xi32, #tpu.memory_space<hbm>> -> memref<128xi32, #tpu.memory_space<hbm>>
        %dma_wait3A_272 = arith.constant 0 : i32
        %dma_wait3A_273 = tpu.memref_slice %arg3[%dma_wait3A_272] : memref<327680xi32, #tpu.memory_space<hbm>> -> memref<128xi32, #tpu.memory_space<hbm>>
        tpu.wait_dma2 semaphore(%arg19 : memref<!tpu.dma_semaphore, #tpu.memory_space<semaphore_mem>>) src(%dma_wait3A_273 : memref<128xi32, #tpu.memory_space<hbm>>) dst(%arg9 : memref<128xi32, #tpu.memory_space<vmem>>)
        %dma_wait3A_274 = arith.constant 0 : i32
        %dma_wait3A_275 = tpu.memref_slice %arg4[%dma_wait3A_274] : memref<327680xi32, #tpu.memory_space<hbm>> -> memref<128xi32, #tpu.memory_space<hbm>>
        %dma_wait3A_276 = arith.constant 0 : i32
        %dma_wait3A_277 = tpu.memref_slice %arg4[%dma_wait3A_276] : memref<327680xi32, #tpu.memory_space<hbm>> -> memref<128xi32, #tpu.memory_space<hbm>>
        tpu.wait_dma2 semaphore(%arg19 : memref<!tpu.dma_semaphore, #tpu.memory_space<semaphore_mem>>) src(%dma_wait3A_277 : memref<128xi32, #tpu.memory_space<hbm>>) dst(%arg13 : memref<128xi32, #tpu.memory_space<vmem>>)
        %dma_start3A_278 = arith.constant 0 : i32
        %dma_start3A_279 = arith.constant 0 : i32
        %dma_start3A_280 = tpu.memref_slice %arg2[%dma_start3A_278, %dma_start3A_279] : memref<10240x128xf32, #tpu.memory_space<hbm>> -> memref<10240x128xf32, #tpu.memory_space<hbm>>
        tpu.enqueue_indirect_dma source(%dma_start3A_280 : memref<10240x128xf32, #tpu.memory_space<hbm>>) target(%arg17 : memref<128x128xf32, #tpu.memory_space<vmem>>) offsets(%arg9 : memref<128xi32, #tpu.memory_space<vmem>>) semaphore(%arg23 : memref<!tpu.dma_semaphore, #tpu.memory_space<semaphore_mem>>)
        %dma_wait3A_281 = arith.constant 0 : i32
        %dma_wait3A_282 = arith.constant 0 : i32
        %dma_wait3A_283 = tpu.memref_slice %arg2[%dma_wait3A_281, %dma_wait3A_282] : memref<10240x128xf32, #tpu.memory_space<hbm>> -> memref<10240x128xf32, #tpu.memory_space<hbm>>
        tpu.wait_indirect_dma semaphore(%arg23 : memref<!tpu.dma_semaphore, #tpu.memory_space<semaphore_mem>>) src(%dma_wait3A_283 : memref<10240x128xf32, #tpu.memory_space<hbm>>) dst(%arg17 : memref<128x128xf32, #tpu.memory_space<vmem>>)
        %dma_start3A_284 = arith.constant 0 : i32
        %dma_start3A_285 = arith.constant 0 : i32
        %dma_start3A_286 = tpu.memref_slice %arg7[%dma_start3A_284, %dma_start3A_285] : memref<10240x128xf32, #tpu.memory_space<vmem_shared>> -> memref<10240x128xf32, #tpu.memory_space<vmem_shared>>
        tpu.enqueue_indirect_dma source(%arg17 : memref<128x128xf32, #tpu.memory_space<vmem>>) target(%dma_start3A_286 : memref<10240x128xf32, #tpu.memory_space<vmem_shared>>) offsets(%arg13 : memref<128xi32, #tpu.memory_space<vmem>>) semaphore(%arg25 : memref<!tpu.dma_semaphore, #tpu.memory_space<semaphore_mem>>) {add = true}
        %add3A_287 = arith.constant 2 : i32
        %add3A_288 = arith.addi %mul3A_216, %add3A_287 : i32
        %dma_wait3A_289 = arith.constant 0 : i32
        %dma_wait3A_290 = arith.constant 0 : i32
        %dma_wait3A_291 = tpu.memref_slice %arg2[%dma_wait3A_289, %dma_wait3A_290] : memref<10240x128xf32, #tpu.memory_space<hbm>> -> memref<128x128xf32, #tpu.memory_space<hbm>>
        %dma_wait3A_292 = arith.constant 0 : i32
        %dma_wait3A_293 = arith.constant 0 : i32
        %dma_wait3A_294 = tpu.memref_slice %arg2[%dma_wait3A_292, %dma_wait3A_293] : memref<10240x128xf32, #tpu.memory_space<hbm>> -> memref<128x128xf32, #tpu.memory_space<hbm>>
        tpu.wait_dma2 semaphore(%arg24 : memref<!tpu.dma_semaphore, #tpu.memory_space<semaphore_mem>>) src(%dma_wait3A_294 : memref<128x128xf32, #tpu.memory_space<hbm>>) dst(%arg16 : memref<128x128xf32, #tpu.memory_space<vmem>>)
        %add3A_295 = arith.constant 2 : i32
        %add3A_296 = arith.addi %add3A_288, %add3A_295 : i32
        %min3A_297 = arith.minsi %add3A_296, %sub3A_10 : i32
        %mul3A_298 = arith.constant 128 : i32
        %mul3A_299 = arith.muli %min3A_297, %mul3A_298 : i32
        %add3A_300 = arith.addi %mul3A_9, %mul3A_299 : i32
        %dma_start3A_301 = tpu.memref_slice %arg3[%add3A_300] : memref<327680xi32, #tpu.memory_space<hbm>> -> memref<128xi32, #tpu.memory_space<hbm>>
        %dma_start3A_302 = tpu.memref_slice %arg3[%add3A_300] : memref<327680xi32, #tpu.memory_space<hbm>> -> memref<128xi32, #tpu.memory_space<hbm>>
        tpu.enqueue_dma source(%dma_start3A_302 : memref<128xi32, #tpu.memory_space<hbm>>) target(%arg8 : memref<128xi32, #tpu.memory_space<vmem>>) target_semaphore(%arg18 : memref<!tpu.dma_semaphore, #tpu.memory_space<semaphore_mem>>)
        %dma_start3A_303 = tpu.memref_slice %arg4[%add3A_300] : memref<327680xi32, #tpu.memory_space<hbm>> -> memref<128xi32, #tpu.memory_space<hbm>>
        %dma_start3A_304 = tpu.memref_slice %arg4[%add3A_300] : memref<327680xi32, #tpu.memory_space<hbm>> -> memref<128xi32, #tpu.memory_space<hbm>>
        tpu.enqueue_dma source(%dma_start3A_304 : memref<128xi32, #tpu.memory_space<hbm>>) target(%arg12 : memref<128xi32, #tpu.memory_space<vmem>>) target_semaphore(%arg18 : memref<!tpu.dma_semaphore, #tpu.memory_space<semaphore_mem>>)
        %dma_wait3A_305 = arith.constant 0 : i32
        %dma_wait3A_306 = tpu.memref_slice %arg3[%dma_wait3A_305] : memref<327680xi32, #tpu.memory_space<hbm>> -> memref<128xi32, #tpu.memory_space<hbm>>
        %dma_wait3A_307 = arith.constant 0 : i32
        %dma_wait3A_308 = tpu.memref_slice %arg3[%dma_wait3A_307] : memref<327680xi32, #tpu.memory_space<hbm>> -> memref<128xi32, #tpu.memory_space<hbm>>
        tpu.wait_dma2 semaphore(%arg20 : memref<!tpu.dma_semaphore, #tpu.memory_space<semaphore_mem>>) src(%dma_wait3A_308 : memref<128xi32, #tpu.memory_space<hbm>>) dst(%arg10 : memref<128xi32, #tpu.memory_space<vmem>>)
        %dma_wait3A_309 = arith.constant 0 : i32
        %dma_wait3A_310 = tpu.memref_slice %arg4[%dma_wait3A_309] : memref<327680xi32, #tpu.memory_space<hbm>> -> memref<128xi32, #tpu.memory_space<hbm>>
        %dma_wait3A_311 = arith.constant 0 : i32
        %dma_wait3A_312 = tpu.memref_slice %arg4[%dma_wait3A_311] : memref<327680xi32, #tpu.memory_space<hbm>> -> memref<128xi32, #tpu.memory_space<hbm>>
        tpu.wait_dma2 semaphore(%arg20 : memref<!tpu.dma_semaphore, #tpu.memory_space<semaphore_mem>>) src(%dma_wait3A_312 : memref<128xi32, #tpu.memory_space<hbm>>) dst(%arg14 : memref<128xi32, #tpu.memory_space<vmem>>)
        %dma_start3A_313 = arith.constant 0 : i32
        %dma_start3A_314 = arith.constant 0 : i32
        %dma_start3A_315 = tpu.memref_slice %arg2[%dma_start3A_313, %dma_start3A_314] : memref<10240x128xf32, #tpu.memory_space<hbm>> -> memref<10240x128xf32, #tpu.memory_space<hbm>>
        tpu.enqueue_indirect_dma source(%dma_start3A_315 : memref<10240x128xf32, #tpu.memory_space<hbm>>) target(%arg16 : memref<128x128xf32, #tpu.memory_space<vmem>>) offsets(%arg10 : memref<128xi32, #tpu.memory_space<vmem>>) semaphore(%arg22 : memref<!tpu.dma_semaphore, #tpu.memory_space<semaphore_mem>>)
        %dma_wait3A_316 = arith.constant 0 : i32
        %dma_wait3A_317 = arith.constant 0 : i32
        %dma_wait3A_318 = tpu.memref_slice %arg2[%dma_wait3A_316, %dma_wait3A_317] : memref<10240x128xf32, #tpu.memory_space<hbm>> -> memref<10240x128xf32, #tpu.memory_space<hbm>>
        tpu.wait_indirect_dma semaphore(%arg22 : memref<!tpu.dma_semaphore, #tpu.memory_space<semaphore_mem>>) src(%dma_wait3A_318 : memref<10240x128xf32, #tpu.memory_space<hbm>>) dst(%arg16 : memref<128x128xf32, #tpu.memory_space<vmem>>)
        %dma_start3A_319 = arith.constant 0 : i32
        %dma_start3A_320 = arith.constant 0 : i32
        %dma_start3A_321 = tpu.memref_slice %arg7[%dma_start3A_319, %dma_start3A_320] : memref<10240x128xf32, #tpu.memory_space<vmem_shared>> -> memref<10240x128xf32, #tpu.memory_space<vmem_shared>>
        tpu.enqueue_indirect_dma source(%arg16 : memref<128x128xf32, #tpu.memory_space<vmem>>) target(%dma_start3A_321 : memref<10240x128xf32, #tpu.memory_space<vmem_shared>>) offsets(%arg14 : memref<128xi32, #tpu.memory_space<vmem>>) semaphore(%arg24 : memref<!tpu.dma_semaphore, #tpu.memory_space<semaphore_mem>>) {add = true}
        %add3A_322 = arith.constant 3 : i32
        %add3A_323 = arith.addi %mul3A_216, %add3A_322 : i32
        %dma_wait3A_324 = arith.constant 0 : i32
        %dma_wait3A_325 = arith.constant 0 : i32
        %dma_wait3A_326 = tpu.memref_slice %arg2[%dma_wait3A_324, %dma_wait3A_325] : memref<10240x128xf32, #tpu.memory_space<hbm>> -> memref<128x128xf32, #tpu.memory_space<hbm>>
        %dma_wait3A_327 = arith.constant 0 : i32
        %dma_wait3A_328 = arith.constant 0 : i32
        %dma_wait3A_329 = tpu.memref_slice %arg2[%dma_wait3A_327, %dma_wait3A_328] : memref<10240x128xf32, #tpu.memory_space<hbm>> -> memref<128x128xf32, #tpu.memory_space<hbm>>
        tpu.wait_dma2 semaphore(%arg25 : memref<!tpu.dma_semaphore, #tpu.memory_space<semaphore_mem>>) src(%dma_wait3A_329 : memref<128x128xf32, #tpu.memory_space<hbm>>) dst(%arg17 : memref<128x128xf32, #tpu.memory_space<vmem>>)
        %add3A_330 = arith.constant 2 : i32
        %add3A_331 = arith.addi %add3A_323, %add3A_330 : i32
        %min3A_332 = arith.minsi %add3A_331, %sub3A_10 : i32
        %mul3A_333 = arith.constant 128 : i32
        %mul3A_334 = arith.muli %min3A_332, %mul3A_333 : i32
        %add3A_335 = arith.addi %mul3A_9, %mul3A_334 : i32
        %dma_start3A_336 = tpu.memref_slice %arg3[%add3A_335] : memref<327680xi32, #tpu.memory_space<hbm>> -> memref<128xi32, #tpu.memory_space<hbm>>
        %dma_start3A_337 = tpu.memref_slice %arg3[%add3A_335] : memref<327680xi32, #tpu.memory_space<hbm>> -> memref<128xi32, #tpu.memory_space<hbm>>
        tpu.enqueue_dma source(%dma_start3A_337 : memref<128xi32, #tpu.memory_space<hbm>>) target(%arg9 : memref<128xi32, #tpu.memory_space<vmem>>) target_semaphore(%arg19 : memref<!tpu.dma_semaphore, #tpu.memory_space<semaphore_mem>>)
        %dma_start3A_338 = tpu.memref_slice %arg4[%add3A_335] : memref<327680xi32, #tpu.memory_space<hbm>> -> memref<128xi32, #tpu.memory_space<hbm>>
        %dma_start3A_339 = tpu.memref_slice %arg4[%add3A_335] : memref<327680xi32, #tpu.memory_space<hbm>> -> memref<128xi32, #tpu.memory_space<hbm>>
        tpu.enqueue_dma source(%dma_start3A_339 : memref<128xi32, #tpu.memory_space<hbm>>) target(%arg13 : memref<128xi32, #tpu.memory_space<vmem>>) target_semaphore(%arg19 : memref<!tpu.dma_semaphore, #tpu.memory_space<semaphore_mem>>)
        %dma_wait3A_340 = arith.constant 0 : i32
        %dma_wait3A_341 = tpu.memref_slice %arg3[%dma_wait3A_340] : memref<327680xi32, #tpu.memory_space<hbm>> -> memref<128xi32, #tpu.memory_space<hbm>>
        %dma_wait3A_342 = arith.constant 0 : i32
        %dma_wait3A_343 = tpu.memref_slice %arg3[%dma_wait3A_342] : memref<327680xi32, #tpu.memory_space<hbm>> -> memref<128xi32, #tpu.memory_space<hbm>>
        tpu.wait_dma2 semaphore(%arg21 : memref<!tpu.dma_semaphore, #tpu.memory_space<semaphore_mem>>) src(%dma_wait3A_343 : memref<128xi32, #tpu.memory_space<hbm>>) dst(%arg11 : memref<128xi32, #tpu.memory_space<vmem>>)
        %dma_wait3A_344 = arith.constant 0 : i32
        %dma_wait3A_345 = tpu.memref_slice %arg4[%dma_wait3A_344] : memref<327680xi32, #tpu.memory_space<hbm>> -> memref<128xi32, #tpu.memory_space<hbm>>
        %dma_wait3A_346 = arith.constant 0 : i32
        %dma_wait3A_347 = tpu.memref_slice %arg4[%dma_wait3A_346] : memref<327680xi32, #tpu.memory_space<hbm>> -> memref<128xi32, #tpu.memory_space<hbm>>
        tpu.wait_dma2 semaphore(%arg21 : memref<!tpu.dma_semaphore, #tpu.memory_space<semaphore_mem>>) src(%dma_wait3A_347 : memref<128xi32, #tpu.memory_space<hbm>>) dst(%arg15 : memref<128xi32, #tpu.memory_space<vmem>>)
        %dma_start3A_348 = arith.constant 0 : i32
        %dma_start3A_349 = arith.constant 0 : i32
        %dma_start3A_350 = tpu.memref_slice %arg2[%dma_start3A_348, %dma_start3A_349] : memref<10240x128xf32, #tpu.memory_space<hbm>> -> memref<10240x128xf32, #tpu.memory_space<hbm>>
        tpu.enqueue_indirect_dma source(%dma_start3A_350 : memref<10240x128xf32, #tpu.memory_space<hbm>>) target(%arg17 : memref<128x128xf32, #tpu.memory_space<vmem>>) offsets(%arg11 : memref<128xi32, #tpu.memory_space<vmem>>) semaphore(%arg23 : memref<!tpu.dma_semaphore, #tpu.memory_space<semaphore_mem>>)
        %dma_wait3A_351 = arith.constant 0 : i32
        %dma_wait3A_352 = arith.constant 0 : i32
        %dma_wait3A_353 = tpu.memref_slice %arg2[%dma_wait3A_351, %dma_wait3A_352] : memref<10240x128xf32, #tpu.memory_space<hbm>> -> memref<10240x128xf32, #tpu.memory_space<hbm>>
        tpu.wait_indirect_dma semaphore(%arg23 : memref<!tpu.dma_semaphore, #tpu.memory_space<semaphore_mem>>) src(%dma_wait3A_353 : memref<10240x128xf32, #tpu.memory_space<hbm>>) dst(%arg17 : memref<128x128xf32, #tpu.memory_space<vmem>>)
        %dma_start3A_354 = arith.constant 0 : i32
        %dma_start3A_355 = arith.constant 0 : i32
        %dma_start3A_356 = tpu.memref_slice %arg7[%dma_start3A_354, %dma_start3A_355] : memref<10240x128xf32, #tpu.memory_space<vmem_shared>> -> memref<10240x128xf32, #tpu.memory_space<vmem_shared>>
        tpu.enqueue_indirect_dma source(%arg17 : memref<128x128xf32, #tpu.memory_space<vmem>>) target(%dma_start3A_356 : memref<10240x128xf32, #tpu.memory_space<vmem_shared>>) offsets(%arg15 : memref<128xi32, #tpu.memory_space<vmem>>) semaphore(%arg25 : memref<!tpu.dma_semaphore, #tpu.memory_space<semaphore_mem>>) {add = true}
      }
      %while3A_185 = arith.constant 1 : i32
      scf.for %while3A_214 = %while3A_183 to %while3A_179 step %while3A_185  : i32 {
        %mul3A_215 = arith.constant 4 : i32
        %mul3A_216 = arith.muli %while3A_214, %mul3A_215 : i32
        %add3A_217 = arith.constant 0 : i32
        %add3A_218 = arith.addi %mul3A_216, %add3A_217 : i32
        %dma_wait3A_219 = arith.constant 0 : i32
        %dma_wait3A_220 = arith.constant 0 : i32
        %dma_wait3A_221 = tpu.memref_slice %arg2[%dma_wait3A_219, %dma_wait3A_220] : memref<10240x128xf32, #tpu.memory_space<hbm>> -> memref<128x128xf32, #tpu.memory_space<hbm>>
        %dma_wait3A_222 = arith.constant 0 : i32
        %dma_wait3A_223 = arith.constant 0 : i32
        %dma_wait3A_224 = tpu.memref_slice %arg2[%dma_wait3A_222, %dma_wait3A_223] : memref<10240x128xf32, #tpu.memory_space<hbm>> -> memref<128x128xf32, #tpu.memory_space<hbm>>
        tpu.wait_dma2 semaphore(%arg24 : memref<!tpu.dma_semaphore, #tpu.memory_space<semaphore_mem>>) src(%dma_wait3A_224 : memref<128x128xf32, #tpu.memory_space<hbm>>) dst(%arg16 : memref<128x128xf32, #tpu.memory_space<vmem>>)
        %add3A_225 = arith.constant 2 : i32
        %add3A_226 = arith.addi %add3A_218, %add3A_225 : i32
        %min3A_227 = arith.minsi %add3A_226, %sub3A_10 : i32
        %mul3A_228 = arith.constant 128 : i32
        %mul3A_229 = arith.muli %min3A_227, %mul3A_228 : i32
        %add3A_230 = arith.addi %mul3A_9, %mul3A_229 : i32
        %dma_start3A_231 = tpu.memref_slice %arg3[%add3A_230] : memref<327680xi32, #tpu.memory_space<hbm>> -> memref<128xi32, #tpu.memory_space<hbm>>
        %dma_start3A_232 = tpu.memref_slice %arg3[%add3A_230] : memref<327680xi32, #tpu.memory_space<hbm>> -> memref<128xi32, #tpu.memory_space<hbm>>
        tpu.enqueue_dma source(%dma_start3A_232 : memref<128xi32, #tpu.memory_space<hbm>>) target(%arg10 : memref<128xi32, #tpu.memory_space<vmem>>) target_semaphore(%arg20 : memref<!tpu.dma_semaphore, #tpu.memory_space<semaphore_mem>>)
        %dma_start3A_233 = tpu.memref_slice %arg4[%add3A_230] : memref<327680xi32, #tpu.memory_space<hbm>> -> memref<128xi32, #tpu.memory_space<hbm>>
        %dma_start3A_234 = tpu.memref_slice %arg4[%add3A_230] : memref<327680xi32, #tpu.memory_space<hbm>> -> memref<128xi32, #tpu.memory_space<hbm>>
        tpu.enqueue_dma source(%dma_start3A_234 : memref<128xi32, #tpu.memory_space<hbm>>) target(%arg14 : memref<128xi32, #tpu.memory_space<vmem>>) target_semaphore(%arg20 : memref<!tpu.dma_semaphore, #tpu.memory_space<semaphore_mem>>)
        %dma_wait3A_235 = arith.constant 0 : i32
        %dma_wait3A_236 = tpu.memref_slice %arg3[%dma_wait3A_235] : memref<327680xi32, #tpu.memory_space<hbm>> -> memref<128xi32, #tpu.memory_space<hbm>>
        %dma_wait3A_237 = arith.constant 0 : i32
        %dma_wait3A_238 = tpu.memref_slice %arg3[%dma_wait3A_237] : memref<327680xi32, #tpu.memory_space<hbm>> -> memref<128xi32, #tpu.memory_space<hbm>>
        tpu.wait_dma2 semaphore(%arg18 : memref<!tpu.dma_semaphore, #tpu.memory_space<semaphore_mem>>) src(%dma_wait3A_238 : memref<128xi32, #tpu.memory_space<hbm>>) dst(%arg8 : memref<128xi32, #tpu.memory_space<vmem>>)
        %dma_wait3A_239 = arith.constant 0 : i32
        %dma_wait3A_240 = tpu.memref_slice %arg4[%dma_wait3A_239] : memref<327680xi32, #tpu.memory_space<hbm>> -> memref<128xi32, #tpu.memory_space<hbm>>
        %dma_wait3A_241 = arith.constant 0 : i32
        %dma_wait3A_242 = tpu.memref_slice %arg4[%dma_wait3A_241] : memref<327680xi32, #tpu.memory_space<hbm>> -> memref<128xi32, #tpu.memory_space<hbm>>
        tpu.wait_dma2 semaphore(%arg18 : memref<!tpu.dma_semaphore, #tpu.memory_space<semaphore_mem>>) src(%dma_wait3A_242 : memref<128xi32, #tpu.memory_space<hbm>>) dst(%arg12 : memref<128xi32, #tpu.memory_space<vmem>>)
        %dma_start3A_243 = arith.constant 0 : i32
        %dma_start3A_244 = arith.constant 0 : i32
        %dma_start3A_245 = tpu.memref_slice %arg2[%dma_start3A_243, %dma_start3A_244] : memref<10240x128xf32, #tpu.memory_space<hbm>> -> memref<10240x128xf32, #tpu.memory_space<hbm>>
        tpu.enqueue_indirect_dma source(%dma_start3A_245 : memref<10240x128xf32, #tpu.memory_space<hbm>>) target(%arg16 : memref<128x128xf32, #tpu.memory_space<vmem>>) offsets(%arg8 : memref<128xi32, #tpu.memory_space<vmem>>) semaphore(%arg22 : memref<!tpu.dma_semaphore, #tpu.memory_space<semaphore_mem>>)
        %dma_wait3A_246 = arith.constant 0 : i32
        %dma_wait3A_247 = arith.constant 0 : i32
        %dma_wait3A_248 = tpu.memref_slice %arg2[%dma_wait3A_246, %dma_wait3A_247] : memref<10240x128xf32, #tpu.memory_space<hbm>> -> memref<10240x128xf32, #tpu.memory_space<hbm>>
        tpu.wait_indirect_dma semaphore(%arg22 : memref<!tpu.dma_semaphore, #tpu.memory_space<semaphore_mem>>) src(%dma_wait3A_248 : memref<10240x128xf32, #tpu.memory_space<hbm>>) dst(%arg16 : memref<128x128xf32, #tpu.memory_space<vmem>>)
        %dma_start3A_249 = arith.constant 0 : i32
        %dma_start3A_250 = arith.constant 0 : i32
        %dma_start3A_251 = tpu.memref_slice %arg7[%dma_start3A_249, %dma_start3A_250] : memref<10240x128xf32, #tpu.memory_space<vmem_shared>> -> memref<10240x128xf32, #tpu.memory_space<vmem_shared>>
        tpu.enqueue_indirect_dma source(%arg16 : memref<128x128xf32, #tpu.memory_space<vmem>>) target(%dma_start3A_251 : memref<10240x128xf32, #tpu.memory_space<vmem_shared>>) offsets(%arg12 : memref<128xi32, #tpu.memory_space<vmem>>) semaphore(%arg24 : memref<!tpu.dma_semaphore, #tpu.memory_space<semaphore_mem>>) {add = true}
        %add3A_252 = arith.constant 1 : i32
        %add3A_253 = arith.addi %mul3A_216, %add3A_252 : i32
        %dma_wait3A_254 = arith.constant 0 : i32
        %dma_wait3A_255 = arith.constant 0 : i32
        %dma_wait3A_256 = tpu.memref_slice %arg2[%dma_wait3A_254, %dma_wait3A_255] : memref<10240x128xf32, #tpu.memory_space<hbm>> -> memref<128x128xf32, #tpu.memory_space<hbm>>
        %dma_wait3A_257 = arith.constant 0 : i32
        %dma_wait3A_258 = arith.constant 0 : i32
        %dma_wait3A_259 = tpu.memref_slice %arg2[%dma_wait3A_257, %dma_wait3A_258] : memref<10240x128xf32, #tpu.memory_space<hbm>> -> memref<128x128xf32, #tpu.memory_space<hbm>>
        tpu.wait_dma2 semaphore(%arg25 : memref<!tpu.dma_semaphore, #tpu.memory_space<semaphore_mem>>) src(%dma_wait3A_259 : memref<128x128xf32, #tpu.memory_space<hbm>>) dst(%arg17 : memref<128x128xf32, #tpu.memory_space<vmem>>)
        %add3A_260 = arith.constant 2 : i32
        %add3A_261 = arith.addi %add3A_253, %add3A_260 : i32
        %min3A_262 = arith.minsi %add3A_261, %sub3A_10 : i32
        %mul3A_263 = arith.constant 128 : i32
        %mul3A_264 = arith.muli %min3A_262, %mul3A_263 : i32
        %add3A_265 = arith.addi %mul3A_9, %mul3A_264 : i32
        %dma_start3A_266 = tpu.memref_slice %arg3[%add3A_265] : memref<327680xi32, #tpu.memory_space<hbm>> -> memref<128xi32, #tpu.memory_space<hbm>>
        %dma_start3A_267 = tpu.memref_slice %arg3[%add3A_265] : memref<327680xi32, #tpu.memory_space<hbm>> -> memref<128xi32, #tpu.memory_space<hbm>>
        tpu.enqueue_dma source(%dma_start3A_267 : memref<128xi32, #tpu.memory_space<hbm>>) target(%arg11 : memref<128xi32, #tpu.memory_space<vmem>>) target_semaphore(%arg21 : memref<!tpu.dma_semaphore, #tpu.memory_space<semaphore_mem>>)
        %dma_start3A_268 = tpu.memref_slice %arg4[%add3A_265] : memref<327680xi32, #tpu.memory_space<hbm>> -> memref<128xi32, #tpu.memory_space<hbm>>
        %dma_start3A_269 = tpu.memref_slice %arg4[%add3A_265] : memref<327680xi32, #tpu.memory_space<hbm>> -> memref<128xi32, #tpu.memory_space<hbm>>
        tpu.enqueue_dma source(%dma_start3A_269 : memref<128xi32, #tpu.memory_space<hbm>>) target(%arg15 : memref<128xi32, #tpu.memory_space<vmem>>) target_semaphore(%arg21 : memref<!tpu.dma_semaphore, #tpu.memory_space<semaphore_mem>>)
        %dma_wait3A_270 = arith.constant 0 : i32
        %dma_wait3A_271 = tpu.memref_slice %arg3[%dma_wait3A_270] : memref<327680xi32, #tpu.memory_space<hbm>> -> memref<128xi32, #tpu.memory_space<hbm>>
        %dma_wait3A_272 = arith.constant 0 : i32
        %dma_wait3A_273 = tpu.memref_slice %arg3[%dma_wait3A_272] : memref<327680xi32, #tpu.memory_space<hbm>> -> memref<128xi32, #tpu.memory_space<hbm>>
        tpu.wait_dma2 semaphore(%arg19 : memref<!tpu.dma_semaphore, #tpu.memory_space<semaphore_mem>>) src(%dma_wait3A_273 : memref<128xi32, #tpu.memory_space<hbm>>) dst(%arg9 : memref<128xi32, #tpu.memory_space<vmem>>)
        %dma_wait3A_274 = arith.constant 0 : i32
        %dma_wait3A_275 = tpu.memref_slice %arg4[%dma_wait3A_274] : memref<327680xi32, #tpu.memory_space<hbm>> -> memref<128xi32, #tpu.memory_space<hbm>>
        %dma_wait3A_276 = arith.constant 0 : i32
        %dma_wait3A_277 = tpu.memref_slice %arg4[%dma_wait3A_276] : memref<327680xi32, #tpu.memory_space<hbm>> -> memref<128xi32, #tpu.memory_space<hbm>>
        tpu.wait_dma2 semaphore(%arg19 : memref<!tpu.dma_semaphore, #tpu.memory_space<semaphore_mem>>) src(%dma_wait3A_277 : memref<128xi32, #tpu.memory_space<hbm>>) dst(%arg13 : memref<128xi32, #tpu.memory_space<vmem>>)
        %dma_start3A_278 = arith.constant 0 : i32
        %dma_start3A_279 = arith.constant 0 : i32
        %dma_start3A_280 = tpu.memref_slice %arg2[%dma_start3A_278, %dma_start3A_279] : memref<10240x128xf32, #tpu.memory_space<hbm>> -> memref<10240x128xf32, #tpu.memory_space<hbm>>
        tpu.enqueue_indirect_dma source(%dma_start3A_280 : memref<10240x128xf32, #tpu.memory_space<hbm>>) target(%arg17 : memref<128x128xf32, #tpu.memory_space<vmem>>) offsets(%arg9 : memref<128xi32, #tpu.memory_space<vmem>>) semaphore(%arg23 : memref<!tpu.dma_semaphore, #tpu.memory_space<semaphore_mem>>)
        %dma_wait3A_281 = arith.constant 0 : i32
        %dma_wait3A_282 = arith.constant 0 : i32
        %dma_wait3A_283 = tpu.memref_slice %arg2[%dma_wait3A_281, %dma_wait3A_282] : memref<10240x128xf32, #tpu.memory_space<hbm>> -> memref<10240x128xf32, #tpu.memory_space<hbm>>
        tpu.wait_indirect_dma semaphore(%arg23 : memref<!tpu.dma_semaphore, #tpu.memory_space<semaphore_mem>>) src(%dma_wait3A_283 : memref<10240x128xf32, #tpu.memory_space<hbm>>) dst(%arg17 : memref<128x128xf32, #tpu.memory_space<vmem>>)
        %dma_start3A_284 = arith.constant 0 : i32
        %dma_start3A_285 = arith.constant 0 : i32
        %dma_start3A_286 = tpu.memref_slice %arg7[%dma_start3A_284, %dma_start3A_285] : memref<10240x128xf32, #tpu.memory_space<vmem_shared>> -> memref<10240x128xf32, #tpu.memory_space<vmem_shared>>
        tpu.enqueue_indirect_dma source(%arg17 : memref<128x128xf32, #tpu.memory_space<vmem>>) target(%dma_start3A_286 : memref<10240x128xf32, #tpu.memory_space<vmem_shared>>) offsets(%arg13 : memref<128xi32, #tpu.memory_space<vmem>>) semaphore(%arg25 : memref<!tpu.dma_semaphore, #tpu.memory_space<semaphore_mem>>) {add = true}
        %add3A_287 = arith.constant 2 : i32
        %add3A_288 = arith.addi %mul3A_216, %add3A_287 : i32
        %dma_wait3A_289 = arith.constant 0 : i32
        %dma_wait3A_290 = arith.constant 0 : i32
        %dma_wait3A_291 = tpu.memref_slice %arg2[%dma_wait3A_289, %dma_wait3A_290] : memref<10240x128xf32, #tpu.memory_space<hbm>> -> memref<128x128xf32, #tpu.memory_space<hbm>>
        %dma_wait3A_292 = arith.constant 0 : i32
        %dma_wait3A_293 = arith.constant 0 : i32
        %dma_wait3A_294 = tpu.memref_slice %arg2[%dma_wait3A_292, %dma_wait3A_293] : memref<10240x128xf32, #tpu.memory_space<hbm>> -> memref<128x128xf32, #tpu.memory_space<hbm>>
        tpu.wait_dma2 semaphore(%arg24 : memref<!tpu.dma_semaphore, #tpu.memory_space<semaphore_mem>>) src(%dma_wait3A_294 : memref<128x128xf32, #tpu.memory_space<hbm>>) dst(%arg16 : memref<128x128xf32, #tpu.memory_space<vmem>>)
        %add3A_295 = arith.constant 2 : i32
        %add3A_296 = arith.addi %add3A_288, %add3A_295 : i32
        %min3A_297 = arith.minsi %add3A_296, %sub3A_10 : i32
        %mul3A_298 = arith.constant 128 : i32
        %mul3A_299 = arith.muli %min3A_297, %mul3A_298 : i32
        %add3A_300 = arith.addi %mul3A_9, %mul3A_299 : i32
        %dma_start3A_301 = tpu.memref_slice %arg3[%add3A_300] : memref<327680xi32, #tpu.memory_space<hbm>> -> memref<128xi32, #tpu.memory_space<hbm>>
        %dma_start3A_302 = tpu.memref_slice %arg3[%add3A_300] : memref<327680xi32, #tpu.memory_space<hbm>> -> memref<128xi32, #tpu.memory_space<hbm>>
        tpu.enqueue_dma source(%dma_start3A_302 : memref<128xi32, #tpu.memory_space<hbm>>) target(%arg8 : memref<128xi32, #tpu.memory_space<vmem>>) target_semaphore(%arg18 : memref<!tpu.dma_semaphore, #tpu.memory_space<semaphore_mem>>)
        %dma_start3A_303 = tpu.memref_slice %arg4[%add3A_300] : memref<327680xi32, #tpu.memory_space<hbm>> -> memref<128xi32, #tpu.memory_space<hbm>>
        %dma_start3A_304 = tpu.memref_slice %arg4[%add3A_300] : memref<327680xi32, #tpu.memory_space<hbm>> -> memref<128xi32, #tpu.memory_space<hbm>>
        tpu.enqueue_dma source(%dma_start3A_304 : memref<128xi32, #tpu.memory_space<hbm>>) target(%arg12 : memref<128xi32, #tpu.memory_space<vmem>>) target_semaphore(%arg18 : memref<!tpu.dma_semaphore, #tpu.memory_space<semaphore_mem>>)
        %dma_wait3A_305 = arith.constant 0 : i32
        %dma_wait3A_306 = tpu.memref_slice %arg3[%dma_wait3A_305] : memref<327680xi32, #tpu.memory_space<hbm>> -> memref<128xi32, #tpu.memory_space<hbm>>
        %dma_wait3A_307 = arith.constant 0 : i32
        %dma_wait3A_308 = tpu.memref_slice %arg3[%dma_wait3A_307] : memref<327680xi32, #tpu.memory_space<hbm>> -> memref<128xi32, #tpu.memory_space<hbm>>
        tpu.wait_dma2 semaphore(%arg20 : memref<!tpu.dma_semaphore, #tpu.memory_space<semaphore_mem>>) src(%dma_wait3A_308 : memref<128xi32, #tpu.memory_space<hbm>>) dst(%arg10 : memref<128xi32, #tpu.memory_space<vmem>>)
        %dma_wait3A_309 = arith.constant 0 : i32
        %dma_wait3A_310 = tpu.memref_slice %arg4[%dma_wait3A_309] : memref<327680xi32, #tpu.memory_space<hbm>> -> memref<128xi32, #tpu.memory_space<hbm>>
        %dma_wait3A_311 = arith.constant 0 : i32
        %dma_wait3A_312 = tpu.memref_slice %arg4[%dma_wait3A_311] : memref<327680xi32, #tpu.memory_space<hbm>> -> memref<128xi32, #tpu.memory_space<hbm>>
        tpu.wait_dma2 semaphore(%arg20 : memref<!tpu.dma_semaphore, #tpu.memory_space<semaphore_mem>>) src(%dma_wait3A_312 : memref<128xi32, #tpu.memory_space<hbm>>) dst(%arg14 : memref<128xi32, #tpu.memory_space<vmem>>)
        %dma_start3A_313 = arith.constant 0 : i32
        %dma_start3A_314 = arith.constant 0 : i32
        %dma_start3A_315 = tpu.memref_slice %arg2[%dma_start3A_313, %dma_start3A_314] : memref<10240x128xf32, #tpu.memory_space<hbm>> -> memref<10240x128xf32, #tpu.memory_space<hbm>>
        tpu.enqueue_indirect_dma source(%dma_start3A_315 : memref<10240x128xf32, #tpu.memory_space<hbm>>) target(%arg16 : memref<128x128xf32, #tpu.memory_space<vmem>>) offsets(%arg10 : memref<128xi32, #tpu.memory_space<vmem>>) semaphore(%arg22 : memref<!tpu.dma_semaphore, #tpu.memory_space<semaphore_mem>>)
        %dma_wait3A_316 = arith.constant 0 : i32
        %dma_wait3A_317 = arith.constant 0 : i32
        %dma_wait3A_318 = tpu.memref_slice %arg2[%dma_wait3A_316, %dma_wait3A_317] : memref<10240x128xf32, #tpu.memory_space<hbm>> -> memref<10240x128xf32, #tpu.memory_space<hbm>>
        tpu.wait_indirect_dma semaphore(%arg22 : memref<!tpu.dma_semaphore, #tpu.memory_space<semaphore_mem>>) src(%dma_wait3A_318 : memref<10240x128xf32, #tpu.memory_space<hbm>>) dst(%arg16 : memref<128x128xf32, #tpu.memory_space<vmem>>)
        %dma_start3A_319 = arith.constant 0 : i32
        %dma_start3A_320 = arith.constant 0 : i32
        %dma_start3A_321 = tpu.memref_slice %arg7[%dma_start3A_319, %dma_start3A_320] : memref<10240x128xf32, #tpu.memory_space<vmem_shared>> -> memref<10240x128xf32, #tpu.memory_space<vmem_shared>>
        tpu.enqueue_indirect_dma source(%arg16 : memref<128x128xf32, #tpu.memory_space<vmem>>) target(%dma_start3A_321 : memref<10240x128xf32, #tpu.memory_space<vmem_shared>>) offsets(%arg14 : memref<128xi32, #tpu.memory_space<vmem>>) semaphore(%arg24 : memref<!tpu.dma_semaphore, #tpu.memory_space<semaphore_mem>>) {add = true}
        %add3A_322 = arith.constant 3 : i32
        %add3A_323 = arith.addi %mul3A_216, %add3A_322 : i32
        %dma_wait3A_324 = arith.constant 0 : i32
        %dma_wait3A_325 = arith.constant 0 : i32
        %dma_wait3A_326 = tpu.memref_slice %arg2[%dma_wait3A_324, %dma_wait3A_325] : memref<10240x128xf32, #tpu.memory_space<hbm>> -> memref<128x128xf32, #tpu.memory_space<hbm>>
        %dma_wait3A_327 = arith.constant 0 : i32
        %dma_wait3A_328 = arith.constant 0 : i32
        %dma_wait3A_329 = tpu.memref_slice %arg2[%dma_wait3A_327, %dma_wait3A_328] : memref<10240x128xf32, #tpu.memory_space<hbm>> -> memref<128x128xf32, #tpu.memory_space<hbm>>
        tpu.wait_dma2 semaphore(%arg25 : memref<!tpu.dma_semaphore, #tpu.memory_space<semaphore_mem>>) src(%dma_wait3A_329 : memref<128x128xf32, #tpu.memory_space<hbm>>) dst(%arg17 : memref<128x128xf32, #tpu.memory_space<vmem>>)
        %add3A_330 = arith.constant 2 : i32
        %add3A_331 = arith.addi %add3A_323, %add3A_330 : i32
        %min3A_332 = arith.minsi %add3A_331, %sub3A_10 : i32
        %mul3A_333 = arith.constant 128 : i32
        %mul3A_334 = arith.muli %min3A_332, %mul3A_333 : i32
        %add3A_335 = arith.addi %mul3A_9, %mul3A_334 : i32
        %dma_start3A_336 = tpu.memref_slice %arg3[%add3A_335] : memref<327680xi32, #tpu.memory_space<hbm>> -> memref<128xi32, #tpu.memory_space<hbm>>
        %dma_start3A_337 = tpu.memref_slice %arg3[%add3A_335] : memref<327680xi32, #tpu.memory_space<hbm>> -> memref<128xi32, #tpu.memory_space<hbm>>
        tpu.enqueue_dma source(%dma_start3A_337 : memref<128xi32, #tpu.memory_space<hbm>>) target(%arg9 : memref<128xi32, #tpu.memory_space<vmem>>) target_semaphore(%arg19 : memref<!tpu.dma_semaphore, #tpu.memory_space<semaphore_mem>>)
        %dma_start3A_338 = tpu.memref_slice %arg4[%add3A_335] : memref<327680xi32, #tpu.memory_space<hbm>> -> memref<128xi32, #tpu.memory_space<hbm>>
        %dma_start3A_339 = tpu.memref_slice %arg4[%add3A_335] : memref<327680xi32, #tpu.memory_space<hbm>> -> memref<128xi32, #tpu.memory_space<hbm>>
        tpu.enqueue_dma source(%dma_start3A_339 : memref<128xi32, #tpu.memory_space<hbm>>) target(%arg13 : memref<128xi32, #tpu.memory_space<vmem>>) target_semaphore(%arg19 : memref<!tpu.dma_semaphore, #tpu.memory_space<semaphore_mem>>)
        %dma_wait3A_340 = arith.constant 0 : i32
        %dma_wait3A_341 = tpu.memref_slice %arg3[%dma_wait3A_340] : memref<327680xi32, #tpu.memory_space<hbm>> -> memref<128xi32, #tpu.memory_space<hbm>>
        %dma_wait3A_342 = arith.constant 0 : i32
        %dma_wait3A_343 = tpu.memref_slice %arg3[%dma_wait3A_342] : memref<327680xi32, #tpu.memory_space<hbm>> -> memref<128xi32, #tpu.memory_space<hbm>>
        tpu.wait_dma2 semaphore(%arg21 : memref<!tpu.dma_semaphore, #tpu.memory_space<semaphore_mem>>) src(%dma_wait3A_343 : memref<128xi32, #tpu.memory_space<hbm>>) dst(%arg11 : memref<128xi32, #tpu.memory_space<vmem>>)
        %dma_wait3A_344 = arith.constant 0 : i32
        %dma_wait3A_345 = tpu.memref_slice %arg4[%dma_wait3A_344] : memref<327680xi32, #tpu.memory_space<hbm>> -> memref<128xi32, #tpu.memory_space<hbm>>
        %dma_wait3A_346 = arith.constant 0 : i32
        %dma_wait3A_347 = tpu.memref_slice %arg4[%dma_wait3A_346] : memref<327680xi32, #tpu.memory_space<hbm>> -> memref<128xi32, #tpu.memory_space<hbm>>
        tpu.wait_dma2 semaphore(%arg21 : memref<!tpu.dma_semaphore, #tpu.memory_space<semaphore_mem>>) src(%dma_wait3A_347 : memref<128xi32, #tpu.memory_space<hbm>>) dst(%arg15 : memref<128xi32, #tpu.memory_space<vmem>>)
        %dma_start3A_348 = arith.constant 0 : i32
        %dma_start3A_349 = arith.constant 0 : i32
        %dma_start3A_350 = tpu.memref_slice %arg2[%dma_start3A_348, %dma_start3A_349] : memref<10240x128xf32, #tpu.memory_space<hbm>> -> memref<10240x128xf32, #tpu.memory_space<hbm>>
        tpu.enqueue_indirect_dma source(%dma_start3A_350 : memref<10240x128xf32, #tpu.memory_space<hbm>>) target(%arg17 : memref<128x128xf32, #tpu.memory_space<vmem>>) offsets(%arg11 : memref<128xi32, #tpu.memory_space<vmem>>) semaphore(%arg23 : memref<!tpu.dma_semaphore, #tpu.memory_space<semaphore_mem>>)
        %dma_wait3A_351 = arith.constant 0 : i32
        %dma_wait3A_352 = arith.constant 0 : i32
        %dma_wait3A_353 = tpu.memref_slice %arg2[%dma_wait3A_351, %dma_wait3A_352] : memref<10240x128xf32, #tpu.memory_space<hbm>> -> memref<10240x128xf32, #tpu.memory_space<hbm>>
        tpu.wait_indirect_dma semaphore(%arg23 : memref<!tpu.dma_semaphore, #tpu.memory_space<semaphore_mem>>) src(%dma_wait3A_353 : memref<10240x128xf32, #tpu.memory_space<hbm>>) dst(%arg17 : memref<128x128xf32, #tpu.memory_space<vmem>>)
        %dma_start3A_354 = arith.constant 0 : i32
        %dma_start3A_355 = arith.constant 0 : i32
        %dma_start3A_356 = tpu.memref_slice %arg7[%dma_start3A_354, %dma_start3A_355] : memref<10240x128xf32, #tpu.memory_space<vmem_shared>> -> memref<10240x128xf32, #tpu.memory_space<vmem_shared>>
        tpu.enqueue_indirect_dma source(%arg17 : memref<128x128xf32, #tpu.memory_space<vmem>>) target(%dma_start3A_356 : memref<10240x128xf32, #tpu.memory_space<vmem_shared>>) offsets(%arg15 : memref<128xi32, #tpu.memory_space<vmem>>) semaphore(%arg25 : memref<!tpu.dma_semaphore, #tpu.memory_space<semaphore_mem>>) {add = true}
      }
      %dma_wait3A_186 = arith.constant 0 : i32
      %dma_wait3A_187 = arith.constant 0 : i32
      %dma_wait3A_188 = tpu.memref_slice %arg2[%dma_wait3A_186, %dma_wait3A_187] : memref<10240x128xf32, #tpu.memory_space<hbm>> -> memref<128x128xf32, #tpu.memory_space<hbm>>
      %dma_wait3A_189 = arith.constant 0 : i32
      %dma_wait3A_190 = arith.constant 0 : i32
      %dma_wait3A_191 = tpu.memref_slice %arg2[%dma_wait3A_189, %dma_wait3A_190] : memref<10240x128xf32, #tpu.memory_space<hbm>> -> memref<128x128xf32, #tpu.memory_space<hbm>>
      tpu.wait_dma2 semaphore(%arg24 : memref<!tpu.dma_semaphore, #tpu.memory_space<semaphore_mem>>) src(%dma_wait3A_191 : memref<128x128xf32, #tpu.memory_space<hbm>>) dst(%arg16 : memref<128x128xf32, #tpu.memory_space<vmem>>)
      %dma_wait3A_192 = arith.constant 0 : i32
      %dma_wait3A_193 = arith.constant 0 : i32
      %dma_wait3A_194 = tpu.memref_slice %arg2[%dma_wait3A_192, %dma_wait3A_193] : memref<10240x128xf32, #tpu.memory_space<hbm>> -> memref<128x128xf32, #tpu.memory_space<hbm>>
      %dma_wait3A_195 = arith.constant 0 : i32
      %dma_wait3A_196 = arith.constant 0 : i32
      %dma_wait3A_197 = tpu.memref_slice %arg2[%dma_wait3A_195, %dma_wait3A_196] : memref<10240x128xf32, #tpu.memory_space<hbm>> -> memref<128x128xf32, #tpu.memory_space<hbm>>
      tpu.wait_dma2 semaphore(%arg25 : memref<!tpu.dma_semaphore, #tpu.memory_space<semaphore_mem>>) src(%dma_wait3A_197 : memref<128x128xf32, #tpu.memory_space<hbm>>) dst(%arg17 : memref<128x128xf32, #tpu.memory_space<vmem>>)
      %dma_wait3A_198 = arith.constant 0 : i32
      %dma_wait3A_199 = tpu.memref_slice %arg3[%dma_wait3A_198] : memref<327680xi32, #tpu.memory_space<hbm>> -> memref<128xi32, #tpu.memory_space<hbm>>
      %dma_wait3A_200 = arith.constant 0 : i32
      %dma_wait3A_201 = tpu.memref_slice %arg3[%dma_wait3A_200] : memref<327680xi32, #tpu.memory_space<hbm>> -> memref<128xi32, #tpu.memory_space<hbm>>
      tpu.wait_dma2 semaphore(%arg18 : memref<!tpu.dma_semaphore, #tpu.memory_space<semaphore_mem>>) src(%dma_wait3A_201 : memref<128xi32, #tpu.memory_space<hbm>>) dst(%arg8 : memref<128xi32, #tpu.memory_space<vmem>>)
      %dma_wait3A_202 = arith.constant 0 : i32
      %dma_wait3A_203 = tpu.memref_slice %arg4[%dma_wait3A_202] : memref<327680xi32, #tpu.memory_space<hbm>> -> memref<128xi32, #tpu.memory_space<hbm>>
      %dma_wait3A_204 = arith.constant 0 : i32
      %dma_wait3A_205 = tpu.memref_slice %arg4[%dma_wait3A_204] : memref<327680xi32, #tpu.memory_space<hbm>> -> memref<128xi32, #tpu.memory_space<hbm>>
      tpu.wait_dma2 semaphore(%arg18 : memref<!tpu.dma_semaphore, #tpu.memory_space<semaphore_mem>>) src(%dma_wait3A_205 : memref<128xi32, #tpu.memory_space<hbm>>) dst(%arg12 : memref<128xi32, #tpu.memory_space<vmem>>)
      %dma_wait3A_206 = arith.constant 0 : i32
      %dma_wait3A_207 = tpu.memref_slice %arg3[%dma_wait3A_206] : memref<327680xi32, #tpu.memory_space<hbm>> -> memref<128xi32, #tpu.memory_space<hbm>>
      %dma_wait3A_208 = arith.constant 0 : i32
      %dma_wait3A_209 = tpu.memref_slice %arg3[%dma_wait3A_208] : memref<327680xi32, #tpu.memory_space<hbm>> -> memref<128xi32, #tpu.memory_space<hbm>>
      tpu.wait_dma2 semaphore(%arg19 : memref<!tpu.dma_semaphore, #tpu.memory_space<semaphore_mem>>) src(%dma_wait3A_209 : memref<128xi32, #tpu.memory_space<hbm>>) dst(%arg9 : memref<128xi32, #tpu.memory_space<vmem>>)
      %dma_wait3A_210 = arith.constant 0 : i32
      %dma_wait3A_211 = tpu.memref_slice %arg4[%dma_wait3A_210] : memref<327680xi32, #tpu.memory_space<hbm>> -> memref<128xi32, #tpu.memory_space<hbm>>
      %dma_wait3A_212 = arith.constant 0 : i32
      %dma_wait3A_213 = tpu.memref_slice %arg4[%dma_wait3A_212] : memref<327680xi32, #tpu.memory_space<hbm>> -> memref<128xi32, #tpu.memory_space<hbm>>
      tpu.wait_dma2 semaphore(%arg19 : memref<!tpu.dma_semaphore, #tpu.memory_space<semaphore_mem>>) src(%dma_wait3A_213 : memref<128xi32, #tpu.memory_space<hbm>>) dst(%arg13 : memref<128xi32, #tpu.memory_space<vmem>>)
    } else {
    }
    %barrier3A_13 = arith.constant 0 : index
    tpu.barrier barrier_id(%barrier3A_13)
    %mul3A_14 = arith.constant 640 : i32
    %mul3A_15 = arith.muli %arg1, %mul3A_14 : i32
    %mul3A_16 = arith.constant 10240 : i32
    %mul3A_17 = arith.muli %arg0, %mul3A_16 : i32
    %mul3A_18 = arith.constant 640 : i32
    %mul3A_19 = arith.muli %arg1, %mul3A_18 : i32
    %add3A_20 = arith.addi %mul3A_17, %mul3A_19 : i32
    "tpu.region"() ({
      %run_scoped3A = tpu.sem_alloc : memref<!tpu.dma_semaphore, #tpu.memory_space<semaphore_mem>>
      %dma_start3A = arith.constant 0 : i32
      %dma_start3A_21 = tpu.memref_slice %arg6[%add3A_20, %dma_start3A] : memref<20480x128xf32, #tpu.memory_space<hbm>> -> memref<640x128xf32, #tpu.memory_space<hbm>>
      %dma_start3A_22 = arith.constant 0 : i32
      %dma_start3A_23 = tpu.memref_slice %arg7[%mul3A_15, %dma_start3A_22] : memref<10240x128xf32, #tpu.memory_space<vmem_shared>> -> memref<640x128xf32, #tpu.memory_space<vmem_shared>>
      tpu.enqueue_dma source(%dma_start3A_23 : memref<640x128xf32, #tpu.memory_space<vmem_shared>>) target(%dma_start3A_21 : memref<640x128xf32, #tpu.memory_space<hbm>>) target_semaphore(%run_scoped3A : memref<!tpu.dma_semaphore, #tpu.memory_space<semaphore_mem>>)
      %dma_wait3A = arith.constant 0 : i32
      %dma_wait3A_24 = tpu.memref_slice %arg6[%add3A_20, %dma_wait3A] : memref<20480x128xf32, #tpu.memory_space<hbm>> -> memref<640x128xf32, #tpu.memory_space<hbm>>
      %dma_wait3A_25 = arith.constant 0 : i32
      %dma_wait3A_26 = tpu.memref_slice %arg7[%mul3A_15, %dma_wait3A_25] : memref<10240x128xf32, #tpu.memory_space<vmem_shared>> -> memref<640x128xf32, #tpu.memory_space<vmem_shared>>
      tpu.wait_dma2 semaphore(%run_scoped3A : memref<!tpu.dma_semaphore, #tpu.memory_space<semaphore_mem>>) src(%dma_wait3A_26 : memref<640x128xf32, #tpu.memory_space<vmem_shared>>) dst(%dma_wait3A_24 : memref<640x128xf32, #tpu.memory_space<hbm>>)
      tpu.yield
    }) : () -> ()
    return
  }
}

module attributes {stable_mosaic.version = 14 : i64} {
  func.func @body(%arg0: i32, %arg1: memref<1024x128xf32, #tpu.memory_space<vmem>>, %arg2: memref<128x128xf32, #tpu.memory_space<vmem>>, %arg3: memref<1024x1xf32, #tpu.memory_space<vmem>>, %arg4: memref<1024x128xf32, #tpu.memory_space<vmem>>) attributes {dimension_semantics = [#tpu.dimension_semantics<arbitrary>], iteration_bounds = array<i64: 10>, scalar_prefetch = 0 : i64, scratch_operands = 0 : i64, tpu.core_type = #tpu.core_type<tc>, window_params = [{transform_indices = @transform_0, window_bounds = array<i64: 1024, 128>}, {pipeline_mode = #tpu.pipeline_mode<synchronous>, transform_indices = @transform_1, window_bounds = array<i64: 128, 128>}, {transform_indices = @transform_2, window_bounds = array<i64: 1024, 1>}, {transform_indices = @transform_3, window_bounds = array<i64: 1024, 128>}]} {
    %get3A = arith.constant 0 : index
    %get3A_0 = arith.constant 0 : index
    %get3A_1 = vector.load %arg3[%get3A, %get3A_0] : memref<1024x1xf32, #tpu.memory_space<vmem>>, vector<1024x1xf32>
    %rsqrt3A = math.rsqrt %get3A_1 : vector<1024x1xf32>
    %get3A_2 = arith.constant 0 : index
    %get3A_3 = arith.constant 0 : index
    %get3A_4 = vector.load %arg1[%get3A_2, %get3A_3] : memref<1024x128xf32, #tpu.memory_space<vmem>>, vector<1024x128xf32>
    %get3A_5 = arith.constant 0 : index
    %get3A_6 = arith.constant 0 : index
    %get3A_7 = vector.load %arg2[%get3A_5, %get3A_6] : memref<128x128xf32, #tpu.memory_space<vmem>>, vector<128x128xf32>
    %dot_general3A = arith.constant dense<0.000000e+00> : vector<1024x128xf32>
    %dot_general3A_8 = tpu.matmul %get3A_4, %get3A_7, %dot_general3A {dimension_numbers = #tpu.dot_dimension_numbers<[1], [0], [0], [1], [0, 0, 1, 1], [], []>, transpose_lhs_hint = false} : vector<1024x128xf32>, vector<128x128xf32>, vector<1024x128xf32> -> vector<1024x128xf32>
    %mul3A = vector.broadcast %rsqrt3A : vector<1024x1xf32> to vector<1024x128xf32>
    %mul3A_9 = arith.mulf %dot_general3A_8, %mul3A : vector<1024x128xf32>
    %swap3A = arith.constant 0 : index
    %swap3A_10 = arith.constant 0 : index
    %swap3A_11 = vector.load %arg4[%swap3A, %swap3A_10] : memref<1024x128xf32, #tpu.memory_space<vmem>>, vector<1024x128xf32>
    tpu.vector_store %arg4[%swap3A, %swap3A_10], %mul3A_9 {strides = array<i32>} : memref<1024x128xf32, #tpu.memory_space<vmem>>, vector<1024x128xf32>,
    return
  }
  func.func @transform_0(%arg0: i32) -> (i32, i32) {
    %c0_i32 = arith.constant 0 : i32
    %c0_i32_0 = arith.constant 0 : i32
    return %arg0, %c0_i32 : i32, i32
  }
  func.func @transform_1(%arg0: i32) -> (i32, i32) {
    %c0_i32 = arith.constant 0 : i32
    %c0_i32_0 = arith.constant 0 : i32
    %c0_i32_1 = arith.constant 0 : i32
    return %c0_i32, %c0_i32_0 : i32, i32
  }
  func.func @transform_2(%arg0: i32) -> (i32, i32) {
    %c0_i32 = arith.constant 0 : i32
    %c0_i32_0 = arith.constant 0 : i32
    return %arg0, %c0_i32 : i32, i32
  }
  func.func @transform_3(%arg0: i32) -> (i32, i32) {
    %c0_i32 = arith.constant 0 : i32
    %c0_i32_0 = arith.constant 0 : i32
    return %arg0, %c0_i32 : i32, i32
  }
}

module attributes {stable_mosaic.version = 14 : i64} {
  func.func @body(%arg0: i32, %arg1: memref<1024x128xf32, #tpu.memory_space<vmem>>, %arg2: memref<1024x128xf32, #tpu.memory_space<vmem>>, %arg3: memref<1024x128xf32, #tpu.memory_space<vmem>>, %arg4: memref<1024x1xf32, #tpu.memory_space<vmem>>, %arg5: memref<1x128xf32, #tpu.memory_space<vmem>>, %arg6: memref<128x128xf32, #tpu.memory_space<vmem>>, %arg7: memref<1024x128xf32, #tpu.memory_space<vmem>>) attributes {dimension_semantics = [#tpu.dimension_semantics<arbitrary>], iteration_bounds = array<i64: 10>, scalar_prefetch = 0 : i64, scratch_operands = 0 : i64, tpu.core_type = #tpu.core_type<tc>, window_params = [{transform_indices = @transform_0, window_bounds = array<i64: 1024, 128>}, {transform_indices = @transform_1, window_bounds = array<i64: 1024, 128>}, {transform_indices = @transform_2, window_bounds = array<i64: 1024, 128>}, {transform_indices = @transform_3, window_bounds = array<i64: 1024, 1>}, {pipeline_mode = #tpu.pipeline_mode<synchronous>, transform_indices = @transform_4, window_bounds = array<i64: 1, 128>}, {pipeline_mode = #tpu.pipeline_mode<synchronous>, transform_indices = @transform_5, window_bounds = array<i64: 128, 128>}, {transform_indices = @transform_6, window_bounds = array<i64: 1024, 128>}]} {
    %get3A = arith.constant 0 : index
    %get3A_0 = arith.constant 0 : index
    %get3A_1 = vector.load %arg4[%get3A, %get3A_0] : memref<1024x1xf32, #tpu.memory_space<vmem>>, vector<1024x1xf32>
    %rsqrt3A = math.rsqrt %get3A_1 : vector<1024x1xf32>
    %get3A_2 = arith.constant 0 : index
    %get3A_3 = arith.constant 0 : index
    %get3A_4 = vector.load %arg1[%get3A_2, %get3A_3] : memref<1024x128xf32, #tpu.memory_space<vmem>>, vector<1024x128xf32>
    %get3A_5 = arith.constant 0 : index
    %get3A_6 = arith.constant 0 : index
    %get3A_7 = vector.load %arg2[%get3A_5, %get3A_6] : memref<1024x128xf32, #tpu.memory_space<vmem>>, vector<1024x128xf32>
    %add3A = arith.addf %get3A_4, %get3A_7 : vector<1024x128xf32>
    %get3A_8 = arith.constant 0 : index
    %get3A_9 = arith.constant 0 : index
    %get3A_10 = vector.load %arg3[%get3A_8, %get3A_9] : memref<1024x128xf32, #tpu.memory_space<vmem>>, vector<1024x128xf32>
    %add3A_11 = arith.addf %add3A, %get3A_10 : vector<1024x128xf32>
    %mul3A = vector.broadcast %rsqrt3A : vector<1024x1xf32> to vector<1024x128xf32>
    %mul3A_12 = arith.mulf %add3A_11, %mul3A : vector<1024x128xf32>
    %get3A_13 = arith.constant 0 : index
    %get3A_14 = arith.constant 0 : index
    %get3A_15 = vector.load %arg5[%get3A_13, %get3A_14] : memref<1x128xf32, #tpu.memory_space<vmem>>, vector<1x128xf32>
    %add3A_16 = vector.broadcast %get3A_15 : vector<1x128xf32> to vector<1024x128xf32>
    %add3A_17 = arith.addf %mul3A_12, %add3A_16 : vector<1024x128xf32>
    %max3A = arith.constant 0.000000e+00 : f32
    %max3A_18 = vector.broadcast %max3A : f32 to vector<1024x128xf32>
    %max3A_19 = arith.maximumf %add3A_17, %max3A_18 : vector<1024x128xf32>
    %get3A_20 = arith.constant 0 : index
    %get3A_21 = arith.constant 0 : index
    %get3A_22 = vector.load %arg6[%get3A_20, %get3A_21] : memref<128x128xf32, #tpu.memory_space<vmem>>, vector<128x128xf32>
    %dot_general3A = arith.constant dense<0.000000e+00> : vector<1024x128xf32>
    %dot_general3A_23 = tpu.matmul %max3A_19, %get3A_22, %dot_general3A {dimension_numbers = #tpu.dot_dimension_numbers<[1], [0], [0], [1], [0, 0, 1, 1], [], []>, transpose_lhs_hint = false} : vector<1024x128xf32>, vector<128x128xf32>, vector<1024x128xf32> -> vector<1024x128xf32>
    %mul3A_24 = vector.broadcast %rsqrt3A : vector<1024x1xf32> to vector<1024x128xf32>
    %mul3A_25 = arith.mulf %dot_general3A_23, %mul3A_24 : vector<1024x128xf32>
    %swap3A = arith.constant 0 : index
    %swap3A_26 = arith.constant 0 : index
    %swap3A_27 = vector.load %arg7[%swap3A, %swap3A_26] : memref<1024x128xf32, #tpu.memory_space<vmem>>, vector<1024x128xf32>
    tpu.vector_store %arg7[%swap3A, %swap3A_26], %mul3A_25 {strides = array<i32>} : memref<1024x128xf32, #tpu.memory_space<vmem>>, vector<1024x128xf32>,
    return
  }
  func.func @transform_0(%arg0: i32) -> (i32, i32) {
    %c0_i32 = arith.constant 0 : i32
    %c0_i32_0 = arith.constant 0 : i32
    return %arg0, %c0_i32 : i32, i32
  }
  func.func @transform_1(%arg0: i32) -> (i32, i32) {
    %add3A = arith.constant 10 : i32
    %add3A_0 = arith.addi %arg0, %add3A : i32
    %c0_i32 = arith.constant 0 : i32
    %c0_i32_1 = arith.constant 0 : i32
    return %add3A_0, %c0_i32 : i32, i32
  }
  func.func @transform_2(%arg0: i32) -> (i32, i32) {
    %c0_i32 = arith.constant 0 : i32
    %c0_i32_0 = arith.constant 0 : i32
    return %arg0, %c0_i32 : i32, i32
  }
  func.func @transform_3(%arg0: i32) -> (i32, i32) {
    %c0_i32 = arith.constant 0 : i32
    %c0_i32_0 = arith.constant 0 : i32
    return %arg0, %c0_i32 : i32, i32
  }
  func.func @transform_4(%arg0: i32) -> (i32, i32) {
    %c0_i32 = arith.constant 0 : i32
    %c0_i32_0 = arith.constant 0 : i32
    %c0_i32_1 = arith.constant 0 : i32
    return %c0_i32, %c0_i32_0 : i32, i32
  }
  func.func @transform_5(%arg0: i32) -> (i32, i32) {
    %c0_i32 = arith.constant 0 : i32
    %c0_i32_0 = arith.constant 0 : i32
    %c0_i32_1 = arith.constant 0 : i32
    return %c0_i32, %c0_i32_0 : i32, i32
  }
  func.func @transform_6(%arg0: i32) -> (i32, i32) {
    %c0_i32 = arith.constant 0 : i32
    %c0_i32_0 = arith.constant 0 : i32
    return %arg0, %c0_i32 : i32, i32
  }
}

module attributes {stable_mosaic.version = 14 : i64} {
  func.func @body(%arg0: i32, %arg1: memref<1024x128xf32, #tpu.memory_space<vmem>>, %arg2: memref<1024x128xf32, #tpu.memory_space<vmem>>, %arg3: memref<1024x128xf32, #tpu.memory_space<vmem>>, %arg4: memref<1024x1xf32, #tpu.memory_space<vmem>>, %arg5: memref<1x128xf32, #tpu.memory_space<vmem>>, %arg6: memref<128x16xf32, #tpu.memory_space<vmem>>, %arg7: memref<1x16xf32, #tpu.memory_space<vmem>>, %arg8: memref<1024x16xf32, #tpu.memory_space<vmem>>) attributes {dimension_semantics = [#tpu.dimension_semantics<arbitrary>], iteration_bounds = array<i64: 10>, scalar_prefetch = 0 : i64, scratch_operands = 0 : i64, tpu.core_type = #tpu.core_type<tc>, window_params = [{transform_indices = @transform_0, window_bounds = array<i64: 1024, 128>}, {transform_indices = @transform_1, window_bounds = array<i64: 1024, 128>}, {transform_indices = @transform_2, window_bounds = array<i64: 1024, 128>}, {transform_indices = @transform_3, window_bounds = array<i64: 1024, 1>}, {pipeline_mode = #tpu.pipeline_mode<synchronous>, transform_indices = @transform_4, window_bounds = array<i64: 1, 128>}, {pipeline_mode = #tpu.pipeline_mode<synchronous>, transform_indices = @transform_5, window_bounds = array<i64: 128, 16>}, {pipeline_mode = #tpu.pipeline_mode<synchronous>, transform_indices = @transform_6, window_bounds = array<i64: 1, 16>}, {transform_indices = @transform_7, window_bounds = array<i64: 1024, 16>}]} {
    %get3A = arith.constant 0 : index
    %get3A_0 = arith.constant 0 : index
    %get3A_1 = vector.load %arg4[%get3A, %get3A_0] : memref<1024x1xf32, #tpu.memory_space<vmem>>, vector<1024x1xf32>
    %rsqrt3A = math.rsqrt %get3A_1 : vector<1024x1xf32>
    %get3A_2 = arith.constant 0 : index
    %get3A_3 = arith.constant 0 : index
    %get3A_4 = vector.load %arg1[%get3A_2, %get3A_3] : memref<1024x128xf32, #tpu.memory_space<vmem>>, vector<1024x128xf32>
    %get3A_5 = arith.constant 0 : index
    %get3A_6 = arith.constant 0 : index
    %get3A_7 = vector.load %arg2[%get3A_5, %get3A_6] : memref<1024x128xf32, #tpu.memory_space<vmem>>, vector<1024x128xf32>
    %add3A = arith.addf %get3A_4, %get3A_7 : vector<1024x128xf32>
    %get3A_8 = arith.constant 0 : index
    %get3A_9 = arith.constant 0 : index
    %get3A_10 = vector.load %arg3[%get3A_8, %get3A_9] : memref<1024x128xf32, #tpu.memory_space<vmem>>, vector<1024x128xf32>
    %add3A_11 = arith.addf %add3A, %get3A_10 : vector<1024x128xf32>
    %mul3A = vector.broadcast %rsqrt3A : vector<1024x1xf32> to vector<1024x128xf32>
    %mul3A_12 = arith.mulf %add3A_11, %mul3A : vector<1024x128xf32>
    %get3A_13 = arith.constant 0 : index
    %get3A_14 = arith.constant 0 : index
    %get3A_15 = vector.load %arg5[%get3A_13, %get3A_14] : memref<1x128xf32, #tpu.memory_space<vmem>>, vector<1x128xf32>
    %add3A_16 = vector.broadcast %get3A_15 : vector<1x128xf32> to vector<1024x128xf32>
    %add3A_17 = arith.addf %mul3A_12, %add3A_16 : vector<1024x128xf32>
    %max3A = arith.constant 0.000000e+00 : f32
    %max3A_18 = vector.broadcast %max3A : f32 to vector<1024x128xf32>
    %max3A_19 = arith.maximumf %add3A_17, %max3A_18 : vector<1024x128xf32>
    %get3A_20 = arith.constant 0 : index
    %get3A_21 = arith.constant 0 : index
    %get3A_22 = vector.load %arg6[%get3A_20, %get3A_21] : memref<128x16xf32, #tpu.memory_space<vmem>>, vector<128x16xf32>
    %dot_general3A = arith.constant dense<0.000000e+00> : vector<1024x16xf32>
    %dot_general3A_23 = tpu.matmul %max3A_19, %get3A_22, %dot_general3A {dimension_numbers = #tpu.dot_dimension_numbers<[1], [0], [0], [1], [0, 0, 1, 1], [], []>, transpose_lhs_hint = false} : vector<1024x128xf32>, vector<128x16xf32>, vector<1024x16xf32> -> vector<1024x16xf32>
    %get3A_24 = arith.constant 0 : index
    %get3A_25 = arith.constant 0 : index
    %get3A_26 = vector.load %arg7[%get3A_24, %get3A_25] : memref<1x16xf32, #tpu.memory_space<vmem>>, vector<1x16xf32>
    %add3A_27 = vector.broadcast %get3A_26 : vector<1x16xf32> to vector<1024x16xf32>
    %add3A_28 = arith.addf %dot_general3A_23, %add3A_27 : vector<1024x16xf32>
    %swap3A = arith.constant 0 : index
    %swap3A_29 = arith.constant 0 : index
    %swap3A_30 = vector.load %arg8[%swap3A, %swap3A_29] : memref<1024x16xf32, #tpu.memory_space<vmem>>, vector<1024x16xf32>
    tpu.vector_store %arg8[%swap3A, %swap3A_29], %add3A_28 {strides = array<i32>} : memref<1024x16xf32, #tpu.memory_space<vmem>>, vector<1024x16xf32>,
    return
  }
  func.func @transform_0(%arg0: i32) -> (i32, i32) {
    %c0_i32 = arith.constant 0 : i32
    %c0_i32_0 = arith.constant 0 : i32
    return %arg0, %c0_i32 : i32, i32
  }
  func.func @transform_1(%arg0: i32) -> (i32, i32) {
    %add3A = arith.constant 10 : i32
    %add3A_0 = arith.addi %arg0, %add3A : i32
    %c0_i32 = arith.constant 0 : i32
    %c0_i32_1 = arith.constant 0 : i32
    return %add3A_0, %c0_i32 : i32, i32
  }
  func.func @transform_2(%arg0: i32) -> (i32, i32) {
    %c0_i32 = arith.constant 0 : i32
    %c0_i32_0 = arith.constant 0 : i32
    return %arg0, %c0_i32 : i32, i32
  }
  func.func @transform_3(%arg0: i32) -> (i32, i32) {
    %c0_i32 = arith.constant 0 : i32
    %c0_i32_0 = arith.constant 0 : i32
    return %arg0, %c0_i32 : i32, i32
  }
  func.func @transform_4(%arg0: i32) -> (i32, i32) {
    %c0_i32 = arith.constant 0 : i32
    %c0_i32_0 = arith.constant 0 : i32
    %c0_i32_1 = arith.constant 0 : i32
    return %c0_i32, %c0_i32_0 : i32, i32
  }
  func.func @transform_5(%arg0: i32) -> (i32, i32) {
    %c0_i32 = arith.constant 0 : i32
    %c0_i32_0 = arith.constant 0 : i32
    %c0_i32_1 = arith.constant 0 : i32
    return %c0_i32, %c0_i32_0 : i32, i32
  }
  func.func @transform_6(%arg0: i32) -> (i32, i32) {
    %c0_i32 = arith.constant 0 : i32
    %c0_i32_0 = arith.constant 0 : i32
    %c0_i32_1 = arith.constant 0 : i32
    return %c0_i32, %c0_i32_0 : i32, i32
  }
  func.func @transform_7(%arg0: i32) -> (i32, i32) {
    %c0_i32 = arith.constant 0 : i32
    %c0_i32_0 = arith.constant 0 : i32
    return %arg0, %c0_i32 : i32, i32
  }
}

</mosaic_0001>

<sc_bundles>
// kernel: kernel.11.cloned.1.call-start
scs
__scs_entry_jumppad:
0x0: {  	(pc) =	sbr.rel $0x88, $3  }
0x1: {  	(tag) =	ssettag $0x0;
	lr =	simm.s32 $0x1  }
0x2: {  	[smem:$0x3F99] =	sst lr;
	_ =	strace $0xD0000000  }
0x3: {  	_ = 	snop  }
0x4: {  	_ = 	snop  }
0x5: {  	_ = 	snop  }
0x6: {  	_ = 	snop  }
0x7: {  	_ = 	snop  }
__scs_overlays_trampoline_lowered:
0x8: {  	[smem:$0x3FA8] =	sst s0  }
0x9: {  	[smem:$0x3FA9] =	sst s1  }
0xa: {  	[smem:$0x3FAA] =	sst s2  }
0xb: {  	[smem:$0x3FAB] =	sst s3  }
0xc: {  	[smem:$0x3FAC] =	sst s4  }
0xd: {  	[smem:$0x3FAD] =	sst s5  }
0xe: {  	[smem:$0x3FAE] =	sst s6  }
0xf: {  	[smem:$0x3FAF] =	sst s7  }
0x10: {  	[smem:$0x3FB0] =	sst s8  }
0x11: {  	[smem:$0x3FB1] =	sst s9;
	s0 =	simm.s32 @!p0 $0x0  }
0x12: {  	s1 =	sld [smem:$0x3F97];
	s0 =	simm.s32 @p0 $0x1  }
0x13: {  	[smem:$0x3FB2] =	sst s0;
	s0 =	simm.s32 @!p1 $0x0  }
0x14: {  	s2 =	sld [smem:$0x3F96];
	s0 =	simm.s32 @p1 $0x1  }
0x15: {  	[smem:$0x3FB3] =	sst s0;
	s0 =	simm.s32 @!p2 $0x0  }
0x16: {  	s3 =	sld [smem:$0x3FDB];
	s0 =	simm.s32 @p2 $0x1  }
0x17: {  	s4 =	simm.s32 $0x1BF5;
	[smem:$0x3FB5] =	sst s0  }
0x18: {  	s0 =	sld [smem:$0x3F98];
	_ =	swait.ge [sflag:s4], $0x0  }
0x19: {  	s7 =	sld [smem:$0x3F99]  }
0x1a: {  	s8 =	sadd.s32 $0xFFFFE003, lr  }
0x1b: {  	s9 =	sadd.s32 $0xFFFFFEF7, lr;
	s5 =	simm.s32 $0xFFFFFFFF;
	p2 =	slt.u32 s8, $0xFFFFF086  }
0x1c: {  	p1 =	slt.u32 s9, $0xF7A;
	s5 =	simm.s32 @!p2 $0x0  }
0x1d: {  	s5 =	simm.s32 @p1 $0x1;
	p0 =	seq.s32 s7, s2  }
0x1e: {  	s7 =	smul.u32 @!p0 $0xF7A, s2;
	p2 =	seq.s32 @!p0 s5, $0x0  }
0x1f: {  	s9 =	smul.u32 $0xF7A, s1;
	s8 =	simm.s32 @!p0 $0x1BF5;
	p2 =	por !p2, p0  }
0x20: {  	[sflag:s8] =	ssyncset.s32 @!p0 $0xFFFFF086;
	s6 =	sadd.s32 @!p0 s3, s7;
	s7 =	simm.s32 @!p0 $0x108  }
0x21: {  	s3 =	sadd.s32 s3, s9;
	s6 =	sadd.s32 @!p0 $0x88, s6;
	s7 =	simm.s32 @p2 $0x1082  }
0x22: {  	[simem:s7], [sflag:s8] =	dma.local @!p0 [hbm:s6], $0xF7A  }
0x23: {  	s9 =	sor.u32 $0xD0000000, s2;
	s6 =	simm.s32 $0x108;
	_ =	swait.ge @!p0 [sflag:s8], $0x0  }
0x24: {  	s3 =	sadd.s32 $0x88, s3;
	s6 =	simm.s32 @!p1 $0x1082;
	[sflag:s4] =	ssyncset.s32 $0xFFFFF086  }
0x25: {  	[simem:s6], [sflag:s4] =	dma.local [hbm:s3], $0xF7A  }
0x26: {  	[smem:$0x3F99] =	sst s1;
	(tag) =	ssettag s2;
	_ =	strace s9  }
0x27: {  	s1 =	sld [smem:$0x3FA9]  }
0x28: {  	s2 =	sld [smem:$0x3FAA]  }
0x29: {  	s4 =	sld [smem:$0x3FAC]  }
0x2a: {  	p0 =	seq.s32 s5, $0x0;
	s5 =	sld [smem:$0x3FAD]  }
0x2b: {  	s6 =	sld [smem:$0x3FAE]  }
0x2c: {  	s7 =	sld [smem:$0x3FAF]  }
0x2d: {  	s3 =	simm.s32 $0x108;
	s8 =	sld [smem:$0x3FB0]  }
0x2e: {  	s3 =	simm.s32 @!p0 $0x1082;
	s9 =	sld [smem:$0x3FB1]  }
0x2f: {  	lr =	sadd.s32 s0, s3;
	s0 =	sld [smem:$0x3FA8]  }
0x30: {  	s3 =	sld [smem:$0x3FAB]  }
0x31: {  	[smem:$0x3FB4] =	sst s10  }
0x32: {  	s10 =	sld [smem:$0x3FB2];
	_ =	sdelay $0x3  }
0x33: {  	p0 =	seq.s32 s10, $0x1;
	s10 =	sld [smem:$0x3FB4];
	_ =	sdelay $0x3  }
0x34: {  	[smem:$0x3FB4] =	sst s10  }
0x35: {  	s10 =	sld [smem:$0x3FB3];
	_ =	sdelay $0x3  }
0x36: {  	p1 =	seq.s32 s10, $0x1;
	s10 =	sld [smem:$0x3FB4];
	_ =	sdelay $0x3  }
0x37: {  	[smem:$0x3FB4] =	sst s10  }
0x38: {  	s10 =	sld [smem:$0x3FB5]  }
0x39: {  	_ = 	snop;
	(pc) =	sbr.ind lr, $3  }
0x3a: {  	_ = 	snop  }
0x3b: {  	_ = 	snop  }
0x3c: {  	p2 =	seq.s32 s10, $0x1;
	s10 =	sld [smem:$0x3FB4]  }
0x3d: {  	_ =	shalt  }
0x3e: {  	_ =	shalt  }
0x3f: {  	_ =	shalt  }
0x40: {  	_ =	shalt  }
0x41: {  	_ =	shalt  }
0x42: {  	_ =	shalt  }
0x43: {  	_ =	shalt  }
0x44: {  	_ =	shalt  }
0x45: {  	_ =	shalt  }
0x46: {  	_ =	shalt  }
0x47: {  	_ =	shalt  }
0x48: {  	_ =	shalt  }
0x49: {  	_ =	shalt  }
0x4a: {  	_ =	shalt  }
0x4b: {  	_ =	shalt  }
0x4c: {  	_ =	shalt  }
0x4d: {  	_ =	shalt  }
0x4e: {  	_ =	shalt  }
0x4f: {  	_ =	shalt  }
0x50: {  	_ =	shalt  }
0x51: {  	_ =	shalt  }
0x52: {  	_ =	shalt  }
0x53: {  	_ =	shalt  }
0x54: {  	_ =	shalt  }
0x55: {  	_ =	shalt  }
0x56: {  	_ =	shalt  }
0x57: {  	_ =	shalt  }
0x58: {  	_ =	shalt  }
0x59: {  	_ =	shalt  }
0x5a: {  	_ =	shalt  }
0x5b: {  	_ =	shalt  }
0x5c: {  	_ =	shalt  }
0x5d: {  	_ =	shalt  }
0x5e: {  	_ =	shalt  }
0x5f: {  	_ =	shalt  }
0x60: {  	_ =	shalt  }
0x61: {  	_ =	shalt  }
0x62: {  	_ =	shalt  }
0x63: {  	_ =	shalt  }
0x64: {  	_ =	shalt  }
0x65: {  	_ =	shalt  }
0x66: {  	_ =	shalt  }
0x67: {  	_ =	shalt  }
0x68: {  	_ =	shalt  }
0x69: {  	_ =	shalt  }
0x6a: {  	_ =	shalt  }
0x6b: {  	_ =	shalt  }
0x6c: {  	_ =	shalt  }
0x6d: {  	_ =	shalt  }
0x6e: {  	_ =	shalt  }
0x6f: {  	_ =	shalt  }
0x70: {  	_ =	shalt  }
0x71: {  	_ =	shalt  }
0x72: {  	_ =	shalt  }
0x73: {  	_ =	shalt  }
0x74: {  	_ =	shalt  }
0x75: {  	_ =	shalt  }
0x76: {  	_ =	shalt  }
0x77: {  	_ =	shalt  }
0x78: {  	_ =	shalt  }
0x79: {  	_ =	shalt  }
0x7a: {  	_ =	shalt  }
0x7b: {  	_ =	shalt  }
0x7c: {  	_ =	shalt  }
0x7d: {  	_ =	shalt  }
0x7e: {  	_ =	shalt  }
0x7f: {  	_ =	shalt  }
0x80: {  	_ =	shalt  }
0x81: {  	_ =	shalt  }
0x82: {  	_ =	shalt  }
0x83: {  	_ =	shalt  }
0x84: {  	_ =	shalt  }
0x85: {  	_ =	shalt  }
0x86: {  	_ =	shalt  }
0x87: {  	_ =	shalt  }
.Lfunc_end0:
.L_simem_size_0:
called_computation.1_lowered:
.L_overlay_start_0:
0x88: {  	s2 =	sld [smem:$0x3FD9]  }
0x89: {  	s3 =	sld [smem:$0x3FFE];
	_ =	sdelay $0x1  }
0x8a: {  	s1 =	srdreg.scid  }
0x8b: {  	s0 =	sand.u32 $0x1, s1  }
0x8c: {  	s17 =	sshll.u32 s0, $0xA;
	s2 =	sadd.s32 s3, s2  }
0x8d: {  	s2 =	sadd.s32 s2, s17  }
0x8e: {  	[smem:$0x3FC0] =	sst s2  }
0x8f: {  	_ = 	snop  }
0x90: {  	s2 =	sld [smem:$0x3FD0];
	(tm) =	ssettm $0x1  }
0x91: {  	s18 =	sld [smem:$0x3FFB];
	_ =	sdelay $0x3  }
0x92: {  	_ =	strace s18  }
0x93: {  	s3 =	sld [smem:$0x3FFC];
	_ =	sdelay $0x3  }
0x94: {  	_ =	strace s3  }
0x95: {  	s3 =	sld [smem:$0x3FFD];
	_ =	sdelay $0x3  }
0x96: {  	_ =	strace s3  }
0x97: {  	_ =	strace $0x8FFFFFFF  }
0x98: {  	s19 =	sld [smem:$0x3FDB];
	_ =	sdelay $0x1  }
0x99: {  	s4 =	simm.s32 $_scs_section_size  }
0x9a: {  	s5 =	simm.s32 $_size__tile_overlayer_lowered;
	s6 =	simm.s32 $_tile_overlayer_lowered  }
0x9b: {  	s22 =	simm.s32 $0x1BFF;
	s21 =	sshll.u32 s6, $0x1;
	s3 =	sadd.s32 s4, s19  }
0x9c: {  	s7 =	simm.s32 $0x0;
	s20 =	sshll.u32 s5, $0x1;
	s5 =	sadd.s32 s21, s3  }
0x9d: {  	[timem:s7], [sflag:s22] =	dma.local [hbm:s5], s20  }
0x9e: {  	_ =	swait.ge [sflag:s22], s20  }
0x9f: {  	s4 =	ssub.s32 $0x0, s20;
	[sflag:s22] =	ssyncset.done $0x0  }
0xa0: {  	[sflag:s22] =	ssyncadd.s32 s4;
	_ =	sdelay $0x1  }
0xa1: {  	s23 =	simm.s32 $0x1B8B  }
0xa2: {  	_ =	swait.ge [sflag:s23], $0x1  }
0xa3: {  	[sflag:s23] =	ssyncset.done $0x0  }
0xa4: {  	s25 =	simm.s32 $0x1B8E;
	s24 =	sld [smem:$0x3FFE];
	[sflag:s23] =	ssyncadd.s32 $0xFFFFFFFF  }
0xa5: {  	s26 =	simm.s32 $execute0_lowered;
	[smem:$0x3FD2] =	sst s25  }
0xa6: {  	s5 =	sshll.u32 s26, $0x1;
	_ =	strace $0x80000049;
	[dreg:$0x1] =	wrdreg $0xFFFFFFFF  }
0xa7: {  	s28 =	simm.s32 $_size_execute0_lowered;
	s3 =	sadd.s32 s3, s5;
	[dreg:$0x0] =	wrdreg $0x0  }
0xa8: {  	s5 =	sshll.u32 s28, $0x1;
	[dreg:$0x2] =	wrdreg s3  }
0xa9: {  	[dreg:$0x3] =	wrdreg s5  }
0xaa: {  	[dreg:$0x4] =	wrdreg $0xC0  }
0xab: {  	_ =	task [dreg:s7], $0x5FFFF  }
0xac: {  	[dreg:$0x1] =	wrdreg $0xFFFFFFFF  }
0xad: {  	[dreg:$0x0] =	wrdreg $0x60  }
0xae: {  	[dreg:$0x2] =	wrdreg s24  }
0xaf: {  	[dreg:$0x3] =	wrdreg s2  }
0xb0: {  	[dreg:$0x4] =	wrdreg $0x0  }
0xb1: {  	[dreg:$0x5] =	wrdreg $0x9  }
0xb2: {  	_ =	task.clear_ibuf [dreg:s7], $0x6FFFF;
	_ =	strace $0x90000049  }
0xb3: {  	s29 =	simm.s32 $0x9;
	_ =	strace $0x8000004B  }
0xb4: {  	_ =	swait.ge [sflag:s29], $0x1  }
0xb5: {  	[sflag:s29] =	ssyncadd.s32 $0xFFFFFFFF  }
0xb6: {  	_ =	strace $0x9000004B  }
0xb7: {  	_ =	sfence  }
0xb8: {  	s30 =	sld [smem:$0x0];
	_ =	sdelay $0x2  }
0xb9: {  	s31 =	sshll.u32 s1, $0xD;
	s1 =	sshrl.u32 s1, $0x2  }
0xba: {  	s3 =	sand.u32 $0x4000, s31;
	s1 =	sadd.s32 s1, s30  }
0xbb: {  	s0 =	sor.u32 s3, s0;
	s1 =	sshll.u32 s1, $0x11  }
0xbc: {  	s0 =	sor.u32 s1, s0  }
0xbd: {  	s0 =	sadd.s32 $0x8F2B, s0  }
0xbe: {  	[sflag:s0] =	ssyncadd.remote.s32 $0x1  }
0xbf: {  	_ =	sfence.sel $0xFFFF  }
0xc0: {  	[dreg:$0x0] =	wrdreg $0xFFFFFFFF;
	(pc) =	sbr.abs _section_cstart, $3  }
0xc1: {  	[dreg:$0x1] =	wrdreg $0xFFFFFFFF  }
0xc2: {  	_ =	task.clear_ibuf [dreg:s7], $0x2FFFF;
	_ =	strace $0x9FFFFFFF  }
0xc3: {  	(tm) =	ssettm $0x7FFFFFFF  }
tec
execute0_lowered:
.L_overlay_start_1:
0x0: {  	(tag) =	ssettag $0x1  }
0x1: {  	s0 =	rddreg [dreg:$0x0]  }
0x2: {  	s2 =	rddreg [dreg:$0x2];
	s4 =	simm.s32 $0x0  }
0x3: {  	s1 =	srdreg.scid;
	s13 =	stileid.u32;
	s9 =	simm.s32 $0x98  }
0x4: {  	s28 =	simm.s32 $0x14000;
	s29 =	simm.s32 $0x14200;
	s30 =	simm.s32 $0x14080  }
0x5: {  	s31 =	simm.s32 $0x14280;
	[smem:$0x7FF] =	sst s4;
	s5 =	sadd.s32 $0x16600, s0  }
0x6: {  	s1 =	sand.u32 $0x1, s1;
	s3 =	smul.u32 $0x2800, s13;
	s6 =	sadd.s32 $0xC600, s0  }
0x7: {  	s7 =	sadd.s32 $0x2000, s0;
	s12 =	smul.u32 $0x50000, s13;
	s21 =	sshll.u32 s13, $0x6  }
0x8: {  	_ =	strace $0x8000004A;
	s8 =	smul.u32 $0x28000, s1;
	p0 =	seq.s32 s1, $0x0  }
0x9: {  	s10 =	smul.u32 $0x980, s1;
	s1 =	ssub.s32 $0x2, s1;
	s26 =	sor.u32 $0x1C09, s21  }
0xa: {  	s9 =	simm.s32 @!p0 $0x8;
	s19 =	sshrl.u32 s1, $0x1;
	s20 =	sshrl.u32 s12, $0x2  }
0xb: {  	s12 =	simm.s32 $0x5;
	s11 =	smul.u32 s13, s9;
	s3 =	sadd.s32 s3, s8  }
0xc: {  	[dreg:$0x5] =	wrdreg s26;
	s0 =	sadd.s32 s3, s0;
	s3 =	sadd.s32 s20, s2  }
0xd: {  	s8 =	sadd.s32 s10, s11;
	[dreg:$0x4] =	wrdreg s3;
	s0 =	sadd.s32 $0x3E600, s0  }
0xe: {  	s1 =	ssub.s32 s1, s19;
	s11 =	sshll.u32 s8, $0x4;
	[dreg:$0x12] =	wrdreg s0  }
0xf: {  	s0 =	simm.s32 $0x14100;
	s22 =	sor.u32 $0x10, s11;
	s23 =	sadd.s32 s6, s11  }
0x10: {  	s24 =	sadd.s32 s7, s11;
	s10 =	sor.u32 $0x20, s11;
	[dreg:$0x6] =	wrdreg s23  }
0x11: {  	s13 =	sor.u32 $0x30, s11;
	[dreg:$0x7] =	wrdreg s24;
	s25 =	sadd.s32 s6, s22  }
0x12: {  	s17 =	sor.u32 $0x40, s11;
	s3 =	sadd.s32 s7, s22;
	[dreg:$0x8] =	wrdreg s25  }
0x13: {  	s18 =	sor.u32 $0x50, s11;
	s14 =	sadd.s32 s6, s10;
	[dreg:$0x9] =	wrdreg s3  }
0x14: {  	s11 =	simm.s32 $0x14400;
	s15 =	sadd.s32 s6, s13;
	[dreg:$0xa] =	wrdreg s14  }
0x15: {  	s16 =	sadd.s32 s7, s13;
	s19 =	sadd.s32 s6, s17;
	[dreg:$0xc] =	wrdreg s15  }
0x16: {  	s20 =	sadd.s32 s6, s18;
	s21 =	sadd.s32 s7, s18;
	[dreg:$0xd] =	wrdreg s16  }
0x17: {  	s22 =	sshrl.u32 s9, $0x2;
	s23 =	smax.u32 s1, $0x1;
	[dreg:$0xe] =	wrdreg s19  }
0x18: {  	s1 =	simm.s32 $0x1;
	s13 =	simm.s32 $0x14180;
	[dreg:$0x10] =	wrdreg s20  }
0x19: {  	s18 =	simm.s32 $0x7;
	s3 =	sadd.s32 s7, s10;
	[dreg:$0x11] =	wrdreg s21  }
0x1a: {  	s25 =	sadd.s32 $0xFFFFFFFF, s9;
	[dreg:$0x13] =	wrdreg s23;
	s24 =	sadd.s32 $0xFFFFFFFF, s22  }
0x1b: {  	s9 =	simm.s32 $0x80;
	s14 =	simm.s32 $0x14380;
	s15 =	simm.s32 $0x2  }
0x1c: {  	s16 =	simm.s32 $0x18400;
	s19 =	simm.s32 $0x3;
	s20 =	simm.s32 $0x8  }
0x1d: {  	s21 =	simm.s32 $0x4;
	s22 =	simm.s32 $0x9;
	[dreg:$0xb] =	wrdreg s3  }
0x1e: {  	s3 =	sadd.s32 s7, s17;
	[dreg:$0x14] =	wrdreg s24;
	s17 =	simm.s32 $0x6  }
0x1f: {  	s24 =	simm.s32 $0x0;
	[dreg:$0xf] =	wrdreg s3;
	s3 =	simm.s32 $0x14300  }
.LBB2_1:
0x20: {  	s10 =	rddreg [dreg:$0x4]  }
0x21: {  	s23 =	sshrl.u32 s10, $0x3;
	s10 =	rddreg [dreg:$0x1]  }
0x22: {  	[dreg:$0x15] =	wrdreg s23  }
0x23: {  	[spmem:s23], [sflag:s26] =	dma.local [hbm:s10], $0x2800  }
0x24: {  	_ =	swait.ge [sflag:s22], $0x2800  }
0x25: {  	[sflag:s22] =	ssyncset.done $0x0  }
0x26: {  	[sflag:s22] =	ssyncadd.s32 $0xFFFFD800  }
0x27: {  	[bflag:$0x0] =	sbarrier.arrive $0xFFFF  }
0x28: {  	s22 =	rddreg [dreg:$0x6]  }
0x29: {  	[tilespmem:s28], [sflag:$0x1] =	stream.linear.gather [hbm4b:s22+s4], $0x80, $0x38;
	[tilespmem:$0x1C400] =	vst v63  }
0x2a: {  	s23 =	rddreg [dreg:$0x7]  }
0x2b: {  	[tilespmem:s29], [sflag:$0x1] =	stream.linear.gather [hbm4b:s23+s4], $0x80, $0x38;
	[tilespmem:$0x1C400] =	vst v63  }
0x2c: {  	s22 =	rddreg [dreg:$0x8]  }
0x2d: {  	[tilespmem:s30], [sflag:$0x2] =	stream.linear.gather [hbm4b:s22+s4], $0x80, $0x38;
	[tilespmem:$0x1C400] =	vst v63  }
0x2e: {  	s23 =	rddreg [dreg:$0x9]  }
0x2f: {  	[tilespmem:s31], [sflag:$0x2] =	stream.linear.gather [hbm4b:s23+s4], $0x80, $0x38;
	[tilespmem:$0x1C400] =	vst v63  }
0x30: {  	s22 =	rddreg [dreg:$0xa]  }
0x31: {  	[tilespmem:s0], [sflag:$0x3] =	stream.linear.gather [hbm4b:s22+s4], $0x80, $0x38;
	[tilespmem:$0x1C400] =	vst v63  }
0x32: {  	s23 =	rddreg [dreg:$0xb]  }
0x33: {  	[tilespmem:s3], [sflag:$0x3] =	stream.linear.gather [hbm4b:s23+s4], $0x80, $0x38;
	[tilespmem:$0x1C400] =	vst v63  }
0x34: {  	_ =	swait.ge [sflag:s1], $0x80  }
0x35: {  	[sflag:s1] =	ssyncset.done $0x0  }
0x36: {  	[sflag:s1] =	ssyncadd.s32 $0xFFFFFF80  }
0x37: {  	_ =	swait.ge [sflag:s1], $0x80  }
0x38: {  	[sflag:s1] =	ssyncset.done $0x0  }
0x39: {  	[sflag:s1] =	ssyncadd.s32 $0xFFFFFF80  }
0x3a: {  	[tilespmem:s11], [sflag:$0x5] =	stream.indirect.gather [hbm4b:s5+s9], $0x80, s28, s9, $0xb8;
	[tilespmem:$0x1C400] =	vst v63  }
0x3b: {  	_ =	swait.ge [sflag:s12], $0x4000  }
0x3c: {  	[sflag:s12] =	ssyncset.done $0x0  }
0x3d: {  	[sflag:s12] =	ssyncadd.s32 $0xFFFFC000  }
0x3e: {  	[spmem:s2] =	stream.indirect.scatter.add.f32 [tilespmem:s11], [sflag:$0x7], $0x80, s29, s9, $0xb8;
	[tilespmem:$0x1C400] =	vst v63  }
0x3f: {  	s22 =	rddreg [dreg:$0xc]  }
0x40: {  	[tilespmem:s13], [sflag:$0x4] =	stream.linear.gather [hbm4b:s22+s4], $0x80, $0x38;
	[tilespmem:$0x1C400] =	vst v63  }
0x41: {  	s23 =	rddreg [dreg:$0xd]  }
0x42: {  	[tilespmem:s14], [sflag:$0x4] =	stream.linear.gather [hbm4b:s23+s4], $0x80, $0x38;
	[tilespmem:$0x1C400] =	vst v63  }
0x43: {  	_ =	swait.ge [sflag:s15], $0x80  }
0x44: {  	[sflag:s15] =	ssyncset.done $0x0  }
0x45: {  	[sflag:s15] =	ssyncadd.s32 $0xFFFFFF80  }
0x46: {  	_ =	swait.ge [sflag:s15], $0x80  }
0x47: {  	[sflag:s15] =	ssyncset.done $0x0  }
0x48: {  	[sflag:s15] =	ssyncadd.s32 $0xFFFFFF80  }
0x49: {  	[tilespmem:s16], [sflag:$0x6] =	stream.indirect.gather [hbm4b:s5+s9], $0x80, s30, s9, $0xb8;
	[tilespmem:$0x1C400] =	vst v63  }
0x4a: {  	_ =	swait.ge [sflag:s17], $0x4000  }
0x4b: {  	[sflag:s17] =	ssyncset.done $0x0  }
0x4c: {  	[sflag:s17] =	ssyncadd.s32 $0xFFFFC000  }
0x4d: {  	[spmem:s2] =	stream.indirect.scatter.add.f32 [tilespmem:s16], [sflag:$0x8], $0x80, s31, s9, $0xb8;
	[tilespmem:$0x1C400] =	vst v63  }
0x4e: {  	_ =	swait.ge [sflag:s18], $0x4000  }
0x4f: {  	[sflag:s18] =	ssyncset.done $0x0  }
0x50: {  	s22 =	rddreg [dreg:$0xe];
	[sflag:s18] =	ssyncadd.s32 $0xFFFFC000  }
0x51: {  	[tilespmem:s28], [sflag:$0x1] =	stream.linear.gather [hbm4b:s22+s4], $0x80, $0x38;
	[tilespmem:$0x1C400] =	vst v63  }
0x52: {  	s23 =	rddreg [dreg:$0xf]  }
0x53: {  	[tilespmem:s29], [sflag:$0x1] =	stream.linear.gather [hbm4b:s23+s4], $0x80, $0x38;
	[tilespmem:$0x1C400] =	vst v63  }
0x54: {  	_ =	swait.ge [sflag:s19], $0x80  }
0x55: {  	[sflag:s19] =	ssyncset.done $0x0  }
0x56: {  	[sflag:s19] =	ssyncadd.s32 $0xFFFFFF80  }
0x57: {  	_ =	swait.ge [sflag:s19], $0x80  }
0x58: {  	[sflag:s19] =	ssyncset.done $0x0  }
0x59: {  	[sflag:s19] =	ssyncadd.s32 $0xFFFFFF80  }
0x5a: {  	[tilespmem:s11], [sflag:$0x5] =	stream.indirect.gather [hbm4b:s5+s9], $0x80, s0, s9, $0xb8;
	[tilespmem:$0x1C400] =	vst v63  }
0x5b: {  	_ =	swait.ge [sflag:s12], $0x4000  }
0x5c: {  	[sflag:s12] =	ssyncset.done $0x0  }
0x5d: {  	[sflag:s12] =	ssyncadd.s32 $0xFFFFC000  }
0x5e: {  	[spmem:s2] =	stream.indirect.scatter.add.f32 [tilespmem:s11], [sflag:$0x7], $0x80, s3, s9, $0xb8;
	[tilespmem:$0x1C400] =	vst v63  }
0x5f: {  	_ =	swait.ge [sflag:s20], $0x4000  }
0x60: {  	[sflag:s20] =	ssyncset.done $0x0  }
0x61: {  	s22 =	rddreg [dreg:$0x10];
	[sflag:s20] =	ssyncadd.s32 $0xFFFFC000  }
0x62: {  	[tilespmem:s30], [sflag:$0x2] =	stream.linear.gather [hbm4b:s22+s4], $0x80, $0x38;
	[tilespmem:$0x1C400] =	vst v63  }
0x63: {  	s23 =	rddreg [dreg:$0x11]  }
0x64: {  	[tilespmem:s31], [sflag:$0x2] =	stream.linear.gather [hbm4b:s23+s4], $0x80, $0x38;
	[tilespmem:$0x1C400] =	vst v63  }
0x65: {  	_ =	swait.ge [sflag:s21], $0x80  }
0x66: {  	[sflag:s21] =	ssyncset.done $0x0  }
0x67: {  	[sflag:s21] =	ssyncadd.s32 $0xFFFFFF80  }
0x68: {  	_ =	swait.ge [sflag:s21], $0x80  }
0x69: {  	[sflag:s21] =	ssyncset.done $0x0  }
0x6a: {  	[sflag:s21] =	ssyncadd.s32 $0xFFFFFF80  }
0x6b: {  	[tilespmem:s16], [sflag:$0x6] =	stream.indirect.gather [hbm4b:s5+s9], $0x80, s13, s9, $0xb8;
	[tilespmem:$0x1C400] =	vst v63  }
0x6c: {  	_ =	swait.ge [sflag:s17], $0x4000  }
0x6d: {  	s22 =	rddreg [dreg:$0x14]  }
0x6e: {  	p1 =	sne.s32 s22, $0x1  }
.Ltmp0:
0x6f: {  	_ = 	snop;
	(pc) =	sbr.rel @!p1 .LBB2_2-.Ltmp0, $4  }
0x70: {  	p0 =	sgt.s32 s25, $0x6;
	s10 =	simm.s32 $0x6;
	s23 =	smov.u32 s25  }
0x71: {  	s23 =	smov.u32 @p0 s10;
	[sflag:s17] =	ssyncset.done $0x0  }
0x72: {  	p0 =	por $0x0, $0x0;
	[sflag:s17] =	ssyncadd.s32 $0xFFFFC000;
	s10 =	sadd.s32 $0xFFFFFFFF, s22  }
0x73: {  	[spmem:s2] =	stream.indirect.scatter.add.f32 [tilespmem:s16], [sflag:$0x8], $0x80, s14, s9, $0xb8;
	[tilespmem:$0x1C400] =	vst v63  }
0x74: {  	s23 =	sadd.s32 s8, s23  }
0x75: {  	_ =	swait.ge [sflag:s18], $0x4000;
	s23 =	sshll.u32 s23, $0x4  }
0x76: {  	[sflag:s18] =	ssyncset.done $0x0;
	s23 =	sand.u32 $0x1FFFFFF0, s23  }
0x77: {  	[sflag:s18] =	ssyncadd.s32 $0xFFFFC000;
	s26 =	sadd.s32 s6, s23  }
0x78: {  	[tilespmem:s0], [sflag:$0x3] =	stream.linear.gather [hbm4b:s26+s4], $0x80, $0x38;
	[tilespmem:$0x1C400] =	vst v63  }
0x79: {  	s23 =	sadd.s32 s7, s23  }
0x7a: {  	[tilespmem:s3], [sflag:$0x3] =	stream.linear.gather [hbm4b:s23+s4], $0x80, $0x38;
	[tilespmem:$0x1C400] =	vst v63  }
0x7b: {  	_ =	swait.ge [sflag:s1], $0x80  }
0x7c: {  	[sflag:s1] =	ssyncset.done $0x0  }
0x7d: {  	[sflag:s1] =	ssyncadd.s32 $0xFFFFFF80  }
0x7e: {  	_ =	swait.ge [sflag:s1], $0x80  }
0x7f: {  	[sflag:s1] =	ssyncset.done $0x0  }
0x80: {  	p0 =	sgt.s32 s25, $0x7;
	[sflag:s1] =	ssyncadd.s32 $0xFFFFFF80  }
0x81: {  	[tilespmem:s11], [sflag:$0x5] =	stream.indirect.gather [hbm4b:s5+s9], $0x80, s28, s9, $0xb8;
	[tilespmem:$0x1C400] =	vst v63  }
0x82: {  	s26 =	smov.u32 s25;
	s23 =	simm.s32 $0x7;
	_ =	swait.ge [sflag:s12], $0x4000  }
0x83: {  	s26 =	smov.u32 @p0 s23;
	[sflag:s12] =	ssyncset.done $0x0  }
0x84: {  	s23 =	sadd.s32 s8, s26;
	[sflag:s12] =	ssyncadd.s32 $0xFFFFC000  }
0x85: {  	[spmem:s2] =	stream.indirect.scatter.add.f32 [tilespmem:s11], [sflag:$0x7], $0x80, s29, s9, $0xb8;
	[tilespmem:$0x1C400] =	vst v63  }
0x86: {  	s23 =	sshll.u32 s23, $0x4;
	_ =	swait.ge [sflag:s20], $0x4000  }
0x87: {  	s23 =	sand.u32 $0x1FFFFFF0, s23;
	[sflag:s20] =	ssyncset.done $0x0  }
0x88: {  	s22 =	sadd.s32 s6, s23;
	[sflag:s20] =	ssyncadd.s32 $0xFFFFC000  }
0x89: {  	[tilespmem:s13], [sflag:$0x4] =	stream.linear.gather [hbm4b:s22+s4], $0x80, $0x38;
	[tilespmem:$0x1C400] =	vst v63  }
0x8a: {  	s23 =	sadd.s32 s7, s23  }
0x8b: {  	[tilespmem:s14], [sflag:$0x4] =	stream.linear.gather [hbm4b:s23+s4], $0x80, $0x38;
	[tilespmem:$0x1C400] =	vst v63  }
0x8c: {  	_ =	swait.ge [sflag:s15], $0x80  }
0x8d: {  	[sflag:s15] =	ssyncset.done $0x0  }
0x8e: {  	[sflag:s15] =	ssyncadd.s32 $0xFFFFFF80  }
0x8f: {  	_ =	swait.ge [sflag:s15], $0x80  }
0x90: {  	[sflag:s15] =	ssyncset.done $0x0  }
0x91: {  	p0 =	sgt.s32 s25, $0x8;
	[sflag:s15] =	ssyncadd.s32 $0xFFFFFF80  }
0x92: {  	[tilespmem:s16], [sflag:$0x6] =	stream.indirect.gather [hbm4b:s5+s9], $0x80, s30, s9, $0xb8;
	[tilespmem:$0x1C400] =	vst v63  }
0x93: {  	s26 =	smov.u32 s25;
	s23 =	simm.s32 $0x8;
	_ =	swait.ge [sflag:s17], $0x4000  }
0x94: {  	s26 =	smov.u32 @p0 s23;
	[sflag:s17] =	ssyncset.done $0x0  }
0x95: {  	s23 =	sadd.s32 s8, s26;
	[sflag:s17] =	ssyncadd.s32 $0xFFFFC000  }
0x96: {  	[spmem:s2] =	stream.indirect.scatter.add.f32 [tilespmem:s16], [sflag:$0x8], $0x80, s31, s9, $0xb8;
	[tilespmem:$0x1C400] =	vst v63  }
0x97: {  	s23 =	sshll.u32 s23, $0x4;
	_ =	swait.ge [sflag:s18], $0x4000  }
0x98: {  	s23 =	sand.u32 $0x1FFFFFF0, s23;
	[sflag:s18] =	ssyncset.done $0x0  }
0x99: {  	s22 =	sadd.s32 s6, s23;
	[sflag:s18] =	ssyncadd.s32 $0xFFFFC000  }
0x9a: {  	[tilespmem:s28], [sflag:$0x1] =	stream.linear.gather [hbm4b:s22+s4], $0x80, $0x38;
	[tilespmem:$0x1C400] =	vst v63  }
0x9b: {  	s23 =	sadd.s32 s7, s23  }
0x9c: {  	[tilespmem:s29], [sflag:$0x1] =	stream.linear.gather [hbm4b:s23+s4], $0x80, $0x38;
	[tilespmem:$0x1C400] =	vst v63  }
0x9d: {  	_ =	swait.ge [sflag:s19], $0x80  }
0x9e: {  	[sflag:s19] =	ssyncset.done $0x0  }
0x9f: {  	[sflag:s19] =	ssyncadd.s32 $0xFFFFFF80  }
0xa0: {  	_ =	swait.ge [sflag:s19], $0x80  }
0xa1: {  	[sflag:s19] =	ssyncset.done $0x0  }
0xa2: {  	p0 =	sgt.s32 s25, $0x9;
	[sflag:s19] =	ssyncadd.s32 $0xFFFFFF80  }
0xa3: {  	[tilespmem:s11], [sflag:$0x5] =	stream.indirect.gather [hbm4b:s5+s9], $0x80, s0, s9, $0xb8;
	[tilespmem:$0x1C400] =	vst v63  }
0xa4: {  	s22 =	simm.s32 $0x9;
	s23 =	smov.u32 s25;
	_ =	swait.ge [sflag:s12], $0x4000  }
0xa5: {  	s23 =	smov.u32 @p0 s22;
	[sflag:s12] =	ssyncset.done $0x0  }
0xa6: {  	s23 =	sadd.s32 s8, s23;
	[sflag:s12] =	ssyncadd.s32 $0xFFFFC000  }
0xa7: {  	[spmem:s2] =	stream.indirect.scatter.add.f32 [tilespmem:s11], [sflag:$0x7], $0x80, s3, s9, $0xb8;
	[tilespmem:$0x1C400] =	vst v63  }
0xa8: {  	s23 =	sshll.u32 s23, $0x4;
	_ =	swait.ge [sflag:s20], $0x4000  }
0xa9: {  	s23 =	sand.u32 $0x1FFFFFF0, s23;
	[sflag:s20] =	ssyncset.done $0x0  }
0xaa: {  	s22 =	sadd.s32 s6, s23;
	[sflag:s20] =	ssyncadd.s32 $0xFFFFC000  }
0xab: {  	[tilespmem:s30], [sflag:$0x2] =	stream.linear.gather [hbm4b:s22+s4], $0x80, $0x38;
	[tilespmem:$0x1C400] =	vst v63  }
0xac: {  	p1 =	sne.s32 s10, $0x1;
	s23 =	sadd.s32 s7, s23  }
0xad: {  	[tilespmem:s31], [sflag:$0x2] =	stream.linear.gather [hbm4b:s23+s4], $0x80, $0x38;
	[tilespmem:$0x1C400] =	vst v63  }
.Ltmp1:
0xae: {  	_ =	swait.ge [sflag:s21], $0x80;
	(pc) =	sbr.rel @!p1 .LBB2_4-.Ltmp1, $4  }
0xaf: {  	s26 =	sadd.s32 $0xFFFFFFFF, s10;
	[sflag:s21] =	ssyncset.done $0x0  }
0xb0: {  	s10 =	simm.s32 $0xD;
	p0 =	sgt.s32 s25, $0xA;
	[sflag:s21] =	ssyncadd.s32 $0xFFFFFF80  }
0xb1: {  	s22 =	simm.s32 $0xA;
	s23 =	smov.u32 s25;
	_ =	swait.ge [sflag:s21], $0x80  }
0xb2: {  	s23 =	smov.u32 @p0 s22;
	p0 =	por $0x1, $0x1;
	[sflag:s21] =	ssyncset.done $0x0  }
.LBB2_5:
0xb3: {  	p1 =	sne.s32 s26, $0x1;
	s22 =	sadd.s32 s8, s23;
	[sflag:s21] =	ssyncadd.s32 $0xFFFFFF80  }
0xb4: {  	[tilespmem:s16], [sflag:$0x6] =	stream.indirect.gather [hbm4b:s5+s9], $0x80, s13, s9, $0xb8;
	[tilespmem:$0x1C400] =	vst v63  }
0xb5: {  	s26 =	sadd.s32 $0xFFFFFFFF, s26;
	s22 =	sshll.u32 s22, $0x4;
	_ =	swait.ge [sflag:s17], $0x4000  }
0xb6: {  	s22 =	sand.u32 $0x1FFFFFF0, s22;
	[sflag:s17] =	ssyncset.done $0x0  }
0xb7: {  	[sflag:s17] =	ssyncadd.s32 $0xFFFFC000  }
0xb8: {  	[spmem:s2] =	stream.indirect.scatter.add.f32 [tilespmem:s16], [sflag:$0x8], $0x80, s14, s9, $0xb8;
	[tilespmem:$0x1C400] =	vst v63  }
0xb9: {  	_ =	swait.ge [sflag:s18], $0x4000  }
0xba: {  	s23 =	sadd.s32 s6, s22;
	[sflag:s18] =	ssyncset.done $0x0  }
0xbb: {  	[sflag:s18] =	ssyncadd.s32 $0xFFFFC000  }
0xbc: {  	[tilespmem:s0], [sflag:$0x3] =	stream.linear.gather [hbm4b:s23+s4], $0x80, $0x38;
	[tilespmem:$0x1C400] =	vst v63  }
0xbd: {  	s22 =	sadd.s32 s7, s22  }
0xbe: {  	[tilespmem:s3], [sflag:$0x3] =	stream.linear.gather [hbm4b:s22+s4], $0x80, $0x38;
	[tilespmem:$0x1C400] =	vst v63  }
0xbf: {  	_ =	swait.ge [sflag:s1], $0x80  }
0xc0: {  	[sflag:s1] =	ssyncset.done $0x0  }
0xc1: {  	[sflag:s1] =	ssyncadd.s32 $0xFFFFFF80  }
0xc2: {  	_ =	swait.ge [sflag:s1], $0x80  }
0xc3: {  	s22 =	sadd.s32 $0xFFFFFFFE, s10;
	[sflag:s1] =	ssyncset.done $0x0  }
0xc4: {  	s23 =	smov.u32 s25;
	p2 =	slt.s32 s22, s25;
	[sflag:s1] =	ssyncadd.s32 $0xFFFFFF80  }
0xc5: {  	[tilespmem:s11], [sflag:$0x5] =	stream.indirect.gather [hbm4b:s5+s9], $0x80, s28, s9, $0xb8;
	[tilespmem:$0x1C400] =	vst v63  }
0xc6: {  	s23 =	smov.u32 @p2 s22;
	_ =	swait.ge [sflag:s12], $0x4000  }
0xc7: {  	s22 =	sadd.s32 s8, s23;
	[sflag:s12] =	ssyncset.done $0x0  }
0xc8: {  	s22 =	sshll.u32 s22, $0x4;
	[sflag:s12] =	ssyncadd.s32 $0xFFFFC000  }
0xc9: {  	[spmem:s2] =	stream.indirect.scatter.add.f32 [tilespmem:s11], [sflag:$0x7], $0x80, s29, s9, $0xb8;
	[tilespmem:$0x1C400] =	vst v63  }
0xca: {  	s22 =	sand.u32 $0x1FFFFFF0, s22;
	_ =	swait.ge [sflag:s20], $0x4000  }
0xcb: {  	s23 =	sadd.s32 s6, s22;
	s22 =	sadd.s32 s7, s22;
	[sflag:s20] =	ssyncset.done $0x0  }
0xcc: {  	[sflag:s20] =	ssyncadd.s32 $0xFFFFC000  }
0xcd: {  	[tilespmem:s13], [sflag:$0x4] =	stream.linear.gather [hbm4b:s23+s4], $0x80, $0x38;
	[tilespmem:$0x1C400] =	vst v63  }
0xce: {  	_ = 	snop  }
0xcf: {  	[tilespmem:s14], [sflag:$0x4] =	stream.linear.gather [hbm4b:s22+s4], $0x80, $0x38;
	[tilespmem:$0x1C400] =	vst v63  }
0xd0: {  	_ =	swait.ge [sflag:s15], $0x80  }
0xd1: {  	[sflag:s15] =	ssyncset.done $0x0  }
0xd2: {  	[sflag:s15] =	ssyncadd.s32 $0xFFFFFF80  }
0xd3: {  	_ =	swait.ge [sflag:s15], $0x80  }
0xd4: {  	[sflag:s15] =	ssyncset.done $0x0  }
0xd5: {  	s22 =	sadd.s32 $0xFFFFFFFF, s10;
	[sflag:s15] =	ssyncadd.s32 $0xFFFFFF80  }
0xd6: {  	[tilespmem:s16], [sflag:$0x6] =	stream.indirect.gather [hbm4b:s5+s9], $0x80, s30, s9, $0xb8;
	[tilespmem:$0x1C400] =	vst v63  }
0xd7: {  	s23 =	smov.u32 s25;
	p2 =	slt.s32 s22, s25;
	_ =	swait.ge [sflag:s17], $0x4000  }
0xd8: {  	s23 =	smov.u32 @p2 s22;
	[sflag:s17] =	ssyncset.done $0x0  }
0xd9: {  	s22 =	sadd.s32 s8, s23;
	[sflag:s17] =	ssyncadd.s32 $0xFFFFC000  }
0xda: {  	[spmem:s2] =	stream.indirect.scatter.add.f32 [tilespmem:s16], [sflag:$0x8], $0x80, s31, s9, $0xb8;
	[tilespmem:$0x1C400] =	vst v63  }
0xdb: {  	s22 =	sshll.u32 s22, $0x4;
	_ =	swait.ge [sflag:s18], $0x4000  }
0xdc: {  	s22 =	sand.u32 $0x1FFFFFF0, s22;
	[sflag:s18] =	ssyncset.done $0x0  }
0xdd: {  	s23 =	sadd.s32 s6, s22;
	s22 =	sadd.s32 s7, s22;
	[sflag:s18] =	ssyncadd.s32 $0xFFFFC000  }
0xde: {  	[tilespmem:s28], [sflag:$0x1] =	stream.linear.gather [hbm4b:s23+s4], $0x80, $0x38;
	[tilespmem:$0x1C400] =	vst v63  }
0xdf: {  	_ = 	snop  }
0xe0: {  	[tilespmem:s29], [sflag:$0x1] =	stream.linear.gather [hbm4b:s22+s4], $0x80, $0x38;
	[tilespmem:$0x1C400] =	vst v63  }
0xe1: {  	_ =	swait.ge [sflag:s19], $0x80  }
0xe2: {  	[sflag:s19] =	ssyncset.done $0x0  }
0xe3: {  	[sflag:s19] =	ssyncadd.s32 $0xFFFFFF80  }
0xe4: {  	_ =	swait.ge [sflag:s19], $0x80  }
0xe5: {  	[sflag:s19] =	ssyncset.done $0x0  }
0xe6: {  	[sflag:s19] =	ssyncadd.s32 $0xFFFFFF80  }
0xe7: {  	[tilespmem:s11], [sflag:$0x5] =	stream.indirect.gather [hbm4b:s5+s9], $0x80, s0, s9, $0xb8;
	[tilespmem:$0x1C400] =	vst v63  }
0xe8: {  	p2 =	slt.s32 s10, s25;
	s22 =	smov.u32 s25;
	_ =	swait.ge [sflag:s12], $0x4000  }
0xe9: {  	s22 =	smov.u32 @p2 s10;
	[sflag:s12] =	ssyncset.done $0x0  }
0xea: {  	s22 =	sadd.s32 s8, s22;
	[sflag:s12] =	ssyncadd.s32 $0xFFFFC000  }
0xeb: {  	[spmem:s2] =	stream.indirect.scatter.add.f32 [tilespmem:s11], [sflag:$0x7], $0x80, s3, s9, $0xb8;
	[tilespmem:$0x1C400] =	vst v63  }
0xec: {  	s22 =	sshll.u32 s22, $0x4;
	_ =	swait.ge [sflag:s20], $0x4000  }
0xed: {  	s22 =	sand.u32 $0x1FFFFFF0, s22;
	[sflag:s20] =	ssyncset.done $0x0  }
0xee: {  	s23 =	sadd.s32 s6, s22;
	s22 =	sadd.s32 s7, s22;
	[sflag:s20] =	ssyncadd.s32 $0xFFFFC000  }
0xef: {  	[tilespmem:s30], [sflag:$0x2] =	stream.linear.gather [hbm4b:s23+s4], $0x80, $0x38;
	[tilespmem:$0x1C400] =	vst v63  }
0xf0: {  	_ = 	snop  }
0xf1: {  	[tilespmem:s31], [sflag:$0x2] =	stream.linear.gather [hbm4b:s22+s4], $0x80, $0x38;
	[tilespmem:$0x1C400] =	vst v63  }
.Ltmp2:
0xf2: {  	_ =	swait.ge [sflag:s21], $0x80;
	(pc) =	sbr.rel @p1 .LBB2_5-.Ltmp2, $4  }
0xf3: {  	s10 =	sadd.s32 $0x4, s10;
	[sflag:s21] =	ssyncset.done $0x0  }
0xf4: {  	s22 =	sadd.s32 $0xFFFFFFFD, s10;
	[sflag:s21] =	ssyncadd.s32 $0xFFFFFF80  }
0xf5: {  	s23 =	smov.u32 s25;
	p2 =	slt.s32 s22, s25;
	_ =	swait.ge [sflag:s21], $0x80  }
0xf6: {  	s23 =	smov.u32 @p2 s22;
	[sflag:s21] =	ssyncset.done $0x0  }
0xf7: {  	s26 =	rddreg [dreg:$0x5]  }
.LBB2_7:
0xf8: {  	[sflag:s21] =	ssyncadd.s32 @p0 $0xFFFFFF80  }
0xf9: {  	[tilespmem:s16], [sflag:$0x6] =	stream.indirect.gather @p0 [hbm4b:s5+s9], $0x80, s13, s9, $0xb8;
	[tilespmem:$0x1C400] =	vst v63  }
0xfa: {  	_ =	swait.ge @p0 [sflag:s17], $0x4000  }
0xfb: {  	[sflag:s17] =	ssyncset.done @p0 $0x0  }
0xfc: {  	s22 =	sadd.s32 s8, s23;
	[sflag:s17] =	ssyncadd.s32 @p0 $0xFFFFC000  }
0xfd: {  	[spmem:s2] =	stream.indirect.scatter.add.f32 @p0 [tilespmem:s16], [sflag:$0x8], $0x80, s14, s9, $0xb8;
	[tilespmem:$0x1C400] =	vst v63  }
0xfe: {  	s22 =	sshll.u32 s22, $0x4;
	_ =	swait.ge [sflag:s18], $0x4000  }
0xff: {  	s22 =	sand.u32 $0x1FFFFFF0, s22;
	[sflag:s18] =	ssyncset.done $0x0  }
0x100: {  	s23 =	sadd.s32 s6, s22;
	[sflag:s18] =	ssyncadd.s32 $0xFFFFC000  }
0x101: {  	[tilespmem:s0], [sflag:$0x3] =	stream.linear.gather [hbm4b:s23+s4], $0x80, $0x38;
	[tilespmem:$0x1C400] =	vst v63  }
0x102: {  	s22 =	sadd.s32 s7, s22  }
0x103: {  	[tilespmem:s3], [sflag:$0x3] =	stream.linear.gather [hbm4b:s22+s4], $0x80, $0x38;
	[tilespmem:$0x1C400] =	vst v63  }
0x104: {  	_ =	swait.ge [sflag:s1], $0x80  }
0x105: {  	[sflag:s1] =	ssyncset.done $0x0  }
0x106: {  	[sflag:s1] =	ssyncadd.s32 $0xFFFFFF80  }
0x107: {  	_ =	swait.ge [sflag:s1], $0x80  }
0x108: {  	[sflag:s1] =	ssyncset.done $0x0  }
0x109: {  	s22 =	sadd.s32 $0xFFFFFFFE, s10;
	[sflag:s1] =	ssyncadd.s32 $0xFFFFFF80  }
0x10a: {  	[tilespmem:s11], [sflag:$0x5] =	stream.indirect.gather [hbm4b:s5+s9], $0x80, s28, s9, $0xb8;
	[tilespmem:$0x1C400] =	vst v63  }
0x10b: {  	s23 =	smov.u32 s25;
	p0 =	slt.s32 s22, s25;
	_ =	swait.ge [sflag:s12], $0x4000  }
0x10c: {  	s23 =	smov.u32 @p0 s22;
	[sflag:s12] =	ssyncset.done $0x0  }
0x10d: {  	s22 =	sadd.s32 s8, s23;
	[sflag:s12] =	ssyncadd.s32 $0xFFFFC000  }
0x10e: {  	[spmem:s2] =	stream.indirect.scatter.add.f32 [tilespmem:s11], [sflag:$0x7], $0x80, s29, s9, $0xb8;
	[tilespmem:$0x1C400] =	vst v63  }
0x10f: {  	s22 =	sshll.u32 s22, $0x4;
	_ =	swait.ge [sflag:s20], $0x4000  }
0x110: {  	s22 =	sand.u32 $0x1FFFFFF0, s22;
	[sflag:s20] =	ssyncset.done $0x0  }
0x111: {  	s23 =	sadd.s32 s6, s22;
	[sflag:s20] =	ssyncadd.s32 $0xFFFFC000  }
0x112: {  	[tilespmem:s13], [sflag:$0x4] =	stream.linear.gather [hbm4b:s23+s4], $0x80, $0x38;
	[tilespmem:$0x1C400] =	vst v63  }
0x113: {  	s22 =	sadd.s32 s7, s22  }
0x114: {  	[tilespmem:s14], [sflag:$0x4] =	stream.linear.gather [hbm4b:s22+s4], $0x80, $0x38;
	[tilespmem:$0x1C400] =	vst v63  }
0x115: {  	_ =	swait.ge [sflag:s15], $0x80  }
0x116: {  	[sflag:s15] =	ssyncset.done $0x0  }
0x117: {  	[sflag:s15] =	ssyncadd.s32 $0xFFFFFF80  }
0x118: {  	_ =	swait.ge [sflag:s15], $0x80  }
0x119: {  	[sflag:s15] =	ssyncset.done $0x0  }
0x11a: {  	s22 =	sadd.s32 $0xFFFFFFFF, s10;
	[sflag:s15] =	ssyncadd.s32 $0xFFFFFF80  }
0x11b: {  	[tilespmem:s16], [sflag:$0x6] =	stream.indirect.gather [hbm4b:s5+s9], $0x80, s30, s9, $0xb8;
	[tilespmem:$0x1C400] =	vst v63  }
0x11c: {  	s23 =	smov.u32 s25;
	p0 =	slt.s32 s22, s25;
	_ =	swait.ge [sflag:s17], $0x4000  }
0x11d: {  	s23 =	smov.u32 @p0 s22;
	[sflag:s17] =	ssyncset.done $0x0  }
0x11e: {  	s22 =	sadd.s32 s8, s23;
	[sflag:s17] =	ssyncadd.s32 $0xFFFFC000  }
0x11f: {  	[spmem:s2] =	stream.indirect.scatter.add.f32 [tilespmem:s16], [sflag:$0x8], $0x80, s31, s9, $0xb8;
	[tilespmem:$0x1C400] =	vst v63  }
0x120: {  	s22 =	sshll.u32 s22, $0x4;
	_ =	swait.ge [sflag:s18], $0x4000  }
0x121: {  	s22 =	sand.u32 $0x1FFFFFF0, s22;
	[sflag:s18] =	ssyncset.done $0x0  }
0x122: {  	s23 =	sadd.s32 s6, s22;
	[sflag:s18] =	ssyncadd.s32 $0xFFFFC000  }
0x123: {  	[tilespmem:s28], [sflag:$0x1] =	stream.linear.gather [hbm4b:s23+s4], $0x80, $0x38;
	[tilespmem:$0x1C400] =	vst v63  }
0x124: {  	s22 =	sadd.s32 s7, s22  }
0x125: {  	[tilespmem:s29], [sflag:$0x1] =	stream.linear.gather [hbm4b:s22+s4], $0x80, $0x38;
	[tilespmem:$0x1C400] =	vst v63  }
0x126: {  	_ =	swait.ge [sflag:s19], $0x80  }
0x127: {  	[sflag:s19] =	ssyncset.done $0x0  }
0x128: {  	[sflag:s19] =	ssyncadd.s32 $0xFFFFFF80  }
0x129: {  	_ =	swait.ge [sflag:s19], $0x80  }
0x12a: {  	[sflag:s19] =	ssyncset.done $0x0  }
0x12b: {  	[sflag:s19] =	ssyncadd.s32 $0xFFFFFF80  }
0x12c: {  	[tilespmem:s11], [sflag:$0x5] =	stream.indirect.gather [hbm4b:s5+s9], $0x80, s0, s9, $0xb8;
	[tilespmem:$0x1C400] =	vst v63  }
0x12d: {  	p0 =	slt.s32 s10, s25;
	s22 =	smov.u32 s25;
	_ =	swait.ge [sflag:s12], $0x4000  }
0x12e: {  	s22 =	smov.u32 @p0 s10;
	[sflag:s12] =	ssyncset.done $0x0  }
0x12f: {  	s10 =	sadd.s32 s8, s22;
	[sflag:s12] =	ssyncadd.s32 $0xFFFFC000  }
0x130: {  	[spmem:s2] =	stream.indirect.scatter.add.f32 [tilespmem:s11], [sflag:$0x7], $0x80, s3, s9, $0xb8;
	[tilespmem:$0x1C400] =	vst v63  }
0x131: {  	s10 =	sshll.u32 s10, $0x4;
	_ =	swait.ge [sflag:s20], $0x4000  }
0x132: {  	s10 =	sand.u32 $0x1FFFFFF0, s10;
	[sflag:s20] =	ssyncset.done $0x0  }
0x133: {  	s23 =	sadd.s32 s6, s10;
	[sflag:s20] =	ssyncadd.s32 $0xFFFFC000  }
0x134: {  	[tilespmem:s30], [sflag:$0x2] =	stream.linear.gather [hbm4b:s23+s4], $0x80, $0x38;
	[tilespmem:$0x1C400] =	vst v63  }
0x135: {  	s10 =	sadd.s32 s7, s10  }
0x136: {  	[tilespmem:s31], [sflag:$0x2] =	stream.linear.gather [hbm4b:s10+s4], $0x80, $0x38;
	[tilespmem:$0x1C400] =	vst v63  }
0x137: {  	_ =	swait.ge [sflag:s21], $0x80  }
0x138: {  	[sflag:s21] =	ssyncset.done $0x0  }
0x139: {  	[sflag:s21] =	ssyncadd.s32 $0xFFFFFF80  }
0x13a: {  	_ =	swait.ge [sflag:s21], $0x80  }
0x13b: {  	[sflag:s21] =	ssyncset.done $0x0  }
0x13c: {  	[sflag:s21] =	ssyncadd.s32 $0xFFFFFF80  }
0x13d: {  	[tilespmem:s16], [sflag:$0x6] =	stream.indirect.gather [hbm4b:s5+s9], $0x80, s13, s9, $0xb8;
	[tilespmem:$0x1C400] =	vst v63  }
0x13e: {  	_ =	swait.ge [sflag:s17], $0x4000  }
0x13f: {  	[sflag:s17] =	ssyncset.done $0x0  }
0x140: {  	[sflag:s17] =	ssyncadd.s32 $0xFFFFC000  }
0x141: {  	[spmem:s2] =	stream.indirect.scatter.add.f32 [tilespmem:s16], [sflag:$0x8], $0x80, s14, s9, $0xb8;
	[tilespmem:$0x1C400] =	vst v63  }
0x142: {  	_ =	swait.ge [sflag:s18], $0x4000  }
0x143: {  	[sflag:s18] =	ssyncset.done $0x0  }
0x144: {  	[sflag:s18] =	ssyncadd.s32 $0xFFFFC000  }
0x145: {  	_ =	swait.ge [sflag:s20], $0x4000  }
0x146: {  	[sflag:s20] =	ssyncset.done $0x0  }
0x147: {  	[sflag:s20] =	ssyncadd.s32 $0xFFFFC000  }
0x148: {  	_ =	swait.ge [sflag:s1], $0x80  }
0x149: {  	[sflag:s1] =	ssyncset.done $0x0  }
0x14a: {  	[sflag:s1] =	ssyncadd.s32 $0xFFFFFF80  }
0x14b: {  	_ =	swait.ge [sflag:s1], $0x80  }
0x14c: {  	[sflag:s1] =	ssyncset.done $0x0  }
0x14d: {  	[sflag:s1] =	ssyncadd.s32 $0xFFFFFF80  }
0x14e: {  	_ =	swait.ge [sflag:s15], $0x80  }
0x14f: {  	[sflag:s15] =	ssyncset.done $0x0  }
0x150: {  	[sflag:s15] =	ssyncadd.s32 $0xFFFFFF80  }
0x151: {  	_ =	swait.ge [sflag:s15], $0x80  }
0x152: {  	[sflag:s15] =	ssyncset.done $0x0  }
0x153: {  	[sflag:s15] =	ssyncadd.s32 $0xFFFFFF80  }
0x154: {  	[bflag:$0x0] =	sbarrier.arrive $0xFFFF  }
0x155: {  	s22 =	rddreg [dreg:$0x12]  }
0x156: {  	s23 =	rddreg [dreg:$0x15]  }
0x157: {  	[hbm:s22], [sflag:s26] =	dma.local [spmem:s23], $0x2800  }
0x158: {  	s22 =	simm.s32 $0x9  }
0x159: {  	_ =	swait.ge [sflag:s22], $0x2800  }
0x15a: {  	s24 =	sadd.s32 $0x1, s24;
	s23 =	rddreg [dreg:$0x13]  }
0x15b: {  	p0 =	sne.s32 s24, s23  }
.Ltmp3:
0x15c: {  	_ = 	snop;
	(pc) =	sbr.rel @p0 .LBB2_1-.Ltmp3, $4  }
.Ltmp4:
0x15d: {  	_ = 	snop;
	(pc) =	sbr.rel @!p0 .LBB2_8-.Ltmp4, $4  }
0x15e: {  	_ = 	snop  }
0x15f: {  	[sflag:s22] =	ssyncset.done $0x0  }
0x160: {  	[sflag:s22] =	ssyncadd.s32 $0xFFFFD800  }
0x161: {  	_ = 	snop  }
.LBB2_2:
.Ltmp5:
0x162: {  	(pc) =	sbr.rel .LBB2_7-.Ltmp5, $2  }
0x163: {  	_ =	sdelay $0x2  }
0x164: {  	s10 =	simm.s32 $0x9  }
.LBB2_4:
.Ltmp6:
0x165: {  	(pc) =	sbr.rel .LBB2_7-.Ltmp6, $2  }
0x166: {  	_ =	sdelay $0x2  }
0x167: {  	s26 =	rddreg [dreg:$0x5]  }
.LBB2_8:
0x168: {  	_ =	sfence.sel $0x180000  }
0x169: {  	[bflag:$0x0] =	sbarrier.arrive $0xFFFF  }
0x16a: {  	_ =	strace $0x9000004A  }
0x16b: {  	s0 =	stileid.u32;
	[bflag:$0x2] =	sbarrier.arrive $0xFFFF  }
0x16c: {  	p0 =	sne.s32 s0, $0x0;
	s0 =	rddreg [dreg:$0x3]  }
0x16d: {  	s0 =	sadd.s32 @!p0 $0x100000, s0  }
0x16e: {  	[sflag:s0] =	ssyncadd.tile.s32 @!p0 $0x1;
	_ =	shalt  }
.Lfunc_end2:
_tile_overlayer_lowered:
.L_overlay_start_2:
0x16f: {  	(tag) =	ssettag $0x2  }
0x170: {  	s0 =	rddreg [dreg:$0x0];
	s2 =	stileid.u32  }
0x171: {  	s1 =	rddreg [dreg:$0x1];
	p0 =	sne.s32 s2, $0x0  }
0x172: {  	s3 =	rddreg [dreg:$0x2];
	[bflag:$0x3] =	sbarrier.arrive $0xFFFF;
	s2 =	simm.s32 @!p0 $0x1C09  }
0x173: {  	[timem:s3], [sflag:s2] =	dma.local @!p0 [hbm:s0], s1  }
0x174: {  	s0 =	simm.s32 @!p0 $0x9  }
0x175: {  	_ =	swait.ge @!p0 [sflag:s0], s1  }
0x176: {  	s1 =	ssub.s32 @!p0 $0x0, s1;
	[sflag:s0] =	ssyncset.done @!p0 $0x0  }
0x177: {  	[sflag:s0] =	ssyncadd.s32 @!p0 s1  }
0x178: {  	[bflag:$0x3] =	sbarrier.arrive $0xFFFF  }
0x179: {  	_ =	shalt  }

// kernel: kernel.14.cloned.1.call-start
scs
__scs_entry_jumppad:
0x0: {  	(pc) =	sbr.rel $0x88, $3  }
0x1: {  	(tag) =	ssettag $0x0;
	lr =	simm.s32 $0x1  }
0x2: {  	[smem:$0x3F99] =	sst lr;
	_ =	strace $0xD0000000  }
0x3: {  	_ = 	snop  }
0x4: {  	_ = 	snop  }
0x5: {  	_ = 	snop  }
0x6: {  	_ = 	snop  }
0x7: {  	_ = 	snop  }
__scs_overlays_trampoline_lowered:
0x8: {  	[smem:$0x3FA8] =	sst s0  }
0x9: {  	[smem:$0x3FA9] =	sst s1  }
0xa: {  	[smem:$0x3FAA] =	sst s2  }
0xb: {  	[smem:$0x3FAB] =	sst s3  }
0xc: {  	[smem:$0x3FAC] =	sst s4  }
0xd: {  	[smem:$0x3FAD] =	sst s5  }
0xe: {  	[smem:$0x3FAE] =	sst s6  }
0xf: {  	[smem:$0x3FAF] =	sst s7  }
0x10: {  	[smem:$0x3FB0] =	sst s8  }
0x11: {  	[smem:$0x3FB1] =	sst s9;
	s0 =	simm.s32 @!p0 $0x0  }
0x12: {  	s1 =	sld [smem:$0x3F97];
	s0 =	simm.s32 @p0 $0x1  }
0x13: {  	[smem:$0x3FB2] =	sst s0;
	s0 =	simm.s32 @!p1 $0x0  }
0x14: {  	s2 =	sld [smem:$0x3F96];
	s0 =	simm.s32 @p1 $0x1  }
0x15: {  	[smem:$0x3FB3] =	sst s0;
	s0 =	simm.s32 @!p2 $0x0  }
0x16: {  	s3 =	sld [smem:$0x3FDB];
	s0 =	simm.s32 @p2 $0x1  }
0x17: {  	s4 =	simm.s32 $0x1BF5;
	[smem:$0x3FB5] =	sst s0  }
0x18: {  	s0 =	sld [smem:$0x3F98];
	_ =	swait.ge [sflag:s4], $0x0  }
0x19: {  	s7 =	sld [smem:$0x3F99]  }
0x1a: {  	s8 =	sadd.s32 $0xFFFFE003, lr  }
0x1b: {  	s9 =	sadd.s32 $0xFFFFFEF7, lr;
	s5 =	simm.s32 $0xFFFFFFFF;
	p2 =	slt.u32 s8, $0xFFFFF086  }
0x1c: {  	p1 =	slt.u32 s9, $0xF7A;
	s5 =	simm.s32 @!p2 $0x0  }
0x1d: {  	s5 =	simm.s32 @p1 $0x1;
	p0 =	seq.s32 s7, s2  }
0x1e: {  	s7 =	smul.u32 @!p0 $0xF7A, s2;
	p2 =	seq.s32 @!p0 s5, $0x0  }
0x1f: {  	s9 =	smul.u32 $0xF7A, s1;
	s8 =	simm.s32 @!p0 $0x1BF5;
	p2 =	por !p2, p0  }
0x20: {  	[sflag:s8] =	ssyncset.s32 @!p0 $0xFFFFF086;
	s6 =	sadd.s32 @!p0 s3, s7;
	s7 =	simm.s32 @!p0 $0x108  }
0x21: {  	s3 =	sadd.s32 s3, s9;
	s6 =	sadd.s32 @!p0 $0x88, s6;
	s7 =	simm.s32 @p2 $0x1082  }
0x22: {  	[simem:s7], [sflag:s8] =	dma.local @!p0 [hbm:s6], $0xF7A  }
0x23: {  	s9 =	sor.u32 $0xD0000000, s2;
	s6 =	simm.s32 $0x108;
	_ =	swait.ge @!p0 [sflag:s8], $0x0  }
0x24: {  	s3 =	sadd.s32 $0x88, s3;
	s6 =	simm.s32 @!p1 $0x1082;
	[sflag:s4] =	ssyncset.s32 $0xFFFFF086  }
0x25: {  	[simem:s6], [sflag:s4] =	dma.local [hbm:s3], $0xF7A  }
0x26: {  	[smem:$0x3F99] =	sst s1;
	(tag) =	ssettag s2;
	_ =	strace s9  }
0x27: {  	s1 =	sld [smem:$0x3FA9]  }
0x28: {  	s2 =	sld [smem:$0x3FAA]  }
0x29: {  	s4 =	sld [smem:$0x3FAC]  }
0x2a: {  	p0 =	seq.s32 s5, $0x0;
	s5 =	sld [smem:$0x3FAD]  }
0x2b: {  	s6 =	sld [smem:$0x3FAE]  }
0x2c: {  	s7 =	sld [smem:$0x3FAF]  }
0x2d: {  	s3 =	simm.s32 $0x108;
	s8 =	sld [smem:$0x3FB0]  }
0x2e: {  	s3 =	simm.s32 @!p0 $0x1082;
	s9 =	sld [smem:$0x3FB1]  }
0x2f: {  	lr =	sadd.s32 s0, s3;
	s0 =	sld [smem:$0x3FA8]  }
0x30: {  	s3 =	sld [smem:$0x3FAB]  }
0x31: {  	[smem:$0x3FB4] =	sst s10  }
0x32: {  	s10 =	sld [smem:$0x3FB2];
	_ =	sdelay $0x3  }
0x33: {  	p0 =	seq.s32 s10, $0x1;
	s10 =	sld [smem:$0x3FB4];
	_ =	sdelay $0x3  }
0x34: {  	[smem:$0x3FB4] =	sst s10  }
0x35: {  	s10 =	sld [smem:$0x3FB3];
	_ =	sdelay $0x3  }
0x36: {  	p1 =	seq.s32 s10, $0x1;
	s10 =	sld [smem:$0x3FB4];
	_ =	sdelay $0x3  }
0x37: {  	[smem:$0x3FB4] =	sst s10  }
0x38: {  	s10 =	sld [smem:$0x3FB5]  }
0x39: {  	_ = 	snop;
	(pc) =	sbr.ind lr, $3  }
0x3a: {  	_ = 	snop  }
0x3b: {  	_ = 	snop  }
0x3c: {  	p2 =	seq.s32 s10, $0x1;
	s10 =	sld [smem:$0x3FB4]  }
0x3d: {  	_ =	shalt  }
0x3e: {  	_ =	shalt  }
0x3f: {  	_ =	shalt  }
0x40: {  	_ =	shalt  }
0x41: {  	_ =	shalt  }
0x42: {  	_ =	shalt  }
0x43: {  	_ =	shalt  }
0x44: {  	_ =	shalt  }
0x45: {  	_ =	shalt  }
0x46: {  	_ =	shalt  }
0x47: {  	_ =	shalt  }
0x48: {  	_ =	shalt  }
0x49: {  	_ =	shalt  }
0x4a: {  	_ =	shalt  }
0x4b: {  	_ =	shalt  }
0x4c: {  	_ =	shalt  }
0x4d: {  	_ =	shalt  }
0x4e: {  	_ =	shalt  }
0x4f: {  	_ =	shalt  }
0x50: {  	_ =	shalt  }
0x51: {  	_ =	shalt  }
0x52: {  	_ =	shalt  }
0x53: {  	_ =	shalt  }
0x54: {  	_ =	shalt  }
0x55: {  	_ =	shalt  }
0x56: {  	_ =	shalt  }
0x57: {  	_ =	shalt  }
0x58: {  	_ =	shalt  }
0x59: {  	_ =	shalt  }
0x5a: {  	_ =	shalt  }
0x5b: {  	_ =	shalt  }
0x5c: {  	_ =	shalt  }
0x5d: {  	_ =	shalt  }
0x5e: {  	_ =	shalt  }
0x5f: {  	_ =	shalt  }
0x60: {  	_ =	shalt  }
0x61: {  	_ =	shalt  }
0x62: {  	_ =	shalt  }
0x63: {  	_ =	shalt  }
0x64: {  	_ =	shalt  }
0x65: {  	_ =	shalt  }
0x66: {  	_ =	shalt  }
0x67: {  	_ =	shalt  }
0x68: {  	_ =	shalt  }
0x69: {  	_ =	shalt  }
0x6a: {  	_ =	shalt  }
0x6b: {  	_ =	shalt  }
0x6c: {  	_ =	shalt  }
0x6d: {  	_ =	shalt  }
0x6e: {  	_ =	shalt  }
0x6f: {  	_ =	shalt  }
0x70: {  	_ =	shalt  }
0x71: {  	_ =	shalt  }
0x72: {  	_ =	shalt  }
0x73: {  	_ =	shalt  }
0x74: {  	_ =	shalt  }
0x75: {  	_ =	shalt  }
0x76: {  	_ =	shalt  }
0x77: {  	_ =	shalt  }
0x78: {  	_ =	shalt  }
0x79: {  	_ =	shalt  }
0x7a: {  	_ =	shalt  }
0x7b: {  	_ =	shalt  }
0x7c: {  	_ =	shalt  }
0x7d: {  	_ =	shalt  }
0x7e: {  	_ =	shalt  }
0x7f: {  	_ =	shalt  }
0x80: {  	_ =	shalt  }
0x81: {  	_ =	shalt  }
0x82: {  	_ =	shalt  }
0x83: {  	_ =	shalt  }
0x84: {  	_ =	shalt  }
0x85: {  	_ =	shalt  }
0x86: {  	_ =	shalt  }
0x87: {  	_ =	shalt  }
.Lfunc_end0:
.L_simem_size_0:
called_computation.2_lowered:
.L_overlay_start_0:
0x88: {  	s2 =	sld [smem:$0x3FD9]  }
0x89: {  	s3 =	sld [smem:$0x3FFE];
	_ =	sdelay $0x1  }
0x8a: {  	s1 =	srdreg.scid  }
0x8b: {  	s0 =	sand.u32 $0x1, s1  }
0x8c: {  	s17 =	sshll.u32 s0, $0xA;
	s2 =	sadd.s32 s3, s2  }
0x8d: {  	s2 =	sadd.s32 s2, s17  }
0x8e: {  	[smem:$0x3FC0] =	sst s2  }
0x8f: {  	_ = 	snop  }
0x90: {  	s2 =	sld [smem:$0x3FD0];
	(tm) =	ssettm $0x1  }
0x91: {  	s18 =	sld [smem:$0x3FFB];
	_ =	sdelay $0x3  }
0x92: {  	_ =	strace s18  }
0x93: {  	s3 =	sld [smem:$0x3FFC];
	_ =	sdelay $0x3  }
0x94: {  	_ =	strace s3  }
0x95: {  	s3 =	sld [smem:$0x3FFD];
	_ =	sdelay $0x3  }
0x96: {  	_ =	strace s3  }
0x97: {  	_ =	strace $0x8FFFFFFF  }
0x98: {  	s19 =	sld [smem:$0x3FDB];
	_ =	sdelay $0x1  }
0x99: {  	s4 =	simm.s32 $_scs_section_size  }
0x9a: {  	s5 =	simm.s32 $_size__tile_overlayer_lowered;
	s6 =	simm.s32 $_tile_overlayer_lowered  }
0x9b: {  	s22 =	simm.s32 $0x1BFF;
	s21 =	sshll.u32 s6, $0x1;
	s3 =	sadd.s32 s4, s19  }
0x9c: {  	s7 =	simm.s32 $0x0;
	s20 =	sshll.u32 s5, $0x1;
	s5 =	sadd.s32 s21, s3  }
0x9d: {  	[timem:s7], [sflag:s22] =	dma.local [hbm:s5], s20  }
0x9e: {  	_ =	swait.ge [sflag:s22], s20  }
0x9f: {  	s4 =	ssub.s32 $0x0, s20;
	[sflag:s22] =	ssyncset.done $0x0  }
0xa0: {  	[sflag:s22] =	ssyncadd.s32 s4;
	_ =	sdelay $0x1  }
0xa1: {  	s23 =	simm.s32 $0x1B8B  }
0xa2: {  	_ =	swait.ge [sflag:s23], $0x1  }
0xa3: {  	[sflag:s23] =	ssyncset.done $0x0  }
0xa4: {  	s25 =	simm.s32 $0x1B8E;
	s24 =	sld [smem:$0x3FFE];
	[sflag:s23] =	ssyncadd.s32 $0xFFFFFFFF  }
0xa5: {  	s26 =	simm.s32 $execute0_lowered;
	[smem:$0x3FD2] =	sst s25  }
0xa6: {  	s5 =	sshll.u32 s26, $0x1;
	_ =	strace $0x8000004C;
	[dreg:$0x1] =	wrdreg $0xFFFFFFFF  }
0xa7: {  	s28 =	simm.s32 $_size_execute0_lowered;
	s3 =	sadd.s32 s3, s5;
	[dreg:$0x0] =	wrdreg $0x0  }
0xa8: {  	s5 =	sshll.u32 s28, $0x1;
	[dreg:$0x2] =	wrdreg s3  }
0xa9: {  	[dreg:$0x3] =	wrdreg s5  }
0xaa: {  	[dreg:$0x4] =	wrdreg $0xC0  }
0xab: {  	_ =	task [dreg:s7], $0x5FFFF  }
0xac: {  	[dreg:$0x1] =	wrdreg $0xFFFFFFFF  }
0xad: {  	[dreg:$0x0] =	wrdreg $0x60  }
0xae: {  	[dreg:$0x2] =	wrdreg s24  }
0xaf: {  	[dreg:$0x3] =	wrdreg s2  }
0xb0: {  	[dreg:$0x4] =	wrdreg $0x0  }
0xb1: {  	[dreg:$0x5] =	wrdreg $0x9  }
0xb2: {  	_ =	task.clear_ibuf [dreg:s7], $0x6FFFF;
	_ =	strace $0x9000004C  }
0xb3: {  	s29 =	simm.s32 $0x9;
	_ =	strace $0x8000004E  }
0xb4: {  	_ =	swait.ge [sflag:s29], $0x1  }
0xb5: {  	[sflag:s29] =	ssyncadd.s32 $0xFFFFFFFF  }
0xb6: {  	_ =	strace $0x9000004E  }
0xb7: {  	_ =	sfence  }
0xb8: {  	s30 =	sld [smem:$0x0];
	_ =	sdelay $0x2  }
0xb9: {  	s31 =	sshll.u32 s1, $0xD;
	s1 =	sshrl.u32 s1, $0x2  }
0xba: {  	s3 =	sand.u32 $0x4000, s31;
	s1 =	sadd.s32 s1, s30  }
0xbb: {  	s0 =	sor.u32 s3, s0;
	s1 =	sshll.u32 s1, $0x11  }
0xbc: {  	s0 =	sor.u32 s1, s0  }
0xbd: {  	s0 =	sadd.s32 $0x8F2B, s0  }
0xbe: {  	[sflag:s0] =	ssyncadd.remote.s32 $0x1  }
0xbf: {  	_ =	sfence.sel $0xFFFF  }
0xc0: {  	[dreg:$0x0] =	wrdreg $0xFFFFFFFF;
	(pc) =	sbr.abs _section_cstart, $3  }
0xc1: {  	[dreg:$0x1] =	wrdreg $0xFFFFFFFF  }
0xc2: {  	_ =	task.clear_ibuf [dreg:s7], $0x2FFFF;
	_ =	strace $0x9FFFFFFF  }
0xc3: {  	(tm) =	ssettm $0x7FFFFFFF  }
tec
execute0_lowered:
.L_overlay_start_1:
0x0: {  	(tag) =	ssettag $0x1  }
0x1: {  	s0 =	rddreg [dreg:$0x0]  }
0x2: {  	s2 =	rddreg [dreg:$0x2];
	s4 =	simm.s32 $0x0  }
0x3: {  	s1 =	srdreg.scid;
	s13 =	stileid.u32;
	s9 =	simm.s32 $0x98  }
0x4: {  	s28 =	simm.s32 $0x14000;
	s29 =	simm.s32 $0x14200;
	s30 =	simm.s32 $0x14080  }
0x5: {  	s31 =	simm.s32 $0x14280;
	[smem:$0x7FF] =	sst s4;
	s5 =	sadd.s32 $0x16600, s0  }
0x6: {  	s1 =	sand.u32 $0x1, s1;
	s3 =	smul.u32 $0x2800, s13;
	s6 =	sadd.s32 $0xC600, s0  }
0x7: {  	s7 =	sadd.s32 $0x2000, s0;
	s12 =	smul.u32 $0x50000, s13;
	s21 =	sshll.u32 s13, $0x6  }
0x8: {  	_ =	strace $0x8000004D;
	s8 =	smul.u32 $0x28000, s1;
	p0 =	seq.s32 s1, $0x0  }
0x9: {  	s10 =	smul.u32 $0x980, s1;
	s1 =	ssub.s32 $0x2, s1;
	s26 =	sor.u32 $0x1C09, s21  }
0xa: {  	s9 =	simm.s32 @!p0 $0x8;
	s19 =	sshrl.u32 s1, $0x1;
	s20 =	sshrl.u32 s12, $0x2  }
0xb: {  	s12 =	simm.s32 $0x5;
	s11 =	smul.u32 s13, s9;
	s3 =	sadd.s32 s3, s8  }
0xc: {  	[dreg:$0x5] =	wrdreg s26;
	s0 =	sadd.s32 s3, s0;
	s3 =	sadd.s32 s20, s2  }
0xd: {  	s8 =	sadd.s32 s10, s11;
	[dreg:$0x4] =	wrdreg s3;
	s0 =	sadd.s32 $0x3E600, s0  }
0xe: {  	s1 =	ssub.s32 s1, s19;
	s11 =	sshll.u32 s8, $0x4;
	[dreg:$0x12] =	wrdreg s0  }
0xf: {  	s0 =	simm.s32 $0x14100;
	s22 =	sor.u32 $0x10, s11;
	s23 =	sadd.s32 s6, s11  }
0x10: {  	s24 =	sadd.s32 s7, s11;
	s10 =	sor.u32 $0x20, s11;
	[dreg:$0x6] =	wrdreg s23  }
0x11: {  	s13 =	sor.u32 $0x30, s11;
	[dreg:$0x7] =	wrdreg s24;
	s25 =	sadd.s32 s6, s22  }
0x12: {  	s17 =	sor.u32 $0x40, s11;
	s3 =	sadd.s32 s7, s22;
	[dreg:$0x8] =	wrdreg s25  }
0x13: {  	s18 =	sor.u32 $0x50, s11;
	s14 =	sadd.s32 s6, s10;
	[dreg:$0x9] =	wrdreg s3  }
0x14: {  	s11 =	simm.s32 $0x14400;
	s15 =	sadd.s32 s6, s13;
	[dreg:$0xa] =	wrdreg s14  }
0x15: {  	s16 =	sadd.s32 s7, s13;
	s19 =	sadd.s32 s6, s17;
	[dreg:$0xc] =	wrdreg s15  }
0x16: {  	s20 =	sadd.s32 s6, s18;
	s21 =	sadd.s32 s7, s18;
	[dreg:$0xd] =	wrdreg s16  }
0x17: {  	s22 =	sshrl.u32 s9, $0x2;
	s23 =	smax.u32 s1, $0x1;
	[dreg:$0xe] =	wrdreg s19  }
0x18: {  	s1 =	simm.s32 $0x1;
	s13 =	simm.s32 $0x14180;
	[dreg:$0x10] =	wrdreg s20  }
0x19: {  	s18 =	simm.s32 $0x7;
	s3 =	sadd.s32 s7, s10;
	[dreg:$0x11] =	wrdreg s21  }
0x1a: {  	s25 =	sadd.s32 $0xFFFFFFFF, s9;
	[dreg:$0x13] =	wrdreg s23;
	s24 =	sadd.s32 $0xFFFFFFFF, s22  }
0x1b: {  	s9 =	simm.s32 $0x80;
	s14 =	simm.s32 $0x14380;
	s15 =	simm.s32 $0x2  }
0x1c: {  	s16 =	simm.s32 $0x18400;
	s19 =	simm.s32 $0x3;
	s20 =	simm.s32 $0x8  }
0x1d: {  	s21 =	simm.s32 $0x4;
	s22 =	simm.s32 $0x9;
	[dreg:$0xb] =	wrdreg s3  }
0x1e: {  	s3 =	sadd.s32 s7, s17;
	[dreg:$0x14] =	wrdreg s24;
	s17 =	simm.s32 $0x6  }
0x1f: {  	s24 =	simm.s32 $0x0;
	[dreg:$0xf] =	wrdreg s3;
	s3 =	simm.s32 $0x14300  }
.LBB2_1:
0x20: {  	s10 =	rddreg [dreg:$0x4]  }
0x21: {  	s23 =	sshrl.u32 s10, $0x3;
	s10 =	rddreg [dreg:$0x1]  }
0x22: {  	[dreg:$0x15] =	wrdreg s23  }
0x23: {  	[spmem:s23], [sflag:s26] =	dma.local [hbm:s10], $0x2800  }
0x24: {  	_ =	swait.ge [sflag:s22], $0x2800  }
0x25: {  	[sflag:s22] =	ssyncset.done $0x0  }
0x26: {  	[sflag:s22] =	ssyncadd.s32 $0xFFFFD800  }
0x27: {  	[bflag:$0x0] =	sbarrier.arrive $0xFFFF  }
0x28: {  	s22 =	rddreg [dreg:$0x6]  }
0x29: {  	[tilespmem:s28], [sflag:$0x1] =	stream.linear.gather [hbm4b:s22+s4], $0x80, $0x38;
	[tilespmem:$0x1C400] =	vst v63  }
0x2a: {  	s23 =	rddreg [dreg:$0x7]  }
0x2b: {  	[tilespmem:s29], [sflag:$0x1] =	stream.linear.gather [hbm4b:s23+s4], $0x80, $0x38;
	[tilespmem:$0x1C400] =	vst v63  }
0x2c: {  	s22 =	rddreg [dreg:$0x8]  }
0x2d: {  	[tilespmem:s30], [sflag:$0x2] =	stream.linear.gather [hbm4b:s22+s4], $0x80, $0x38;
	[tilespmem:$0x1C400] =	vst v63  }
0x2e: {  	s23 =	rddreg [dreg:$0x9]  }
0x2f: {  	[tilespmem:s31], [sflag:$0x2] =	stream.linear.gather [hbm4b:s23+s4], $0x80, $0x38;
	[tilespmem:$0x1C400] =	vst v63  }
0x30: {  	s22 =	rddreg [dreg:$0xa]  }
0x31: {  	[tilespmem:s0], [sflag:$0x3] =	stream.linear.gather [hbm4b:s22+s4], $0x80, $0x38;
	[tilespmem:$0x1C400] =	vst v63  }
0x32: {  	s23 =	rddreg [dreg:$0xb]  }
0x33: {  	[tilespmem:s3], [sflag:$0x3] =	stream.linear.gather [hbm4b:s23+s4], $0x80, $0x38;
	[tilespmem:$0x1C400] =	vst v63  }
0x34: {  	_ =	swait.ge [sflag:s1], $0x80  }
0x35: {  	[sflag:s1] =	ssyncset.done $0x0  }
0x36: {  	[sflag:s1] =	ssyncadd.s32 $0xFFFFFF80  }
0x37: {  	_ =	swait.ge [sflag:s1], $0x80  }
0x38: {  	[sflag:s1] =	ssyncset.done $0x0  }
0x39: {  	[sflag:s1] =	ssyncadd.s32 $0xFFFFFF80  }
0x3a: {  	[tilespmem:s11], [sflag:$0x5] =	stream.indirect.gather [hbm4b:s5+s9], $0x80, s28, s9, $0xb8;
	[tilespmem:$0x1C400] =	vst v63  }
0x3b: {  	_ =	swait.ge [sflag:s12], $0x4000  }
0x3c: {  	[sflag:s12] =	ssyncset.done $0x0  }
0x3d: {  	[sflag:s12] =	ssyncadd.s32 $0xFFFFC000  }
0x3e: {  	[spmem:s2] =	stream.indirect.scatter.add.f32 [tilespmem:s11], [sflag:$0x7], $0x80, s29, s9, $0xb8;
	[tilespmem:$0x1C400] =	vst v63  }
0x3f: {  	s22 =	rddreg [dreg:$0xc]  }
0x40: {  	[tilespmem:s13], [sflag:$0x4] =	stream.linear.gather [hbm4b:s22+s4], $0x80, $0x38;
	[tilespmem:$0x1C400] =	vst v63  }
0x41: {  	s23 =	rddreg [dreg:$0xd]  }
0x42: {  	[tilespmem:s14], [sflag:$0x4] =	stream.linear.gather [hbm4b:s23+s4], $0x80, $0x38;
	[tilespmem:$0x1C400] =	vst v63  }
0x43: {  	_ =	swait.ge [sflag:s15], $0x80  }
0x44: {  	[sflag:s15] =	ssyncset.done $0x0  }
0x45: {  	[sflag:s15] =	ssyncadd.s32 $0xFFFFFF80  }
0x46: {  	_ =	swait.ge [sflag:s15], $0x80  }
0x47: {  	[sflag:s15] =	ssyncset.done $0x0  }
0x48: {  	[sflag:s15] =	ssyncadd.s32 $0xFFFFFF80  }
0x49: {  	[tilespmem:s16], [sflag:$0x6] =	stream.indirect.gather [hbm4b:s5+s9], $0x80, s30, s9, $0xb8;
	[tilespmem:$0x1C400] =	vst v63  }
0x4a: {  	_ =	swait.ge [sflag:s17], $0x4000  }
0x4b: {  	[sflag:s17] =	ssyncset.done $0x0  }
0x4c: {  	[sflag:s17] =	ssyncadd.s32 $0xFFFFC000  }
0x4d: {  	[spmem:s2] =	stream.indirect.scatter.add.f32 [tilespmem:s16], [sflag:$0x8], $0x80, s31, s9, $0xb8;
	[tilespmem:$0x1C400] =	vst v63  }
0x4e: {  	_ =	swait.ge [sflag:s18], $0x4000  }
0x4f: {  	[sflag:s18] =	ssyncset.done $0x0  }
0x50: {  	s22 =	rddreg [dreg:$0xe];
	[sflag:s18] =	ssyncadd.s32 $0xFFFFC000  }
0x51: {  	[tilespmem:s28], [sflag:$0x1] =	stream.linear.gather [hbm4b:s22+s4], $0x80, $0x38;
	[tilespmem:$0x1C400] =	vst v63  }
0x52: {  	s23 =	rddreg [dreg:$0xf]  }
0x53: {  	[tilespmem:s29], [sflag:$0x1] =	stream.linear.gather [hbm4b:s23+s4], $0x80, $0x38;
	[tilespmem:$0x1C400] =	vst v63  }
0x54: {  	_ =	swait.ge [sflag:s19], $0x80  }
0x55: {  	[sflag:s19] =	ssyncset.done $0x0  }
0x56: {  	[sflag:s19] =	ssyncadd.s32 $0xFFFFFF80  }
0x57: {  	_ =	swait.ge [sflag:s19], $0x80  }
0x58: {  	[sflag:s19] =	ssyncset.done $0x0  }
0x59: {  	[sflag:s19] =	ssyncadd.s32 $0xFFFFFF80  }
0x5a: {  	[tilespmem:s11], [sflag:$0x5] =	stream.indirect.gather [hbm4b:s5+s9], $0x80, s0, s9, $0xb8;
	[tilespmem:$0x1C400] =	vst v63  }
0x5b: {  	_ =	swait.ge [sflag:s12], $0x4000  }
0x5c: {  	[sflag:s12] =	ssyncset.done $0x0  }
0x5d: {  	[sflag:s12] =	ssyncadd.s32 $0xFFFFC000  }
0x5e: {  	[spmem:s2] =	stream.indirect.scatter.add.f32 [tilespmem:s11], [sflag:$0x7], $0x80, s3, s9, $0xb8;
	[tilespmem:$0x1C400] =	vst v63  }
0x5f: {  	_ =	swait.ge [sflag:s20], $0x4000  }
0x60: {  	[sflag:s20] =	ssyncset.done $0x0  }
0x61: {  	s22 =	rddreg [dreg:$0x10];
	[sflag:s20] =	ssyncadd.s32 $0xFFFFC000  }
0x62: {  	[tilespmem:s30], [sflag:$0x2] =	stream.linear.gather [hbm4b:s22+s4], $0x80, $0x38;
	[tilespmem:$0x1C400] =	vst v63  }
0x63: {  	s23 =	rddreg [dreg:$0x11]  }
0x64: {  	[tilespmem:s31], [sflag:$0x2] =	stream.linear.gather [hbm4b:s23+s4], $0x80, $0x38;
	[tilespmem:$0x1C400] =	vst v63  }
0x65: {  	_ =	swait.ge [sflag:s21], $0x80  }
0x66: {  	[sflag:s21] =	ssyncset.done $0x0  }
0x67: {  	[sflag:s21] =	ssyncadd.s32 $0xFFFFFF80  }
0x68: {  	_ =	swait.ge [sflag:s21], $0x80  }
0x69: {  	[sflag:s21] =	ssyncset.done $0x0  }
0x6a: {  	[sflag:s21] =	ssyncadd.s32 $0xFFFFFF80  }
0x6b: {  	[tilespmem:s16], [sflag:$0x6] =	stream.indirect.gather [hbm4b:s5+s9], $0x80, s13, s9, $0xb8;
	[tilespmem:$0x1C400] =	vst v63  }
0x6c: {  	_ =	swait.ge [sflag:s17], $0x4000  }
0x6d: {  	s22 =	rddreg [dreg:$0x14]  }
0x6e: {  	p1 =	sne.s32 s22, $0x1  }
.Ltmp0:
0x6f: {  	_ = 	snop;
	(pc) =	sbr.rel @!p1 .LBB2_2-.Ltmp0, $4  }
0x70: {  	p0 =	sgt.s32 s25, $0x6;
	s10 =	simm.s32 $0x6;
	s23 =	smov.u32 s25  }
0x71: {  	s23 =	smov.u32 @p0 s10;
	[sflag:s17] =	ssyncset.done $0x0  }
0x72: {  	p0 =	por $0x0, $0x0;
	[sflag:s17] =	ssyncadd.s32 $0xFFFFC000;
	s10 =	sadd.s32 $0xFFFFFFFF, s22  }
0x73: {  	[spmem:s2] =	stream.indirect.scatter.add.f32 [tilespmem:s16], [sflag:$0x8], $0x80, s14, s9, $0xb8;
	[tilespmem:$0x1C400] =	vst v63  }
0x74: {  	s23 =	sadd.s32 s8, s23  }
0x75: {  	_ =	swait.ge [sflag:s18], $0x4000;
	s23 =	sshll.u32 s23, $0x4  }
0x76: {  	[sflag:s18] =	ssyncset.done $0x0;
	s23 =	sand.u32 $0x1FFFFFF0, s23  }
0x77: {  	[sflag:s18] =	ssyncadd.s32 $0xFFFFC000;
	s26 =	sadd.s32 s6, s23  }
0x78: {  	[tilespmem:s0], [sflag:$0x3] =	stream.linear.gather [hbm4b:s26+s4], $0x80, $0x38;
	[tilespmem:$0x1C400] =	vst v63  }
0x79: {  	s23 =	sadd.s32 s7, s23  }
0x7a: {  	[tilespmem:s3], [sflag:$0x3] =	stream.linear.gather [hbm4b:s23+s4], $0x80, $0x38;
	[tilespmem:$0x1C400] =	vst v63  }
0x7b: {  	_ =	swait.ge [sflag:s1], $0x80  }
0x7c: {  	[sflag:s1] =	ssyncset.done $0x0  }
0x7d: {  	[sflag:s1] =	ssyncadd.s32 $0xFFFFFF80  }
0x7e: {  	_ =	swait.ge [sflag:s1], $0x80  }
0x7f: {  	[sflag:s1] =	ssyncset.done $0x0  }
0x80: {  	p0 =	sgt.s32 s25, $0x7;
	[sflag:s1] =	ssyncadd.s32 $0xFFFFFF80  }
0x81: {  	[tilespmem:s11], [sflag:$0x5] =	stream.indirect.gather [hbm4b:s5+s9], $0x80, s28, s9, $0xb8;
	[tilespmem:$0x1C400] =	vst v63  }
0x82: {  	s26 =	smov.u32 s25;
	s23 =	simm.s32 $0x7;
	_ =	swait.ge [sflag:s12], $0x4000  }
0x83: {  	s26 =	smov.u32 @p0 s23;
	[sflag:s12] =	ssyncset.done $0x0  }
0x84: {  	s23 =	sadd.s32 s8, s26;
	[sflag:s12] =	ssyncadd.s32 $0xFFFFC000  }
0x85: {  	[spmem:s2] =	stream.indirect.scatter.add.f32 [tilespmem:s11], [sflag:$0x7], $0x80, s29, s9, $0xb8;
	[tilespmem:$0x1C400] =	vst v63  }
0x86: {  	s23 =	sshll.u32 s23, $0x4;
	_ =	swait.ge [sflag:s20], $0x4000  }
0x87: {  	s23 =	sand.u32 $0x1FFFFFF0, s23;
	[sflag:s20] =	ssyncset.done $0x0  }
0x88: {  	s22 =	sadd.s32 s6, s23;
	[sflag:s20] =	ssyncadd.s32 $0xFFFFC000  }
0x89: {  	[tilespmem:s13], [sflag:$0x4] =	stream.linear.gather [hbm4b:s22+s4], $0x80, $0x38;
	[tilespmem:$0x1C400] =	vst v63  }
0x8a: {  	s23 =	sadd.s32 s7, s23  }
0x8b: {  	[tilespmem:s14], [sflag:$0x4] =	stream.linear.gather [hbm4b:s23+s4], $0x80, $0x38;
	[tilespmem:$0x1C400] =	vst v63  }
0x8c: {  	_ =	swait.ge [sflag:s15], $0x80  }
0x8d: {  	[sflag:s15] =	ssyncset.done $0x0  }
0x8e: {  	[sflag:s15] =	ssyncadd.s32 $0xFFFFFF80  }
0x8f: {  	_ =	swait.ge [sflag:s15], $0x80  }
0x90: {  	[sflag:s15] =	ssyncset.done $0x0  }
0x91: {  	p0 =	sgt.s32 s25, $0x8;
	[sflag:s15] =	ssyncadd.s32 $0xFFFFFF80  }
0x92: {  	[tilespmem:s16], [sflag:$0x6] =	stream.indirect.gather [hbm4b:s5+s9], $0x80, s30, s9, $0xb8;
	[tilespmem:$0x1C400] =	vst v63  }
0x93: {  	s26 =	smov.u32 s25;
	s23 =	simm.s32 $0x8;
	_ =	swait.ge [sflag:s17], $0x4000  }
0x94: {  	s26 =	smov.u32 @p0 s23;
	[sflag:s17] =	ssyncset.done $0x0  }
0x95: {  	s23 =	sadd.s32 s8, s26;
	[sflag:s17] =	ssyncadd.s32 $0xFFFFC000  }
0x96: {  	[spmem:s2] =	stream.indirect.scatter.add.f32 [tilespmem:s16], [sflag:$0x8], $0x80, s31, s9, $0xb8;
	[tilespmem:$0x1C400] =	vst v63  }
0x97: {  	s23 =	sshll.u32 s23, $0x4;
	_ =	swait.ge [sflag:s18], $0x4000  }
0x98: {  	s23 =	sand.u32 $0x1FFFFFF0, s23;
	[sflag:s18] =	ssyncset.done $0x0  }
0x99: {  	s22 =	sadd.s32 s6, s23;
	[sflag:s18] =	ssyncadd.s32 $0xFFFFC000  }
0x9a: {  	[tilespmem:s28], [sflag:$0x1] =	stream.linear.gather [hbm4b:s22+s4], $0x80, $0x38;
	[tilespmem:$0x1C400] =	vst v63  }
0x9b: {  	s23 =	sadd.s32 s7, s23  }
0x9c: {  	[tilespmem:s29], [sflag:$0x1] =	stream.linear.gather [hbm4b:s23+s4], $0x80, $0x38;
	[tilespmem:$0x1C400] =	vst v63  }
0x9d: {  	_ =	swait.ge [sflag:s19], $0x80  }
0x9e: {  	[sflag:s19] =	ssyncset.done $0x0  }
0x9f: {  	[sflag:s19] =	ssyncadd.s32 $0xFFFFFF80  }
0xa0: {  	_ =	swait.ge [sflag:s19], $0x80  }
0xa1: {  	[sflag:s19] =	ssyncset.done $0x0  }
0xa2: {  	p0 =	sgt.s32 s25, $0x9;
	[sflag:s19] =	ssyncadd.s32 $0xFFFFFF80  }
0xa3: {  	[tilespmem:s11], [sflag:$0x5] =	stream.indirect.gather [hbm4b:s5+s9], $0x80, s0, s9, $0xb8;
	[tilespmem:$0x1C400] =	vst v63  }
0xa4: {  	s22 =	simm.s32 $0x9;
	s23 =	smov.u32 s25;
	_ =	swait.ge [sflag:s12], $0x4000  }
0xa5: {  	s23 =	smov.u32 @p0 s22;
	[sflag:s12] =	ssyncset.done $0x0  }
0xa6: {  	s23 =	sadd.s32 s8, s23;
	[sflag:s12] =	ssyncadd.s32 $0xFFFFC000  }
0xa7: {  	[spmem:s2] =	stream.indirect.scatter.add.f32 [tilespmem:s11], [sflag:$0x7], $0x80, s3, s9, $0xb8;
	[tilespmem:$0x1C400] =	vst v63  }
0xa8: {  	s23 =	sshll.u32 s23, $0x4;
	_ =	swait.ge [sflag:s20], $0x4000  }
0xa9: {  	s23 =	sand.u32 $0x1FFFFFF0, s23;
	[sflag:s20] =	ssyncset.done $0x0  }
0xaa: {  	s22 =	sadd.s32 s6, s23;
	[sflag:s20] =	ssyncadd.s32 $0xFFFFC000  }
0xab: {  	[tilespmem:s30], [sflag:$0x2] =	stream.linear.gather [hbm4b:s22+s4], $0x80, $0x38;
	[tilespmem:$0x1C400] =	vst v63  }
0xac: {  	p1 =	sne.s32 s10, $0x1;
	s23 =	sadd.s32 s7, s23  }
0xad: {  	[tilespmem:s31], [sflag:$0x2] =	stream.linear.gather [hbm4b:s23+s4], $0x80, $0x38;
	[tilespmem:$0x1C400] =	vst v63  }
.Ltmp1:
0xae: {  	_ =	swait.ge [sflag:s21], $0x80;
	(pc) =	sbr.rel @!p1 .LBB2_4-.Ltmp1, $4  }
0xaf: {  	s26 =	sadd.s32 $0xFFFFFFFF, s10;
	[sflag:s21] =	ssyncset.done $0x0  }
0xb0: {  	s10 =	simm.s32 $0xD;
	p0 =	sgt.s32 s25, $0xA;
	[sflag:s21] =	ssyncadd.s32 $0xFFFFFF80  }
0xb1: {  	s22 =	simm.s32 $0xA;
	s23 =	smov.u32 s25;
	_ =	swait.ge [sflag:s21], $0x80  }
0xb2: {  	s23 =	smov.u32 @p0 s22;
	p0 =	por $0x1, $0x1;
	[sflag:s21] =	ssyncset.done $0x0  }
.LBB2_5:
0xb3: {  	p1 =	sne.s32 s26, $0x1;
	s22 =	sadd.s32 s8, s23;
	[sflag:s21] =	ssyncadd.s32 $0xFFFFFF80  }
0xb4: {  	[tilespmem:s16], [sflag:$0x6] =	stream.indirect.gather [hbm4b:s5+s9], $0x80, s13, s9, $0xb8;
	[tilespmem:$0x1C400] =	vst v63  }
0xb5: {  	s26 =	sadd.s32 $0xFFFFFFFF, s26;
	s22 =	sshll.u32 s22, $0x4;
	_ =	swait.ge [sflag:s17], $0x4000  }
0xb6: {  	s22 =	sand.u32 $0x1FFFFFF0, s22;
	[sflag:s17] =	ssyncset.done $0x0  }
0xb7: {  	[sflag:s17] =	ssyncadd.s32 $0xFFFFC000  }
0xb8: {  	[spmem:s2] =	stream.indirect.scatter.add.f32 [tilespmem:s16], [sflag:$0x8], $0x80, s14, s9, $0xb8;
	[tilespmem:$0x1C400] =	vst v63  }
0xb9: {  	_ =	swait.ge [sflag:s18], $0x4000  }
0xba: {  	s23 =	sadd.s32 s6, s22;
	[sflag:s18] =	ssyncset.done $0x0  }
0xbb: {  	[sflag:s18] =	ssyncadd.s32 $0xFFFFC000  }
0xbc: {  	[tilespmem:s0], [sflag:$0x3] =	stream.linear.gather [hbm4b:s23+s4], $0x80, $0x38;
	[tilespmem:$0x1C400] =	vst v63  }
0xbd: {  	s22 =	sadd.s32 s7, s22  }
0xbe: {  	[tilespmem:s3], [sflag:$0x3] =	stream.linear.gather [hbm4b:s22+s4], $0x80, $0x38;
	[tilespmem:$0x1C400] =	vst v63  }
0xbf: {  	_ =	swait.ge [sflag:s1], $0x80  }
0xc0: {  	[sflag:s1] =	ssyncset.done $0x0  }
0xc1: {  	[sflag:s1] =	ssyncadd.s32 $0xFFFFFF80  }
0xc2: {  	_ =	swait.ge [sflag:s1], $0x80  }
0xc3: {  	s22 =	sadd.s32 $0xFFFFFFFE, s10;
	[sflag:s1] =	ssyncset.done $0x0  }
0xc4: {  	s23 =	smov.u32 s25;
	p2 =	slt.s32 s22, s25;
	[sflag:s1] =	ssyncadd.s32 $0xFFFFFF80  }
0xc5: {  	[tilespmem:s11], [sflag:$0x5] =	stream.indirect.gather [hbm4b:s5+s9], $0x80, s28, s9, $0xb8;
	[tilespmem:$0x1C400] =	vst v63  }
0xc6: {  	s23 =	smov.u32 @p2 s22;
	_ =	swait.ge [sflag:s12], $0x4000  }
0xc7: {  	s22 =	sadd.s32 s8, s23;
	[sflag:s12] =	ssyncset.done $0x0  }
0xc8: {  	s22 =	sshll.u32 s22, $0x4;
	[sflag:s12] =	ssyncadd.s32 $0xFFFFC000  }
0xc9: {  	[spmem:s2] =	stream.indirect.scatter.add.f32 [tilespmem:s11], [sflag:$0x7], $0x80, s29, s9, $0xb8;
	[tilespmem:$0x1C400] =	vst v63  }
0xca: {  	s22 =	sand.u32 $0x1FFFFFF0, s22;
	_ =	swait.ge [sflag:s20], $0x4000  }
0xcb: {  	s23 =	sadd.s32 s6, s22;
	s22 =	sadd.s32 s7, s22;
	[sflag:s20] =	ssyncset.done $0x0  }
0xcc: {  	[sflag:s20] =	ssyncadd.s32 $0xFFFFC000  }
0xcd: {  	[tilespmem:s13], [sflag:$0x4] =	stream.linear.gather [hbm4b:s23+s4], $0x80, $0x38;
	[tilespmem:$0x1C400] =	vst v63  }
0xce: {  	_ = 	snop  }
0xcf: {  	[tilespmem:s14], [sflag:$0x4] =	stream.linear.gather [hbm4b:s22+s4], $0x80, $0x38;
	[tilespmem:$0x1C400] =	vst v63  }
0xd0: {  	_ =	swait.ge [sflag:s15], $0x80  }
0xd1: {  	[sflag:s15] =	ssyncset.done $0x0  }
0xd2: {  	[sflag:s15] =	ssyncadd.s32 $0xFFFFFF80  }
0xd3: {  	_ =	swait.ge [sflag:s15], $0x80  }
0xd4: {  	[sflag:s15] =	ssyncset.done $0x0  }
0xd5: {  	s22 =	sadd.s32 $0xFFFFFFFF, s10;
	[sflag:s15] =	ssyncadd.s32 $0xFFFFFF80  }
0xd6: {  	[tilespmem:s16], [sflag:$0x6] =	stream.indirect.gather [hbm4b:s5+s9], $0x80, s30, s9, $0xb8;
	[tilespmem:$0x1C400] =	vst v63  }
0xd7: {  	s23 =	smov.u32 s25;
	p2 =	slt.s32 s22, s25;
	_ =	swait.ge [sflag:s17], $0x4000  }
0xd8: {  	s23 =	smov.u32 @p2 s22;
	[sflag:s17] =	ssyncset.done $0x0  }
0xd9: {  	s22 =	sadd.s32 s8, s23;
	[sflag:s17] =	ssyncadd.s32 $0xFFFFC000  }
0xda: {  	[spmem:s2] =	stream.indirect.scatter.add.f32 [tilespmem:s16], [sflag:$0x8], $0x80, s31, s9, $0xb8;
	[tilespmem:$0x1C400] =	vst v63  }
0xdb: {  	s22 =	sshll.u32 s22, $0x4;
	_ =	swait.ge [sflag:s18], $0x4000  }
0xdc: {  	s22 =	sand.u32 $0x1FFFFFF0, s22;
	[sflag:s18] =	ssyncset.done $0x0  }
0xdd: {  	s23 =	sadd.s32 s6, s22;
	s22 =	sadd.s32 s7, s22;
	[sflag:s18] =	ssyncadd.s32 $0xFFFFC000  }
0xde: {  	[tilespmem:s28], [sflag:$0x1] =	stream.linear.gather [hbm4b:s23+s4], $0x80, $0x38;
	[tilespmem:$0x1C400] =	vst v63  }
0xdf: {  	_ = 	snop  }
0xe0: {  	[tilespmem:s29], [sflag:$0x1] =	stream.linear.gather [hbm4b:s22+s4], $0x80, $0x38;
	[tilespmem:$0x1C400] =	vst v63  }
0xe1: {  	_ =	swait.ge [sflag:s19], $0x80  }
0xe2: {  	[sflag:s19] =	ssyncset.done $0x0  }
0xe3: {  	[sflag:s19] =	ssyncadd.s32 $0xFFFFFF80  }
0xe4: {  	_ =	swait.ge [sflag:s19], $0x80  }
0xe5: {  	[sflag:s19] =	ssyncset.done $0x0  }
0xe6: {  	[sflag:s19] =	ssyncadd.s32 $0xFFFFFF80  }
0xe7: {  	[tilespmem:s11], [sflag:$0x5] =	stream.indirect.gather [hbm4b:s5+s9], $0x80, s0, s9, $0xb8;
	[tilespmem:$0x1C400] =	vst v63  }
0xe8: {  	p2 =	slt.s32 s10, s25;
	s22 =	smov.u32 s25;
	_ =	swait.ge [sflag:s12], $0x4000  }
0xe9: {  	s22 =	smov.u32 @p2 s10;
	[sflag:s12] =	ssyncset.done $0x0  }
0xea: {  	s22 =	sadd.s32 s8, s22;
	[sflag:s12] =	ssyncadd.s32 $0xFFFFC000  }
0xeb: {  	[spmem:s2] =	stream.indirect.scatter.add.f32 [tilespmem:s11], [sflag:$0x7], $0x80, s3, s9, $0xb8;
	[tilespmem:$0x1C400] =	vst v63  }
0xec: {  	s22 =	sshll.u32 s22, $0x4;
	_ =	swait.ge [sflag:s20], $0x4000  }
0xed: {  	s22 =	sand.u32 $0x1FFFFFF0, s22;
	[sflag:s20] =	ssyncset.done $0x0  }
0xee: {  	s23 =	sadd.s32 s6, s22;
	s22 =	sadd.s32 s7, s22;
	[sflag:s20] =	ssyncadd.s32 $0xFFFFC000  }
0xef: {  	[tilespmem:s30], [sflag:$0x2] =	stream.linear.gather [hbm4b:s23+s4], $0x80, $0x38;
	[tilespmem:$0x1C400] =	vst v63  }
0xf0: {  	_ = 	snop  }
0xf1: {  	[tilespmem:s31], [sflag:$0x2] =	stream.linear.gather [hbm4b:s22+s4], $0x80, $0x38;
	[tilespmem:$0x1C400] =	vst v63  }
.Ltmp2:
0xf2: {  	_ =	swait.ge [sflag:s21], $0x80;
	(pc) =	sbr.rel @p1 .LBB2_5-.Ltmp2, $4  }
0xf3: {  	s10 =	sadd.s32 $0x4, s10;
	[sflag:s21] =	ssyncset.done $0x0  }
0xf4: {  	s22 =	sadd.s32 $0xFFFFFFFD, s10;
	[sflag:s21] =	ssyncadd.s32 $0xFFFFFF80  }
0xf5: {  	s23 =	smov.u32 s25;
	p2 =	slt.s32 s22, s25;
	_ =	swait.ge [sflag:s21], $0x80  }
0xf6: {  	s23 =	smov.u32 @p2 s22;
	[sflag:s21] =	ssyncset.done $0x0  }
0xf7: {  	s26 =	rddreg [dreg:$0x5]  }
.LBB2_7:
0xf8: {  	[sflag:s21] =	ssyncadd.s32 @p0 $0xFFFFFF80  }
0xf9: {  	[tilespmem:s16], [sflag:$0x6] =	stream.indirect.gather @p0 [hbm4b:s5+s9], $0x80, s13, s9, $0xb8;
	[tilespmem:$0x1C400] =	vst v63  }
0xfa: {  	_ =	swait.ge @p0 [sflag:s17], $0x4000  }
0xfb: {  	[sflag:s17] =	ssyncset.done @p0 $0x0  }
0xfc: {  	s22 =	sadd.s32 s8, s23;
	[sflag:s17] =	ssyncadd.s32 @p0 $0xFFFFC000  }
0xfd: {  	[spmem:s2] =	stream.indirect.scatter.add.f32 @p0 [tilespmem:s16], [sflag:$0x8], $0x80, s14, s9, $0xb8;
	[tilespmem:$0x1C400] =	vst v63  }
0xfe: {  	s22 =	sshll.u32 s22, $0x4;
	_ =	swait.ge [sflag:s18], $0x4000  }
0xff: {  	s22 =	sand.u32 $0x1FFFFFF0, s22;
	[sflag:s18] =	ssyncset.done $0x0  }
0x100: {  	s23 =	sadd.s32 s6, s22;
	[sflag:s18] =	ssyncadd.s32 $0xFFFFC000  }
0x101: {  	[tilespmem:s0], [sflag:$0x3] =	stream.linear.gather [hbm4b:s23+s4], $0x80, $0x38;
	[tilespmem:$0x1C400] =	vst v63  }
0x102: {  	s22 =	sadd.s32 s7, s22  }
0x103: {  	[tilespmem:s3], [sflag:$0x3] =	stream.linear.gather [hbm4b:s22+s4], $0x80, $0x38;
	[tilespmem:$0x1C400] =	vst v63  }
0x104: {  	_ =	swait.ge [sflag:s1], $0x80  }
0x105: {  	[sflag:s1] =	ssyncset.done $0x0  }
0x106: {  	[sflag:s1] =	ssyncadd.s32 $0xFFFFFF80  }
0x107: {  	_ =	swait.ge [sflag:s1], $0x80  }
0x108: {  	[sflag:s1] =	ssyncset.done $0x0  }
0x109: {  	s22 =	sadd.s32 $0xFFFFFFFE, s10;
	[sflag:s1] =	ssyncadd.s32 $0xFFFFFF80  }
0x10a: {  	[tilespmem:s11], [sflag:$0x5] =	stream.indirect.gather [hbm4b:s5+s9], $0x80, s28, s9, $0xb8;
	[tilespmem:$0x1C400] =	vst v63  }
0x10b: {  	s23 =	smov.u32 s25;
	p0 =	slt.s32 s22, s25;
	_ =	swait.ge [sflag:s12], $0x4000  }
0x10c: {  	s23 =	smov.u32 @p0 s22;
	[sflag:s12] =	ssyncset.done $0x0  }
0x10d: {  	s22 =	sadd.s32 s8, s23;
	[sflag:s12] =	ssyncadd.s32 $0xFFFFC000  }
0x10e: {  	[spmem:s2] =	stream.indirect.scatter.add.f32 [tilespmem:s11], [sflag:$0x7], $0x80, s29, s9, $0xb8;
	[tilespmem:$0x1C400] =	vst v63  }
0x10f: {  	s22 =	sshll.u32 s22, $0x4;
	_ =	swait.ge [sflag:s20], $0x4000  }
0x110: {  	s22 =	sand.u32 $0x1FFFFFF0, s22;
	[sflag:s20] =	ssyncset.done $0x0  }
0x111: {  	s23 =	sadd.s32 s6, s22;
	[sflag:s20] =	ssyncadd.s32 $0xFFFFC000  }
0x112: {  	[tilespmem:s13], [sflag:$0x4] =	stream.linear.gather [hbm4b:s23+s4], $0x80, $0x38;
	[tilespmem:$0x1C400] =	vst v63  }
0x113: {  	s22 =	sadd.s32 s7, s22  }
0x114: {  	[tilespmem:s14], [sflag:$0x4] =	stream.linear.gather [hbm4b:s22+s4], $0x80, $0x38;
	[tilespmem:$0x1C400] =	vst v63  }
0x115: {  	_ =	swait.ge [sflag:s15], $0x80  }
0x116: {  	[sflag:s15] =	ssyncset.done $0x0  }
0x117: {  	[sflag:s15] =	ssyncadd.s32 $0xFFFFFF80  }
0x118: {  	_ =	swait.ge [sflag:s15], $0x80  }
0x119: {  	[sflag:s15] =	ssyncset.done $0x0  }
0x11a: {  	s22 =	sadd.s32 $0xFFFFFFFF, s10;
	[sflag:s15] =	ssyncadd.s32 $0xFFFFFF80  }
0x11b: {  	[tilespmem:s16], [sflag:$0x6] =	stream.indirect.gather [hbm4b:s5+s9], $0x80, s30, s9, $0xb8;
	[tilespmem:$0x1C400] =	vst v63  }
0x11c: {  	s23 =	smov.u32 s25;
	p0 =	slt.s32 s22, s25;
	_ =	swait.ge [sflag:s17], $0x4000  }
0x11d: {  	s23 =	smov.u32 @p0 s22;
	[sflag:s17] =	ssyncset.done $0x0  }
0x11e: {  	s22 =	sadd.s32 s8, s23;
	[sflag:s17] =	ssyncadd.s32 $0xFFFFC000  }
0x11f: {  	[spmem:s2] =	stream.indirect.scatter.add.f32 [tilespmem:s16], [sflag:$0x8], $0x80, s31, s9, $0xb8;
	[tilespmem:$0x1C400] =	vst v63  }
0x120: {  	s22 =	sshll.u32 s22, $0x4;
	_ =	swait.ge [sflag:s18], $0x4000  }
0x121: {  	s22 =	sand.u32 $0x1FFFFFF0, s22;
	[sflag:s18] =	ssyncset.done $0x0  }
0x122: {  	s23 =	sadd.s32 s6, s22;
	[sflag:s18] =	ssyncadd.s32 $0xFFFFC000  }
0x123: {  	[tilespmem:s28], [sflag:$0x1] =	stream.linear.gather [hbm4b:s23+s4], $0x80, $0x38;
	[tilespmem:$0x1C400] =	vst v63  }
0x124: {  	s22 =	sadd.s32 s7, s22  }
0x125: {  	[tilespmem:s29], [sflag:$0x1] =	stream.linear.gather [hbm4b:s22+s4], $0x80, $0x38;
	[tilespmem:$0x1C400] =	vst v63  }
0x126: {  	_ =	swait.ge [sflag:s19], $0x80  }
0x127: {  	[sflag:s19] =	ssyncset.done $0x0  }
0x128: {  	[sflag:s19] =	ssyncadd.s32 $0xFFFFFF80  }
0x129: {  	_ =	swait.ge [sflag:s19], $0x80  }
0x12a: {  	[sflag:s19] =	ssyncset.done $0x0  }
0x12b: {  	[sflag:s19] =	ssyncadd.s32 $0xFFFFFF80  }
0x12c: {  	[tilespmem:s11], [sflag:$0x5] =	stream.indirect.gather [hbm4b:s5+s9], $0x80, s0, s9, $0xb8;
	[tilespmem:$0x1C400] =	vst v63  }
0x12d: {  	p0 =	slt.s32 s10, s25;
	s22 =	smov.u32 s25;
	_ =	swait.ge [sflag:s12], $0x4000  }
0x12e: {  	s22 =	smov.u32 @p0 s10;
	[sflag:s12] =	ssyncset.done $0x0  }
0x12f: {  	s10 =	sadd.s32 s8, s22;
	[sflag:s12] =	ssyncadd.s32 $0xFFFFC000  }
0x130: {  	[spmem:s2] =	stream.indirect.scatter.add.f32 [tilespmem:s11], [sflag:$0x7], $0x80, s3, s9, $0xb8;
	[tilespmem:$0x1C400] =	vst v63  }
0x131: {  	s10 =	sshll.u32 s10, $0x4;
	_ =	swait.ge [sflag:s20], $0x4000  }
0x132: {  	s10 =	sand.u32 $0x1FFFFFF0, s10;
	[sflag:s20] =	ssyncset.done $0x0  }
0x133: {  	s23 =	sadd.s32 s6, s10;
	[sflag:s20] =	ssyncadd.s32 $0xFFFFC000  }
0x134: {  	[tilespmem:s30], [sflag:$0x2] =	stream.linear.gather [hbm4b:s23+s4], $0x80, $0x38;
	[tilespmem:$0x1C400] =	vst v63  }
0x135: {  	s10 =	sadd.s32 s7, s10  }
0x136: {  	[tilespmem:s31], [sflag:$0x2] =	stream.linear.gather [hbm4b:s10+s4], $0x80, $0x38;
	[tilespmem:$0x1C400] =	vst v63  }
0x137: {  	_ =	swait.ge [sflag:s21], $0x80  }
0x138: {  	[sflag:s21] =	ssyncset.done $0x0  }
0x139: {  	[sflag:s21] =	ssyncadd.s32 $0xFFFFFF80  }
0x13a: {  	_ =	swait.ge [sflag:s21], $0x80  }
0x13b: {  	[sflag:s21] =	ssyncset.done $0x0  }
0x13c: {  	[sflag:s21] =	ssyncadd.s32 $0xFFFFFF80  }
0x13d: {  	[tilespmem:s16], [sflag:$0x6] =	stream.indirect.gather [hbm4b:s5+s9], $0x80, s13, s9, $0xb8;
	[tilespmem:$0x1C400] =	vst v63  }
0x13e: {  	_ =	swait.ge [sflag:s17], $0x4000  }
0x13f: {  	[sflag:s17] =	ssyncset.done $0x0  }
0x140: {  	[sflag:s17] =	ssyncadd.s32 $0xFFFFC000  }
0x141: {  	[spmem:s2] =	stream.indirect.scatter.add.f32 [tilespmem:s16], [sflag:$0x8], $0x80, s14, s9, $0xb8;
	[tilespmem:$0x1C400] =	vst v63  }
0x142: {  	_ =	swait.ge [sflag:s18], $0x4000  }
0x143: {  	[sflag:s18] =	ssyncset.done $0x0  }
0x144: {  	[sflag:s18] =	ssyncadd.s32 $0xFFFFC000  }
0x145: {  	_ =	swait.ge [sflag:s20], $0x4000  }
0x146: {  	[sflag:s20] =	ssyncset.done $0x0  }
0x147: {  	[sflag:s20] =	ssyncadd.s32 $0xFFFFC000  }
0x148: {  	_ =	swait.ge [sflag:s1], $0x80  }
0x149: {  	[sflag:s1] =	ssyncset.done $0x0  }
0x14a: {  	[sflag:s1] =	ssyncadd.s32 $0xFFFFFF80  }
0x14b: {  	_ =	swait.ge [sflag:s1], $0x80  }
0x14c: {  	[sflag:s1] =	ssyncset.done $0x0  }
0x14d: {  	[sflag:s1] =	ssyncadd.s32 $0xFFFFFF80  }
0x14e: {  	_ =	swait.ge [sflag:s15], $0x80  }
0x14f: {  	[sflag:s15] =	ssyncset.done $0x0  }
0x150: {  	[sflag:s15] =	ssyncadd.s32 $0xFFFFFF80  }
0x151: {  	_ =	swait.ge [sflag:s15], $0x80  }
0x152: {  	[sflag:s15] =	ssyncset.done $0x0  }
0x153: {  	[sflag:s15] =	ssyncadd.s32 $0xFFFFFF80  }
0x154: {  	[bflag:$0x0] =	sbarrier.arrive $0xFFFF  }
0x155: {  	s22 =	rddreg [dreg:$0x12]  }
0x156: {  	s23 =	rddreg [dreg:$0x15]  }
0x157: {  	[hbm:s22], [sflag:s26] =	dma.local [spmem:s23], $0x2800  }
0x158: {  	s22 =	simm.s32 $0x9  }
0x159: {  	_ =	swait.ge [sflag:s22], $0x2800  }
0x15a: {  	s24 =	sadd.s32 $0x1, s24;
	s23 =	rddreg [dreg:$0x13]  }
0x15b: {  	p0 =	sne.s32 s24, s23  }
.Ltmp3:
0x15c: {  	_ = 	snop;
	(pc) =	sbr.rel @p0 .LBB2_1-.Ltmp3, $4  }
.Ltmp4:
0x15d: {  	_ = 	snop;
	(pc) =	sbr.rel @!p0 .LBB2_8-.Ltmp4, $4  }
0x15e: {  	_ = 	snop  }
0x15f: {  	[sflag:s22] =	ssyncset.done $0x0  }
0x160: {  	[sflag:s22] =	ssyncadd.s32 $0xFFFFD800  }
0x161: {  	_ = 	snop  }
.LBB2_2:
.Ltmp5:
0x162: {  	(pc) =	sbr.rel .LBB2_7-.Ltmp5, $2  }
0x163: {  	_ =	sdelay $0x2  }
0x164: {  	s10 =	simm.s32 $0x9  }
.LBB2_4:
.Ltmp6:
0x165: {  	(pc) =	sbr.rel .LBB2_7-.Ltmp6, $2  }
0x166: {  	_ =	sdelay $0x2  }
0x167: {  	s26 =	rddreg [dreg:$0x5]  }
.LBB2_8:
0x168: {  	_ =	sfence.sel $0x180000  }
0x169: {  	[bflag:$0x0] =	sbarrier.arrive $0xFFFF  }
0x16a: {  	_ =	strace $0x9000004D  }
0x16b: {  	s0 =	stileid.u32;
	[bflag:$0x2] =	sbarrier.arrive $0xFFFF  }
0x16c: {  	p0 =	sne.s32 s0, $0x0;
	s0 =	rddreg [dreg:$0x3]  }
0x16d: {  	s0 =	sadd.s32 @!p0 $0x100000, s0  }
0x16e: {  	[sflag:s0] =	ssyncadd.tile.s32 @!p0 $0x1;
	_ =	shalt  }
.Lfunc_end2:
_tile_overlayer_lowered:
.L_overlay_start_2:
0x16f: {  	(tag) =	ssettag $0x2  }
0x170: {  	s0 =	rddreg [dreg:$0x0];
	s2 =	stileid.u32  }
0x171: {  	s1 =	rddreg [dreg:$0x1];
	p0 =	sne.s32 s2, $0x0  }
0x172: {  	s3 =	rddreg [dreg:$0x2];
	[bflag:$0x3] =	sbarrier.arrive $0xFFFF;
	s2 =	simm.s32 @!p0 $0x1C09  }
0x173: {  	[timem:s3], [sflag:s2] =	dma.local @!p0 [hbm:s0], s1  }
0x174: {  	s0 =	simm.s32 @!p0 $0x9  }
0x175: {  	_ =	swait.ge @!p0 [sflag:s0], s1  }
0x176: {  	s1 =	ssub.s32 @!p0 $0x0, s1;
	[sflag:s0] =	ssyncset.done @!p0 $0x0  }
0x177: {  	[sflag:s0] =	ssyncadd.s32 @!p0 s1  }
0x178: {  	[bflag:$0x3] =	sbarrier.arrive $0xFFFF  }
0x179: {  	_ =	shalt  }

// kernel: kernel.8.cloned.1.call-start
scs
__scs_entry_jumppad:
0x0: {  	(pc) =	sbr.rel $0x88, $3  }
0x1: {  	(tag) =	ssettag $0x0;
	lr =	simm.s32 $0x1  }
0x2: {  	[smem:$0x3F99] =	sst lr;
	_ =	strace $0xD0000000  }
0x3: {  	_ = 	snop  }
0x4: {  	_ = 	snop  }
0x5: {  	_ = 	snop  }
0x6: {  	_ = 	snop  }
0x7: {  	_ = 	snop  }
__scs_overlays_trampoline_lowered:
0x8: {  	[smem:$0x3FA8] =	sst s0  }
0x9: {  	[smem:$0x3FA9] =	sst s1  }
0xa: {  	[smem:$0x3FAA] =	sst s2  }
0xb: {  	[smem:$0x3FAB] =	sst s3  }
0xc: {  	[smem:$0x3FAC] =	sst s4  }
0xd: {  	[smem:$0x3FAD] =	sst s5  }
0xe: {  	[smem:$0x3FAE] =	sst s6  }
0xf: {  	[smem:$0x3FAF] =	sst s7  }
0x10: {  	[smem:$0x3FB0] =	sst s8  }
0x11: {  	[smem:$0x3FB1] =	sst s9;
	s0 =	simm.s32 @!p0 $0x0  }
0x12: {  	s1 =	sld [smem:$0x3F97];
	s0 =	simm.s32 @p0 $0x1  }
0x13: {  	[smem:$0x3FB2] =	sst s0;
	s0 =	simm.s32 @!p1 $0x0  }
0x14: {  	s2 =	sld [smem:$0x3F96];
	s0 =	simm.s32 @p1 $0x1  }
0x15: {  	[smem:$0x3FB3] =	sst s0;
	s0 =	simm.s32 @!p2 $0x0  }
0x16: {  	s3 =	sld [smem:$0x3FDB];
	s0 =	simm.s32 @p2 $0x1  }
0x17: {  	s4 =	simm.s32 $0x1BF5;
	[smem:$0x3FB5] =	sst s0  }
0x18: {  	s0 =	sld [smem:$0x3F98];
	_ =	swait.ge [sflag:s4], $0x0  }
0x19: {  	s7 =	sld [smem:$0x3F99]  }
0x1a: {  	s8 =	sadd.s32 $0xFFFFE003, lr  }
0x1b: {  	s9 =	sadd.s32 $0xFFFFFEF7, lr;
	s5 =	simm.s32 $0xFFFFFFFF;
	p2 =	slt.u32 s8, $0xFFFFF086  }
0x1c: {  	p1 =	slt.u32 s9, $0xF7A;
	s5 =	simm.s32 @!p2 $0x0  }
0x1d: {  	s5 =	simm.s32 @p1 $0x1;
	p0 =	seq.s32 s7, s2  }
0x1e: {  	s7 =	smul.u32 @!p0 $0xF7A, s2;
	p2 =	seq.s32 @!p0 s5, $0x0  }
0x1f: {  	s9 =	smul.u32 $0xF7A, s1;
	s8 =	simm.s32 @!p0 $0x1BF5;
	p2 =	por !p2, p0  }
0x20: {  	[sflag:s8] =	ssyncset.s32 @!p0 $0xFFFFF086;
	s6 =	sadd.s32 @!p0 s3, s7;
	s7 =	simm.s32 @!p0 $0x108  }
0x21: {  	s3 =	sadd.s32 s3, s9;
	s6 =	sadd.s32 @!p0 $0x88, s6;
	s7 =	simm.s32 @p2 $0x1082  }
0x22: {  	[simem:s7], [sflag:s8] =	dma.local @!p0 [hbm:s6], $0xF7A  }
0x23: {  	s9 =	sor.u32 $0xD0000000, s2;
	s6 =	simm.s32 $0x108;
	_ =	swait.ge @!p0 [sflag:s8], $0x0  }
0x24: {  	s3 =	sadd.s32 $0x88, s3;
	s6 =	simm.s32 @!p1 $0x1082;
	[sflag:s4] =	ssyncset.s32 $0xFFFFF086  }
0x25: {  	[simem:s6], [sflag:s4] =	dma.local [hbm:s3], $0xF7A  }
0x26: {  	[smem:$0x3F99] =	sst s1;
	(tag) =	ssettag s2;
	_ =	strace s9  }
0x27: {  	s1 =	sld [smem:$0x3FA9]  }
0x28: {  	s2 =	sld [smem:$0x3FAA]  }
0x29: {  	s4 =	sld [smem:$0x3FAC]  }
0x2a: {  	p0 =	seq.s32 s5, $0x0;
	s5 =	sld [smem:$0x3FAD]  }
0x2b: {  	s6 =	sld [smem:$0x3FAE]  }
0x2c: {  	s7 =	sld [smem:$0x3FAF]  }
0x2d: {  	s3 =	simm.s32 $0x108;
	s8 =	sld [smem:$0x3FB0]  }
0x2e: {  	s3 =	simm.s32 @!p0 $0x1082;
	s9 =	sld [smem:$0x3FB1]  }
0x2f: {  	lr =	sadd.s32 s0, s3;
	s0 =	sld [smem:$0x3FA8]  }
0x30: {  	s3 =	sld [smem:$0x3FAB]  }
0x31: {  	[smem:$0x3FB4] =	sst s10  }
0x32: {  	s10 =	sld [smem:$0x3FB2];
	_ =	sdelay $0x3  }
0x33: {  	p0 =	seq.s32 s10, $0x1;
	s10 =	sld [smem:$0x3FB4];
	_ =	sdelay $0x3  }
0x34: {  	[smem:$0x3FB4] =	sst s10  }
0x35: {  	s10 =	sld [smem:$0x3FB3];
	_ =	sdelay $0x3  }
0x36: {  	p1 =	seq.s32 s10, $0x1;
	s10 =	sld [smem:$0x3FB4];
	_ =	sdelay $0x3  }
0x37: {  	[smem:$0x3FB4] =	sst s10  }
0x38: {  	s10 =	sld [smem:$0x3FB5]  }
0x39: {  	_ = 	snop;
	(pc) =	sbr.ind lr, $3  }
0x3a: {  	_ = 	snop  }
0x3b: {  	_ = 	snop  }
0x3c: {  	p2 =	seq.s32 s10, $0x1;
	s10 =	sld [smem:$0x3FB4]  }
0x3d: {  	_ =	shalt  }
0x3e: {  	_ =	shalt  }
0x3f: {  	_ =	shalt  }
0x40: {  	_ =	shalt  }
0x41: {  	_ =	shalt  }
0x42: {  	_ =	shalt  }
0x43: {  	_ =	shalt  }
0x44: {  	_ =	shalt  }
0x45: {  	_ =	shalt  }
0x46: {  	_ =	shalt  }
0x47: {  	_ =	shalt  }
0x48: {  	_ =	shalt  }
0x49: {  	_ =	shalt  }
0x4a: {  	_ =	shalt  }
0x4b: {  	_ =	shalt  }
0x4c: {  	_ =	shalt  }
0x4d: {  	_ =	shalt  }
0x4e: {  	_ =	shalt  }
0x4f: {  	_ =	shalt  }
0x50: {  	_ =	shalt  }
0x51: {  	_ =	shalt  }
0x52: {  	_ =	shalt  }
0x53: {  	_ =	shalt  }
0x54: {  	_ =	shalt  }
0x55: {  	_ =	shalt  }
0x56: {  	_ =	shalt  }
0x57: {  	_ =	shalt  }
0x58: {  	_ =	shalt  }
0x59: {  	_ =	shalt  }
0x5a: {  	_ =	shalt  }
0x5b: {  	_ =	shalt  }
0x5c: {  	_ =	shalt  }
0x5d: {  	_ =	shalt  }
0x5e: {  	_ =	shalt  }
0x5f: {  	_ =	shalt  }
0x60: {  	_ =	shalt  }
0x61: {  	_ =	shalt  }
0x62: {  	_ =	shalt  }
0x63: {  	_ =	shalt  }
0x64: {  	_ =	shalt  }
0x65: {  	_ =	shalt  }
0x66: {  	_ =	shalt  }
0x67: {  	_ =	shalt  }
0x68: {  	_ =	shalt  }
0x69: {  	_ =	shalt  }
0x6a: {  	_ =	shalt  }
0x6b: {  	_ =	shalt  }
0x6c: {  	_ =	shalt  }
0x6d: {  	_ =	shalt  }
0x6e: {  	_ =	shalt  }
0x6f: {  	_ =	shalt  }
0x70: {  	_ =	shalt  }
0x71: {  	_ =	shalt  }
0x72: {  	_ =	shalt  }
0x73: {  	_ =	shalt  }
0x74: {  	_ =	shalt  }
0x75: {  	_ =	shalt  }
0x76: {  	_ =	shalt  }
0x77: {  	_ =	shalt  }
0x78: {  	_ =	shalt  }
0x79: {  	_ =	shalt  }
0x7a: {  	_ =	shalt  }
0x7b: {  	_ =	shalt  }
0x7c: {  	_ =	shalt  }
0x7d: {  	_ =	shalt  }
0x7e: {  	_ =	shalt  }
0x7f: {  	_ =	shalt  }
0x80: {  	_ =	shalt  }
0x81: {  	_ =	shalt  }
0x82: {  	_ =	shalt  }
0x83: {  	_ =	shalt  }
0x84: {  	_ =	shalt  }
0x85: {  	_ =	shalt  }
0x86: {  	_ =	shalt  }
0x87: {  	_ =	shalt  }
.Lfunc_end0:
.L_simem_size_0:
called_computation_lowered:
.L_overlay_start_0:
0x88: {  	s2 =	sld [smem:$0x3FD9]  }
0x89: {  	s3 =	sld [smem:$0x3FFE];
	_ =	sdelay $0x1  }
0x8a: {  	s1 =	srdreg.scid  }
0x8b: {  	s0 =	sand.u32 $0x1, s1  }
0x8c: {  	s17 =	sshll.u32 s0, $0xA;
	s2 =	sadd.s32 s3, s2  }
0x8d: {  	s2 =	sadd.s32 s2, s17  }
0x8e: {  	[smem:$0x3FC0] =	sst s2  }
0x8f: {  	_ = 	snop  }
0x90: {  	s2 =	sld [smem:$0x3FD0];
	(tm) =	ssettm $0x1  }
0x91: {  	s18 =	sld [smem:$0x3FFB];
	_ =	sdelay $0x3  }
0x92: {  	_ =	strace s18  }
0x93: {  	s3 =	sld [smem:$0x3FFC];
	_ =	sdelay $0x3  }
0x94: {  	_ =	strace s3  }
0x95: {  	s3 =	sld [smem:$0x3FFD];
	_ =	sdelay $0x3  }
0x96: {  	_ =	strace s3  }
0x97: {  	_ =	strace $0x8FFFFFFF  }
0x98: {  	s19 =	sld [smem:$0x3FDB];
	_ =	sdelay $0x1  }
0x99: {  	s4 =	simm.s32 $_scs_section_size  }
0x9a: {  	s5 =	simm.s32 $_size__tile_overlayer_lowered;
	s6 =	simm.s32 $_tile_overlayer_lowered  }
0x9b: {  	s22 =	simm.s32 $0x1BFF;
	s21 =	sshll.u32 s6, $0x1;
	s3 =	sadd.s32 s4, s19  }
0x9c: {  	s7 =	simm.s32 $0x0;
	s20 =	sshll.u32 s5, $0x1;
	s5 =	sadd.s32 s21, s3  }
0x9d: {  	[timem:s7], [sflag:s22] =	dma.local [hbm:s5], s20  }
0x9e: {  	_ =	swait.ge [sflag:s22], s20  }
0x9f: {  	s4 =	ssub.s32 $0x0, s20;
	[sflag:s22] =	ssyncset.done $0x0  }
0xa0: {  	[sflag:s22] =	ssyncadd.s32 s4;
	_ =	sdelay $0x1  }
0xa1: {  	s23 =	simm.s32 $0x1B8B  }
0xa2: {  	_ =	swait.ge [sflag:s23], $0x1  }
0xa3: {  	[sflag:s23] =	ssyncset.done $0x0  }
0xa4: {  	s25 =	simm.s32 $0x1B8E;
	s24 =	sld [smem:$0x3FFE];
	[sflag:s23] =	ssyncadd.s32 $0xFFFFFFFF  }
0xa5: {  	s26 =	simm.s32 $execute0_lowered;
	[smem:$0x3FD2] =	sst s25  }
0xa6: {  	s5 =	sshll.u32 s26, $0x1;
	_ =	strace $0x80000046;
	[dreg:$0x1] =	wrdreg $0xFFFFFFFF  }
0xa7: {  	s28 =	simm.s32 $_size_execute0_lowered;
	s3 =	sadd.s32 s3, s5;
	[dreg:$0x0] =	wrdreg $0x0  }
0xa8: {  	s5 =	sshll.u32 s28, $0x1;
	[dreg:$0x2] =	wrdreg s3  }
0xa9: {  	[dreg:$0x3] =	wrdreg s5  }
0xaa: {  	[dreg:$0x4] =	wrdreg $0xC0  }
0xab: {  	_ =	task [dreg:s7], $0x5FFFF  }
0xac: {  	[dreg:$0x1] =	wrdreg $0xFFFFFFFF  }
0xad: {  	[dreg:$0x0] =	wrdreg $0x60  }
0xae: {  	[dreg:$0x2] =	wrdreg s24  }
0xaf: {  	[dreg:$0x3] =	wrdreg s2  }
0xb0: {  	[dreg:$0x4] =	wrdreg $0x0  }
0xb1: {  	[dreg:$0x5] =	wrdreg $0x9  }
0xb2: {  	_ =	task.clear_ibuf [dreg:s7], $0x6FFFF;
	_ =	strace $0x90000046  }
0xb3: {  	s29 =	simm.s32 $0x9;
	_ =	strace $0x80000048  }
0xb4: {  	_ =	swait.ge [sflag:s29], $0x1  }
0xb5: {  	[sflag:s29] =	ssyncadd.s32 $0xFFFFFFFF  }
0xb6: {  	_ =	strace $0x90000048  }
0xb7: {  	_ =	sfence  }
0xb8: {  	s30 =	sld [smem:$0x0];
	_ =	sdelay $0x2  }
0xb9: {  	s31 =	sshll.u32 s1, $0xD;
	s1 =	sshrl.u32 s1, $0x2  }
0xba: {  	s3 =	sand.u32 $0x4000, s31;
	s1 =	sadd.s32 s1, s30  }
0xbb: {  	s0 =	sor.u32 s3, s0;
	s1 =	sshll.u32 s1, $0x11  }
0xbc: {  	s0 =	sor.u32 s1, s0  }
0xbd: {  	s0 =	sadd.s32 $0x8F2B, s0  }
0xbe: {  	[sflag:s0] =	ssyncadd.remote.s32 $0x1  }
0xbf: {  	_ =	sfence.sel $0xFFFF  }
0xc0: {  	[dreg:$0x0] =	wrdreg $0xFFFFFFFF;
	(pc) =	sbr.abs _section_cstart, $3  }
0xc1: {  	[dreg:$0x1] =	wrdreg $0xFFFFFFFF  }
0xc2: {  	_ =	task.clear_ibuf [dreg:s7], $0x2FFFF;
	_ =	strace $0x9FFFFFFF  }
0xc3: {  	(tm) =	ssettm $0x7FFFFFFF  }
tec
execute0_lowered:
.L_overlay_start_1:
0x0: {  	(tag) =	ssettag $0x1  }
0x1: {  	s0 =	rddreg [dreg:$0x0]  }
0x2: {  	s1 =	rddreg [dreg:$0x1]  }
0x3: {  	s3 =	rddreg [dreg:$0x2];
	s10 =	stileid.u32  }
0x4: {  	s2 =	srdreg.scid;
	s30 =	simm.s32 $0x2800;
	s7 =	smul.u32 $0xA000, s10  }
0x5: {  	s31 =	simm.s32 $0x3;
	s5 =	sand.u32 $0x1, s2;
	s9 =	smul.u32 $0x280, s10  }
0x6: {  	s2 =	simm.s32 $0x0;
	s6 =	sadd.s32 $0x2000, s0;
	s24 =	smul.u32 $0x2800, s10  }
0x7: {  	s0 =	sadd.s32 $0xC000, s0;
	s4 =	sshll.u32 s5, $0x4;
	s23 =	smul.u32 $0x2800, s5  }
0x8: {  	[smem:$0x7FF] =	sst s2;
	s18 =	ssub.s32 $0x2, s5;
	s5 =	smul.u32 $0x28000, s5  }
0x9: {  	s4 =	sor.u32 s10, s4;
	_ =	strace $0x80000047;
	[dreg:$0x4] =	wrdreg s0  }
0xa: {  	s8 =	sshrl.u32 s18, $0x1;
	s7 =	sshrl.u32 s7, $0x2;
	s4 =	smul.u32 $0x2800, s4  }
0xb: {  	s0 =	ssub.s32 s18, s8;
	s7 =	sadd.s32 s7, s3;
	s5 =	sadd.s32 s24, s5  }
0xc: {  	[dreg:$0x6] =	wrdreg s7;
	s7 =	sadd.s32 s9, s3;
	s25 =	sor.u32 $0x100, s5  }
0xd: {  	s26 =	sor.u32 $0x180, s5;
	s5 =	simm.s32 $0x2;
	s4 =	sshrl.u32 s4, $0x3  }
0xe: {  	s3 =	sadd.s32 $0x2800, s7;
	s20 =	sadd.s32 $0x5000, s7;
	s21 =	sadd.s32 $0x7800, s7  }
0xf: {  	s22 =	sadd.s32 $0xA000, s7;
	s12 =	sadd.s32 $0xC800, s7;
	s13 =	sadd.s32 $0xF000, s7  }
0x10: {  	s14 =	sadd.s32 $0x11800, s7;
	s15 =	sadd.s32 $0x14000, s7;
	[dreg:$0x7] =	wrdreg s3  }
0x11: {  	s16 =	sadd.s32 $0x16800, s7;
	s17 =	sadd.s32 $0x19000, s7;
	[dreg:$0x8] =	wrdreg s20  }
0x12: {  	s18 =	sadd.s32 $0x1B800, s7;
	s24 =	sadd.s32 $0x23000, s7;
	[dreg:$0x9] =	wrdreg s21  }
0x13: {  	s4 =	sadd.s32 s6, s4;
	[dreg:$0xa] =	wrdreg s22;
	s3 =	sadd.s32 s9, s23  }
0x14: {  	s21 =	sadd.s32 $0x20800, s7;
	s19 =	sadd.s32 $0x10, s4;
	s3 =	sshrl.u32 s3, $0x3  }
0x15: {  	s28 =	sadd.s32 $0x4F0, s4;
	s29 =	sadd.s32 $0x4E0, s4;
	[dreg:$0x5] =	wrdreg s19  }
0x16: {  	s19 =	sadd.s32 $0x1E000, s7;
	s20 =	sadd.s32 s1, s3;
	s1 =	sshrl.u32 s25, $0x3  }
0x17: {  	s3 =	sshrl.u32 s26, $0x3;
	s25 =	smax.u32 s0, $0x1;
	s26 =	sadd.s32 $0x25800, s7  }
0x18: {  	s0 =	simm.s32 $0x7A80;
	s22 =	sadd.s32 s1, s6;
	s23 =	sadd.s32 s3, s6  }
0x19: {  	v0 =	vimm.f32 $1.000000000e+00;
	s1 =	simm.s32 $0x7B00;
	s3 =	simm.s32 $0x1;
	s6 =	simm.s32 $0x0  }
.LBB2_1:
0x1a: {  	s8 =	rddreg [dreg:$0x4]  }
0x1b: {  	[tilespmem:s30], [sflag:$0x3] =	stream.linear.gather [hbm4b:s8+s2], $0x2800, $0x38;
	[tilespmem:$0x7B80] =	vst v63  }
0x1c: {  	_ =	swait.ge [sflag:s31], $0x2800  }
0x1d: {  	[sflag:s31] =	ssyncset.done $0x0  }
0x1e: {  	[sflag:s31] =	ssyncadd.s32 $0xFFFFD800  }
0x1f: {  	[tilespmem:s0], [sflag:$0x1] =	stream.linear.gather [hbm4b:s4+s2], $0x80, $0x38;
	[tilespmem:$0x7B80] =	vst v63  }
0x20: {  	s8 =	simm.s32 $0x0;
	s11 =	rddreg [dreg:$0x5]  }
0x21: {  	[tilespmem:s1], [sflag:$0x2] =	stream.linear.gather [hbm4b:s11+s2], $0x80, $0x38;
	[tilespmem:$0x7B80] =	vst v63  }
.LBB2_2:
0x22: {  	_ =	swait.ge [sflag:s3], $0x80  }
0x23: {  	[sflag:s3] =	ssyncset.done $0x0  }
0x24: {  	[sflag:s3] =	ssyncadd.s32 $0xFFFFFF80  }
0x25: {  	v1 =	vld [tilespmem:$0x7A80];
	_ =	sdelay $0x7  }
0x26: {  	[tilespmem:v1+s30+$0x0] =	vst.idx.add.f32.msk $0xffff, v0  }
0x27: {  	v1 =	vld [tilespmem:$0x7A90];
	_ =	sdelay $0x7  }
0x28: {  	[tilespmem:v1+s30+$0x0] =	vst.idx.add.f32.msk $0xffff, v0  }
0x29: {  	v1 =	vld [tilespmem:$0x7AA0];
	_ =	sdelay $0x7  }
0x2a: {  	[tilespmem:v1+s30+$0x0] =	vst.idx.add.f32.msk $0xffff, v0  }
0x2b: {  	v1 =	vld [tilespmem:$0x7AB0];
	_ =	sdelay $0x7  }
0x2c: {  	[tilespmem:v1+s30+$0x0] =	vst.idx.add.f32.msk $0xffff, v0  }
0x2d: {  	v1 =	vld [tilespmem:$0x7AC0];
	_ =	sdelay $0x7  }
0x2e: {  	[tilespmem:v1+s30+$0x0] =	vst.idx.add.f32.msk $0xffff, v0  }
0x2f: {  	v1 =	vld [tilespmem:$0x7AD0];
	_ =	sdelay $0x7  }
0x30: {  	[tilespmem:v1+s30+$0x0] =	vst.idx.add.f32.msk $0xffff, v0  }
0x31: {  	v1 =	vld [tilespmem:$0x7AE0];
	_ =	sdelay $0x7  }
0x32: {  	[tilespmem:v1+s30+$0x0] =	vst.idx.add.f32.msk $0xffff, v0  }
0x33: {  	v1 =	vld [tilespmem:$0x7AF0];
	_ =	sdelay $0x7  }
0x34: {  	s9 =	sadd.s32 s8, s22;
	[tilespmem:v1+s30+$0x0] =	vst.idx.add.f32.msk $0xffff, v0  }
0x35: {  	[tilespmem:s0], [sflag:$0x1] =	stream.linear.gather [hbm4b:s9+s2], $0x80, $0x38;
	[tilespmem:$0x7B80] =	vst v63  }
0x36: {  	_ =	swait.ge [sflag:s5], $0x80  }
0x37: {  	[sflag:s5] =	ssyncset.done $0x0  }
0x38: {  	[sflag:s5] =	ssyncadd.s32 $0xFFFFFF80  }
0x39: {  	v1 =	vld [tilespmem:$0x7B00];
	_ =	sdelay $0x7  }
0x3a: {  	[tilespmem:v1+s30+$0x0] =	vst.idx.add.f32.msk $0xffff, v0  }
0x3b: {  	v1 =	vld [tilespmem:$0x7B10];
	_ =	sdelay $0x7  }
0x3c: {  	[tilespmem:v1+s30+$0x0] =	vst.idx.add.f32.msk $0xffff, v0  }
0x3d: {  	v1 =	vld [tilespmem:$0x7B20];
	_ =	sdelay $0x7  }
0x3e: {  	[tilespmem:v1+s30+$0x0] =	vst.idx.add.f32.msk $0xffff, v0  }
0x3f: {  	v1 =	vld [tilespmem:$0x7B30];
	_ =	sdelay $0x7  }
0x40: {  	[tilespmem:v1+s30+$0x0] =	vst.idx.add.f32.msk $0xffff, v0  }
0x41: {  	v1 =	vld [tilespmem:$0x7B40];
	_ =	sdelay $0x7  }
0x42: {  	[tilespmem:v1+s30+$0x0] =	vst.idx.add.f32.msk $0xffff, v0  }
0x43: {  	v1 =	vld [tilespmem:$0x7B50];
	_ =	sdelay $0x7  }
0x44: {  	[tilespmem:v1+s30+$0x0] =	vst.idx.add.f32.msk $0xffff, v0  }
0x45: {  	v1 =	vld [tilespmem:$0x7B60];
	_ =	sdelay $0x7  }
0x46: {  	[tilespmem:v1+s30+$0x0] =	vst.idx.add.f32.msk $0xffff, v0  }
0x47: {  	v1 =	vld [tilespmem:$0x7B70];
	_ =	sdelay $0x3  }
0x48: {  	p0 =	sne.s32 s8, $0x4A0  }
.Ltmp0:
0x49: {  	_ = 	snop;
	(pc) =	sbr.rel @p0 .LBB2_2-.Ltmp0, $3  }
0x4a: {  	_ =	sdelay $0x1  }
0x4b: {  	s11 =	sadd.s32 s8, s23;
	s8 =	sadd.s32 $0x20, s8;
	[tilespmem:v1+s30+$0x0] =	vst.idx.add.f32.msk $0xffff, v0  }
0x4c: {  	[tilespmem:s1], [sflag:$0x2] =	stream.linear.gather [hbm4b:s11+s2], $0x80, $0x38;
	[tilespmem:$0x7B80] =	vst v63  }
0x4d: {  	_ =	swait.ge [sflag:s3], $0x80  }
0x4e: {  	[sflag:s3] =	ssyncset.done $0x0  }
0x4f: {  	[sflag:s3] =	ssyncadd.s32 $0xFFFFFF80  }
0x50: {  	v1 =	vld [tilespmem:$0x7A80];
	_ =	sdelay $0x7  }
0x51: {  	[tilespmem:v1+s30+$0x0] =	vst.idx.add.f32.msk $0xffff, v0  }
0x52: {  	v1 =	vld [tilespmem:$0x7A90];
	_ =	sdelay $0x7  }
0x53: {  	[tilespmem:v1+s30+$0x0] =	vst.idx.add.f32.msk $0xffff, v0  }
0x54: {  	v1 =	vld [tilespmem:$0x7AA0];
	_ =	sdelay $0x7  }
0x55: {  	[tilespmem:v1+s30+$0x0] =	vst.idx.add.f32.msk $0xffff, v0  }
0x56: {  	v1 =	vld [tilespmem:$0x7AB0];
	_ =	sdelay $0x7  }
0x57: {  	[tilespmem:v1+s30+$0x0] =	vst.idx.add.f32.msk $0xffff, v0  }
0x58: {  	v1 =	vld [tilespmem:$0x7AC0];
	_ =	sdelay $0x7  }
0x59: {  	[tilespmem:v1+s30+$0x0] =	vst.idx.add.f32.msk $0xffff, v0  }
0x5a: {  	v1 =	vld [tilespmem:$0x7AD0];
	_ =	sdelay $0x7  }
0x5b: {  	[tilespmem:v1+s30+$0x0] =	vst.idx.add.f32.msk $0xffff, v0  }
0x5c: {  	v1 =	vld [tilespmem:$0x7AE0];
	_ =	sdelay $0x7  }
0x5d: {  	[tilespmem:v1+s30+$0x0] =	vst.idx.add.f32.msk $0xffff, v0  }
0x5e: {  	v1 =	vld [tilespmem:$0x7AF0];
	_ =	sdelay $0x7  }
0x5f: {  	s8 =	simm.s32 $0x0;
	[tilespmem:v1+s30+$0x0] =	vst.idx.add.f32.msk $0xffff, v0  }
0x60: {  	[tilespmem:s0], [sflag:$0x1] =	stream.linear.gather [hbm4b:s29+s8], $0x80, $0x38;
	[tilespmem:$0x7B80] =	vst v63  }
0x61: {  	_ =	swait.ge [sflag:s5], $0x80  }
0x62: {  	[sflag:s5] =	ssyncset.done $0x0  }
0x63: {  	[sflag:s5] =	ssyncadd.s32 $0xFFFFFF80  }
0x64: {  	v1 =	vld [tilespmem:$0x7B00];
	_ =	sdelay $0x7  }
0x65: {  	[tilespmem:v1+s30+$0x0] =	vst.idx.add.f32.msk $0xffff, v0  }
0x66: {  	v1 =	vld [tilespmem:$0x7B10];
	_ =	sdelay $0x7  }
0x67: {  	[tilespmem:v1+s30+$0x0] =	vst.idx.add.f32.msk $0xffff, v0  }
0x68: {  	v1 =	vld [tilespmem:$0x7B20];
	_ =	sdelay $0x7  }
0x69: {  	[tilespmem:v1+s30+$0x0] =	vst.idx.add.f32.msk $0xffff, v0  }
0x6a: {  	v1 =	vld [tilespmem:$0x7B30];
	_ =	sdelay $0x7  }
0x6b: {  	[tilespmem:v1+s30+$0x0] =	vst.idx.add.f32.msk $0xffff, v0  }
0x6c: {  	v1 =	vld [tilespmem:$0x7B40];
	_ =	sdelay $0x7  }
0x6d: {  	[tilespmem:v1+s30+$0x0] =	vst.idx.add.f32.msk $0xffff, v0  }
0x6e: {  	v1 =	vld [tilespmem:$0x7B50];
	_ =	sdelay $0x7  }
0x6f: {  	[tilespmem:v1+s30+$0x0] =	vst.idx.add.f32.msk $0xffff, v0  }
0x70: {  	v1 =	vld [tilespmem:$0x7B60];
	_ =	sdelay $0x7  }
0x71: {  	[tilespmem:v1+s30+$0x0] =	vst.idx.add.f32.msk $0xffff, v0  }
0x72: {  	v1 =	vld [tilespmem:$0x7B70];
	_ =	sdelay $0x7  }
0x73: {  	[tilespmem:v1+s30+$0x0] =	vst.idx.add.f32.msk $0xffff, v0  }
0x74: {  	[tilespmem:s1], [sflag:$0x2] =	stream.linear.gather [hbm4b:s28+s8], $0x80, $0x38;
	[tilespmem:$0x7B80] =	vst v63  }
0x75: {  	_ =	swait.ge [sflag:s3], $0x80  }
0x76: {  	[sflag:s3] =	ssyncset.done $0x0  }
0x77: {  	[sflag:s3] =	ssyncadd.s32 $0xFFFFFF80  }
0x78: {  	v1 =	vld [tilespmem:$0x7A80];
	_ =	sdelay $0x7  }
0x79: {  	[tilespmem:v1+s30+$0x0] =	vst.idx.add.f32.msk $0xffff, v0  }
0x7a: {  	v1 =	vld [tilespmem:$0x7A90];
	_ =	sdelay $0x7  }
0x7b: {  	[tilespmem:v1+s30+$0x0] =	vst.idx.add.f32.msk $0xffff, v0  }
0x7c: {  	v1 =	vld [tilespmem:$0x7AA0];
	_ =	sdelay $0x7  }
0x7d: {  	[tilespmem:v1+s30+$0x0] =	vst.idx.add.f32.msk $0xffff, v0  }
0x7e: {  	v1 =	vld [tilespmem:$0x7AB0];
	_ =	sdelay $0x7  }
0x7f: {  	[tilespmem:v1+s30+$0x0] =	vst.idx.add.f32.msk $0xffff, v0  }
0x80: {  	v1 =	vld [tilespmem:$0x7AC0];
	_ =	sdelay $0x7  }
0x81: {  	[tilespmem:v1+s30+$0x0] =	vst.idx.add.f32.msk $0xffff, v0  }
0x82: {  	v1 =	vld [tilespmem:$0x7AD0];
	_ =	sdelay $0x7  }
0x83: {  	[tilespmem:v1+s30+$0x0] =	vst.idx.add.f32.msk $0xffff, v0  }
0x84: {  	v1 =	vld [tilespmem:$0x7AE0];
	_ =	sdelay $0x7  }
0x85: {  	[tilespmem:v1+s30+$0x0] =	vst.idx.add.f32.msk $0xffff, v0  }
0x86: {  	v1 =	vld [tilespmem:$0x7AF0];
	_ =	sdelay $0x7  }
0x87: {  	[tilespmem:v1+s30+$0x0] =	vst.idx.add.f32.msk $0xffff, v0  }
0x88: {  	[tilespmem:s0], [sflag:$0x1] =	stream.linear.gather [hbm4b:s28+s8], $0x80, $0x38;
	[tilespmem:$0x7B80] =	vst v63  }
0x89: {  	_ =	swait.ge [sflag:s5], $0x80  }
0x8a: {  	[sflag:s5] =	ssyncset.done $0x0  }
0x8b: {  	[sflag:s5] =	ssyncadd.s32 $0xFFFFFF80  }
0x8c: {  	v1 =	vld [tilespmem:$0x7B00];
	_ =	sdelay $0x7  }
0x8d: {  	[tilespmem:v1+s30+$0x0] =	vst.idx.add.f32.msk $0xffff, v0  }
0x8e: {  	v1 =	vld [tilespmem:$0x7B10];
	_ =	sdelay $0x7  }
0x8f: {  	[tilespmem:v1+s30+$0x0] =	vst.idx.add.f32.msk $0xffff, v0  }
0x90: {  	v1 =	vld [tilespmem:$0x7B20];
	_ =	sdelay $0x7  }
0x91: {  	[tilespmem:v1+s30+$0x0] =	vst.idx.add.f32.msk $0xffff, v0  }
0x92: {  	v1 =	vld [tilespmem:$0x7B30];
	_ =	sdelay $0x7  }
0x93: {  	[tilespmem:v1+s30+$0x0] =	vst.idx.add.f32.msk $0xffff, v0  }
0x94: {  	v1 =	vld [tilespmem:$0x7B40];
	_ =	sdelay $0x7  }
0x95: {  	[tilespmem:v1+s30+$0x0] =	vst.idx.add.f32.msk $0xffff, v0  }
0x96: {  	v1 =	vld [tilespmem:$0x7B50];
	_ =	sdelay $0x7  }
0x97: {  	[tilespmem:v1+s30+$0x0] =	vst.idx.add.f32.msk $0xffff, v0  }
0x98: {  	v1 =	vld [tilespmem:$0x7B60];
	_ =	sdelay $0x7  }
0x99: {  	[tilespmem:v1+s30+$0x0] =	vst.idx.add.f32.msk $0xffff, v0  }
0x9a: {  	v1 =	vld [tilespmem:$0x7B70];
	_ =	sdelay $0x7  }
0x9b: {  	[tilespmem:v1+s30+$0x0] =	vst.idx.add.f32.msk $0xffff, v0  }
0x9c: {  	[tilespmem:s1], [sflag:$0x2] =	stream.linear.gather [hbm4b:s28+s8], $0x80, $0x38;
	[tilespmem:$0x7B80] =	vst v63  }
0x9d: {  	_ =	swait.ge [sflag:s3], $0x80  }
0x9e: {  	[sflag:s3] =	ssyncset.done $0x0  }
0x9f: {  	[sflag:s3] =	ssyncadd.s32 $0xFFFFFF80  }
0xa0: {  	_ =	swait.ge [sflag:s5], $0x80  }
0xa1: {  	[sflag:s5] =	ssyncset.done $0x0  }
0xa2: {  	s9 =	rddreg [dreg:$0x6];
	[sflag:s5] =	ssyncadd.s32 $0xFFFFFF80  }
0xa3: {  	[spmem:s9] =	stream.linear.scatter [tilespmem:s30], [sflag:$0x3], $0x2800, $0x38;
	[tilespmem:$0x7B80] =	vst v63  }
0xa4: {  	_ =	swait.ge [sflag:s31], $0x2800  }
0xa5: {  	[sflag:s31] =	ssyncset.done $0x0  }
0xa6: {  	[sflag:s31] =	ssyncadd.s32 $0xFFFFD800  }
0xa7: {  	s9 =	simm.s32 $0x5000;
	[bflag:$0x0] =	sbarrier.arrive $0xFFFF  }
0xa8: {  	[tilespmem:s9], [sflag:$0x3] =	stream.linear.gather [spmem:s7], $0x280, $0x38;
	[tilespmem:$0x7B80] =	vst v63  }
0xa9: {  	_ =	swait.ge [sflag:s31], $0x280  }
0xaa: {  	[sflag:s31] =	ssyncset.done $0x0  }
0xab: {  	s11 =	simm.s32 $0x5280;
	s10 =	rddreg [dreg:$0x7];
	[sflag:s31] =	ssyncadd.s32 $0xFFFFFD80  }
0xac: {  	[tilespmem:s11], [sflag:$0x3] =	stream.linear.gather [spmem:s10], $0x280, $0x38;
	[tilespmem:$0x7B80] =	vst v63  }
0xad: {  	_ =	swait.ge [sflag:s31], $0x280  }
0xae: {  	[sflag:s31] =	ssyncset.done $0x0  }
0xaf: {  	s11 =	simm.s32 $0x5500;
	s10 =	rddreg [dreg:$0x8];
	[sflag:s31] =	ssyncadd.s32 $0xFFFFFD80  }
0xb0: {  	[tilespmem:s11], [sflag:$0x3] =	stream.linear.gather [spmem:s10], $0x280, $0x38;
	[tilespmem:$0x7B80] =	vst v63  }
0xb1: {  	_ =	swait.ge [sflag:s31], $0x280  }
0xb2: {  	[sflag:s31] =	ssyncset.done $0x0  }
0xb3: {  	s11 =	simm.s32 $0x5780;
	s10 =	rddreg [dreg:$0x9];
	[sflag:s31] =	ssyncadd.s32 $0xFFFFFD80  }
0xb4: {  	[tilespmem:s11], [sflag:$0x3] =	stream.linear.gather [spmem:s10], $0x280, $0x38;
	[tilespmem:$0x7B80] =	vst v63  }
0xb5: {  	_ =	swait.ge [sflag:s31], $0x280  }
0xb6: {  	[sflag:s31] =	ssyncset.done $0x0  }
0xb7: {  	s11 =	simm.s32 $0x5A00;
	s10 =	rddreg [dreg:$0xa];
	[sflag:s31] =	ssyncadd.s32 $0xFFFFFD80  }
0xb8: {  	[tilespmem:s11], [sflag:$0x3] =	stream.linear.gather [spmem:s10], $0x280, $0x38;
	[tilespmem:$0x7B80] =	vst v63  }
0xb9: {  	_ =	swait.ge [sflag:s31], $0x280  }
0xba: {  	[sflag:s31] =	ssyncset.done $0x0  }
0xbb: {  	s11 =	simm.s32 $0x5C80;
	[sflag:s31] =	ssyncadd.s32 $0xFFFFFD80  }
0xbc: {  	[tilespmem:s11], [sflag:$0x3] =	stream.linear.gather [spmem:s12], $0x280, $0x38;
	[tilespmem:$0x7B80] =	vst v63  }
0xbd: {  	_ =	swait.ge [sflag:s31], $0x280  }
0xbe: {  	[sflag:s31] =	ssyncset.done $0x0  }
0xbf: {  	s11 =	simm.s32 $0x5F00;
	[sflag:s31] =	ssyncadd.s32 $0xFFFFFD80  }
0xc0: {  	[tilespmem:s11], [sflag:$0x3] =	stream.linear.gather [spmem:s13], $0x280, $0x38;
	[tilespmem:$0x7B80] =	vst v63  }
0xc1: {  	_ =	swait.ge [sflag:s31], $0x280  }
0xc2: {  	[sflag:s31] =	ssyncset.done $0x0  }
0xc3: {  	s11 =	simm.s32 $0x6180;
	[sflag:s31] =	ssyncadd.s32 $0xFFFFFD80  }
0xc4: {  	[tilespmem:s11], [sflag:$0x3] =	stream.linear.gather [spmem:s14], $0x280, $0x38;
	[tilespmem:$0x7B80] =	vst v63  }
0xc5: {  	_ =	swait.ge [sflag:s31], $0x280  }
0xc6: {  	[sflag:s31] =	ssyncset.done $0x0  }
0xc7: {  	s11 =	simm.s32 $0x6400;
	[sflag:s31] =	ssyncadd.s32 $0xFFFFFD80  }
0xc8: {  	[tilespmem:s11], [sflag:$0x3] =	stream.linear.gather [spmem:s15], $0x280, $0x38;
	[tilespmem:$0x7B80] =	vst v63  }
0xc9: {  	_ =	swait.ge [sflag:s31], $0x280  }
0xca: {  	[sflag:s31] =	ssyncset.done $0x0  }
0xcb: {  	s11 =	simm.s32 $0x6680;
	[sflag:s31] =	ssyncadd.s32 $0xFFFFFD80  }
0xcc: {  	[tilespmem:s11], [sflag:$0x3] =	stream.linear.gather [spmem:s16], $0x280, $0x38;
	[tilespmem:$0x7B80] =	vst v63  }
0xcd: {  	_ =	swait.ge [sflag:s31], $0x280  }
0xce: {  	[sflag:s31] =	ssyncset.done $0x0  }
0xcf: {  	s11 =	simm.s32 $0x6900;
	[sflag:s31] =	ssyncadd.s32 $0xFFFFFD80  }
0xd0: {  	[tilespmem:s11], [sflag:$0x3] =	stream.linear.gather [spmem:s17], $0x280, $0x38;
	[tilespmem:$0x7B80] =	vst v63  }
0xd1: {  	_ =	swait.ge [sflag:s31], $0x280  }
0xd2: {  	[sflag:s31] =	ssyncset.done $0x0  }
0xd3: {  	s11 =	simm.s32 $0x6B80;
	[sflag:s31] =	ssyncadd.s32 $0xFFFFFD80  }
0xd4: {  	[tilespmem:s11], [sflag:$0x3] =	stream.linear.gather [spmem:s18], $0x280, $0x38;
	[tilespmem:$0x7B80] =	vst v63  }
0xd5: {  	_ =	swait.ge [sflag:s31], $0x280  }
0xd6: {  	[sflag:s31] =	ssyncset.done $0x0  }
0xd7: {  	s11 =	simm.s32 $0x6E00;
	[sflag:s31] =	ssyncadd.s32 $0xFFFFFD80  }
0xd8: {  	[tilespmem:s11], [sflag:$0x3] =	stream.linear.gather [spmem:s19], $0x280, $0x38;
	[tilespmem:$0x7B80] =	vst v63  }
0xd9: {  	_ =	swait.ge [sflag:s31], $0x280  }
0xda: {  	[sflag:s31] =	ssyncset.done $0x0  }
0xdb: {  	s11 =	simm.s32 $0x7080;
	[sflag:s31] =	ssyncadd.s32 $0xFFFFFD80  }
0xdc: {  	[tilespmem:s11], [sflag:$0x3] =	stream.linear.gather [spmem:s21], $0x280, $0x38;
	[tilespmem:$0x7B80] =	vst v63  }
0xdd: {  	_ =	swait.ge [sflag:s31], $0x280  }
0xde: {  	[sflag:s31] =	ssyncset.done $0x0  }
0xdf: {  	s11 =	simm.s32 $0x7300;
	[sflag:s31] =	ssyncadd.s32 $0xFFFFFD80  }
0xe0: {  	[tilespmem:s11], [sflag:$0x3] =	stream.linear.gather [spmem:s24], $0x280, $0x38;
	[tilespmem:$0x7B80] =	vst v63  }
0xe1: {  	_ =	swait.ge [sflag:s31], $0x280  }
0xe2: {  	[sflag:s31] =	ssyncset.done $0x0  }
0xe3: {  	s11 =	simm.s32 $0x7580;
	[sflag:s31] =	ssyncadd.s32 $0xFFFFFD80  }
0xe4: {  	[tilespmem:s11], [sflag:$0x3] =	stream.linear.gather [spmem:s26], $0x280, $0x38;
	[tilespmem:$0x7B80] =	vst v63  }
0xe5: {  	_ =	swait.ge [sflag:s31], $0x280  }
0xe6: {  	[sflag:s31] =	ssyncset.done $0x0  }
0xe7: {  	s8 =	sand.u32 $0x3F0, s8;
	[sflag:s31] =	ssyncadd.s32 $0xFFFFFD80  }
0xe8: {  	v1 =	vld [tilespmem:s8+$0x5280]  }
0xe9: {  	v2 =	vld [tilespmem:s9+$0x0];
	_ =	sdelay $0x1  }
0xea: {  	v3 =	vld [tilespmem:s8+$0x5500];
	_ =	sdelay $0x1  }
0xeb: {  	v4 =	vld [tilespmem:s8+$0x5780]  }
0xec: {  	v1 =	vadd.f32 v1, v2  }
0xed: {  	v2 =	vld [tilespmem:s8+$0x5A00]  }
0xee: {  	v1 =	vadd.f32 v3, v1  }
0xef: {  	v3 =	vld [tilespmem:s8+$0x5C80]  }
0xf0: {  	v1 =	vadd.f32 v4, v1  }
0xf1: {  	v60 =	vld [tilespmem:s8+$0x5F00]  }
0xf2: {  	v1 =	vadd.f32 v2, v1  }
0xf3: {  	v2 =	vld [tilespmem:s8+$0x6180]  }
0xf4: {  	v1 =	vadd.f32 v3, v1  }
0xf5: {  	v3 =	vld [tilespmem:s8+$0x6400]  }
0xf6: {  	v1 =	vadd.f32 v60, v1  }
0xf7: {  	v61 =	vld [tilespmem:s8+$0x6680]  }
0xf8: {  	v1 =	vadd.f32 v2, v1  }
0xf9: {  	v2 =	vld [tilespmem:s8+$0x6900]  }
0xfa: {  	v1 =	vadd.f32 v3, v1  }
0xfb: {  	v3 =	vld [tilespmem:s8+$0x6B80]  }
0xfc: {  	v1 =	vadd.f32 v61, v1  }
0xfd: {  	v62 =	vld [tilespmem:s8+$0x6E00]  }
0xfe: {  	v1 =	vadd.f32 v2, v1  }
0xff: {  	v2 =	vld [tilespmem:s8+$0x7080]  }
0x100: {  	v1 =	vadd.f32 v3, v1  }
0x101: {  	v3 =	vld [tilespmem:s8+$0x7300]  }
0x102: {  	v1 =	vadd.f32 v62, v1  }
0x103: {  	v63 =	vld [tilespmem:s8+$0x7580]  }
0x104: {  	v1 =	vadd.f32 v2, v1;
	_ =	sdelay $0x1  }
0x105: {  	v1 =	vadd.f32 v3, v1;
	_ =	sdelay $0x1  }
0x106: {  	v1 =	vadd.f32 v63, v1  }
0x107: {  	s11 =	simm.s32 $0x10;
	s8 =	simm.s32 $0x7800  }
0x108: {  	s9 =	sand.u32 $0x3F0, s11;
	[tilespmem:s8+$0x0] =	vst v1  }
0x109: {  	s10 =	simm.s32 $0x5010;
	s11 =	simm.s32 $0x20;
	v1 =	vld [tilespmem:s9+$0x5280]  }
.LBB2_4:
0x10a: {  	p0 =	sne.s32 s11, $0x270;
	v2 =	vld [tilespmem:s10+$0x0];
	_ =	sdelay $0x1  }
0x10b: {  	v3 =	vld [tilespmem:s9+$0x5500];
	_ =	sdelay $0x1  }
0x10c: {  	v4 =	vld [tilespmem:s9+$0x5780]  }
0x10d: {  	v1 =	vadd.f32 v1, v2  }
0x10e: {  	v2 =	vld [tilespmem:s9+$0x5A00]  }
0x10f: {  	v1 =	vadd.f32 v3, v1  }
0x110: {  	v3 =	vld [tilespmem:s9+$0x5C80]  }
0x111: {  	v1 =	vadd.f32 v4, v1  }
0x112: {  	v4 =	vld [tilespmem:s9+$0x5F00]  }
0x113: {  	v1 =	vadd.f32 v2, v1  }
0x114: {  	v2 =	vld [tilespmem:s9+$0x6180]  }
0x115: {  	v1 =	vadd.f32 v3, v1  }
0x116: {  	v3 =	vld [tilespmem:s9+$0x6400]  }
0x117: {  	v1 =	vadd.f32 v4, v1  }
0x118: {  	v4 =	vld [tilespmem:s9+$0x6680]  }
0x119: {  	v1 =	vadd.f32 v2, v1  }
0x11a: {  	v2 =	vld [tilespmem:s9+$0x6900]  }
0x11b: {  	v1 =	vadd.f32 v3, v1  }
0x11c: {  	v3 =	vld [tilespmem:s9+$0x6B80]  }
0x11d: {  	v1 =	vadd.f32 v4, v1  }
0x11e: {  	v4 =	vld [tilespmem:s9+$0x6E00]  }
0x11f: {  	v1 =	vadd.f32 v2, v1  }
0x120: {  	v2 =	vld [tilespmem:s9+$0x7080]  }
0x121: {  	v1 =	vadd.f32 v3, v1  }
0x122: {  	v3 =	vld [tilespmem:s9+$0x7300]  }
0x123: {  	v1 =	vadd.f32 v4, v1  }
0x124: {  	v4 =	vld [tilespmem:s9+$0x7580]  }
0x125: {  	v1 =	vadd.f32 v2, v1;
	_ =	sdelay $0x1  }
0x126: {  	v1 =	vadd.f32 v3, v1  }
.Ltmp1:
0x127: {  	(pc) =	sbr.rel @p0 .LBB2_4-.Ltmp1, $4  }
0x128: {  	v1 =	vadd.f32 v4, v1  }
0x129: {  	s8 =	sadd.s32 $0x10, s8  }
0x12a: {  	s9 =	sand.u32 $0x3F0, s11;
	[tilespmem:s8+$0x0] =	vst v1  }
0x12b: {  	s10 =	sadd.s32 $0x10, s10;
	s11 =	sadd.s32 $0x10, s11;
	v1 =	vld [tilespmem:s9+$0x5280]  }
0x12c: {  	v2 =	vld [tilespmem:s10+$0x0];
	_ =	sdelay $0x1  }
0x12d: {  	v3 =	vld [tilespmem:s9+$0x5500];
	_ =	sdelay $0x1  }
0x12e: {  	v4 =	vld [tilespmem:s9+$0x5780]  }
0x12f: {  	v1 =	vadd.f32 v1, v2  }
0x130: {  	v2 =	vld [tilespmem:s9+$0x5A00]  }
0x131: {  	v1 =	vadd.f32 v3, v1  }
0x132: {  	v3 =	vld [tilespmem:s9+$0x5C80]  }
0x133: {  	v1 =	vadd.f32 v4, v1  }
0x134: {  	v60 =	vld [tilespmem:s9+$0x5F00]  }
0x135: {  	v1 =	vadd.f32 v2, v1  }
0x136: {  	v2 =	vld [tilespmem:s9+$0x6180]  }
0x137: {  	v1 =	vadd.f32 v3, v1  }
0x138: {  	v3 =	vld [tilespmem:s9+$0x6400]  }
0x139: {  	v1 =	vadd.f32 v60, v1  }
0x13a: {  	v61 =	vld [tilespmem:s9+$0x6680]  }
0x13b: {  	v1 =	vadd.f32 v2, v1  }
0x13c: {  	v2 =	vld [tilespmem:s9+$0x6900]  }
0x13d: {  	v1 =	vadd.f32 v3, v1  }
0x13e: {  	v3 =	vld [tilespmem:s9+$0x6B80]  }
0x13f: {  	v1 =	vadd.f32 v61, v1  }
0x140: {  	v62 =	vld [tilespmem:s9+$0x6E00]  }
0x141: {  	v1 =	vadd.f32 v2, v1  }
0x142: {  	v2 =	vld [tilespmem:s9+$0x7080]  }
0x143: {  	v1 =	vadd.f32 v3, v1  }
0x144: {  	v3 =	vld [tilespmem:s9+$0x7300]  }
0x145: {  	v1 =	vadd.f32 v62, v1  }
0x146: {  	v63 =	vld [tilespmem:s9+$0x7580]  }
0x147: {  	v1 =	vadd.f32 v2, v1;
	_ =	sdelay $0x1  }
0x148: {  	v1 =	vadd.f32 v3, v1;
	_ =	sdelay $0x1  }
0x149: {  	s6 =	sadd.s32 $0x1, s6;
	v1 =	vadd.f32 v63, v1  }
0x14a: {  	s8 =	sadd.s32 $0x10, s8;
	p0 =	sne.s32 s6, s25  }
.Ltmp2:
0x14b: {  	s11 =	simm.s32 $0x7800;
	[tilespmem:s8+$0x0] =	vst v1;
	(pc) =	sbr.rel @p0 .LBB2_1-.Ltmp2, $4  }
0x14c: {  	[hbm4b:s20+s2] =	stream.linear.scatter [tilespmem:s11], [sflag:$0x3], $0x280, $0x38;
	[tilespmem:$0x7B80] =	vst v63  }
0x14d: {  	_ =	swait.ge [sflag:s31], $0x280  }
0x14e: {  	[sflag:s31] =	ssyncset.done $0x0  }
0x14f: {  	[sflag:s31] =	ssyncadd.s32 $0xFFFFFD80  }
0x150: {  	_ =	sfence.sel $0x180000  }
0x151: {  	[bflag:$0x0] =	sbarrier.arrive $0xFFFF  }
0x152: {  	_ =	strace $0x90000047  }
0x153: {  	s0 =	stileid.u32;
	[bflag:$0x2] =	sbarrier.arrive $0xFFFF  }
0x154: {  	p0 =	sne.s32 s0, $0x0;
	s0 =	rddreg [dreg:$0x3]  }
0x155: {  	s0 =	sadd.s32 @!p0 $0x100000, s0  }
0x156: {  	[sflag:s0] =	ssyncadd.tile.s32 @!p0 $0x1;
	_ =	shalt  }
.Lfunc_end2:
_tile_overlayer_lowered:
.L_overlay_start_2:
0x157: {  	(tag) =	ssettag $0x2  }
0x158: {  	s0 =	rddreg [dreg:$0x0];
	s2 =	stileid.u32  }
0x159: {  	s1 =	rddreg [dreg:$0x1];
	p0 =	sne.s32 s2, $0x0  }
0x15a: {  	s3 =	rddreg [dreg:$0x2];
	[bflag:$0x3] =	sbarrier.arrive $0xFFFF;
	s2 =	simm.s32 @!p0 $0x1C03  }
0x15b: {  	[timem:s3], [sflag:s2] =	dma.local @!p0 [hbm:s0], s1  }
0x15c: {  	s0 =	simm.s32 @!p0 $0x3  }
0x15d: {  	_ =	swait.ge @!p0 [sflag:s0], s1  }
0x15e: {  	s1 =	ssub.s32 @!p0 $0x0, s1;
	[sflag:s0] =	ssyncset.done @!p0 $0x0  }
0x15f: {  	[sflag:s0] =	ssyncadd.s32 @!p0 s1  }
0x160: {  	[bflag:$0x3] =	sbarrier.arrive $0xFFFF  }
0x161: {  	_ =	shalt  }

</sc_bundles>
